<compile_context>
chip_gen: v7x
topology: tpu7x:2x2x1
jax: 0.10.2.dev20260603
libtpu: 0.0.44.dev20260713+nightly
codegen_flags: <defaults>
</compile_context>

<pallas_src>
import functools

import jax
import jax.numpy as jnp
from jax import lax
from jax.experimental import pallas as pl
from jax.experimental.pallas import tpu as pltpu
from jax.experimental.pallas import tpu_sc as plsc

_N = 10000
_n = 64
_m = 16
_K = 16
_B = 4
_MU = 600.0
_BJ = _B * _n

_IB = 2000
_NB = _N // _IB

_NW = 32
_RPW = _N * _K // _NW
_CH = 128
_NF = _RPW // _CH
_TAIL = _RPW - _NF * _CH
_NBUF = 4


def _prep_body(x_ref, encw_ref, bww_ref, encb_ref, bwb_ref,
               enct_out, araw_out):
    xt = jnp.transpose(x_ref[...])
    enct = lax.dot_general(encw_ref[...], xt,
                           (((1,), (0,)), ((), ())),
                           preferred_element_type=jnp.float32)
    enct = enct + encb_ref[...]
    logt = lax.dot_general(bww_ref[...], enct,
                           (((1,), (0,)), ((), ())),
                           preferred_element_type=jnp.float32)
    logt = logt + bwb_ref[...]
    tt = (60.0 / _MU) * (1.0 + jnp.exp(-logt))
    enct_out[...] = enct
    araw_out[...] = tt * tt


def _prep(x, enc_w, bw_w, encb_col, bwb_col):
    return pl.pallas_call(
        _prep_body,
        out_shape=(
            jax.ShapeDtypeStruct((_n, _B), jnp.float32),
            jax.ShapeDtypeStruct((_n * _m, _B), jnp.float32),
        ),
    )(x, enc_w, bw_w, encb_col, bwb_col)


def _window_block(lab_ref, nd_ref, acm_ref):
    lab = lab_ref[0]
    ioc = lax.broadcasted_iota(jnp.int32, (_m, _IB), 0)
    oht = jnp.where(lab == ioc, 1.0, 0.0)
    a_blk = lax.dot_general(oht, acm_ref[...],
                            (((0,), (0,)), ((), ())),
                            preferred_element_type=jnp.float32)
    ndb = nd_ref[...]
    return a_blk, ndb * ndb


def _s_body(lab_ref, nd_ref, acm_ref, encr_ref, e_out, s_acc):
    t = pl.program_id(0)
    a_blk, d2 = _window_block(lab_ref, nd_ref, acm_ref)
    ones_row = jnp.ones((1, _IB), jnp.float32)
    rows = []
    for k in range(_K):
        wk = jnp.maximum(1.0 - a_blk * d2[:, k:k + 1], 0.0)
        rows.append(lax.dot_general(ones_row, wk, (((1,), (0,)), ((), ())),
                                    preferred_element_type=jnp.float32))
    s_new = jnp.concatenate(rows, axis=0)

    @pl.when(t == 0)
    def _():
        s_acc[...] = s_new

    @pl.when(t != 0)
    def _():
        s_acc[...] = s_acc[...] + s_new

    @pl.when(t == _NB - 1)
    def _():
        e_out[...] = encr_ref[...] / s_acc[...]


def _s_stage(labels3, nd, a_cm, enc_r):
    return pl.pallas_call(
        _s_body,
        grid=(_NB,),
        in_specs=[
            pl.BlockSpec((1, 1, _IB), lambda t: (t, 0, 0)),
            pl.BlockSpec((_IB, _K), lambda t: (t, 0)),
            pl.BlockSpec((_m, _BJ), lambda t: (0, 0)),
            pl.BlockSpec((1, _BJ), lambda t: (0, 0)),
        ],
        out_specs=pl.BlockSpec((_K, _BJ), lambda t: (0, 0)),
        out_shape=jax.ShapeDtypeStruct((_K, _BJ), jnp.float32),
        scratch_shapes=[pltpu.VMEM((_K, _BJ), jnp.float32)],
    )(labels3, nd, a_cm, enc_r)


def _sc_gather_body(decwt_hbm, nid_hbm, out_hbm, idx_v, *scr):
    bufs = scr[:_NBUF]
    tailbuf = scr[_NBUF]
    gsems = scr[_NBUF + 1:2 * _NBUF + 1]
    ssems = scr[2 * _NBUF + 1:3 * _NBUF + 1]
    wid = lax.axis_index("s") * 2 + lax.axis_index("c")
    pltpu.sync_copy(nid_hbm.at[wid], idx_v)

    def gather(j):
        b = j % _NBUF
        return pltpu.async_copy(
            decwt_hbm.at[idx_v.at[pl.ds(j * _CH, _CH)]], bufs[b], gsems[b])

    def store(j):
        b = j % _NBUF
        return pltpu.async_copy(
            bufs[b], out_hbm.at[wid, pl.ds(j * _CH, _CH)], ssems[b])

    gops = [None] * _NF
    sops = [None] * _NF
    for j in range(_NF):
        if j >= _NBUF:
            sops[j - _NBUF].wait()
        gops[j] = gather(j)
        if j >= 2:
            gops[j - 2].wait()
            sops[j - 2] = store(j - 2)
    for j in range(max(_NF - 2, 0), _NF):
        gops[j].wait()
        sops[j] = store(j)
    tg = pltpu.async_copy(
        decwt_hbm.at[idx_v.at[pl.ds(_NF * _CH, _TAIL)]], tailbuf, gsems[0])
    tg.wait()
    pltpu.sync_copy(tailbuf, out_hbm.at[wid, pl.ds(_NF * _CH, _TAIL)])
    for j in range(max(_NF - _NBUF, 0), _NF):
        sops[j].wait()


def _sc_gather(dec_wt, nid2):
    scratch = ([pltpu.VMEM((_RPW,), jnp.int32)]
               + [pltpu.VMEM((_CH, _n), jnp.float32) for _ in range(_NBUF)]
               + [pltpu.VMEM((_TAIL, _n), jnp.float32)]
               + [pltpu.SemaphoreType.DMA for _ in range(2 * _NBUF)])
    fn = functools.partial(
        pl.kernel,
        out_type=jax.ShapeDtypeStruct((_NW, _RPW, _n), jnp.float32),
        mesh=plsc.VectorSubcoreMesh(core_axis_name="c", subcore_axis_name="s"),
        scratch_types=scratch,
        compiler_params=pltpu.CompilerParams(use_tc_tiling_on_sc=False),
    )(_sc_gather_body)
    return fn(dec_wt, nid2)


def _main_body(g_hbm, lab_ref, nd_ref, acm_ref, e_ref, out_ref, *scr):
    t = pl.program_id(0)
    lab = lab_ref[0]
    ioc = lax.broadcasted_iota(jnp.int32, (_m, _IB), 0)
    oht = jnp.where(lab == ioc, 1.0, 0.0)
    acm = acm_ref[...]
    acm_dup = jnp.concatenate(
        [jnp.concatenate([acm[:, b * _n:(b + 1) * _n]] * 2, axis=1)
         for b in range(_B)], axis=1)
    a2 = lax.dot_general(oht, acm_dup, (((0,), (0,)), ((), ())),
                         preferred_element_type=jnp.float32)
    a_b = [a2[:, b * 128:(b + 1) * 128] for b in range(_B)]
    nd = nd_ref[...]
    ndsq = nd * nd
    e_full = e_ref[...]
    r_k = lax.broadcasted_iota(jnp.int32, (_K, 128), 0)
    c_half = lax.broadcasted_iota(jnp.int32, (_K, 128), 1) // _n

    nq = _K // 2
    gbufs, sems = scr[:4], scr[4:]
    copies = [None] * nq

    def start(qq):
        copies[qq] = pltpu.make_async_copy(
            g_hbm.at[pl.ds(t * _IB, _IB), qq, :], gbufs[qq % 4], sems[qq % 4])
        copies[qq].start()

    for qq in range(3):
        start(qq)
    p = [None] * _B
    for q in range(nq):
        if q + 3 < nq:
            start(q + 3)
        copies[q].wait()
        gq = gbufs[q % 4][...]
        sel = jnp.where(r_k == 2 * q + c_half, 1.0, 0.0)
        d2q = lax.dot_general(ndsq, sel, (((1,), (0,)), ((), ())),
                              preferred_element_type=jnp.float32)
        for b in range(_B):
            erow = jnp.concatenate(
                [e_full[2 * q:2 * q + 1, b * _n:(b + 1) * _n],
                 e_full[2 * q + 1:2 * q + 2, b * _n:(b + 1) * _n]],
                axis=1)
            w = jnp.maximum(1.0 - a_b[b] * d2q, 0.0)
            term = w * gq * erow
            p[b] = term if p[b] is None else p[b] + term
    pcat = jnp.concatenate(p, axis=1)
    rr = lax.broadcasted_iota(jnp.int32, (4 * 128, _B), 0) // 128
    cc = lax.broadcasted_iota(jnp.int32, (4 * 128, _B), 1)
    bd = jnp.where(rr == cc, 1.0, 0.0)
    res = lax.dot_general(pcat, bd, (((1,), (0,)), ((), ())),
                          preferred_element_type=jnp.float32)
    out_ref[0] = jnp.transpose(res)


def _main(g, labels3, nd, a_cm, e_tab):
    return pl.pallas_call(
        _main_body,
        grid=(_NB,),
        in_specs=[
            pl.BlockSpec(memory_space=pl.ANY),
            pl.BlockSpec((1, 1, _IB), lambda t: (t, 0, 0)),
            pl.BlockSpec((_IB, _K), lambda t: (t, 0)),
            pl.BlockSpec((_m, _BJ), lambda t: (0, 0)),
            pl.BlockSpec((_K, _BJ), lambda t: (0, 0)),
        ],
        out_specs=pl.BlockSpec((1, _B, _IB), lambda t: (t, 0, 0)),
        out_shape=jax.ShapeDtypeStruct((_NB, _B, _IB), jnp.float32),
        scratch_shapes=([pltpu.VMEM((_IB, 128), jnp.float32)] * 4
                        + [pltpu.SemaphoreType.DMA] * 4),
    )(g, labels3, nd, a_cm, e_tab)


def kernel(x, neighbour_distance, enc_W, enc_b, dec_W, bw_W, bw_b,
           neighbour_id, clustering_labels):
    dec_wt = dec_W.T

    enct, araw_t = _prep(x, enc_W, bw_W,
                         enc_b.reshape(_n, 1), bw_b.reshape(_n * _m, 1))
    a_cm = araw_t.reshape(_n, _m, _B).transpose(1, 2, 0).reshape(_m, _BJ)
    enc_r = enct.T.reshape(1, _BJ)
    labels3 = clustering_labels.reshape(_NB, 1, _IB)

    e_tab = _s_stage(labels3, neighbour_distance, a_cm, enc_r)

    nid2 = neighbour_id.reshape(_NW, _RPW)
    g3 = _sc_gather(dec_wt, nid2)
    g = g3.reshape(_N, _K // 2, 128)

    out6 = _main(g, labels3, neighbour_distance, a_cm, e_tab)
    return out6.transpose(1, 0, 2).reshape(_B, _N)

# --- scband reference (transcript-rebuilt; emitter-appended) ---
"""Pipeline reference for scband-nrbs-16183436771406 (READ-ONLY COPY).

The authoritative reference and input builder live on the scoring server;
editing this copy changes nothing except your own understanding.
"""

import jax, jax.numpy as jnp
import numpy as np

N = 10000
n = 64
m = 16
K = 16
B = 4
MU = 600.0


def setup_inputs(seed: int = 0) -> dict:
    key = jax.random.key(seed)
    ks = jax.random.split(key, 9)
    x = jax.random.normal(ks[0], (B, N), dtype=jnp.float32)
    neighbour_id = jax.random.randint(ks[1], (N, K), 0, N, dtype=jnp.int32)
    neighbour_distance = jax.random.uniform(ks[2], (N, K), dtype=jnp.float32)
    clustering_labels = jax.random.randint(ks[3], (N,), 0, m, dtype=jnp.int32)
    s = 1.0 / np.sqrt(N)
    enc_W = jax.random.uniform(ks[4], (n, N), minval=-s, maxval=s, dtype=jnp.float32)
    enc_b = jax.random.uniform(ks[5], (n,), minval=-s, maxval=s, dtype=jnp.float32)
    dec_W = jax.random.uniform(ks[6], (n, N), minval=-s, maxval=s, dtype=jnp.float32)
    s2 = 1.0 / np.sqrt(n)
    bw_W = jax.random.uniform(ks[7], (n * m, n), minval=-s2, maxval=s2, dtype=jnp.float32)
    bw_b = jax.random.uniform(ks[8], (n * m,), minval=-s2, maxval=s2, dtype=jnp.float32)
    return {
        "x": x,
        "neighbour_distance": neighbour_distance,
        "enc_W": enc_W,
        "enc_b": enc_b,
        "dec_W": dec_W,
        "bw_W": bw_W,
        "bw_b": bw_b,
        "neighbour_id": neighbour_id,
        "clustering_labels": clustering_labels,
    }


def reference(x, neighbour_distance, enc_W, enc_b, dec_W, bw_W, bw_b, neighbour_id, clustering_labels):
    # encode
    encoded = x @ enc_W.T + enc_b  # [B, n]
    # bandwidths
    bw = jax.nn.sigmoid(encoded @ bw_W.T + bw_b) / 60.0  # [B, n*m]
    bw = bw.reshape(-1, n, m)  # [B, n, m]
    w = bw[:, :, clustering_labels]  # gather over clusters -> [B, n, N]
    # bubble window: [B, n, N, K]
    d = neighbour_distance[None, None, :, :]  # [1, 1, N, K]
    window = jax.nn.relu(-(d ** 2) / (w[..., None] * MU) ** 2 + 1.0)
    # NOTE: faithful to torch code: normalize over dim=2 (the N axis)
    window = window / jnp.sum(window, axis=2, keepdims=True)
    # convolve decoder basis: gather dec_W columns by neighbour_id
    gathered = dec_W[:, neighbour_id]  # [n, N, K]
    convolved = jnp.sum(gathered[None, :, :, :] * window, axis=-1)  # [B, n, N]
    # bmm: [B,1,n] x [B,n,N] -> [B,N]
    out = jnp.einsum('bn,bnN->bN', encoded, convolved)
    return out

if __name__ == "__main__":
    import jax
    _d = setup_inputs()
    print(jax.jit(kernel)(*tuple(_d.values())))

</pallas_src>

<mosaic_0001>
#map = affine_map<(d0, d1) -> (0, 0)>
#map1 = affine_map<(d0, d1) -> (0, 0, 0)>
module attributes {stable_mosaic.version = 14 : i64} {
  func.func @_sc_gather_body(%arg0: i32, %arg1: i32, %arg2: memref<10000x64xf32, #tpu.memory_space<hbm>>, %arg3: memref<32x5000xi32, #tpu.memory_space<hbm>>, %arg4: memref<32x5000x64xf32, #tpu.memory_space<hbm>>, %arg5: memref<5000xi32, #tpu.memory_space<vmem>>, %arg6: memref<128x64xf32, #tpu.memory_space<vmem>>, %arg7: memref<128x64xf32, #tpu.memory_space<vmem>>, %arg8: memref<128x64xf32, #tpu.memory_space<vmem>>, %arg9: memref<128x64xf32, #tpu.memory_space<vmem>>, %arg10: memref<8x64xf32, #tpu.memory_space<vmem>>, %arg11: memref<!tpu.dma_semaphore, #tpu.memory_space<semaphore_mem>>, %arg12: memref<!tpu.dma_semaphore, #tpu.memory_space<semaphore_mem>>, %arg13: memref<!tpu.dma_semaphore, #tpu.memory_space<semaphore_mem>>, %arg14: memref<!tpu.dma_semaphore, #tpu.memory_space<semaphore_mem>>, %arg15: memref<!tpu.dma_semaphore, #tpu.memory_space<semaphore_mem>>, %arg16: memref<!tpu.dma_semaphore, #tpu.memory_space<semaphore_mem>>, %arg17: memref<!tpu.dma_semaphore, #tpu.memory_space<semaphore_mem>>, %arg18: memref<!tpu.dma_semaphore, #tpu.memory_space<semaphore_mem>>) attributes {dimension_semantics = [#tpu.dimension_semantics<core_parallel>, #tpu.dimension_semantics<subcore_parallel>], iteration_bounds = array<i64: 2, 16>, scalar_prefetch = 0 : i64, scratch_operands = 14 : i64, tpu.core_type = #tpu.core_type<sc_vector_subcore>, window_params = [{transform_indices = #map}, {transform_indices = #map}, {transform_indices = #map1}]} {
    %mul3A = arith.constant 2 : i32
    %mul3A_0 = arith.muli %arg1, %mul3A : i32
    %add3A = arith.addi %mul3A_0, %arg0 : i32
    "tpu.region"() ({
      %run_scoped3A = tpu.sem_alloc : memref<!tpu.dma_semaphore, #tpu.memory_space<semaphore_mem>>
      %dma_start3A_1023 = arith.constant 0 : i32
      %dma_start3A_1024 = tpu.memref_slice %arg3[%add3A, %dma_start3A_1023] : memref<32x5000xi32, #tpu.memory_space<hbm>> -> memref<1x5000xi32, #tpu.memory_space<hbm>>
      %dma_start3A_1025 = tpu.memref_squeeze %dma_start3A_1024 : memref<1x5000xi32, #tpu.memory_space<hbm>> -> memref<5000xi32, #tpu.memory_space<hbm>>
      %dma_start3A_1026 = arith.constant 0 : i32
      %dma_start3A_1027 = tpu.memref_slice %arg3[%add3A, %dma_start3A_1026] : memref<32x5000xi32, #tpu.memory_space<hbm>> -> memref<1x5000xi32, #tpu.memory_space<hbm>>
      %dma_start3A_1028 = tpu.memref_squeeze %dma_start3A_1027 : memref<1x5000xi32, #tpu.memory_space<hbm>> -> memref<5000xi32, #tpu.memory_space<hbm>>
      tpu.enqueue_dma source(%dma_start3A_1028 : memref<5000xi32, #tpu.memory_space<hbm>>) target(%arg5 : memref<5000xi32, #tpu.memory_space<vmem>>) target_semaphore(%run_scoped3A : memref<!tpu.dma_semaphore, #tpu.memory_space<semaphore_mem>>)
      %dma_wait3A_1029 = arith.constant 0 : i32
      %dma_wait3A_1030 = tpu.memref_slice %arg3[%add3A, %dma_wait3A_1029] : memref<32x5000xi32, #tpu.memory_space<hbm>> -> memref<1x5000xi32, #tpu.memory_space<hbm>>
      %dma_wait3A_1031 = tpu.memref_squeeze %dma_wait3A_1030 : memref<1x5000xi32, #tpu.memory_space<hbm>> -> memref<5000xi32, #tpu.memory_space<hbm>>
      %dma_wait3A_1032 = arith.constant 0 : i32
      %dma_wait3A_1033 = tpu.memref_slice %arg3[%add3A, %dma_wait3A_1032] : memref<32x5000xi32, #tpu.memory_space<hbm>> -> memref<1x5000xi32, #tpu.memory_space<hbm>>
      %dma_wait3A_1034 = tpu.memref_squeeze %dma_wait3A_1033 : memref<1x5000xi32, #tpu.memory_space<hbm>> -> memref<5000xi32, #tpu.memory_space<hbm>>
      tpu.wait_dma2 semaphore(%run_scoped3A : memref<!tpu.dma_semaphore, #tpu.memory_space<semaphore_mem>>) src(%dma_wait3A_1034 : memref<5000xi32, #tpu.memory_space<hbm>>) dst(%arg5 : memref<5000xi32, #tpu.memory_space<vmem>>)
      tpu.yield
    }) : () -> ()
    %dma_start3A = arith.constant 0 : i32
    %dma_start3A_1 = tpu.memref_slice %arg5[%dma_start3A] : memref<5000xi32, #tpu.memory_space<vmem>> -> memref<128xi32, #tpu.memory_space<vmem>>
    %dma_start3A_2 = arith.constant 0 : i32
    %dma_start3A_3 = arith.constant 0 : i32
    %dma_start3A_4 = tpu.memref_slice %arg2[%dma_start3A_2, %dma_start3A_3] : memref<10000x64xf32, #tpu.memory_space<hbm>> -> memref<10000x64xf32, #tpu.memory_space<hbm>>
    tpu.enqueue_indirect_dma source(%dma_start3A_4 : memref<10000x64xf32, #tpu.memory_space<hbm>>) target(%arg6 : memref<128x64xf32, #tpu.memory_space<vmem>>) offsets(%dma_start3A_1 : memref<128xi32, #tpu.memory_space<vmem>>) semaphore(%arg11 : memref<!tpu.dma_semaphore, #tpu.memory_space<semaphore_mem>>)
    %dma_start3A_5 = arith.constant 128 : i32
    %dma_start3A_6 = tpu.memref_slice %arg5[%dma_start3A_5] : memref<5000xi32, #tpu.memory_space<vmem>> -> memref<128xi32, #tpu.memory_space<vmem>>
    %dma_start3A_7 = arith.constant 0 : i32
    %dma_start3A_8 = arith.constant 0 : i32
    %dma_start3A_9 = tpu.memref_slice %arg2[%dma_start3A_7, %dma_start3A_8] : memref<10000x64xf32, #tpu.memory_space<hbm>> -> memref<10000x64xf32, #tpu.memory_space<hbm>>
    tpu.enqueue_indirect_dma source(%dma_start3A_9 : memref<10000x64xf32, #tpu.memory_space<hbm>>) target(%arg7 : memref<128x64xf32, #tpu.memory_space<vmem>>) offsets(%dma_start3A_6 : memref<128xi32, #tpu.memory_space<vmem>>) semaphore(%arg12 : memref<!tpu.dma_semaphore, #tpu.memory_space<semaphore_mem>>)
    %dma_start3A_10 = arith.constant 256 : i32
    %dma_start3A_11 = tpu.memref_slice %arg5[%dma_start3A_10] : memref<5000xi32, #tpu.memory_space<vmem>> -> memref<128xi32, #tpu.memory_space<vmem>>
    %dma_start3A_12 = arith.constant 0 : i32
    %dma_start3A_13 = arith.constant 0 : i32
    %dma_start3A_14 = tpu.memref_slice %arg2[%dma_start3A_12, %dma_start3A_13] : memref<10000x64xf32, #tpu.memory_space<hbm>> -> memref<10000x64xf32, #tpu.memory_space<hbm>>
    tpu.enqueue_indirect_dma source(%dma_start3A_14 : memref<10000x64xf32, #tpu.memory_space<hbm>>) target(%arg8 : memref<128x64xf32, #tpu.memory_space<vmem>>) offsets(%dma_start3A_11 : memref<128xi32, #tpu.memory_space<vmem>>) semaphore(%arg13 : memref<!tpu.dma_semaphore, #tpu.memory_space<semaphore_mem>>)
    %dma_wait3A = arith.constant 0 : i32
    %dma_wait3A_15 = tpu.memref_slice %arg5[%dma_wait3A] : memref<5000xi32, #tpu.memory_space<vmem>> -> memref<128xi32, #tpu.memory_space<vmem>>
    %dma_wait3A_16 = arith.constant 0 : i32
    %dma_wait3A_17 = arith.constant 0 : i32
    %dma_wait3A_18 = tpu.memref_slice %arg2[%dma_wait3A_16, %dma_wait3A_17] : memref<10000x64xf32, #tpu.memory_space<hbm>> -> memref<10000x64xf32, #tpu.memory_space<hbm>>
    tpu.wait_indirect_dma semaphore(%arg11 : memref<!tpu.dma_semaphore, #tpu.memory_space<semaphore_mem>>) src(%dma_wait3A_18 : memref<10000x64xf32, #tpu.memory_space<hbm>>) dst(%arg6 : memref<128x64xf32, #tpu.memory_space<vmem>>)
    %dma_start3A_19 = arith.constant 0 : i32
    %dma_start3A_20 = arith.constant 0 : i32
    %dma_start3A_21 = tpu.memref_slice %arg4[%add3A, %dma_start3A_19, %dma_start3A_20] : memref<32x5000x64xf32, #tpu.memory_space<hbm>> -> memref<1x128x64xf32, #tpu.memory_space<hbm>>
    %dma_start3A_22 = tpu.memref_squeeze %dma_start3A_21 : memref<1x128x64xf32, #tpu.memory_space<hbm>> -> memref<128x64xf32, #tpu.memory_space<hbm>>
    %dma_start3A_23 = arith.constant 0 : i32
    %dma_start3A_24 = arith.constant 0 : i32
    %dma_start3A_25 = tpu.memref_slice %arg4[%add3A, %dma_start3A_23, %dma_start3A_24] : memref<32x5000x64xf32, #tpu.memory_space<hbm>> -> memref<1x128x64xf32, #tpu.memory_space<hbm>>
    %dma_start3A_26 = tpu.memref_squeeze %dma_start3A_25 : memref<1x128x64xf32, #tpu.memory_space<hbm>> -> memref<128x64xf32, #tpu.memory_space<hbm>>
    tpu.enqueue_dma source(%arg6 : memref<128x64xf32, #tpu.memory_space<vmem>>) target(%dma_start3A_26 : memref<128x64xf32, #tpu.memory_space<hbm>>) target_semaphore(%arg15 : memref<!tpu.dma_semaphore, #tpu.memory_space<semaphore_mem>>)
    %dma_start3A_27 = arith.constant 384 : i32
    %dma_start3A_28 = tpu.memref_slice %arg5[%dma_start3A_27] : memref<5000xi32, #tpu.memory_space<vmem>> -> memref<128xi32, #tpu.memory_space<vmem>>
    %dma_start3A_29 = arith.constant 0 : i32
    %dma_start3A_30 = arith.constant 0 : i32
    %dma_start3A_31 = tpu.memref_slice %arg2[%dma_start3A_29, %dma_start3A_30] : memref<10000x64xf32, #tpu.memory_space<hbm>> -> memref<10000x64xf32, #tpu.memory_space<hbm>>
    tpu.enqueue_indirect_dma source(%dma_start3A_31 : memref<10000x64xf32, #tpu.memory_space<hbm>>) target(%arg9 : memref<128x64xf32, #tpu.memory_space<vmem>>) offsets(%dma_start3A_28 : memref<128xi32, #tpu.memory_space<vmem>>) semaphore(%arg14 : memref<!tpu.dma_semaphore, #tpu.memory_space<semaphore_mem>>)
    %dma_wait3A_32 = arith.constant 128 : i32
    %dma_wait3A_33 = tpu.memref_slice %arg5[%dma_wait3A_32] : memref<5000xi32, #tpu.memory_space<vmem>> -> memref<128xi32, #tpu.memory_space<vmem>>
    %dma_wait3A_34 = arith.constant 0 : i32
    %dma_wait3A_35 = arith.constant 0 : i32
    %dma_wait3A_36 = tpu.memref_slice %arg2[%dma_wait3A_34, %dma_wait3A_35] : memref<10000x64xf32, #tpu.memory_space<hbm>> -> memref<10000x64xf32, #tpu.memory_space<hbm>>
    tpu.wait_indirect_dma semaphore(%arg12 : memref<!tpu.dma_semaphore, #tpu.memory_space<semaphore_mem>>) src(%dma_wait3A_36 : memref<10000x64xf32, #tpu.memory_space<hbm>>) dst(%arg7 : memref<128x64xf32, #tpu.memory_space<vmem>>)
    %dma_start3A_37 = arith.constant 128 : i32
    %dma_start3A_38 = arith.constant 0 : i32
    %dma_start3A_39 = tpu.memref_slice %arg4[%add3A, %dma_start3A_37, %dma_start3A_38] : memref<32x5000x64xf32, #tpu.memory_space<hbm>> -> memref<1x128x64xf32, #tpu.memory_space<hbm>>
    %dma_start3A_40 = tpu.memref_squeeze %dma_start3A_39 : memref<1x128x64xf32, #tpu.memory_space<hbm>> -> memref<128x64xf32, #tpu.memory_space<hbm>>
    %dma_start3A_41 = arith.constant 128 : i32
    %dma_start3A_42 = arith.constant 0 : i32
    %dma_start3A_43 = tpu.memref_slice %arg4[%add3A, %dma_start3A_41, %dma_start3A_42] : memref<32x5000x64xf32, #tpu.memory_space<hbm>> -> memref<1x128x64xf32, #tpu.memory_space<hbm>>
    %dma_start3A_44 = tpu.memref_squeeze %dma_start3A_43 : memref<1x128x64xf32, #tpu.memory_space<hbm>> -> memref<128x64xf32, #tpu.memory_space<hbm>>
    tpu.enqueue_dma source(%arg7 : memref<128x64xf32, #tpu.memory_space<vmem>>) target(%dma_start3A_44 : memref<128x64xf32, #tpu.memory_space<hbm>>) target_semaphore(%arg16 : memref<!tpu.dma_semaphore, #tpu.memory_space<semaphore_mem>>)
    %dma_wait3A_45 = arith.constant 0 : i32
    %dma_wait3A_46 = arith.constant 0 : i32
    %dma_wait3A_47 = tpu.memref_slice %arg4[%add3A, %dma_wait3A_45, %dma_wait3A_46] : memref<32x5000x64xf32, #tpu.memory_space<hbm>> -> memref<1x128x64xf32, #tpu.memory_space<hbm>>
    %dma_wait3A_48 = tpu.memref_squeeze %dma_wait3A_47 : memref<1x128x64xf32, #tpu.memory_space<hbm>> -> memref<128x64xf32, #tpu.memory_space<hbm>>
    %dma_wait3A_49 = arith.constant 0 : i32
    %dma_wait3A_50 = arith.constant 0 : i32
    %dma_wait3A_51 = tpu.memref_slice %arg4[%add3A, %dma_wait3A_49, %dma_wait3A_50] : memref<32x5000x64xf32, #tpu.memory_space<hbm>> -> memref<1x128x64xf32, #tpu.memory_space<hbm>>
    %dma_wait3A_52 = tpu.memref_squeeze %dma_wait3A_51 : memref<1x128x64xf32, #tpu.memory_space<hbm>> -> memref<128x64xf32, #tpu.memory_space<hbm>>
    tpu.wait_dma2 semaphore(%arg15 : memref<!tpu.dma_semaphore, #tpu.memory_space<semaphore_mem>>) src(%arg6 : memref<128x64xf32, #tpu.memory_space<vmem>>) dst(%dma_wait3A_52 : memref<128x64xf32, #tpu.memory_space<hbm>>)
    %dma_start3A_53 = arith.constant 512 : i32
    %dma_start3A_54 = tpu.memref_slice %arg5[%dma_start3A_53] : memref<5000xi32, #tpu.memory_space<vmem>> -> memref<128xi32, #tpu.memory_space<vmem>>
    %dma_start3A_55 = arith.constant 0 : i32
    %dma_start3A_56 = arith.constant 0 : i32
    %dma_start3A_57 = tpu.memref_slice %arg2[%dma_start3A_55, %dma_start3A_56] : memref<10000x64xf32, #tpu.memory_space<hbm>> -> memref<10000x64xf32, #tpu.memory_space<hbm>>
    tpu.enqueue_indirect_dma source(%dma_start3A_57 : memref<10000x64xf32, #tpu.memory_space<hbm>>) target(%arg6 : memref<128x64xf32, #tpu.memory_space<vmem>>) offsets(%dma_start3A_54 : memref<128xi32, #tpu.memory_space<vmem>>) semaphore(%arg11 : memref<!tpu.dma_semaphore, #tpu.memory_space<semaphore_mem>>)
    %dma_wait3A_58 = arith.constant 256 : i32
    %dma_wait3A_59 = tpu.memref_slice %arg5[%dma_wait3A_58] : memref<5000xi32, #tpu.memory_space<vmem>> -> memref<128xi32, #tpu.memory_space<vmem>>
    %dma_wait3A_60 = arith.constant 0 : i32
    %dma_wait3A_61 = arith.constant 0 : i32
    %dma_wait3A_62 = tpu.memref_slice %arg2[%dma_wait3A_60, %dma_wait3A_61] : memref<10000x64xf32, #tpu.memory_space<hbm>> -> memref<10000x64xf32, #tpu.memory_space<hbm>>
    tpu.wait_indirect_dma semaphore(%arg13 : memref<!tpu.dma_semaphore, #tpu.memory_space<semaphore_mem>>) src(%dma_wait3A_62 : memref<10000x64xf32, #tpu.memory_space<hbm>>) dst(%arg8 : memref<128x64xf32, #tpu.memory_space<vmem>>)
    %dma_start3A_63 = arith.constant 256 : i32
    %dma_start3A_64 = arith.constant 0 : i32
    %dma_start3A_65 = tpu.memref_slice %arg4[%add3A, %dma_start3A_63, %dma_start3A_64] : memref<32x5000x64xf32, #tpu.memory_space<hbm>> -> memref<1x128x64xf32, #tpu.memory_space<hbm>>
    %dma_start3A_66 = tpu.memref_squeeze %dma_start3A_65 : memref<1x128x64xf32, #tpu.memory_space<hbm>> -> memref<128x64xf32, #tpu.memory_space<hbm>>
    %dma_start3A_67 = arith.constant 256 : i32
    %dma_start3A_68 = arith.constant 0 : i32
    %dma_start3A_69 = tpu.memref_slice %arg4[%add3A, %dma_start3A_67, %dma_start3A_68] : memref<32x5000x64xf32, #tpu.memory_space<hbm>> -> memref<1x128x64xf32, #tpu.memory_space<hbm>>
    %dma_start3A_70 = tpu.memref_squeeze %dma_start3A_69 : memref<1x128x64xf32, #tpu.memory_space<hbm>> -> memref<128x64xf32, #tpu.memory_space<hbm>>
    tpu.enqueue_dma source(%arg8 : memref<128x64xf32, #tpu.memory_space<vmem>>) target(%dma_start3A_70 : memref<128x64xf32, #tpu.memory_space<hbm>>) target_semaphore(%arg17 : memref<!tpu.dma_semaphore, #tpu.memory_space<semaphore_mem>>)
    %dma_wait3A_71 = arith.constant 128 : i32
    %dma_wait3A_72 = arith.constant 0 : i32
    %dma_wait3A_73 = tpu.memref_slice %arg4[%add3A, %dma_wait3A_71, %dma_wait3A_72] : memref<32x5000x64xf32, #tpu.memory_space<hbm>> -> memref<1x128x64xf32, #tpu.memory_space<hbm>>
    %dma_wait3A_74 = tpu.memref_squeeze %dma_wait3A_73 : memref<1x128x64xf32, #tpu.memory_space<hbm>> -> memref<128x64xf32, #tpu.memory_space<hbm>>
    %dma_wait3A_75 = arith.constant 128 : i32
    %dma_wait3A_76 = arith.constant 0 : i32
    %dma_wait3A_77 = tpu.memref_slice %arg4[%add3A, %dma_wait3A_75, %dma_wait3A_76] : memref<32x5000x64xf32, #tpu.memory_space<hbm>> -> memref<1x128x64xf32, #tpu.memory_space<hbm>>
    %dma_wait3A_78 = tpu.memref_squeeze %dma_wait3A_77 : memref<1x128x64xf32, #tpu.memory_space<hbm>> -> memref<128x64xf32, #tpu.memory_space<hbm>>
    tpu.wait_dma2 semaphore(%arg16 : memref<!tpu.dma_semaphore, #tpu.memory_space<semaphore_mem>>) src(%arg7 : memref<128x64xf32, #tpu.memory_space<vmem>>) dst(%dma_wait3A_78 : memref<128x64xf32, #tpu.memory_space<hbm>>)
    %dma_start3A_79 = arith.constant 640 : i32
    %dma_start3A_80 = tpu.memref_slice %arg5[%dma_start3A_79] : memref<5000xi32, #tpu.memory_space<vmem>> -> memref<128xi32, #tpu.memory_space<vmem>>
    %dma_start3A_81 = arith.constant 0 : i32
    %dma_start3A_82 = arith.constant 0 : i32
    %dma_start3A_83 = tpu.memref_slice %arg2[%dma_start3A_81, %dma_start3A_82] : memref<10000x64xf32, #tpu.memory_space<hbm>> -> memref<10000x64xf32, #tpu.memory_space<hbm>>
    tpu.enqueue_indirect_dma source(%dma_start3A_83 : memref<10000x64xf32, #tpu.memory_space<hbm>>) target(%arg7 : memref<128x64xf32, #tpu.memory_space<vmem>>) offsets(%dma_start3A_80 : memref<128xi32, #tpu.memory_space<vmem>>) semaphore(%arg12 : memref<!tpu.dma_semaphore, #tpu.memory_space<semaphore_mem>>)
    %dma_wait3A_84 = arith.constant 384 : i32
    %dma_wait3A_85 = tpu.memref_slice %arg5[%dma_wait3A_84] : memref<5000xi32, #tpu.memory_space<vmem>> -> memref<128xi32, #tpu.memory_space<vmem>>
    %dma_wait3A_86 = arith.constant 0 : i32
    %dma_wait3A_87 = arith.constant 0 : i32
    %dma_wait3A_88 = tpu.memref_slice %arg2[%dma_wait3A_86, %dma_wait3A_87] : memref<10000x64xf32, #tpu.memory_space<hbm>> -> memref<10000x64xf32, #tpu.memory_space<hbm>>
    tpu.wait_indirect_dma semaphore(%arg14 : memref<!tpu.dma_semaphore, #tpu.memory_space<semaphore_mem>>) src(%dma_wait3A_88 : memref<10000x64xf32, #tpu.memory_space<hbm>>) dst(%arg9 : memref<128x64xf32, #tpu.memory_space<vmem>>)
    %dma_start3A_89 = arith.constant 384 : i32
    %dma_start3A_90 = arith.constant 0 : i32
    %dma_start3A_91 = tpu.memref_slice %arg4[%add3A, %dma_start3A_89, %dma_start3A_90] : memref<32x5000x64xf32, #tpu.memory_space<hbm>> -> memref<1x128x64xf32, #tpu.memory_space<hbm>>
    %dma_start3A_92 = tpu.memref_squeeze %dma_start3A_91 : memref<1x128x64xf32, #tpu.memory_space<hbm>> -> memref<128x64xf32, #tpu.memory_space<hbm>>
    %dma_start3A_93 = arith.constant 384 : i32
    %dma_start3A_94 = arith.constant 0 : i32
    %dma_start3A_95 = tpu.memref_slice %arg4[%add3A, %dma_start3A_93, %dma_start3A_94] : memref<32x5000x64xf32, #tpu.memory_space<hbm>> -> memref<1x128x64xf32, #tpu.memory_space<hbm>>
    %dma_start3A_96 = tpu.memref_squeeze %dma_start3A_95 : memref<1x128x64xf32, #tpu.memory_space<hbm>> -> memref<128x64xf32, #tpu.memory_space<hbm>>
    tpu.enqueue_dma source(%arg9 : memref<128x64xf32, #tpu.memory_space<vmem>>) target(%dma_start3A_96 : memref<128x64xf32, #tpu.memory_space<hbm>>) target_semaphore(%arg18 : memref<!tpu.dma_semaphore, #tpu.memory_space<semaphore_mem>>)
    %dma_wait3A_97 = arith.constant 256 : i32
    %dma_wait3A_98 = arith.constant 0 : i32
    %dma_wait3A_99 = tpu.memref_slice %arg4[%add3A, %dma_wait3A_97, %dma_wait3A_98] : memref<32x5000x64xf32, #tpu.memory_space<hbm>> -> memref<1x128x64xf32, #tpu.memory_space<hbm>>
    %dma_wait3A_100 = tpu.memref_squeeze %dma_wait3A_99 : memref<1x128x64xf32, #tpu.memory_space<hbm>> -> memref<128x64xf32, #tpu.memory_space<hbm>>
    %dma_wait3A_101 = arith.constant 256 : i32
    %dma_wait3A_102 = arith.constant 0 : i32
    %dma_wait3A_103 = tpu.memref_slice %arg4[%add3A, %dma_wait3A_101, %dma_wait3A_102] : memref<32x5000x64xf32, #tpu.memory_space<hbm>> -> memref<1x128x64xf32, #tpu.memory_space<hbm>>
    %dma_wait3A_104 = tpu.memref_squeeze %dma_wait3A_103 : memref<1x128x64xf32, #tpu.memory_space<hbm>> -> memref<128x64xf32, #tpu.memory_space<hbm>>
    tpu.wait_dma2 semaphore(%arg17 : memref<!tpu.dma_semaphore, #tpu.memory_space<semaphore_mem>>) src(%arg8 : memref<128x64xf32, #tpu.memory_space<vmem>>) dst(%dma_wait3A_104 : memref<128x64xf32, #tpu.memory_space<hbm>>)
    %dma_start3A_105 = arith.constant 768 : i32
    %dma_start3A_106 = tpu.memref_slice %arg5[%dma_start3A_105] : memref<5000xi32, #tpu.memory_space<vmem>> -> memref<128xi32, #tpu.memory_space<vmem>>
    %dma_start3A_107 = arith.constant 0 : i32
    %dma_start3A_108 = arith.constant 0 : i32
    %dma_start3A_109 = tpu.memref_slice %arg2[%dma_start3A_107, %dma_start3A_108] : memref<10000x64xf32, #tpu.memory_space<hbm>> -> memref<10000x64xf32, #tpu.memory_space<hbm>>
    tpu.enqueue_indirect_dma source(%dma_start3A_109 : memref<10000x64xf32, #tpu.memory_space<hbm>>) target(%arg8 : memref<128x64xf32, #tpu.memory_space<vmem>>) offsets(%dma_start3A_106 : memref<128xi32, #tpu.memory_space<vmem>>) semaphore(%arg13 : memref<!tpu.dma_semaphore, #tpu.memory_space<semaphore_mem>>)
    %dma_wait3A_110 = arith.constant 512 : i32
    %dma_wait3A_111 = tpu.memref_slice %arg5[%dma_wait3A_110] : memref<5000xi32, #tpu.memory_space<vmem>> -> memref<128xi32, #tpu.memory_space<vmem>>
    %dma_wait3A_112 = arith.constant 0 : i32
    %dma_wait3A_113 = arith.constant 0 : i32
    %dma_wait3A_114 = tpu.memref_slice %arg2[%dma_wait3A_112, %dma_wait3A_113] : memref<10000x64xf32, #tpu.memory_space<hbm>> -> memref<10000x64xf32, #tpu.memory_space<hbm>>
    tpu.wait_indirect_dma semaphore(%arg11 : memref<!tpu.dma_semaphore, #tpu.memory_space<semaphore_mem>>) src(%dma_wait3A_114 : memref<10000x64xf32, #tpu.memory_space<hbm>>) dst(%arg6 : memref<128x64xf32, #tpu.memory_space<vmem>>)
    %dma_start3A_115 = arith.constant 512 : i32
    %dma_start3A_116 = arith.constant 0 : i32
    %dma_start3A_117 = tpu.memref_slice %arg4[%add3A, %dma_start3A_115, %dma_start3A_116] : memref<32x5000x64xf32, #tpu.memory_space<hbm>> -> memref<1x128x64xf32, #tpu.memory_space<hbm>>
    %dma_start3A_118 = tpu.memref_squeeze %dma_start3A_117 : memref<1x128x64xf32, #tpu.memory_space<hbm>> -> memref<128x64xf32, #tpu.memory_space<hbm>>
    %dma_start3A_119 = arith.constant 512 : i32
    %dma_start3A_120 = arith.constant 0 : i32
    %dma_start3A_121 = tpu.memref_slice %arg4[%add3A, %dma_start3A_119, %dma_start3A_120] : memref<32x5000x64xf32, #tpu.memory_space<hbm>> -> memref<1x128x64xf32, #tpu.memory_space<hbm>>
    %dma_start3A_122 = tpu.memref_squeeze %dma_start3A_121 : memref<1x128x64xf32, #tpu.memory_space<hbm>> -> memref<128x64xf32, #tpu.memory_space<hbm>>
    tpu.enqueue_dma source(%arg6 : memref<128x64xf32, #tpu.memory_space<vmem>>) target(%dma_start3A_122 : memref<128x64xf32, #tpu.memory_space<hbm>>) target_semaphore(%arg15 : memref<!tpu.dma_semaphore, #tpu.memory_space<semaphore_mem>>)
    %dma_wait3A_123 = arith.constant 384 : i32
    %dma_wait3A_124 = arith.constant 0 : i32
    %dma_wait3A_125 = tpu.memref_slice %arg4[%add3A, %dma_wait3A_123, %dma_wait3A_124] : memref<32x5000x64xf32, #tpu.memory_space<hbm>> -> memref<1x128x64xf32, #tpu.memory_space<hbm>>
    %dma_wait3A_126 = tpu.memref_squeeze %dma_wait3A_125 : memref<1x128x64xf32, #tpu.memory_space<hbm>> -> memref<128x64xf32, #tpu.memory_space<hbm>>
    %dma_wait3A_127 = arith.constant 384 : i32
    %dma_wait3A_128 = arith.constant 0 : i32
    %dma_wait3A_129 = tpu.memref_slice %arg4[%add3A, %dma_wait3A_127, %dma_wait3A_128] : memref<32x5000x64xf32, #tpu.memory_space<hbm>> -> memref<1x128x64xf32, #tpu.memory_space<hbm>>
    %dma_wait3A_130 = tpu.memref_squeeze %dma_wait3A_129 : memref<1x128x64xf32, #tpu.memory_space<hbm>> -> memref<128x64xf32, #tpu.memory_space<hbm>>
    tpu.wait_dma2 semaphore(%arg18 : memref<!tpu.dma_semaphore, #tpu.memory_space<semaphore_mem>>) src(%arg9 : memref<128x64xf32, #tpu.memory_space<vmem>>) dst(%dma_wait3A_130 : memref<128x64xf32, #tpu.memory_space<hbm>>)
    %dma_start3A_131 = arith.constant 896 : i32
    %dma_start3A_132 = tpu.memref_slice %arg5[%dma_start3A_131] : memref<5000xi32, #tpu.memory_space<vmem>> -> memref<128xi32, #tpu.memory_space<vmem>>
    %dma_start3A_133 = arith.constant 0 : i32
    %dma_start3A_134 = arith.constant 0 : i32
    %dma_start3A_135 = tpu.memref_slice %arg2[%dma_start3A_133, %dma_start3A_134] : memref<10000x64xf32, #tpu.memory_space<hbm>> -> memref<10000x64xf32, #tpu.memory_space<hbm>>
    tpu.enqueue_indirect_dma source(%dma_start3A_135 : memref<10000x64xf32, #tpu.memory_space<hbm>>) target(%arg9 : memref<128x64xf32, #tpu.memory_space<vmem>>) offsets(%dma_start3A_132 : memref<128xi32, #tpu.memory_space<vmem>>) semaphore(%arg14 : memref<!tpu.dma_semaphore, #tpu.memory_space<semaphore_mem>>)
    %dma_wait3A_136 = arith.constant 640 : i32
    %dma_wait3A_137 = tpu.memref_slice %arg5[%dma_wait3A_136] : memref<5000xi32, #tpu.memory_space<vmem>> -> memref<128xi32, #tpu.memory_space<vmem>>
    %dma_wait3A_138 = arith.constant 0 : i32
    %dma_wait3A_139 = arith.constant 0 : i32
    %dma_wait3A_140 = tpu.memref_slice %arg2[%dma_wait3A_138, %dma_wait3A_139] : memref<10000x64xf32, #tpu.memory_space<hbm>> -> memref<10000x64xf32, #tpu.memory_space<hbm>>
    tpu.wait_indirect_dma semaphore(%arg12 : memref<!tpu.dma_semaphore, #tpu.memory_space<semaphore_mem>>) src(%dma_wait3A_140 : memref<10000x64xf32, #tpu.memory_space<hbm>>) dst(%arg7 : memref<128x64xf32, #tpu.memory_space<vmem>>)
    %dma_start3A_141 = arith.constant 640 : i32
    %dma_start3A_142 = arith.constant 0 : i32
    %dma_start3A_143 = tpu.memref_slice %arg4[%add3A, %dma_start3A_141, %dma_start3A_142] : memref<32x5000x64xf32, #tpu.memory_space<hbm>> -> memref<1x128x64xf32, #tpu.memory_space<hbm>>
    %dma_start3A_144 = tpu.memref_squeeze %dma_start3A_143 : memref<1x128x64xf32, #tpu.memory_space<hbm>> -> memref<128x64xf32, #tpu.memory_space<hbm>>
    %dma_start3A_145 = arith.constant 640 : i32
    %dma_start3A_146 = arith.constant 0 : i32
    %dma_start3A_147 = tpu.memref_slice %arg4[%add3A, %dma_start3A_145, %dma_start3A_146] : memref<32x5000x64xf32, #tpu.memory_space<hbm>> -> memref<1x128x64xf32, #tpu.memory_space<hbm>>
    %dma_start3A_148 = tpu.memref_squeeze %dma_start3A_147 : memref<1x128x64xf32, #tpu.memory_space<hbm>> -> memref<128x64xf32, #tpu.memory_space<hbm>>
    tpu.enqueue_dma source(%arg7 : memref<128x64xf32, #tpu.memory_space<vmem>>) target(%dma_start3A_148 : memref<128x64xf32, #tpu.memory_space<hbm>>) target_semaphore(%arg16 : memref<!tpu.dma_semaphore, #tpu.memory_space<semaphore_mem>>)
    %dma_wait3A_149 = arith.constant 512 : i32
    %dma_wait3A_150 = arith.constant 0 : i32
    %dma_wait3A_151 = tpu.memref_slice %arg4[%add3A, %dma_wait3A_149, %dma_wait3A_150] : memref<32x5000x64xf32, #tpu.memory_space<hbm>> -> memref<1x128x64xf32, #tpu.memory_space<hbm>>
    %dma_wait3A_152 = tpu.memref_squeeze %dma_wait3A_151 : memref<1x128x64xf32, #tpu.memory_space<hbm>> -> memref<128x64xf32, #tpu.memory_space<hbm>>
    %dma_wait3A_153 = arith.constant 512 : i32
    %dma_wait3A_154 = arith.constant 0 : i32
    %dma_wait3A_155 = tpu.memref_slice %arg4[%add3A, %dma_wait3A_153, %dma_wait3A_154] : memref<32x5000x64xf32, #tpu.memory_space<hbm>> -> memref<1x128x64xf32, #tpu.memory_space<hbm>>
    %dma_wait3A_156 = tpu.memref_squeeze %dma_wait3A_155 : memref<1x128x64xf32, #tpu.memory_space<hbm>> -> memref<128x64xf32, #tpu.memory_space<hbm>>
    tpu.wait_dma2 semaphore(%arg15 : memref<!tpu.dma_semaphore, #tpu.memory_space<semaphore_mem>>) src(%arg6 : memref<128x64xf32, #tpu.memory_space<vmem>>) dst(%dma_wait3A_156 : memref<128x64xf32, #tpu.memory_space<hbm>>)
    %dma_start3A_157 = arith.constant 1024 : i32
    %dma_start3A_158 = tpu.memref_slice %arg5[%dma_start3A_157] : memref<5000xi32, #tpu.memory_space<vmem>> -> memref<128xi32, #tpu.memory_space<vmem>>
    %dma_start3A_159 = arith.constant 0 : i32
    %dma_start3A_160 = arith.constant 0 : i32
    %dma_start3A_161 = tpu.memref_slice %arg2[%dma_start3A_159, %dma_start3A_160] : memref<10000x64xf32, #tpu.memory_space<hbm>> -> memref<10000x64xf32, #tpu.memory_space<hbm>>
    tpu.enqueue_indirect_dma source(%dma_start3A_161 : memref<10000x64xf32, #tpu.memory_space<hbm>>) target(%arg6 : memref<128x64xf32, #tpu.memory_space<vmem>>) offsets(%dma_start3A_158 : memref<128xi32, #tpu.memory_space<vmem>>) semaphore(%arg11 : memref<!tpu.dma_semaphore, #tpu.memory_space<semaphore_mem>>)
    %dma_wait3A_162 = arith.constant 768 : i32
    %dma_wait3A_163 = tpu.memref_slice %arg5[%dma_wait3A_162] : memref<5000xi32, #tpu.memory_space<vmem>> -> memref<128xi32, #tpu.memory_space<vmem>>
    %dma_wait3A_164 = arith.constant 0 : i32
    %dma_wait3A_165 = arith.constant 0 : i32
    %dma_wait3A_166 = tpu.memref_slice %arg2[%dma_wait3A_164, %dma_wait3A_165] : memref<10000x64xf32, #tpu.memory_space<hbm>> -> memref<10000x64xf32, #tpu.memory_space<hbm>>
    tpu.wait_indirect_dma semaphore(%arg13 : memref<!tpu.dma_semaphore, #tpu.memory_space<semaphore_mem>>) src(%dma_wait3A_166 : memref<10000x64xf32, #tpu.memory_space<hbm>>) dst(%arg8 : memref<128x64xf32, #tpu.memory_space<vmem>>)
    %dma_start3A_167 = arith.constant 768 : i32
    %dma_start3A_168 = arith.constant 0 : i32
    %dma_start3A_169 = tpu.memref_slice %arg4[%add3A, %dma_start3A_167, %dma_start3A_168] : memref<32x5000x64xf32, #tpu.memory_space<hbm>> -> memref<1x128x64xf32, #tpu.memory_space<hbm>>
    %dma_start3A_170 = tpu.memref_squeeze %dma_start3A_169 : memref<1x128x64xf32, #tpu.memory_space<hbm>> -> memref<128x64xf32, #tpu.memory_space<hbm>>
    %dma_start3A_171 = arith.constant 768 : i32
    %dma_start3A_172 = arith.constant 0 : i32
    %dma_start3A_173 = tpu.memref_slice %arg4[%add3A, %dma_start3A_171, %dma_start3A_172] : memref<32x5000x64xf32, #tpu.memory_space<hbm>> -> memref<1x128x64xf32, #tpu.memory_space<hbm>>
    %dma_start3A_174 = tpu.memref_squeeze %dma_start3A_173 : memref<1x128x64xf32, #tpu.memory_space<hbm>> -> memref<128x64xf32, #tpu.memory_space<hbm>>
    tpu.enqueue_dma source(%arg8 : memref<128x64xf32, #tpu.memory_space<vmem>>) target(%dma_start3A_174 : memref<128x64xf32, #tpu.memory_space<hbm>>) target_semaphore(%arg17 : memref<!tpu.dma_semaphore, #tpu.memory_space<semaphore_mem>>)
    %dma_wait3A_175 = arith.constant 640 : i32
    %dma_wait3A_176 = arith.constant 0 : i32
    %dma_wait3A_177 = tpu.memref_slice %arg4[%add3A, %dma_wait3A_175, %dma_wait3A_176] : memref<32x5000x64xf32, #tpu.memory_space<hbm>> -> memref<1x128x64xf32, #tpu.memory_space<hbm>>
    %dma_wait3A_178 = tpu.memref_squeeze %dma_wait3A_177 : memref<1x128x64xf32, #tpu.memory_space<hbm>> -> memref<128x64xf32, #tpu.memory_space<hbm>>
    %dma_wait3A_179 = arith.constant 640 : i32
    %dma_wait3A_180 = arith.constant 0 : i32
    %dma_wait3A_181 = tpu.memref_slice %arg4[%add3A, %dma_wait3A_179, %dma_wait3A_180] : memref<32x5000x64xf32, #tpu.memory_space<hbm>> -> memref<1x128x64xf32, #tpu.memory_space<hbm>>
    %dma_wait3A_182 = tpu.memref_squeeze %dma_wait3A_181 : memref<1x128x64xf32, #tpu.memory_space<hbm>> -> memref<128x64xf32, #tpu.memory_space<hbm>>
    tpu.wait_dma2 semaphore(%arg16 : memref<!tpu.dma_semaphore, #tpu.memory_space<semaphore_mem>>) src(%arg7 : memref<128x64xf32, #tpu.memory_space<vmem>>) dst(%dma_wait3A_182 : memref<128x64xf32, #tpu.memory_space<hbm>>)
    %dma_start3A_183 = arith.constant 1152 : i32
    %dma_start3A_184 = tpu.memref_slice %arg5[%dma_start3A_183] : memref<5000xi32, #tpu.memory_space<vmem>> -> memref<128xi32, #tpu.memory_space<vmem>>
    %dma_start3A_185 = arith.constant 0 : i32
    %dma_start3A_186 = arith.constant 0 : i32
    %dma_start3A_187 = tpu.memref_slice %arg2[%dma_start3A_185, %dma_start3A_186] : memref<10000x64xf32, #tpu.memory_space<hbm>> -> memref<10000x64xf32, #tpu.memory_space<hbm>>
    tpu.enqueue_indirect_dma source(%dma_start3A_187 : memref<10000x64xf32, #tpu.memory_space<hbm>>) target(%arg7 : memref<128x64xf32, #tpu.memory_space<vmem>>) offsets(%dma_start3A_184 : memref<128xi32, #tpu.memory_space<vmem>>) semaphore(%arg12 : memref<!tpu.dma_semaphore, #tpu.memory_space<semaphore_mem>>)
    %dma_wait3A_188 = arith.constant 896 : i32
    %dma_wait3A_189 = tpu.memref_slice %arg5[%dma_wait3A_188] : memref<5000xi32, #tpu.memory_space<vmem>> -> memref<128xi32, #tpu.memory_space<vmem>>
    %dma_wait3A_190 = arith.constant 0 : i32
    %dma_wait3A_191 = arith.constant 0 : i32
    %dma_wait3A_192 = tpu.memref_slice %arg2[%dma_wait3A_190, %dma_wait3A_191] : memref<10000x64xf32, #tpu.memory_space<hbm>> -> memref<10000x64xf32, #tpu.memory_space<hbm>>
    tpu.wait_indirect_dma semaphore(%arg14 : memref<!tpu.dma_semaphore, #tpu.memory_space<semaphore_mem>>) src(%dma_wait3A_192 : memref<10000x64xf32, #tpu.memory_space<hbm>>) dst(%arg9 : memref<128x64xf32, #tpu.memory_space<vmem>>)
    %dma_start3A_193 = arith.constant 896 : i32
    %dma_start3A_194 = arith.constant 0 : i32
    %dma_start3A_195 = tpu.memref_slice %arg4[%add3A, %dma_start3A_193, %dma_start3A_194] : memref<32x5000x64xf32, #tpu.memory_space<hbm>> -> memref<1x128x64xf32, #tpu.memory_space<hbm>>
    %dma_start3A_196 = tpu.memref_squeeze %dma_start3A_195 : memref<1x128x64xf32, #tpu.memory_space<hbm>> -> memref<128x64xf32, #tpu.memory_space<hbm>>
    %dma_start3A_197 = arith.constant 896 : i32
    %dma_start3A_198 = arith.constant 0 : i32
    %dma_start3A_199 = tpu.memref_slice %arg4[%add3A, %dma_start3A_197, %dma_start3A_198] : memref<32x5000x64xf32, #tpu.memory_space<hbm>> -> memref<1x128x64xf32, #tpu.memory_space<hbm>>
    %dma_start3A_200 = tpu.memref_squeeze %dma_start3A_199 : memref<1x128x64xf32, #tpu.memory_space<hbm>> -> memref<128x64xf32, #tpu.memory_space<hbm>>
    tpu.enqueue_dma source(%arg9 : memref<128x64xf32, #tpu.memory_space<vmem>>) target(%dma_start3A_200 : memref<128x64xf32, #tpu.memory_space<hbm>>) target_semaphore(%arg18 : memref<!tpu.dma_semaphore, #tpu.memory_space<semaphore_mem>>)
    %dma_wait3A_201 = arith.constant 768 : i32
    %dma_wait3A_202 = arith.constant 0 : i32
    %dma_wait3A_203 = tpu.memref_slice %arg4[%add3A, %dma_wait3A_201, %dma_wait3A_202] : memref<32x5000x64xf32, #tpu.memory_space<hbm>> -> memref<1x128x64xf32, #tpu.memory_space<hbm>>
    %dma_wait3A_204 = tpu.memref_squeeze %dma_wait3A_203 : memref<1x128x64xf32, #tpu.memory_space<hbm>> -> memref<128x64xf32, #tpu.memory_space<hbm>>
    %dma_wait3A_205 = arith.constant 768 : i32
    %dma_wait3A_206 = arith.constant 0 : i32
    %dma_wait3A_207 = tpu.memref_slice %arg4[%add3A, %dma_wait3A_205, %dma_wait3A_206] : memref<32x5000x64xf32, #tpu.memory_space<hbm>> -> memref<1x128x64xf32, #tpu.memory_space<hbm>>
    %dma_wait3A_208 = tpu.memref_squeeze %dma_wait3A_207 : memref<1x128x64xf32, #tpu.memory_space<hbm>> -> memref<128x64xf32, #tpu.memory_space<hbm>>
    tpu.wait_dma2 semaphore(%arg17 : memref<!tpu.dma_semaphore, #tpu.memory_space<semaphore_mem>>) src(%arg8 : memref<128x64xf32, #tpu.memory_space<vmem>>) dst(%dma_wait3A_208 : memref<128x64xf32, #tpu.memory_space<hbm>>)
    %dma_start3A_209 = arith.constant 1280 : i32
    %dma_start3A_210 = tpu.memref_slice %arg5[%dma_start3A_209] : memref<5000xi32, #tpu.memory_space<vmem>> -> memref<128xi32, #tpu.memory_space<vmem>>
    %dma_start3A_211 = arith.constant 0 : i32
    %dma_start3A_212 = arith.constant 0 : i32
    %dma_start3A_213 = tpu.memref_slice %arg2[%dma_start3A_211, %dma_start3A_212] : memref<10000x64xf32, #tpu.memory_space<hbm>> -> memref<10000x64xf32, #tpu.memory_space<hbm>>
    tpu.enqueue_indirect_dma source(%dma_start3A_213 : memref<10000x64xf32, #tpu.memory_space<hbm>>) target(%arg8 : memref<128x64xf32, #tpu.memory_space<vmem>>) offsets(%dma_start3A_210 : memref<128xi32, #tpu.memory_space<vmem>>) semaphore(%arg13 : memref<!tpu.dma_semaphore, #tpu.memory_space<semaphore_mem>>)
    %dma_wait3A_214 = arith.constant 1024 : i32
    %dma_wait3A_215 = tpu.memref_slice %arg5[%dma_wait3A_214] : memref<5000xi32, #tpu.memory_space<vmem>> -> memref<128xi32, #tpu.memory_space<vmem>>
    %dma_wait3A_216 = arith.constant 0 : i32
    %dma_wait3A_217 = arith.constant 0 : i32
    %dma_wait3A_218 = tpu.memref_slice %arg2[%dma_wait3A_216, %dma_wait3A_217] : memref<10000x64xf32, #tpu.memory_space<hbm>> -> memref<10000x64xf32, #tpu.memory_space<hbm>>
    tpu.wait_indirect_dma semaphore(%arg11 : memref<!tpu.dma_semaphore, #tpu.memory_space<semaphore_mem>>) src(%dma_wait3A_218 : memref<10000x64xf32, #tpu.memory_space<hbm>>) dst(%arg6 : memref<128x64xf32, #tpu.memory_space<vmem>>)
    %dma_start3A_219 = arith.constant 1024 : i32
    %dma_start3A_220 = arith.constant 0 : i32
    %dma_start3A_221 = tpu.memref_slice %arg4[%add3A, %dma_start3A_219, %dma_start3A_220] : memref<32x5000x64xf32, #tpu.memory_space<hbm>> -> memref<1x128x64xf32, #tpu.memory_space<hbm>>
    %dma_start3A_222 = tpu.memref_squeeze %dma_start3A_221 : memref<1x128x64xf32, #tpu.memory_space<hbm>> -> memref<128x64xf32, #tpu.memory_space<hbm>>
    %dma_start3A_223 = arith.constant 1024 : i32
    %dma_start3A_224 = arith.constant 0 : i32
    %dma_start3A_225 = tpu.memref_slice %arg4[%add3A, %dma_start3A_223, %dma_start3A_224] : memref<32x5000x64xf32, #tpu.memory_space<hbm>> -> memref<1x128x64xf32, #tpu.memory_space<hbm>>
    %dma_start3A_226 = tpu.memref_squeeze %dma_start3A_225 : memref<1x128x64xf32, #tpu.memory_space<hbm>> -> memref<128x64xf32, #tpu.memory_space<hbm>>
    tpu.enqueue_dma source(%arg6 : memref<128x64xf32, #tpu.memory_space<vmem>>) target(%dma_start3A_226 : memref<128x64xf32, #tpu.memory_space<hbm>>) target_semaphore(%arg15 : memref<!tpu.dma_semaphore, #tpu.memory_space<semaphore_mem>>)
    %dma_wait3A_227 = arith.constant 896 : i32
    %dma_wait3A_228 = arith.constant 0 : i32
    %dma_wait3A_229 = tpu.memref_slice %arg4[%add3A, %dma_wait3A_227, %dma_wait3A_228] : memref<32x5000x64xf32, #tpu.memory_space<hbm>> -> memref<1x128x64xf32, #tpu.memory_space<hbm>>
    %dma_wait3A_230 = tpu.memref_squeeze %dma_wait3A_229 : memref<1x128x64xf32, #tpu.memory_space<hbm>> -> memref<128x64xf32, #tpu.memory_space<hbm>>
    %dma_wait3A_231 = arith.constant 896 : i32
    %dma_wait3A_232 = arith.constant 0 : i32
    %dma_wait3A_233 = tpu.memref_slice %arg4[%add3A, %dma_wait3A_231, %dma_wait3A_232] : memref<32x5000x64xf32, #tpu.memory_space<hbm>> -> memref<1x128x64xf32, #tpu.memory_space<hbm>>
    %dma_wait3A_234 = tpu.memref_squeeze %dma_wait3A_233 : memref<1x128x64xf32, #tpu.memory_space<hbm>> -> memref<128x64xf32, #tpu.memory_space<hbm>>
    tpu.wait_dma2 semaphore(%arg18 : memref<!tpu.dma_semaphore, #tpu.memory_space<semaphore_mem>>) src(%arg9 : memref<128x64xf32, #tpu.memory_space<vmem>>) dst(%dma_wait3A_234 : memref<128x64xf32, #tpu.memory_space<hbm>>)
    %dma_start3A_235 = arith.constant 1408 : i32
    %dma_start3A_236 = tpu.memref_slice %arg5[%dma_start3A_235] : memref<5000xi32, #tpu.memory_space<vmem>> -> memref<128xi32, #tpu.memory_space<vmem>>
    %dma_start3A_237 = arith.constant 0 : i32
    %dma_start3A_238 = arith.constant 0 : i32
    %dma_start3A_239 = tpu.memref_slice %arg2[%dma_start3A_237, %dma_start3A_238] : memref<10000x64xf32, #tpu.memory_space<hbm>> -> memref<10000x64xf32, #tpu.memory_space<hbm>>
    tpu.enqueue_indirect_dma source(%dma_start3A_239 : memref<10000x64xf32, #tpu.memory_space<hbm>>) target(%arg9 : memref<128x64xf32, #tpu.memory_space<vmem>>) offsets(%dma_start3A_236 : memref<128xi32, #tpu.memory_space<vmem>>) semaphore(%arg14 : memref<!tpu.dma_semaphore, #tpu.memory_space<semaphore_mem>>)
    %dma_wait3A_240 = arith.constant 1152 : i32
    %dma_wait3A_241 = tpu.memref_slice %arg5[%dma_wait3A_240] : memref<5000xi32, #tpu.memory_space<vmem>> -> memref<128xi32, #tpu.memory_space<vmem>>
    %dma_wait3A_242 = arith.constant 0 : i32
    %dma_wait3A_243 = arith.constant 0 : i32
    %dma_wait3A_244 = tpu.memref_slice %arg2[%dma_wait3A_242, %dma_wait3A_243] : memref<10000x64xf32, #tpu.memory_space<hbm>> -> memref<10000x64xf32, #tpu.memory_space<hbm>>
    tpu.wait_indirect_dma semaphore(%arg12 : memref<!tpu.dma_semaphore, #tpu.memory_space<semaphore_mem>>) src(%dma_wait3A_244 : memref<10000x64xf32, #tpu.memory_space<hbm>>) dst(%arg7 : memref<128x64xf32, #tpu.memory_space<vmem>>)
    %dma_start3A_245 = arith.constant 1152 : i32
    %dma_start3A_246 = arith.constant 0 : i32
    %dma_start3A_247 = tpu.memref_slice %arg4[%add3A, %dma_start3A_245, %dma_start3A_246] : memref<32x5000x64xf32, #tpu.memory_space<hbm>> -> memref<1x128x64xf32, #tpu.memory_space<hbm>>
    %dma_start3A_248 = tpu.memref_squeeze %dma_start3A_247 : memref<1x128x64xf32, #tpu.memory_space<hbm>> -> memref<128x64xf32, #tpu.memory_space<hbm>>
    %dma_start3A_249 = arith.constant 1152 : i32
    %dma_start3A_250 = arith.constant 0 : i32
    %dma_start3A_251 = tpu.memref_slice %arg4[%add3A, %dma_start3A_249, %dma_start3A_250] : memref<32x5000x64xf32, #tpu.memory_space<hbm>> -> memref<1x128x64xf32, #tpu.memory_space<hbm>>
    %dma_start3A_252 = tpu.memref_squeeze %dma_start3A_251 : memref<1x128x64xf32, #tpu.memory_space<hbm>> -> memref<128x64xf32, #tpu.memory_space<hbm>>
    tpu.enqueue_dma source(%arg7 : memref<128x64xf32, #tpu.memory_space<vmem>>) target(%dma_start3A_252 : memref<128x64xf32, #tpu.memory_space<hbm>>) target_semaphore(%arg16 : memref<!tpu.dma_semaphore, #tpu.memory_space<semaphore_mem>>)
    %dma_wait3A_253 = arith.constant 1024 : i32
    %dma_wait3A_254 = arith.constant 0 : i32
    %dma_wait3A_255 = tpu.memref_slice %arg4[%add3A, %dma_wait3A_253, %dma_wait3A_254] : memref<32x5000x64xf32, #tpu.memory_space<hbm>> -> memref<1x128x64xf32, #tpu.memory_space<hbm>>
    %dma_wait3A_256 = tpu.memref_squeeze %dma_wait3A_255 : memref<1x128x64xf32, #tpu.memory_space<hbm>> -> memref<128x64xf32, #tpu.memory_space<hbm>>
    %dma_wait3A_257 = arith.constant 1024 : i32
    %dma_wait3A_258 = arith.constant 0 : i32
    %dma_wait3A_259 = tpu.memref_slice %arg4[%add3A, %dma_wait3A_257, %dma_wait3A_258] : memref<32x5000x64xf32, #tpu.memory_space<hbm>> -> memref<1x128x64xf32, #tpu.memory_space<hbm>>
    %dma_wait3A_260 = tpu.memref_squeeze %dma_wait3A_259 : memref<1x128x64xf32, #tpu.memory_space<hbm>> -> memref<128x64xf32, #tpu.memory_space<hbm>>
    tpu.wait_dma2 semaphore(%arg15 : memref<!tpu.dma_semaphore, #tpu.memory_space<semaphore_mem>>) src(%arg6 : memref<128x64xf32, #tpu.memory_space<vmem>>) dst(%dma_wait3A_260 : memref<128x64xf32, #tpu.memory_space<hbm>>)
    %dma_start3A_261 = arith.constant 1536 : i32
    %dma_start3A_262 = tpu.memref_slice %arg5[%dma_start3A_261] : memref<5000xi32, #tpu.memory_space<vmem>> -> memref<128xi32, #tpu.memory_space<vmem>>
    %dma_start3A_263 = arith.constant 0 : i32
    %dma_start3A_264 = arith.constant 0 : i32
    %dma_start3A_265 = tpu.memref_slice %arg2[%dma_start3A_263, %dma_start3A_264] : memref<10000x64xf32, #tpu.memory_space<hbm>> -> memref<10000x64xf32, #tpu.memory_space<hbm>>
    tpu.enqueue_indirect_dma source(%dma_start3A_265 : memref<10000x64xf32, #tpu.memory_space<hbm>>) target(%arg6 : memref<128x64xf32, #tpu.memory_space<vmem>>) offsets(%dma_start3A_262 : memref<128xi32, #tpu.memory_space<vmem>>) semaphore(%arg11 : memref<!tpu.dma_semaphore, #tpu.memory_space<semaphore_mem>>)
    %dma_wait3A_266 = arith.constant 1280 : i32
    %dma_wait3A_267 = tpu.memref_slice %arg5[%dma_wait3A_266] : memref<5000xi32, #tpu.memory_space<vmem>> -> memref<128xi32, #tpu.memory_space<vmem>>
    %dma_wait3A_268 = arith.constant 0 : i32
    %dma_wait3A_269 = arith.constant 0 : i32
    %dma_wait3A_270 = tpu.memref_slice %arg2[%dma_wait3A_268, %dma_wait3A_269] : memref<10000x64xf32, #tpu.memory_space<hbm>> -> memref<10000x64xf32, #tpu.memory_space<hbm>>
    tpu.wait_indirect_dma semaphore(%arg13 : memref<!tpu.dma_semaphore, #tpu.memory_space<semaphore_mem>>) src(%dma_wait3A_270 : memref<10000x64xf32, #tpu.memory_space<hbm>>) dst(%arg8 : memref<128x64xf32, #tpu.memory_space<vmem>>)
    %dma_start3A_271 = arith.constant 1280 : i32
    %dma_start3A_272 = arith.constant 0 : i32
    %dma_start3A_273 = tpu.memref_slice %arg4[%add3A, %dma_start3A_271, %dma_start3A_272] : memref<32x5000x64xf32, #tpu.memory_space<hbm>> -> memref<1x128x64xf32, #tpu.memory_space<hbm>>
    %dma_start3A_274 = tpu.memref_squeeze %dma_start3A_273 : memref<1x128x64xf32, #tpu.memory_space<hbm>> -> memref<128x64xf32, #tpu.memory_space<hbm>>
    %dma_start3A_275 = arith.constant 1280 : i32
    %dma_start3A_276 = arith.constant 0 : i32
    %dma_start3A_277 = tpu.memref_slice %arg4[%add3A, %dma_start3A_275, %dma_start3A_276] : memref<32x5000x64xf32, #tpu.memory_space<hbm>> -> memref<1x128x64xf32, #tpu.memory_space<hbm>>
    %dma_start3A_278 = tpu.memref_squeeze %dma_start3A_277 : memref<1x128x64xf32, #tpu.memory_space<hbm>> -> memref<128x64xf32, #tpu.memory_space<hbm>>
    tpu.enqueue_dma source(%arg8 : memref<128x64xf32, #tpu.memory_space<vmem>>) target(%dma_start3A_278 : memref<128x64xf32, #tpu.memory_space<hbm>>) target_semaphore(%arg17 : memref<!tpu.dma_semaphore, #tpu.memory_space<semaphore_mem>>)
    %dma_wait3A_279 = arith.constant 1152 : i32
    %dma_wait3A_280 = arith.constant 0 : i32
    %dma_wait3A_281 = tpu.memref_slice %arg4[%add3A, %dma_wait3A_279, %dma_wait3A_280] : memref<32x5000x64xf32, #tpu.memory_space<hbm>> -> memref<1x128x64xf32, #tpu.memory_space<hbm>>
    %dma_wait3A_282 = tpu.memref_squeeze %dma_wait3A_281 : memref<1x128x64xf32, #tpu.memory_space<hbm>> -> memref<128x64xf32, #tpu.memory_space<hbm>>
    %dma_wait3A_283 = arith.constant 1152 : i32
    %dma_wait3A_284 = arith.constant 0 : i32
    %dma_wait3A_285 = tpu.memref_slice %arg4[%add3A, %dma_wait3A_283, %dma_wait3A_284] : memref<32x5000x64xf32, #tpu.memory_space<hbm>> -> memref<1x128x64xf32, #tpu.memory_space<hbm>>
    %dma_wait3A_286 = tpu.memref_squeeze %dma_wait3A_285 : memref<1x128x64xf32, #tpu.memory_space<hbm>> -> memref<128x64xf32, #tpu.memory_space<hbm>>
    tpu.wait_dma2 semaphore(%arg16 : memref<!tpu.dma_semaphore, #tpu.memory_space<semaphore_mem>>) src(%arg7 : memref<128x64xf32, #tpu.memory_space<vmem>>) dst(%dma_wait3A_286 : memref<128x64xf32, #tpu.memory_space<hbm>>)
    %dma_start3A_287 = arith.constant 1664 : i32
    %dma_start3A_288 = tpu.memref_slice %arg5[%dma_start3A_287] : memref<5000xi32, #tpu.memory_space<vmem>> -> memref<128xi32, #tpu.memory_space<vmem>>
    %dma_start3A_289 = arith.constant 0 : i32
    %dma_start3A_290 = arith.constant 0 : i32
    %dma_start3A_291 = tpu.memref_slice %arg2[%dma_start3A_289, %dma_start3A_290] : memref<10000x64xf32, #tpu.memory_space<hbm>> -> memref<10000x64xf32, #tpu.memory_space<hbm>>
    tpu.enqueue_indirect_dma source(%dma_start3A_291 : memref<10000x64xf32, #tpu.memory_space<hbm>>) target(%arg7 : memref<128x64xf32, #tpu.memory_space<vmem>>) offsets(%dma_start3A_288 : memref<128xi32, #tpu.memory_space<vmem>>) semaphore(%arg12 : memref<!tpu.dma_semaphore, #tpu.memory_space<semaphore_mem>>)
    %dma_wait3A_292 = arith.constant 1408 : i32
    %dma_wait3A_293 = tpu.memref_slice %arg5[%dma_wait3A_292] : memref<5000xi32, #tpu.memory_space<vmem>> -> memref<128xi32, #tpu.memory_space<vmem>>
    %dma_wait3A_294 = arith.constant 0 : i32
    %dma_wait3A_295 = arith.constant 0 : i32
    %dma_wait3A_296 = tpu.memref_slice %arg2[%dma_wait3A_294, %dma_wait3A_295] : memref<10000x64xf32, #tpu.memory_space<hbm>> -> memref<10000x64xf32, #tpu.memory_space<hbm>>
    tpu.wait_indirect_dma semaphore(%arg14 : memref<!tpu.dma_semaphore, #tpu.memory_space<semaphore_mem>>) src(%dma_wait3A_296 : memref<10000x64xf32, #tpu.memory_space<hbm>>) dst(%arg9 : memref<128x64xf32, #tpu.memory_space<vmem>>)
    %dma_start3A_297 = arith.constant 1408 : i32
    %dma_start3A_298 = arith.constant 0 : i32
    %dma_start3A_299 = tpu.memref_slice %arg4[%add3A, %dma_start3A_297, %dma_start3A_298] : memref<32x5000x64xf32, #tpu.memory_space<hbm>> -> memref<1x128x64xf32, #tpu.memory_space<hbm>>
    %dma_start3A_300 = tpu.memref_squeeze %dma_start3A_299 : memref<1x128x64xf32, #tpu.memory_space<hbm>> -> memref<128x64xf32, #tpu.memory_space<hbm>>
    %dma_start3A_301 = arith.constant 1408 : i32
    %dma_start3A_302 = arith.constant 0 : i32
    %dma_start3A_303 = tpu.memref_slice %arg4[%add3A, %dma_start3A_301, %dma_start3A_302] : memref<32x5000x64xf32, #tpu.memory_space<hbm>> -> memref<1x128x64xf32, #tpu.memory_space<hbm>>
    %dma_start3A_304 = tpu.memref_squeeze %dma_start3A_303 : memref<1x128x64xf32, #tpu.memory_space<hbm>> -> memref<128x64xf32, #tpu.memory_space<hbm>>
    tpu.enqueue_dma source(%arg9 : memref<128x64xf32, #tpu.memory_space<vmem>>) target(%dma_start3A_304 : memref<128x64xf32, #tpu.memory_space<hbm>>) target_semaphore(%arg18 : memref<!tpu.dma_semaphore, #tpu.memory_space<semaphore_mem>>)
    %dma_wait3A_305 = arith.constant 1280 : i32
    %dma_wait3A_306 = arith.constant 0 : i32
    %dma_wait3A_307 = tpu.memref_slice %arg4[%add3A, %dma_wait3A_305, %dma_wait3A_306] : memref<32x5000x64xf32, #tpu.memory_space<hbm>> -> memref<1x128x64xf32, #tpu.memory_space<hbm>>
    %dma_wait3A_308 = tpu.memref_squeeze %dma_wait3A_307 : memref<1x128x64xf32, #tpu.memory_space<hbm>> -> memref<128x64xf32, #tpu.memory_space<hbm>>
    %dma_wait3A_309 = arith.constant 1280 : i32
    %dma_wait3A_310 = arith.constant 0 : i32
    %dma_wait3A_311 = tpu.memref_slice %arg4[%add3A, %dma_wait3A_309, %dma_wait3A_310] : memref<32x5000x64xf32, #tpu.memory_space<hbm>> -> memref<1x128x64xf32, #tpu.memory_space<hbm>>
    %dma_wait3A_312 = tpu.memref_squeeze %dma_wait3A_311 : memref<1x128x64xf32, #tpu.memory_space<hbm>> -> memref<128x64xf32, #tpu.memory_space<hbm>>
    tpu.wait_dma2 semaphore(%arg17 : memref<!tpu.dma_semaphore, #tpu.memory_space<semaphore_mem>>) src(%arg8 : memref<128x64xf32, #tpu.memory_space<vmem>>) dst(%dma_wait3A_312 : memref<128x64xf32, #tpu.memory_space<hbm>>)
    %dma_start3A_313 = arith.constant 1792 : i32
    %dma_start3A_314 = tpu.memref_slice %arg5[%dma_start3A_313] : memref<5000xi32, #tpu.memory_space<vmem>> -> memref<128xi32, #tpu.memory_space<vmem>>
    %dma_start3A_315 = arith.constant 0 : i32
    %dma_start3A_316 = arith.constant 0 : i32
    %dma_start3A_317 = tpu.memref_slice %arg2[%dma_start3A_315, %dma_start3A_316] : memref<10000x64xf32, #tpu.memory_space<hbm>> -> memref<10000x64xf32, #tpu.memory_space<hbm>>
    tpu.enqueue_indirect_dma source(%dma_start3A_317 : memref<10000x64xf32, #tpu.memory_space<hbm>>) target(%arg8 : memref<128x64xf32, #tpu.memory_space<vmem>>) offsets(%dma_start3A_314 : memref<128xi32, #tpu.memory_space<vmem>>) semaphore(%arg13 : memref<!tpu.dma_semaphore, #tpu.memory_space<semaphore_mem>>)
    %dma_wait3A_318 = arith.constant 1536 : i32
    %dma_wait3A_319 = tpu.memref_slice %arg5[%dma_wait3A_318] : memref<5000xi32, #tpu.memory_space<vmem>> -> memref<128xi32, #tpu.memory_space<vmem>>
    %dma_wait3A_320 = arith.constant 0 : i32
    %dma_wait3A_321 = arith.constant 0 : i32
    %dma_wait3A_322 = tpu.memref_slice %arg2[%dma_wait3A_320, %dma_wait3A_321] : memref<10000x64xf32, #tpu.memory_space<hbm>> -> memref<10000x64xf32, #tpu.memory_space<hbm>>
    tpu.wait_indirect_dma semaphore(%arg11 : memref<!tpu.dma_semaphore, #tpu.memory_space<semaphore_mem>>) src(%dma_wait3A_322 : memref<10000x64xf32, #tpu.memory_space<hbm>>) dst(%arg6 : memref<128x64xf32, #tpu.memory_space<vmem>>)
    %dma_start3A_323 = arith.constant 1536 : i32
    %dma_start3A_324 = arith.constant 0 : i32
    %dma_start3A_325 = tpu.memref_slice %arg4[%add3A, %dma_start3A_323, %dma_start3A_324] : memref<32x5000x64xf32, #tpu.memory_space<hbm>> -> memref<1x128x64xf32, #tpu.memory_space<hbm>>
    %dma_start3A_326 = tpu.memref_squeeze %dma_start3A_325 : memref<1x128x64xf32, #tpu.memory_space<hbm>> -> memref<128x64xf32, #tpu.memory_space<hbm>>
    %dma_start3A_327 = arith.constant 1536 : i32
    %dma_start3A_328 = arith.constant 0 : i32
    %dma_start3A_329 = tpu.memref_slice %arg4[%add3A, %dma_start3A_327, %dma_start3A_328] : memref<32x5000x64xf32, #tpu.memory_space<hbm>> -> memref<1x128x64xf32, #tpu.memory_space<hbm>>
    %dma_start3A_330 = tpu.memref_squeeze %dma_start3A_329 : memref<1x128x64xf32, #tpu.memory_space<hbm>> -> memref<128x64xf32, #tpu.memory_space<hbm>>
    tpu.enqueue_dma source(%arg6 : memref<128x64xf32, #tpu.memory_space<vmem>>) target(%dma_start3A_330 : memref<128x64xf32, #tpu.memory_space<hbm>>) target_semaphore(%arg15 : memref<!tpu.dma_semaphore, #tpu.memory_space<semaphore_mem>>)
    %dma_wait3A_331 = arith.constant 1408 : i32
    %dma_wait3A_332 = arith.constant 0 : i32
    %dma_wait3A_333 = tpu.memref_slice %arg4[%add3A, %dma_wait3A_331, %dma_wait3A_332] : memref<32x5000x64xf32, #tpu.memory_space<hbm>> -> memref<1x128x64xf32, #tpu.memory_space<hbm>>
    %dma_wait3A_334 = tpu.memref_squeeze %dma_wait3A_333 : memref<1x128x64xf32, #tpu.memory_space<hbm>> -> memref<128x64xf32, #tpu.memory_space<hbm>>
    %dma_wait3A_335 = arith.constant 1408 : i32
    %dma_wait3A_336 = arith.constant 0 : i32
    %dma_wait3A_337 = tpu.memref_slice %arg4[%add3A, %dma_wait3A_335, %dma_wait3A_336] : memref<32x5000x64xf32, #tpu.memory_space<hbm>> -> memref<1x128x64xf32, #tpu.memory_space<hbm>>
    %dma_wait3A_338 = tpu.memref_squeeze %dma_wait3A_337 : memref<1x128x64xf32, #tpu.memory_space<hbm>> -> memref<128x64xf32, #tpu.memory_space<hbm>>
    tpu.wait_dma2 semaphore(%arg18 : memref<!tpu.dma_semaphore, #tpu.memory_space<semaphore_mem>>) src(%arg9 : memref<128x64xf32, #tpu.memory_space<vmem>>) dst(%dma_wait3A_338 : memref<128x64xf32, #tpu.memory_space<hbm>>)
    %dma_start3A_339 = arith.constant 1920 : i32
    %dma_start3A_340 = tpu.memref_slice %arg5[%dma_start3A_339] : memref<5000xi32, #tpu.memory_space<vmem>> -> memref<128xi32, #tpu.memory_space<vmem>>
    %dma_start3A_341 = arith.constant 0 : i32
    %dma_start3A_342 = arith.constant 0 : i32
    %dma_start3A_343 = tpu.memref_slice %arg2[%dma_start3A_341, %dma_start3A_342] : memref<10000x64xf32, #tpu.memory_space<hbm>> -> memref<10000x64xf32, #tpu.memory_space<hbm>>
    tpu.enqueue_indirect_dma source(%dma_start3A_343 : memref<10000x64xf32, #tpu.memory_space<hbm>>) target(%arg9 : memref<128x64xf32, #tpu.memory_space<vmem>>) offsets(%dma_start3A_340 : memref<128xi32, #tpu.memory_space<vmem>>) semaphore(%arg14 : memref<!tpu.dma_semaphore, #tpu.memory_space<semaphore_mem>>)
    %dma_wait3A_344 = arith.constant 1664 : i32
    %dma_wait3A_345 = tpu.memref_slice %arg5[%dma_wait3A_344] : memref<5000xi32, #tpu.memory_space<vmem>> -> memref<128xi32, #tpu.memory_space<vmem>>
    %dma_wait3A_346 = arith.constant 0 : i32
    %dma_wait3A_347 = arith.constant 0 : i32
    %dma_wait3A_348 = tpu.memref_slice %arg2[%dma_wait3A_346, %dma_wait3A_347] : memref<10000x64xf32, #tpu.memory_space<hbm>> -> memref<10000x64xf32, #tpu.memory_space<hbm>>
    tpu.wait_indirect_dma semaphore(%arg12 : memref<!tpu.dma_semaphore, #tpu.memory_space<semaphore_mem>>) src(%dma_wait3A_348 : memref<10000x64xf32, #tpu.memory_space<hbm>>) dst(%arg7 : memref<128x64xf32, #tpu.memory_space<vmem>>)
    %dma_start3A_349 = arith.constant 1664 : i32
    %dma_start3A_350 = arith.constant 0 : i32
    %dma_start3A_351 = tpu.memref_slice %arg4[%add3A, %dma_start3A_349, %dma_start3A_350] : memref<32x5000x64xf32, #tpu.memory_space<hbm>> -> memref<1x128x64xf32, #tpu.memory_space<hbm>>
    %dma_start3A_352 = tpu.memref_squeeze %dma_start3A_351 : memref<1x128x64xf32, #tpu.memory_space<hbm>> -> memref<128x64xf32, #tpu.memory_space<hbm>>
    %dma_start3A_353 = arith.constant 1664 : i32
    %dma_start3A_354 = arith.constant 0 : i32
    %dma_start3A_355 = tpu.memref_slice %arg4[%add3A, %dma_start3A_353, %dma_start3A_354] : memref<32x5000x64xf32, #tpu.memory_space<hbm>> -> memref<1x128x64xf32, #tpu.memory_space<hbm>>
    %dma_start3A_356 = tpu.memref_squeeze %dma_start3A_355 : memref<1x128x64xf32, #tpu.memory_space<hbm>> -> memref<128x64xf32, #tpu.memory_space<hbm>>
    tpu.enqueue_dma source(%arg7 : memref<128x64xf32, #tpu.memory_space<vmem>>) target(%dma_start3A_356 : memref<128x64xf32, #tpu.memory_space<hbm>>) target_semaphore(%arg16 : memref<!tpu.dma_semaphore, #tpu.memory_space<semaphore_mem>>)
    %dma_wait3A_357 = arith.constant 1536 : i32
    %dma_wait3A_358 = arith.constant 0 : i32
    %dma_wait3A_359 = tpu.memref_slice %arg4[%add3A, %dma_wait3A_357, %dma_wait3A_358] : memref<32x5000x64xf32, #tpu.memory_space<hbm>> -> memref<1x128x64xf32, #tpu.memory_space<hbm>>
    %dma_wait3A_360 = tpu.memref_squeeze %dma_wait3A_359 : memref<1x128x64xf32, #tpu.memory_space<hbm>> -> memref<128x64xf32, #tpu.memory_space<hbm>>
    %dma_wait3A_361 = arith.constant 1536 : i32
    %dma_wait3A_362 = arith.constant 0 : i32
    %dma_wait3A_363 = tpu.memref_slice %arg4[%add3A, %dma_wait3A_361, %dma_wait3A_362] : memref<32x5000x64xf32, #tpu.memory_space<hbm>> -> memref<1x128x64xf32, #tpu.memory_space<hbm>>
    %dma_wait3A_364 = tpu.memref_squeeze %dma_wait3A_363 : memref<1x128x64xf32, #tpu.memory_space<hbm>> -> memref<128x64xf32, #tpu.memory_space<hbm>>
    tpu.wait_dma2 semaphore(%arg15 : memref<!tpu.dma_semaphore, #tpu.memory_space<semaphore_mem>>) src(%arg6 : memref<128x64xf32, #tpu.memory_space<vmem>>) dst(%dma_wait3A_364 : memref<128x64xf32, #tpu.memory_space<hbm>>)
    %dma_start3A_365 = arith.constant 2048 : i32
    %dma_start3A_366 = tpu.memref_slice %arg5[%dma_start3A_365] : memref<5000xi32, #tpu.memory_space<vmem>> -> memref<128xi32, #tpu.memory_space<vmem>>
    %dma_start3A_367 = arith.constant 0 : i32
    %dma_start3A_368 = arith.constant 0 : i32
    %dma_start3A_369 = tpu.memref_slice %arg2[%dma_start3A_367, %dma_start3A_368] : memref<10000x64xf32, #tpu.memory_space<hbm>> -> memref<10000x64xf32, #tpu.memory_space<hbm>>
    tpu.enqueue_indirect_dma source(%dma_start3A_369 : memref<10000x64xf32, #tpu.memory_space<hbm>>) target(%arg6 : memref<128x64xf32, #tpu.memory_space<vmem>>) offsets(%dma_start3A_366 : memref<128xi32, #tpu.memory_space<vmem>>) semaphore(%arg11 : memref<!tpu.dma_semaphore, #tpu.memory_space<semaphore_mem>>)
    %dma_wait3A_370 = arith.constant 1792 : i32
    %dma_wait3A_371 = tpu.memref_slice %arg5[%dma_wait3A_370] : memref<5000xi32, #tpu.memory_space<vmem>> -> memref<128xi32, #tpu.memory_space<vmem>>
    %dma_wait3A_372 = arith.constant 0 : i32
    %dma_wait3A_373 = arith.constant 0 : i32
    %dma_wait3A_374 = tpu.memref_slice %arg2[%dma_wait3A_372, %dma_wait3A_373] : memref<10000x64xf32, #tpu.memory_space<hbm>> -> memref<10000x64xf32, #tpu.memory_space<hbm>>
    tpu.wait_indirect_dma semaphore(%arg13 : memref<!tpu.dma_semaphore, #tpu.memory_space<semaphore_mem>>) src(%dma_wait3A_374 : memref<10000x64xf32, #tpu.memory_space<hbm>>) dst(%arg8 : memref<128x64xf32, #tpu.memory_space<vmem>>)
    %dma_start3A_375 = arith.constant 1792 : i32
    %dma_start3A_376 = arith.constant 0 : i32
    %dma_start3A_377 = tpu.memref_slice %arg4[%add3A, %dma_start3A_375, %dma_start3A_376] : memref<32x5000x64xf32, #tpu.memory_space<hbm>> -> memref<1x128x64xf32, #tpu.memory_space<hbm>>
    %dma_start3A_378 = tpu.memref_squeeze %dma_start3A_377 : memref<1x128x64xf32, #tpu.memory_space<hbm>> -> memref<128x64xf32, #tpu.memory_space<hbm>>
    %dma_start3A_379 = arith.constant 1792 : i32
    %dma_start3A_380 = arith.constant 0 : i32
    %dma_start3A_381 = tpu.memref_slice %arg4[%add3A, %dma_start3A_379, %dma_start3A_380] : memref<32x5000x64xf32, #tpu.memory_space<hbm>> -> memref<1x128x64xf32, #tpu.memory_space<hbm>>
    %dma_start3A_382 = tpu.memref_squeeze %dma_start3A_381 : memref<1x128x64xf32, #tpu.memory_space<hbm>> -> memref<128x64xf32, #tpu.memory_space<hbm>>
    tpu.enqueue_dma source(%arg8 : memref<128x64xf32, #tpu.memory_space<vmem>>) target(%dma_start3A_382 : memref<128x64xf32, #tpu.memory_space<hbm>>) target_semaphore(%arg17 : memref<!tpu.dma_semaphore, #tpu.memory_space<semaphore_mem>>)
    %dma_wait3A_383 = arith.constant 1664 : i32
    %dma_wait3A_384 = arith.constant 0 : i32
    %dma_wait3A_385 = tpu.memref_slice %arg4[%add3A, %dma_wait3A_383, %dma_wait3A_384] : memref<32x5000x64xf32, #tpu.memory_space<hbm>> -> memref<1x128x64xf32, #tpu.memory_space<hbm>>
    %dma_wait3A_386 = tpu.memref_squeeze %dma_wait3A_385 : memref<1x128x64xf32, #tpu.memory_space<hbm>> -> memref<128x64xf32, #tpu.memory_space<hbm>>
    %dma_wait3A_387 = arith.constant 1664 : i32
    %dma_wait3A_388 = arith.constant 0 : i32
    %dma_wait3A_389 = tpu.memref_slice %arg4[%add3A, %dma_wait3A_387, %dma_wait3A_388] : memref<32x5000x64xf32, #tpu.memory_space<hbm>> -> memref<1x128x64xf32, #tpu.memory_space<hbm>>
    %dma_wait3A_390 = tpu.memref_squeeze %dma_wait3A_389 : memref<1x128x64xf32, #tpu.memory_space<hbm>> -> memref<128x64xf32, #tpu.memory_space<hbm>>
    tpu.wait_dma2 semaphore(%arg16 : memref<!tpu.dma_semaphore, #tpu.memory_space<semaphore_mem>>) src(%arg7 : memref<128x64xf32, #tpu.memory_space<vmem>>) dst(%dma_wait3A_390 : memref<128x64xf32, #tpu.memory_space<hbm>>)
    %dma_start3A_391 = arith.constant 2176 : i32
    %dma_start3A_392 = tpu.memref_slice %arg5[%dma_start3A_391] : memref<5000xi32, #tpu.memory_space<vmem>> -> memref<128xi32, #tpu.memory_space<vmem>>
    %dma_start3A_393 = arith.constant 0 : i32
    %dma_start3A_394 = arith.constant 0 : i32
    %dma_start3A_395 = tpu.memref_slice %arg2[%dma_start3A_393, %dma_start3A_394] : memref<10000x64xf32, #tpu.memory_space<hbm>> -> memref<10000x64xf32, #tpu.memory_space<hbm>>
    tpu.enqueue_indirect_dma source(%dma_start3A_395 : memref<10000x64xf32, #tpu.memory_space<hbm>>) target(%arg7 : memref<128x64xf32, #tpu.memory_space<vmem>>) offsets(%dma_start3A_392 : memref<128xi32, #tpu.memory_space<vmem>>) semaphore(%arg12 : memref<!tpu.dma_semaphore, #tpu.memory_space<semaphore_mem>>)
    %dma_wait3A_396 = arith.constant 1920 : i32
    %dma_wait3A_397 = tpu.memref_slice %arg5[%dma_wait3A_396] : memref<5000xi32, #tpu.memory_space<vmem>> -> memref<128xi32, #tpu.memory_space<vmem>>
    %dma_wait3A_398 = arith.constant 0 : i32
    %dma_wait3A_399 = arith.constant 0 : i32
    %dma_wait3A_400 = tpu.memref_slice %arg2[%dma_wait3A_398, %dma_wait3A_399] : memref<10000x64xf32, #tpu.memory_space<hbm>> -> memref<10000x64xf32, #tpu.memory_space<hbm>>
    tpu.wait_indirect_dma semaphore(%arg14 : memref<!tpu.dma_semaphore, #tpu.memory_space<semaphore_mem>>) src(%dma_wait3A_400 : memref<10000x64xf32, #tpu.memory_space<hbm>>) dst(%arg9 : memref<128x64xf32, #tpu.memory_space<vmem>>)
    %dma_start3A_401 = arith.constant 1920 : i32
    %dma_start3A_402 = arith.constant 0 : i32
    %dma_start3A_403 = tpu.memref_slice %arg4[%add3A, %dma_start3A_401, %dma_start3A_402] : memref<32x5000x64xf32, #tpu.memory_space<hbm>> -> memref<1x128x64xf32, #tpu.memory_space<hbm>>
    %dma_start3A_404 = tpu.memref_squeeze %dma_start3A_403 : memref<1x128x64xf32, #tpu.memory_space<hbm>> -> memref<128x64xf32, #tpu.memory_space<hbm>>
    %dma_start3A_405 = arith.constant 1920 : i32
    %dma_start3A_406 = arith.constant 0 : i32
    %dma_start3A_407 = tpu.memref_slice %arg4[%add3A, %dma_start3A_405, %dma_start3A_406] : memref<32x5000x64xf32, #tpu.memory_space<hbm>> -> memref<1x128x64xf32, #tpu.memory_space<hbm>>
    %dma_start3A_408 = tpu.memref_squeeze %dma_start3A_407 : memref<1x128x64xf32, #tpu.memory_space<hbm>> -> memref<128x64xf32, #tpu.memory_space<hbm>>
    tpu.enqueue_dma source(%arg9 : memref<128x64xf32, #tpu.memory_space<vmem>>) target(%dma_start3A_408 : memref<128x64xf32, #tpu.memory_space<hbm>>) target_semaphore(%arg18 : memref<!tpu.dma_semaphore, #tpu.memory_space<semaphore_mem>>)
    %dma_wait3A_409 = arith.constant 1792 : i32
    %dma_wait3A_410 = arith.constant 0 : i32
    %dma_wait3A_411 = tpu.memref_slice %arg4[%add3A, %dma_wait3A_409, %dma_wait3A_410] : memref<32x5000x64xf32, #tpu.memory_space<hbm>> -> memref<1x128x64xf32, #tpu.memory_space<hbm>>
    %dma_wait3A_412 = tpu.memref_squeeze %dma_wait3A_411 : memref<1x128x64xf32, #tpu.memory_space<hbm>> -> memref<128x64xf32, #tpu.memory_space<hbm>>
    %dma_wait3A_413 = arith.constant 1792 : i32
    %dma_wait3A_414 = arith.constant 0 : i32
    %dma_wait3A_415 = tpu.memref_slice %arg4[%add3A, %dma_wait3A_413, %dma_wait3A_414] : memref<32x5000x64xf32, #tpu.memory_space<hbm>> -> memref<1x128x64xf32, #tpu.memory_space<hbm>>
    %dma_wait3A_416 = tpu.memref_squeeze %dma_wait3A_415 : memref<1x128x64xf32, #tpu.memory_space<hbm>> -> memref<128x64xf32, #tpu.memory_space<hbm>>
    tpu.wait_dma2 semaphore(%arg17 : memref<!tpu.dma_semaphore, #tpu.memory_space<semaphore_mem>>) src(%arg8 : memref<128x64xf32, #tpu.memory_space<vmem>>) dst(%dma_wait3A_416 : memref<128x64xf32, #tpu.memory_space<hbm>>)
    %dma_start3A_417 = arith.constant 2304 : i32
    %dma_start3A_418 = tpu.memref_slice %arg5[%dma_start3A_417] : memref<5000xi32, #tpu.memory_space<vmem>> -> memref<128xi32, #tpu.memory_space<vmem>>
    %dma_start3A_419 = arith.constant 0 : i32
    %dma_start3A_420 = arith.constant 0 : i32
    %dma_start3A_421 = tpu.memref_slice %arg2[%dma_start3A_419, %dma_start3A_420] : memref<10000x64xf32, #tpu.memory_space<hbm>> -> memref<10000x64xf32, #tpu.memory_space<hbm>>
    tpu.enqueue_indirect_dma source(%dma_start3A_421 : memref<10000x64xf32, #tpu.memory_space<hbm>>) target(%arg8 : memref<128x64xf32, #tpu.memory_space<vmem>>) offsets(%dma_start3A_418 : memref<128xi32, #tpu.memory_space<vmem>>) semaphore(%arg13 : memref<!tpu.dma_semaphore, #tpu.memory_space<semaphore_mem>>)
    %dma_wait3A_422 = arith.constant 2048 : i32
    %dma_wait3A_423 = tpu.memref_slice %arg5[%dma_wait3A_422] : memref<5000xi32, #tpu.memory_space<vmem>> -> memref<128xi32, #tpu.memory_space<vmem>>
    %dma_wait3A_424 = arith.constant 0 : i32
    %dma_wait3A_425 = arith.constant 0 : i32
    %dma_wait3A_426 = tpu.memref_slice %arg2[%dma_wait3A_424, %dma_wait3A_425] : memref<10000x64xf32, #tpu.memory_space<hbm>> -> memref<10000x64xf32, #tpu.memory_space<hbm>>
    tpu.wait_indirect_dma semaphore(%arg11 : memref<!tpu.dma_semaphore, #tpu.memory_space<semaphore_mem>>) src(%dma_wait3A_426 : memref<10000x64xf32, #tpu.memory_space<hbm>>) dst(%arg6 : memref<128x64xf32, #tpu.memory_space<vmem>>)
    %dma_start3A_427 = arith.constant 2048 : i32
    %dma_start3A_428 = arith.constant 0 : i32
    %dma_start3A_429 = tpu.memref_slice %arg4[%add3A, %dma_start3A_427, %dma_start3A_428] : memref<32x5000x64xf32, #tpu.memory_space<hbm>> -> memref<1x128x64xf32, #tpu.memory_space<hbm>>
    %dma_start3A_430 = tpu.memref_squeeze %dma_start3A_429 : memref<1x128x64xf32, #tpu.memory_space<hbm>> -> memref<128x64xf32, #tpu.memory_space<hbm>>
    %dma_start3A_431 = arith.constant 2048 : i32
    %dma_start3A_432 = arith.constant 0 : i32
    %dma_start3A_433 = tpu.memref_slice %arg4[%add3A, %dma_start3A_431, %dma_start3A_432] : memref<32x5000x64xf32, #tpu.memory_space<hbm>> -> memref<1x128x64xf32, #tpu.memory_space<hbm>>
    %dma_start3A_434 = tpu.memref_squeeze %dma_start3A_433 : memref<1x128x64xf32, #tpu.memory_space<hbm>> -> memref<128x64xf32, #tpu.memory_space<hbm>>
    tpu.enqueue_dma source(%arg6 : memref<128x64xf32, #tpu.memory_space<vmem>>) target(%dma_start3A_434 : memref<128x64xf32, #tpu.memory_space<hbm>>) target_semaphore(%arg15 : memref<!tpu.dma_semaphore, #tpu.memory_space<semaphore_mem>>)
    %dma_wait3A_435 = arith.constant 1920 : i32
    %dma_wait3A_436 = arith.constant 0 : i32
    %dma_wait3A_437 = tpu.memref_slice %arg4[%add3A, %dma_wait3A_435, %dma_wait3A_436] : memref<32x5000x64xf32, #tpu.memory_space<hbm>> -> memref<1x128x64xf32, #tpu.memory_space<hbm>>
    %dma_wait3A_438 = tpu.memref_squeeze %dma_wait3A_437 : memref<1x128x64xf32, #tpu.memory_space<hbm>> -> memref<128x64xf32, #tpu.memory_space<hbm>>
    %dma_wait3A_439 = arith.constant 1920 : i32
    %dma_wait3A_440 = arith.constant 0 : i32
    %dma_wait3A_441 = tpu.memref_slice %arg4[%add3A, %dma_wait3A_439, %dma_wait3A_440] : memref<32x5000x64xf32, #tpu.memory_space<hbm>> -> memref<1x128x64xf32, #tpu.memory_space<hbm>>
    %dma_wait3A_442 = tpu.memref_squeeze %dma_wait3A_441 : memref<1x128x64xf32, #tpu.memory_space<hbm>> -> memref<128x64xf32, #tpu.memory_space<hbm>>
    tpu.wait_dma2 semaphore(%arg18 : memref<!tpu.dma_semaphore, #tpu.memory_space<semaphore_mem>>) src(%arg9 : memref<128x64xf32, #tpu.memory_space<vmem>>) dst(%dma_wait3A_442 : memref<128x64xf32, #tpu.memory_space<hbm>>)
    %dma_start3A_443 = arith.constant 2432 : i32
    %dma_start3A_444 = tpu.memref_slice %arg5[%dma_start3A_443] : memref<5000xi32, #tpu.memory_space<vmem>> -> memref<128xi32, #tpu.memory_space<vmem>>
    %dma_start3A_445 = arith.constant 0 : i32
    %dma_start3A_446 = arith.constant 0 : i32
    %dma_start3A_447 = tpu.memref_slice %arg2[%dma_start3A_445, %dma_start3A_446] : memref<10000x64xf32, #tpu.memory_space<hbm>> -> memref<10000x64xf32, #tpu.memory_space<hbm>>
    tpu.enqueue_indirect_dma source(%dma_start3A_447 : memref<10000x64xf32, #tpu.memory_space<hbm>>) target(%arg9 : memref<128x64xf32, #tpu.memory_space<vmem>>) offsets(%dma_start3A_444 : memref<128xi32, #tpu.memory_space<vmem>>) semaphore(%arg14 : memref<!tpu.dma_semaphore, #tpu.memory_space<semaphore_mem>>)
    %dma_wait3A_448 = arith.constant 2176 : i32
    %dma_wait3A_449 = tpu.memref_slice %arg5[%dma_wait3A_448] : memref<5000xi32, #tpu.memory_space<vmem>> -> memref<128xi32, #tpu.memory_space<vmem>>
    %dma_wait3A_450 = arith.constant 0 : i32
    %dma_wait3A_451 = arith.constant 0 : i32
    %dma_wait3A_452 = tpu.memref_slice %arg2[%dma_wait3A_450, %dma_wait3A_451] : memref<10000x64xf32, #tpu.memory_space<hbm>> -> memref<10000x64xf32, #tpu.memory_space<hbm>>
    tpu.wait_indirect_dma semaphore(%arg12 : memref<!tpu.dma_semaphore, #tpu.memory_space<semaphore_mem>>) src(%dma_wait3A_452 : memref<10000x64xf32, #tpu.memory_space<hbm>>) dst(%arg7 : memref<128x64xf32, #tpu.memory_space<vmem>>)
    %dma_start3A_453 = arith.constant 2176 : i32
    %dma_start3A_454 = arith.constant 0 : i32
    %dma_start3A_455 = tpu.memref_slice %arg4[%add3A, %dma_start3A_453, %dma_start3A_454] : memref<32x5000x64xf32, #tpu.memory_space<hbm>> -> memref<1x128x64xf32, #tpu.memory_space<hbm>>
    %dma_start3A_456 = tpu.memref_squeeze %dma_start3A_455 : memref<1x128x64xf32, #tpu.memory_space<hbm>> -> memref<128x64xf32, #tpu.memory_space<hbm>>
    %dma_start3A_457 = arith.constant 2176 : i32
    %dma_start3A_458 = arith.constant 0 : i32
    %dma_start3A_459 = tpu.memref_slice %arg4[%add3A, %dma_start3A_457, %dma_start3A_458] : memref<32x5000x64xf32, #tpu.memory_space<hbm>> -> memref<1x128x64xf32, #tpu.memory_space<hbm>>
    %dma_start3A_460 = tpu.memref_squeeze %dma_start3A_459 : memref<1x128x64xf32, #tpu.memory_space<hbm>> -> memref<128x64xf32, #tpu.memory_space<hbm>>
    tpu.enqueue_dma source(%arg7 : memref<128x64xf32, #tpu.memory_space<vmem>>) target(%dma_start3A_460 : memref<128x64xf32, #tpu.memory_space<hbm>>) target_semaphore(%arg16 : memref<!tpu.dma_semaphore, #tpu.memory_space<semaphore_mem>>)
    %dma_wait3A_461 = arith.constant 2048 : i32
    %dma_wait3A_462 = arith.constant 0 : i32
    %dma_wait3A_463 = tpu.memref_slice %arg4[%add3A, %dma_wait3A_461, %dma_wait3A_462] : memref<32x5000x64xf32, #tpu.memory_space<hbm>> -> memref<1x128x64xf32, #tpu.memory_space<hbm>>
    %dma_wait3A_464 = tpu.memref_squeeze %dma_wait3A_463 : memref<1x128x64xf32, #tpu.memory_space<hbm>> -> memref<128x64xf32, #tpu.memory_space<hbm>>
    %dma_wait3A_465 = arith.constant 2048 : i32
    %dma_wait3A_466 = arith.constant 0 : i32
    %dma_wait3A_467 = tpu.memref_slice %arg4[%add3A, %dma_wait3A_465, %dma_wait3A_466] : memref<32x5000x64xf32, #tpu.memory_space<hbm>> -> memref<1x128x64xf32, #tpu.memory_space<hbm>>
    %dma_wait3A_468 = tpu.memref_squeeze %dma_wait3A_467 : memref<1x128x64xf32, #tpu.memory_space<hbm>> -> memref<128x64xf32, #tpu.memory_space<hbm>>
    tpu.wait_dma2 semaphore(%arg15 : memref<!tpu.dma_semaphore, #tpu.memory_space<semaphore_mem>>) src(%arg6 : memref<128x64xf32, #tpu.memory_space<vmem>>) dst(%dma_wait3A_468 : memref<128x64xf32, #tpu.memory_space<hbm>>)
    %dma_start3A_469 = arith.constant 2560 : i32
    %dma_start3A_470 = tpu.memref_slice %arg5[%dma_start3A_469] : memref<5000xi32, #tpu.memory_space<vmem>> -> memref<128xi32, #tpu.memory_space<vmem>>
    %dma_start3A_471 = arith.constant 0 : i32
    %dma_start3A_472 = arith.constant 0 : i32
    %dma_start3A_473 = tpu.memref_slice %arg2[%dma_start3A_471, %dma_start3A_472] : memref<10000x64xf32, #tpu.memory_space<hbm>> -> memref<10000x64xf32, #tpu.memory_space<hbm>>
    tpu.enqueue_indirect_dma source(%dma_start3A_473 : memref<10000x64xf32, #tpu.memory_space<hbm>>) target(%arg6 : memref<128x64xf32, #tpu.memory_space<vmem>>) offsets(%dma_start3A_470 : memref<128xi32, #tpu.memory_space<vmem>>) semaphore(%arg11 : memref<!tpu.dma_semaphore, #tpu.memory_space<semaphore_mem>>)
    %dma_wait3A_474 = arith.constant 2304 : i32
    %dma_wait3A_475 = tpu.memref_slice %arg5[%dma_wait3A_474] : memref<5000xi32, #tpu.memory_space<vmem>> -> memref<128xi32, #tpu.memory_space<vmem>>
    %dma_wait3A_476 = arith.constant 0 : i32
    %dma_wait3A_477 = arith.constant 0 : i32
    %dma_wait3A_478 = tpu.memref_slice %arg2[%dma_wait3A_476, %dma_wait3A_477] : memref<10000x64xf32, #tpu.memory_space<hbm>> -> memref<10000x64xf32, #tpu.memory_space<hbm>>
    tpu.wait_indirect_dma semaphore(%arg13 : memref<!tpu.dma_semaphore, #tpu.memory_space<semaphore_mem>>) src(%dma_wait3A_478 : memref<10000x64xf32, #tpu.memory_space<hbm>>) dst(%arg8 : memref<128x64xf32, #tpu.memory_space<vmem>>)
    %dma_start3A_479 = arith.constant 2304 : i32
    %dma_start3A_480 = arith.constant 0 : i32
    %dma_start3A_481 = tpu.memref_slice %arg4[%add3A, %dma_start3A_479, %dma_start3A_480] : memref<32x5000x64xf32, #tpu.memory_space<hbm>> -> memref<1x128x64xf32, #tpu.memory_space<hbm>>
    %dma_start3A_482 = tpu.memref_squeeze %dma_start3A_481 : memref<1x128x64xf32, #tpu.memory_space<hbm>> -> memref<128x64xf32, #tpu.memory_space<hbm>>
    %dma_start3A_483 = arith.constant 2304 : i32
    %dma_start3A_484 = arith.constant 0 : i32
    %dma_start3A_485 = tpu.memref_slice %arg4[%add3A, %dma_start3A_483, %dma_start3A_484] : memref<32x5000x64xf32, #tpu.memory_space<hbm>> -> memref<1x128x64xf32, #tpu.memory_space<hbm>>
    %dma_start3A_486 = tpu.memref_squeeze %dma_start3A_485 : memref<1x128x64xf32, #tpu.memory_space<hbm>> -> memref<128x64xf32, #tpu.memory_space<hbm>>
    tpu.enqueue_dma source(%arg8 : memref<128x64xf32, #tpu.memory_space<vmem>>) target(%dma_start3A_486 : memref<128x64xf32, #tpu.memory_space<hbm>>) target_semaphore(%arg17 : memref<!tpu.dma_semaphore, #tpu.memory_space<semaphore_mem>>)
    %dma_wait3A_487 = arith.constant 2176 : i32
    %dma_wait3A_488 = arith.constant 0 : i32
    %dma_wait3A_489 = tpu.memref_slice %arg4[%add3A, %dma_wait3A_487, %dma_wait3A_488] : memref<32x5000x64xf32, #tpu.memory_space<hbm>> -> memref<1x128x64xf32, #tpu.memory_space<hbm>>
    %dma_wait3A_490 = tpu.memref_squeeze %dma_wait3A_489 : memref<1x128x64xf32, #tpu.memory_space<hbm>> -> memref<128x64xf32, #tpu.memory_space<hbm>>
    %dma_wait3A_491 = arith.constant 2176 : i32
    %dma_wait3A_492 = arith.constant 0 : i32
    %dma_wait3A_493 = tpu.memref_slice %arg4[%add3A, %dma_wait3A_491, %dma_wait3A_492] : memref<32x5000x64xf32, #tpu.memory_space<hbm>> -> memref<1x128x64xf32, #tpu.memory_space<hbm>>
    %dma_wait3A_494 = tpu.memref_squeeze %dma_wait3A_493 : memref<1x128x64xf32, #tpu.memory_space<hbm>> -> memref<128x64xf32, #tpu.memory_space<hbm>>
    tpu.wait_dma2 semaphore(%arg16 : memref<!tpu.dma_semaphore, #tpu.memory_space<semaphore_mem>>) src(%arg7 : memref<128x64xf32, #tpu.memory_space<vmem>>) dst(%dma_wait3A_494 : memref<128x64xf32, #tpu.memory_space<hbm>>)
    %dma_start3A_495 = arith.constant 2688 : i32
    %dma_start3A_496 = tpu.memref_slice %arg5[%dma_start3A_495] : memref<5000xi32, #tpu.memory_space<vmem>> -> memref<128xi32, #tpu.memory_space<vmem>>
    %dma_start3A_497 = arith.constant 0 : i32
    %dma_start3A_498 = arith.constant 0 : i32
    %dma_start3A_499 = tpu.memref_slice %arg2[%dma_start3A_497, %dma_start3A_498] : memref<10000x64xf32, #tpu.memory_space<hbm>> -> memref<10000x64xf32, #tpu.memory_space<hbm>>
    tpu.enqueue_indirect_dma source(%dma_start3A_499 : memref<10000x64xf32, #tpu.memory_space<hbm>>) target(%arg7 : memref<128x64xf32, #tpu.memory_space<vmem>>) offsets(%dma_start3A_496 : memref<128xi32, #tpu.memory_space<vmem>>) semaphore(%arg12 : memref<!tpu.dma_semaphore, #tpu.memory_space<semaphore_mem>>)
    %dma_wait3A_500 = arith.constant 2432 : i32
    %dma_wait3A_501 = tpu.memref_slice %arg5[%dma_wait3A_500] : memref<5000xi32, #tpu.memory_space<vmem>> -> memref<128xi32, #tpu.memory_space<vmem>>
    %dma_wait3A_502 = arith.constant 0 : i32
    %dma_wait3A_503 = arith.constant 0 : i32
    %dma_wait3A_504 = tpu.memref_slice %arg2[%dma_wait3A_502, %dma_wait3A_503] : memref<10000x64xf32, #tpu.memory_space<hbm>> -> memref<10000x64xf32, #tpu.memory_space<hbm>>
    tpu.wait_indirect_dma semaphore(%arg14 : memref<!tpu.dma_semaphore, #tpu.memory_space<semaphore_mem>>) src(%dma_wait3A_504 : memref<10000x64xf32, #tpu.memory_space<hbm>>) dst(%arg9 : memref<128x64xf32, #tpu.memory_space<vmem>>)
    %dma_start3A_505 = arith.constant 2432 : i32
    %dma_start3A_506 = arith.constant 0 : i32
    %dma_start3A_507 = tpu.memref_slice %arg4[%add3A, %dma_start3A_505, %dma_start3A_506] : memref<32x5000x64xf32, #tpu.memory_space<hbm>> -> memref<1x128x64xf32, #tpu.memory_space<hbm>>
    %dma_start3A_508 = tpu.memref_squeeze %dma_start3A_507 : memref<1x128x64xf32, #tpu.memory_space<hbm>> -> memref<128x64xf32, #tpu.memory_space<hbm>>
    %dma_start3A_509 = arith.constant 2432 : i32
    %dma_start3A_510 = arith.constant 0 : i32
    %dma_start3A_511 = tpu.memref_slice %arg4[%add3A, %dma_start3A_509, %dma_start3A_510] : memref<32x5000x64xf32, #tpu.memory_space<hbm>> -> memref<1x128x64xf32, #tpu.memory_space<hbm>>
    %dma_start3A_512 = tpu.memref_squeeze %dma_start3A_511 : memref<1x128x64xf32, #tpu.memory_space<hbm>> -> memref<128x64xf32, #tpu.memory_space<hbm>>
    tpu.enqueue_dma source(%arg9 : memref<128x64xf32, #tpu.memory_space<vmem>>) target(%dma_start3A_512 : memref<128x64xf32, #tpu.memory_space<hbm>>) target_semaphore(%arg18 : memref<!tpu.dma_semaphore, #tpu.memory_space<semaphore_mem>>)
    %dma_wait3A_513 = arith.constant 2304 : i32
    %dma_wait3A_514 = arith.constant 0 : i32
    %dma_wait3A_515 = tpu.memref_slice %arg4[%add3A, %dma_wait3A_513, %dma_wait3A_514] : memref<32x5000x64xf32, #tpu.memory_space<hbm>> -> memref<1x128x64xf32, #tpu.memory_space<hbm>>
    %dma_wait3A_516 = tpu.memref_squeeze %dma_wait3A_515 : memref<1x128x64xf32, #tpu.memory_space<hbm>> -> memref<128x64xf32, #tpu.memory_space<hbm>>
    %dma_wait3A_517 = arith.constant 2304 : i32
    %dma_wait3A_518 = arith.constant 0 : i32
    %dma_wait3A_519 = tpu.memref_slice %arg4[%add3A, %dma_wait3A_517, %dma_wait3A_518] : memref<32x5000x64xf32, #tpu.memory_space<hbm>> -> memref<1x128x64xf32, #tpu.memory_space<hbm>>
    %dma_wait3A_520 = tpu.memref_squeeze %dma_wait3A_519 : memref<1x128x64xf32, #tpu.memory_space<hbm>> -> memref<128x64xf32, #tpu.memory_space<hbm>>
    tpu.wait_dma2 semaphore(%arg17 : memref<!tpu.dma_semaphore, #tpu.memory_space<semaphore_mem>>) src(%arg8 : memref<128x64xf32, #tpu.memory_space<vmem>>) dst(%dma_wait3A_520 : memref<128x64xf32, #tpu.memory_space<hbm>>)
    %dma_start3A_521 = arith.constant 2816 : i32
    %dma_start3A_522 = tpu.memref_slice %arg5[%dma_start3A_521] : memref<5000xi32, #tpu.memory_space<vmem>> -> memref<128xi32, #tpu.memory_space<vmem>>
    %dma_start3A_523 = arith.constant 0 : i32
    %dma_start3A_524 = arith.constant 0 : i32
    %dma_start3A_525 = tpu.memref_slice %arg2[%dma_start3A_523, %dma_start3A_524] : memref<10000x64xf32, #tpu.memory_space<hbm>> -> memref<10000x64xf32, #tpu.memory_space<hbm>>
    tpu.enqueue_indirect_dma source(%dma_start3A_525 : memref<10000x64xf32, #tpu.memory_space<hbm>>) target(%arg8 : memref<128x64xf32, #tpu.memory_space<vmem>>) offsets(%dma_start3A_522 : memref<128xi32, #tpu.memory_space<vmem>>) semaphore(%arg13 : memref<!tpu.dma_semaphore, #tpu.memory_space<semaphore_mem>>)
    %dma_wait3A_526 = arith.constant 2560 : i32
    %dma_wait3A_527 = tpu.memref_slice %arg5[%dma_wait3A_526] : memref<5000xi32, #tpu.memory_space<vmem>> -> memref<128xi32, #tpu.memory_space<vmem>>
    %dma_wait3A_528 = arith.constant 0 : i32
    %dma_wait3A_529 = arith.constant 0 : i32
    %dma_wait3A_530 = tpu.memref_slice %arg2[%dma_wait3A_528, %dma_wait3A_529] : memref<10000x64xf32, #tpu.memory_space<hbm>> -> memref<10000x64xf32, #tpu.memory_space<hbm>>
    tpu.wait_indirect_dma semaphore(%arg11 : memref<!tpu.dma_semaphore, #tpu.memory_space<semaphore_mem>>) src(%dma_wait3A_530 : memref<10000x64xf32, #tpu.memory_space<hbm>>) dst(%arg6 : memref<128x64xf32, #tpu.memory_space<vmem>>)
    %dma_start3A_531 = arith.constant 2560 : i32
    %dma_start3A_532 = arith.constant 0 : i32
    %dma_start3A_533 = tpu.memref_slice %arg4[%add3A, %dma_start3A_531, %dma_start3A_532] : memref<32x5000x64xf32, #tpu.memory_space<hbm>> -> memref<1x128x64xf32, #tpu.memory_space<hbm>>
    %dma_start3A_534 = tpu.memref_squeeze %dma_start3A_533 : memref<1x128x64xf32, #tpu.memory_space<hbm>> -> memref<128x64xf32, #tpu.memory_space<hbm>>
    %dma_start3A_535 = arith.constant 2560 : i32
    %dma_start3A_536 = arith.constant 0 : i32
    %dma_start3A_537 = tpu.memref_slice %arg4[%add3A, %dma_start3A_535, %dma_start3A_536] : memref<32x5000x64xf32, #tpu.memory_space<hbm>> -> memref<1x128x64xf32, #tpu.memory_space<hbm>>
    %dma_start3A_538 = tpu.memref_squeeze %dma_start3A_537 : memref<1x128x64xf32, #tpu.memory_space<hbm>> -> memref<128x64xf32, #tpu.memory_space<hbm>>
    tpu.enqueue_dma source(%arg6 : memref<128x64xf32, #tpu.memory_space<vmem>>) target(%dma_start3A_538 : memref<128x64xf32, #tpu.memory_space<hbm>>) target_semaphore(%arg15 : memref<!tpu.dma_semaphore, #tpu.memory_space<semaphore_mem>>)
    %dma_wait3A_539 = arith.constant 2432 : i32
    %dma_wait3A_540 = arith.constant 0 : i32
    %dma_wait3A_541 = tpu.memref_slice %arg4[%add3A, %dma_wait3A_539, %dma_wait3A_540] : memref<32x5000x64xf32, #tpu.memory_space<hbm>> -> memref<1x128x64xf32, #tpu.memory_space<hbm>>
    %dma_wait3A_542 = tpu.memref_squeeze %dma_wait3A_541 : memref<1x128x64xf32, #tpu.memory_space<hbm>> -> memref<128x64xf32, #tpu.memory_space<hbm>>
    %dma_wait3A_543 = arith.constant 2432 : i32
    %dma_wait3A_544 = arith.constant 0 : i32
    %dma_wait3A_545 = tpu.memref_slice %arg4[%add3A, %dma_wait3A_543, %dma_wait3A_544] : memref<32x5000x64xf32, #tpu.memory_space<hbm>> -> memref<1x128x64xf32, #tpu.memory_space<hbm>>
    %dma_wait3A_546 = tpu.memref_squeeze %dma_wait3A_545 : memref<1x128x64xf32, #tpu.memory_space<hbm>> -> memref<128x64xf32, #tpu.memory_space<hbm>>
    tpu.wait_dma2 semaphore(%arg18 : memref<!tpu.dma_semaphore, #tpu.memory_space<semaphore_mem>>) src(%arg9 : memref<128x64xf32, #tpu.memory_space<vmem>>) dst(%dma_wait3A_546 : memref<128x64xf32, #tpu.memory_space<hbm>>)
    %dma_start3A_547 = arith.constant 2944 : i32
    %dma_start3A_548 = tpu.memref_slice %arg5[%dma_start3A_547] : memref<5000xi32, #tpu.memory_space<vmem>> -> memref<128xi32, #tpu.memory_space<vmem>>
    %dma_start3A_549 = arith.constant 0 : i32
    %dma_start3A_550 = arith.constant 0 : i32
    %dma_start3A_551 = tpu.memref_slice %arg2[%dma_start3A_549, %dma_start3A_550] : memref<10000x64xf32, #tpu.memory_space<hbm>> -> memref<10000x64xf32, #tpu.memory_space<hbm>>
    tpu.enqueue_indirect_dma source(%dma_start3A_551 : memref<10000x64xf32, #tpu.memory_space<hbm>>) target(%arg9 : memref<128x64xf32, #tpu.memory_space<vmem>>) offsets(%dma_start3A_548 : memref<128xi32, #tpu.memory_space<vmem>>) semaphore(%arg14 : memref<!tpu.dma_semaphore, #tpu.memory_space<semaphore_mem>>)
    %dma_wait3A_552 = arith.constant 2688 : i32
    %dma_wait3A_553 = tpu.memref_slice %arg5[%dma_wait3A_552] : memref<5000xi32, #tpu.memory_space<vmem>> -> memref<128xi32, #tpu.memory_space<vmem>>
    %dma_wait3A_554 = arith.constant 0 : i32
    %dma_wait3A_555 = arith.constant 0 : i32
    %dma_wait3A_556 = tpu.memref_slice %arg2[%dma_wait3A_554, %dma_wait3A_555] : memref<10000x64xf32, #tpu.memory_space<hbm>> -> memref<10000x64xf32, #tpu.memory_space<hbm>>
    tpu.wait_indirect_dma semaphore(%arg12 : memref<!tpu.dma_semaphore, #tpu.memory_space<semaphore_mem>>) src(%dma_wait3A_556 : memref<10000x64xf32, #tpu.memory_space<hbm>>) dst(%arg7 : memref<128x64xf32, #tpu.memory_space<vmem>>)
    %dma_start3A_557 = arith.constant 2688 : i32
    %dma_start3A_558 = arith.constant 0 : i32
    %dma_start3A_559 = tpu.memref_slice %arg4[%add3A, %dma_start3A_557, %dma_start3A_558] : memref<32x5000x64xf32, #tpu.memory_space<hbm>> -> memref<1x128x64xf32, #tpu.memory_space<hbm>>
    %dma_start3A_560 = tpu.memref_squeeze %dma_start3A_559 : memref<1x128x64xf32, #tpu.memory_space<hbm>> -> memref<128x64xf32, #tpu.memory_space<hbm>>
    %dma_start3A_561 = arith.constant 2688 : i32
    %dma_start3A_562 = arith.constant 0 : i32
    %dma_start3A_563 = tpu.memref_slice %arg4[%add3A, %dma_start3A_561, %dma_start3A_562] : memref<32x5000x64xf32, #tpu.memory_space<hbm>> -> memref<1x128x64xf32, #tpu.memory_space<hbm>>
    %dma_start3A_564 = tpu.memref_squeeze %dma_start3A_563 : memref<1x128x64xf32, #tpu.memory_space<hbm>> -> memref<128x64xf32, #tpu.memory_space<hbm>>
    tpu.enqueue_dma source(%arg7 : memref<128x64xf32, #tpu.memory_space<vmem>>) target(%dma_start3A_564 : memref<128x64xf32, #tpu.memory_space<hbm>>) target_semaphore(%arg16 : memref<!tpu.dma_semaphore, #tpu.memory_space<semaphore_mem>>)
    %dma_wait3A_565 = arith.constant 2560 : i32
    %dma_wait3A_566 = arith.constant 0 : i32
    %dma_wait3A_567 = tpu.memref_slice %arg4[%add3A, %dma_wait3A_565, %dma_wait3A_566] : memref<32x5000x64xf32, #tpu.memory_space<hbm>> -> memref<1x128x64xf32, #tpu.memory_space<hbm>>
    %dma_wait3A_568 = tpu.memref_squeeze %dma_wait3A_567 : memref<1x128x64xf32, #tpu.memory_space<hbm>> -> memref<128x64xf32, #tpu.memory_space<hbm>>
    %dma_wait3A_569 = arith.constant 2560 : i32
    %dma_wait3A_570 = arith.constant 0 : i32
    %dma_wait3A_571 = tpu.memref_slice %arg4[%add3A, %dma_wait3A_569, %dma_wait3A_570] : memref<32x5000x64xf32, #tpu.memory_space<hbm>> -> memref<1x128x64xf32, #tpu.memory_space<hbm>>
    %dma_wait3A_572 = tpu.memref_squeeze %dma_wait3A_571 : memref<1x128x64xf32, #tpu.memory_space<hbm>> -> memref<128x64xf32, #tpu.memory_space<hbm>>
    tpu.wait_dma2 semaphore(%arg15 : memref<!tpu.dma_semaphore, #tpu.memory_space<semaphore_mem>>) src(%arg6 : memref<128x64xf32, #tpu.memory_space<vmem>>) dst(%dma_wait3A_572 : memref<128x64xf32, #tpu.memory_space<hbm>>)
    %dma_start3A_573 = arith.constant 3072 : i32
    %dma_start3A_574 = tpu.memref_slice %arg5[%dma_start3A_573] : memref<5000xi32, #tpu.memory_space<vmem>> -> memref<128xi32, #tpu.memory_space<vmem>>
    %dma_start3A_575 = arith.constant 0 : i32
    %dma_start3A_576 = arith.constant 0 : i32
    %dma_start3A_577 = tpu.memref_slice %arg2[%dma_start3A_575, %dma_start3A_576] : memref<10000x64xf32, #tpu.memory_space<hbm>> -> memref<10000x64xf32, #tpu.memory_space<hbm>>
    tpu.enqueue_indirect_dma source(%dma_start3A_577 : memref<10000x64xf32, #tpu.memory_space<hbm>>) target(%arg6 : memref<128x64xf32, #tpu.memory_space<vmem>>) offsets(%dma_start3A_574 : memref<128xi32, #tpu.memory_space<vmem>>) semaphore(%arg11 : memref<!tpu.dma_semaphore, #tpu.memory_space<semaphore_mem>>)
    %dma_wait3A_578 = arith.constant 2816 : i32
    %dma_wait3A_579 = tpu.memref_slice %arg5[%dma_wait3A_578] : memref<5000xi32, #tpu.memory_space<vmem>> -> memref<128xi32, #tpu.memory_space<vmem>>
    %dma_wait3A_580 = arith.constant 0 : i32
    %dma_wait3A_581 = arith.constant 0 : i32
    %dma_wait3A_582 = tpu.memref_slice %arg2[%dma_wait3A_580, %dma_wait3A_581] : memref<10000x64xf32, #tpu.memory_space<hbm>> -> memref<10000x64xf32, #tpu.memory_space<hbm>>
    tpu.wait_indirect_dma semaphore(%arg13 : memref<!tpu.dma_semaphore, #tpu.memory_space<semaphore_mem>>) src(%dma_wait3A_582 : memref<10000x64xf32, #tpu.memory_space<hbm>>) dst(%arg8 : memref<128x64xf32, #tpu.memory_space<vmem>>)
    %dma_start3A_583 = arith.constant 2816 : i32
    %dma_start3A_584 = arith.constant 0 : i32
    %dma_start3A_585 = tpu.memref_slice %arg4[%add3A, %dma_start3A_583, %dma_start3A_584] : memref<32x5000x64xf32, #tpu.memory_space<hbm>> -> memref<1x128x64xf32, #tpu.memory_space<hbm>>
    %dma_start3A_586 = tpu.memref_squeeze %dma_start3A_585 : memref<1x128x64xf32, #tpu.memory_space<hbm>> -> memref<128x64xf32, #tpu.memory_space<hbm>>
    %dma_start3A_587 = arith.constant 2816 : i32
    %dma_start3A_588 = arith.constant 0 : i32
    %dma_start3A_589 = tpu.memref_slice %arg4[%add3A, %dma_start3A_587, %dma_start3A_588] : memref<32x5000x64xf32, #tpu.memory_space<hbm>> -> memref<1x128x64xf32, #tpu.memory_space<hbm>>
    %dma_start3A_590 = tpu.memref_squeeze %dma_start3A_589 : memref<1x128x64xf32, #tpu.memory_space<hbm>> -> memref<128x64xf32, #tpu.memory_space<hbm>>
    tpu.enqueue_dma source(%arg8 : memref<128x64xf32, #tpu.memory_space<vmem>>) target(%dma_start3A_590 : memref<128x64xf32, #tpu.memory_space<hbm>>) target_semaphore(%arg17 : memref<!tpu.dma_semaphore, #tpu.memory_space<semaphore_mem>>)
    %dma_wait3A_591 = arith.constant 2688 : i32
    %dma_wait3A_592 = arith.constant 0 : i32
    %dma_wait3A_593 = tpu.memref_slice %arg4[%add3A, %dma_wait3A_591, %dma_wait3A_592] : memref<32x5000x64xf32, #tpu.memory_space<hbm>> -> memref<1x128x64xf32, #tpu.memory_space<hbm>>
    %dma_wait3A_594 = tpu.memref_squeeze %dma_wait3A_593 : memref<1x128x64xf32, #tpu.memory_space<hbm>> -> memref<128x64xf32, #tpu.memory_space<hbm>>
    %dma_wait3A_595 = arith.constant 2688 : i32
    %dma_wait3A_596 = arith.constant 0 : i32
    %dma_wait3A_597 = tpu.memref_slice %arg4[%add3A, %dma_wait3A_595, %dma_wait3A_596] : memref<32x5000x64xf32, #tpu.memory_space<hbm>> -> memref<1x128x64xf32, #tpu.memory_space<hbm>>
    %dma_wait3A_598 = tpu.memref_squeeze %dma_wait3A_597 : memref<1x128x64xf32, #tpu.memory_space<hbm>> -> memref<128x64xf32, #tpu.memory_space<hbm>>
    tpu.wait_dma2 semaphore(%arg16 : memref<!tpu.dma_semaphore, #tpu.memory_space<semaphore_mem>>) src(%arg7 : memref<128x64xf32, #tpu.memory_space<vmem>>) dst(%dma_wait3A_598 : memref<128x64xf32, #tpu.memory_space<hbm>>)
    %dma_start3A_599 = arith.constant 3200 : i32
    %dma_start3A_600 = tpu.memref_slice %arg5[%dma_start3A_599] : memref<5000xi32, #tpu.memory_space<vmem>> -> memref<128xi32, #tpu.memory_space<vmem>>
    %dma_start3A_601 = arith.constant 0 : i32
    %dma_start3A_602 = arith.constant 0 : i32
    %dma_start3A_603 = tpu.memref_slice %arg2[%dma_start3A_601, %dma_start3A_602] : memref<10000x64xf32, #tpu.memory_space<hbm>> -> memref<10000x64xf32, #tpu.memory_space<hbm>>
    tpu.enqueue_indirect_dma source(%dma_start3A_603 : memref<10000x64xf32, #tpu.memory_space<hbm>>) target(%arg7 : memref<128x64xf32, #tpu.memory_space<vmem>>) offsets(%dma_start3A_600 : memref<128xi32, #tpu.memory_space<vmem>>) semaphore(%arg12 : memref<!tpu.dma_semaphore, #tpu.memory_space<semaphore_mem>>)
    %dma_wait3A_604 = arith.constant 2944 : i32
    %dma_wait3A_605 = tpu.memref_slice %arg5[%dma_wait3A_604] : memref<5000xi32, #tpu.memory_space<vmem>> -> memref<128xi32, #tpu.memory_space<vmem>>
    %dma_wait3A_606 = arith.constant 0 : i32
    %dma_wait3A_607 = arith.constant 0 : i32
    %dma_wait3A_608 = tpu.memref_slice %arg2[%dma_wait3A_606, %dma_wait3A_607] : memref<10000x64xf32, #tpu.memory_space<hbm>> -> memref<10000x64xf32, #tpu.memory_space<hbm>>
    tpu.wait_indirect_dma semaphore(%arg14 : memref<!tpu.dma_semaphore, #tpu.memory_space<semaphore_mem>>) src(%dma_wait3A_608 : memref<10000x64xf32, #tpu.memory_space<hbm>>) dst(%arg9 : memref<128x64xf32, #tpu.memory_space<vmem>>)
    %dma_start3A_609 = arith.constant 2944 : i32
    %dma_start3A_610 = arith.constant 0 : i32
    %dma_start3A_611 = tpu.memref_slice %arg4[%add3A, %dma_start3A_609, %dma_start3A_610] : memref<32x5000x64xf32, #tpu.memory_space<hbm>> -> memref<1x128x64xf32, #tpu.memory_space<hbm>>
    %dma_start3A_612 = tpu.memref_squeeze %dma_start3A_611 : memref<1x128x64xf32, #tpu.memory_space<hbm>> -> memref<128x64xf32, #tpu.memory_space<hbm>>
    %dma_start3A_613 = arith.constant 2944 : i32
    %dma_start3A_614 = arith.constant 0 : i32
    %dma_start3A_615 = tpu.memref_slice %arg4[%add3A, %dma_start3A_613, %dma_start3A_614] : memref<32x5000x64xf32, #tpu.memory_space<hbm>> -> memref<1x128x64xf32, #tpu.memory_space<hbm>>
    %dma_start3A_616 = tpu.memref_squeeze %dma_start3A_615 : memref<1x128x64xf32, #tpu.memory_space<hbm>> -> memref<128x64xf32, #tpu.memory_space<hbm>>
    tpu.enqueue_dma source(%arg9 : memref<128x64xf32, #tpu.memory_space<vmem>>) target(%dma_start3A_616 : memref<128x64xf32, #tpu.memory_space<hbm>>) target_semaphore(%arg18 : memref<!tpu.dma_semaphore, #tpu.memory_space<semaphore_mem>>)
    %dma_wait3A_617 = arith.constant 2816 : i32
    %dma_wait3A_618 = arith.constant 0 : i32
    %dma_wait3A_619 = tpu.memref_slice %arg4[%add3A, %dma_wait3A_617, %dma_wait3A_618] : memref<32x5000x64xf32, #tpu.memory_space<hbm>> -> memref<1x128x64xf32, #tpu.memory_space<hbm>>
    %dma_wait3A_620 = tpu.memref_squeeze %dma_wait3A_619 : memref<1x128x64xf32, #tpu.memory_space<hbm>> -> memref<128x64xf32, #tpu.memory_space<hbm>>
    %dma_wait3A_621 = arith.constant 2816 : i32
    %dma_wait3A_622 = arith.constant 0 : i32
    %dma_wait3A_623 = tpu.memref_slice %arg4[%add3A, %dma_wait3A_621, %dma_wait3A_622] : memref<32x5000x64xf32, #tpu.memory_space<hbm>> -> memref<1x128x64xf32, #tpu.memory_space<hbm>>
    %dma_wait3A_624 = tpu.memref_squeeze %dma_wait3A_623 : memref<1x128x64xf32, #tpu.memory_space<hbm>> -> memref<128x64xf32, #tpu.memory_space<hbm>>
    tpu.wait_dma2 semaphore(%arg17 : memref<!tpu.dma_semaphore, #tpu.memory_space<semaphore_mem>>) src(%arg8 : memref<128x64xf32, #tpu.memory_space<vmem>>) dst(%dma_wait3A_624 : memref<128x64xf32, #tpu.memory_space<hbm>>)
    %dma_start3A_625 = arith.constant 3328 : i32
    %dma_start3A_626 = tpu.memref_slice %arg5[%dma_start3A_625] : memref<5000xi32, #tpu.memory_space<vmem>> -> memref<128xi32, #tpu.memory_space<vmem>>
    %dma_start3A_627 = arith.constant 0 : i32
    %dma_start3A_628 = arith.constant 0 : i32
    %dma_start3A_629 = tpu.memref_slice %arg2[%dma_start3A_627, %dma_start3A_628] : memref<10000x64xf32, #tpu.memory_space<hbm>> -> memref<10000x64xf32, #tpu.memory_space<hbm>>
    tpu.enqueue_indirect_dma source(%dma_start3A_629 : memref<10000x64xf32, #tpu.memory_space<hbm>>) target(%arg8 : memref<128x64xf32, #tpu.memory_space<vmem>>) offsets(%dma_start3A_626 : memref<128xi32, #tpu.memory_space<vmem>>) semaphore(%arg13 : memref<!tpu.dma_semaphore, #tpu.memory_space<semaphore_mem>>)
    %dma_wait3A_630 = arith.constant 3072 : i32
    %dma_wait3A_631 = tpu.memref_slice %arg5[%dma_wait3A_630] : memref<5000xi32, #tpu.memory_space<vmem>> -> memref<128xi32, #tpu.memory_space<vmem>>
    %dma_wait3A_632 = arith.constant 0 : i32
    %dma_wait3A_633 = arith.constant 0 : i32
    %dma_wait3A_634 = tpu.memref_slice %arg2[%dma_wait3A_632, %dma_wait3A_633] : memref<10000x64xf32, #tpu.memory_space<hbm>> -> memref<10000x64xf32, #tpu.memory_space<hbm>>
    tpu.wait_indirect_dma semaphore(%arg11 : memref<!tpu.dma_semaphore, #tpu.memory_space<semaphore_mem>>) src(%dma_wait3A_634 : memref<10000x64xf32, #tpu.memory_space<hbm>>) dst(%arg6 : memref<128x64xf32, #tpu.memory_space<vmem>>)
    %dma_start3A_635 = arith.constant 3072 : i32
    %dma_start3A_636 = arith.constant 0 : i32
    %dma_start3A_637 = tpu.memref_slice %arg4[%add3A, %dma_start3A_635, %dma_start3A_636] : memref<32x5000x64xf32, #tpu.memory_space<hbm>> -> memref<1x128x64xf32, #tpu.memory_space<hbm>>
    %dma_start3A_638 = tpu.memref_squeeze %dma_start3A_637 : memref<1x128x64xf32, #tpu.memory_space<hbm>> -> memref<128x64xf32, #tpu.memory_space<hbm>>
    %dma_start3A_639 = arith.constant 3072 : i32
    %dma_start3A_640 = arith.constant 0 : i32
    %dma_start3A_641 = tpu.memref_slice %arg4[%add3A, %dma_start3A_639, %dma_start3A_640] : memref<32x5000x64xf32, #tpu.memory_space<hbm>> -> memref<1x128x64xf32, #tpu.memory_space<hbm>>
    %dma_start3A_642 = tpu.memref_squeeze %dma_start3A_641 : memref<1x128x64xf32, #tpu.memory_space<hbm>> -> memref<128x64xf32, #tpu.memory_space<hbm>>
    tpu.enqueue_dma source(%arg6 : memref<128x64xf32, #tpu.memory_space<vmem>>) target(%dma_start3A_642 : memref<128x64xf32, #tpu.memory_space<hbm>>) target_semaphore(%arg15 : memref<!tpu.dma_semaphore, #tpu.memory_space<semaphore_mem>>)
    %dma_wait3A_643 = arith.constant 2944 : i32
    %dma_wait3A_644 = arith.constant 0 : i32
    %dma_wait3A_645 = tpu.memref_slice %arg4[%add3A, %dma_wait3A_643, %dma_wait3A_644] : memref<32x5000x64xf32, #tpu.memory_space<hbm>> -> memref<1x128x64xf32, #tpu.memory_space<hbm>>
    %dma_wait3A_646 = tpu.memref_squeeze %dma_wait3A_645 : memref<1x128x64xf32, #tpu.memory_space<hbm>> -> memref<128x64xf32, #tpu.memory_space<hbm>>
    %dma_wait3A_647 = arith.constant 2944 : i32
    %dma_wait3A_648 = arith.constant 0 : i32
    %dma_wait3A_649 = tpu.memref_slice %arg4[%add3A, %dma_wait3A_647, %dma_wait3A_648] : memref<32x5000x64xf32, #tpu.memory_space<hbm>> -> memref<1x128x64xf32, #tpu.memory_space<hbm>>
    %dma_wait3A_650 = tpu.memref_squeeze %dma_wait3A_649 : memref<1x128x64xf32, #tpu.memory_space<hbm>> -> memref<128x64xf32, #tpu.memory_space<hbm>>
    tpu.wait_dma2 semaphore(%arg18 : memref<!tpu.dma_semaphore, #tpu.memory_space<semaphore_mem>>) src(%arg9 : memref<128x64xf32, #tpu.memory_space<vmem>>) dst(%dma_wait3A_650 : memref<128x64xf32, #tpu.memory_space<hbm>>)
    %dma_start3A_651 = arith.constant 3456 : i32
    %dma_start3A_652 = tpu.memref_slice %arg5[%dma_start3A_651] : memref<5000xi32, #tpu.memory_space<vmem>> -> memref<128xi32, #tpu.memory_space<vmem>>
    %dma_start3A_653 = arith.constant 0 : i32
    %dma_start3A_654 = arith.constant 0 : i32
    %dma_start3A_655 = tpu.memref_slice %arg2[%dma_start3A_653, %dma_start3A_654] : memref<10000x64xf32, #tpu.memory_space<hbm>> -> memref<10000x64xf32, #tpu.memory_space<hbm>>
    tpu.enqueue_indirect_dma source(%dma_start3A_655 : memref<10000x64xf32, #tpu.memory_space<hbm>>) target(%arg9 : memref<128x64xf32, #tpu.memory_space<vmem>>) offsets(%dma_start3A_652 : memref<128xi32, #tpu.memory_space<vmem>>) semaphore(%arg14 : memref<!tpu.dma_semaphore, #tpu.memory_space<semaphore_mem>>)
    %dma_wait3A_656 = arith.constant 3200 : i32
    %dma_wait3A_657 = tpu.memref_slice %arg5[%dma_wait3A_656] : memref<5000xi32, #tpu.memory_space<vmem>> -> memref<128xi32, #tpu.memory_space<vmem>>
    %dma_wait3A_658 = arith.constant 0 : i32
    %dma_wait3A_659 = arith.constant 0 : i32
    %dma_wait3A_660 = tpu.memref_slice %arg2[%dma_wait3A_658, %dma_wait3A_659] : memref<10000x64xf32, #tpu.memory_space<hbm>> -> memref<10000x64xf32, #tpu.memory_space<hbm>>
    tpu.wait_indirect_dma semaphore(%arg12 : memref<!tpu.dma_semaphore, #tpu.memory_space<semaphore_mem>>) src(%dma_wait3A_660 : memref<10000x64xf32, #tpu.memory_space<hbm>>) dst(%arg7 : memref<128x64xf32, #tpu.memory_space<vmem>>)
    %dma_start3A_661 = arith.constant 3200 : i32
    %dma_start3A_662 = arith.constant 0 : i32
    %dma_start3A_663 = tpu.memref_slice %arg4[%add3A, %dma_start3A_661, %dma_start3A_662] : memref<32x5000x64xf32, #tpu.memory_space<hbm>> -> memref<1x128x64xf32, #tpu.memory_space<hbm>>
    %dma_start3A_664 = tpu.memref_squeeze %dma_start3A_663 : memref<1x128x64xf32, #tpu.memory_space<hbm>> -> memref<128x64xf32, #tpu.memory_space<hbm>>
    %dma_start3A_665 = arith.constant 3200 : i32
    %dma_start3A_666 = arith.constant 0 : i32
    %dma_start3A_667 = tpu.memref_slice %arg4[%add3A, %dma_start3A_665, %dma_start3A_666] : memref<32x5000x64xf32, #tpu.memory_space<hbm>> -> memref<1x128x64xf32, #tpu.memory_space<hbm>>
    %dma_start3A_668 = tpu.memref_squeeze %dma_start3A_667 : memref<1x128x64xf32, #tpu.memory_space<hbm>> -> memref<128x64xf32, #tpu.memory_space<hbm>>
    tpu.enqueue_dma source(%arg7 : memref<128x64xf32, #tpu.memory_space<vmem>>) target(%dma_start3A_668 : memref<128x64xf32, #tpu.memory_space<hbm>>) target_semaphore(%arg16 : memref<!tpu.dma_semaphore, #tpu.memory_space<semaphore_mem>>)
    %dma_wait3A_669 = arith.constant 3072 : i32
    %dma_wait3A_670 = arith.constant 0 : i32
    %dma_wait3A_671 = tpu.memref_slice %arg4[%add3A, %dma_wait3A_669, %dma_wait3A_670] : memref<32x5000x64xf32, #tpu.memory_space<hbm>> -> memref<1x128x64xf32, #tpu.memory_space<hbm>>
    %dma_wait3A_672 = tpu.memref_squeeze %dma_wait3A_671 : memref<1x128x64xf32, #tpu.memory_space<hbm>> -> memref<128x64xf32, #tpu.memory_space<hbm>>
    %dma_wait3A_673 = arith.constant 3072 : i32
    %dma_wait3A_674 = arith.constant 0 : i32
    %dma_wait3A_675 = tpu.memref_slice %arg4[%add3A, %dma_wait3A_673, %dma_wait3A_674] : memref<32x5000x64xf32, #tpu.memory_space<hbm>> -> memref<1x128x64xf32, #tpu.memory_space<hbm>>
    %dma_wait3A_676 = tpu.memref_squeeze %dma_wait3A_675 : memref<1x128x64xf32, #tpu.memory_space<hbm>> -> memref<128x64xf32, #tpu.memory_space<hbm>>
    tpu.wait_dma2 semaphore(%arg15 : memref<!tpu.dma_semaphore, #tpu.memory_space<semaphore_mem>>) src(%arg6 : memref<128x64xf32, #tpu.memory_space<vmem>>) dst(%dma_wait3A_676 : memref<128x64xf32, #tpu.memory_space<hbm>>)
    %dma_start3A_677 = arith.constant 3584 : i32
    %dma_start3A_678 = tpu.memref_slice %arg5[%dma_start3A_677] : memref<5000xi32, #tpu.memory_space<vmem>> -> memref<128xi32, #tpu.memory_space<vmem>>
    %dma_start3A_679 = arith.constant 0 : i32
    %dma_start3A_680 = arith.constant 0 : i32
    %dma_start3A_681 = tpu.memref_slice %arg2[%dma_start3A_679, %dma_start3A_680] : memref<10000x64xf32, #tpu.memory_space<hbm>> -> memref<10000x64xf32, #tpu.memory_space<hbm>>
    tpu.enqueue_indirect_dma source(%dma_start3A_681 : memref<10000x64xf32, #tpu.memory_space<hbm>>) target(%arg6 : memref<128x64xf32, #tpu.memory_space<vmem>>) offsets(%dma_start3A_678 : memref<128xi32, #tpu.memory_space<vmem>>) semaphore(%arg11 : memref<!tpu.dma_semaphore, #tpu.memory_space<semaphore_mem>>)
    %dma_wait3A_682 = arith.constant 3328 : i32
    %dma_wait3A_683 = tpu.memref_slice %arg5[%dma_wait3A_682] : memref<5000xi32, #tpu.memory_space<vmem>> -> memref<128xi32, #tpu.memory_space<vmem>>
    %dma_wait3A_684 = arith.constant 0 : i32
    %dma_wait3A_685 = arith.constant 0 : i32
    %dma_wait3A_686 = tpu.memref_slice %arg2[%dma_wait3A_684, %dma_wait3A_685] : memref<10000x64xf32, #tpu.memory_space<hbm>> -> memref<10000x64xf32, #tpu.memory_space<hbm>>
    tpu.wait_indirect_dma semaphore(%arg13 : memref<!tpu.dma_semaphore, #tpu.memory_space<semaphore_mem>>) src(%dma_wait3A_686 : memref<10000x64xf32, #tpu.memory_space<hbm>>) dst(%arg8 : memref<128x64xf32, #tpu.memory_space<vmem>>)
    %dma_start3A_687 = arith.constant 3328 : i32
    %dma_start3A_688 = arith.constant 0 : i32
    %dma_start3A_689 = tpu.memref_slice %arg4[%add3A, %dma_start3A_687, %dma_start3A_688] : memref<32x5000x64xf32, #tpu.memory_space<hbm>> -> memref<1x128x64xf32, #tpu.memory_space<hbm>>
    %dma_start3A_690 = tpu.memref_squeeze %dma_start3A_689 : memref<1x128x64xf32, #tpu.memory_space<hbm>> -> memref<128x64xf32, #tpu.memory_space<hbm>>
    %dma_start3A_691 = arith.constant 3328 : i32
    %dma_start3A_692 = arith.constant 0 : i32
    %dma_start3A_693 = tpu.memref_slice %arg4[%add3A, %dma_start3A_691, %dma_start3A_692] : memref<32x5000x64xf32, #tpu.memory_space<hbm>> -> memref<1x128x64xf32, #tpu.memory_space<hbm>>
    %dma_start3A_694 = tpu.memref_squeeze %dma_start3A_693 : memref<1x128x64xf32, #tpu.memory_space<hbm>> -> memref<128x64xf32, #tpu.memory_space<hbm>>
    tpu.enqueue_dma source(%arg8 : memref<128x64xf32, #tpu.memory_space<vmem>>) target(%dma_start3A_694 : memref<128x64xf32, #tpu.memory_space<hbm>>) target_semaphore(%arg17 : memref<!tpu.dma_semaphore, #tpu.memory_space<semaphore_mem>>)
    %dma_wait3A_695 = arith.constant 3200 : i32
    %dma_wait3A_696 = arith.constant 0 : i32
    %dma_wait3A_697 = tpu.memref_slice %arg4[%add3A, %dma_wait3A_695, %dma_wait3A_696] : memref<32x5000x64xf32, #tpu.memory_space<hbm>> -> memref<1x128x64xf32, #tpu.memory_space<hbm>>
    %dma_wait3A_698 = tpu.memref_squeeze %dma_wait3A_697 : memref<1x128x64xf32, #tpu.memory_space<hbm>> -> memref<128x64xf32, #tpu.memory_space<hbm>>
    %dma_wait3A_699 = arith.constant 3200 : i32
    %dma_wait3A_700 = arith.constant 0 : i32
    %dma_wait3A_701 = tpu.memref_slice %arg4[%add3A, %dma_wait3A_699, %dma_wait3A_700] : memref<32x5000x64xf32, #tpu.memory_space<hbm>> -> memref<1x128x64xf32, #tpu.memory_space<hbm>>
    %dma_wait3A_702 = tpu.memref_squeeze %dma_wait3A_701 : memref<1x128x64xf32, #tpu.memory_space<hbm>> -> memref<128x64xf32, #tpu.memory_space<hbm>>
    tpu.wait_dma2 semaphore(%arg16 : memref<!tpu.dma_semaphore, #tpu.memory_space<semaphore_mem>>) src(%arg7 : memref<128x64xf32, #tpu.memory_space<vmem>>) dst(%dma_wait3A_702 : memref<128x64xf32, #tpu.memory_space<hbm>>)
    %dma_start3A_703 = arith.constant 3712 : i32
    %dma_start3A_704 = tpu.memref_slice %arg5[%dma_start3A_703] : memref<5000xi32, #tpu.memory_space<vmem>> -> memref<128xi32, #tpu.memory_space<vmem>>
    %dma_start3A_705 = arith.constant 0 : i32
    %dma_start3A_706 = arith.constant 0 : i32
    %dma_start3A_707 = tpu.memref_slice %arg2[%dma_start3A_705, %dma_start3A_706] : memref<10000x64xf32, #tpu.memory_space<hbm>> -> memref<10000x64xf32, #tpu.memory_space<hbm>>
    tpu.enqueue_indirect_dma source(%dma_start3A_707 : memref<10000x64xf32, #tpu.memory_space<hbm>>) target(%arg7 : memref<128x64xf32, #tpu.memory_space<vmem>>) offsets(%dma_start3A_704 : memref<128xi32, #tpu.memory_space<vmem>>) semaphore(%arg12 : memref<!tpu.dma_semaphore, #tpu.memory_space<semaphore_mem>>)
    %dma_wait3A_708 = arith.constant 3456 : i32
    %dma_wait3A_709 = tpu.memref_slice %arg5[%dma_wait3A_708] : memref<5000xi32, #tpu.memory_space<vmem>> -> memref<128xi32, #tpu.memory_space<vmem>>
    %dma_wait3A_710 = arith.constant 0 : i32
    %dma_wait3A_711 = arith.constant 0 : i32
    %dma_wait3A_712 = tpu.memref_slice %arg2[%dma_wait3A_710, %dma_wait3A_711] : memref<10000x64xf32, #tpu.memory_space<hbm>> -> memref<10000x64xf32, #tpu.memory_space<hbm>>
    tpu.wait_indirect_dma semaphore(%arg14 : memref<!tpu.dma_semaphore, #tpu.memory_space<semaphore_mem>>) src(%dma_wait3A_712 : memref<10000x64xf32, #tpu.memory_space<hbm>>) dst(%arg9 : memref<128x64xf32, #tpu.memory_space<vmem>>)
    %dma_start3A_713 = arith.constant 3456 : i32
    %dma_start3A_714 = arith.constant 0 : i32
    %dma_start3A_715 = tpu.memref_slice %arg4[%add3A, %dma_start3A_713, %dma_start3A_714] : memref<32x5000x64xf32, #tpu.memory_space<hbm>> -> memref<1x128x64xf32, #tpu.memory_space<hbm>>
    %dma_start3A_716 = tpu.memref_squeeze %dma_start3A_715 : memref<1x128x64xf32, #tpu.memory_space<hbm>> -> memref<128x64xf32, #tpu.memory_space<hbm>>
    %dma_start3A_717 = arith.constant 3456 : i32
    %dma_start3A_718 = arith.constant 0 : i32
    %dma_start3A_719 = tpu.memref_slice %arg4[%add3A, %dma_start3A_717, %dma_start3A_718] : memref<32x5000x64xf32, #tpu.memory_space<hbm>> -> memref<1x128x64xf32, #tpu.memory_space<hbm>>
    %dma_start3A_720 = tpu.memref_squeeze %dma_start3A_719 : memref<1x128x64xf32, #tpu.memory_space<hbm>> -> memref<128x64xf32, #tpu.memory_space<hbm>>
    tpu.enqueue_dma source(%arg9 : memref<128x64xf32, #tpu.memory_space<vmem>>) target(%dma_start3A_720 : memref<128x64xf32, #tpu.memory_space<hbm>>) target_semaphore(%arg18 : memref<!tpu.dma_semaphore, #tpu.memory_space<semaphore_mem>>)
    %dma_wait3A_721 = arith.constant 3328 : i32
    %dma_wait3A_722 = arith.constant 0 : i32
    %dma_wait3A_723 = tpu.memref_slice %arg4[%add3A, %dma_wait3A_721, %dma_wait3A_722] : memref<32x5000x64xf32, #tpu.memory_space<hbm>> -> memref<1x128x64xf32, #tpu.memory_space<hbm>>
    %dma_wait3A_724 = tpu.memref_squeeze %dma_wait3A_723 : memref<1x128x64xf32, #tpu.memory_space<hbm>> -> memref<128x64xf32, #tpu.memory_space<hbm>>
    %dma_wait3A_725 = arith.constant 3328 : i32
    %dma_wait3A_726 = arith.constant 0 : i32
    %dma_wait3A_727 = tpu.memref_slice %arg4[%add3A, %dma_wait3A_725, %dma_wait3A_726] : memref<32x5000x64xf32, #tpu.memory_space<hbm>> -> memref<1x128x64xf32, #tpu.memory_space<hbm>>
    %dma_wait3A_728 = tpu.memref_squeeze %dma_wait3A_727 : memref<1x128x64xf32, #tpu.memory_space<hbm>> -> memref<128x64xf32, #tpu.memory_space<hbm>>
    tpu.wait_dma2 semaphore(%arg17 : memref<!tpu.dma_semaphore, #tpu.memory_space<semaphore_mem>>) src(%arg8 : memref<128x64xf32, #tpu.memory_space<vmem>>) dst(%dma_wait3A_728 : memref<128x64xf32, #tpu.memory_space<hbm>>)
    %dma_start3A_729 = arith.constant 3840 : i32
    %dma_start3A_730 = tpu.memref_slice %arg5[%dma_start3A_729] : memref<5000xi32, #tpu.memory_space<vmem>> -> memref<128xi32, #tpu.memory_space<vmem>>
    %dma_start3A_731 = arith.constant 0 : i32
    %dma_start3A_732 = arith.constant 0 : i32
    %dma_start3A_733 = tpu.memref_slice %arg2[%dma_start3A_731, %dma_start3A_732] : memref<10000x64xf32, #tpu.memory_space<hbm>> -> memref<10000x64xf32, #tpu.memory_space<hbm>>
    tpu.enqueue_indirect_dma source(%dma_start3A_733 : memref<10000x64xf32, #tpu.memory_space<hbm>>) target(%arg8 : memref<128x64xf32, #tpu.memory_space<vmem>>) offsets(%dma_start3A_730 : memref<128xi32, #tpu.memory_space<vmem>>) semaphore(%arg13 : memref<!tpu.dma_semaphore, #tpu.memory_space<semaphore_mem>>)
    %dma_wait3A_734 = arith.constant 3584 : i32
    %dma_wait3A_735 = tpu.memref_slice %arg5[%dma_wait3A_734] : memref<5000xi32, #tpu.memory_space<vmem>> -> memref<128xi32, #tpu.memory_space<vmem>>
    %dma_wait3A_736 = arith.constant 0 : i32
    %dma_wait3A_737 = arith.constant 0 : i32
    %dma_wait3A_738 = tpu.memref_slice %arg2[%dma_wait3A_736, %dma_wait3A_737] : memref<10000x64xf32, #tpu.memory_space<hbm>> -> memref<10000x64xf32, #tpu.memory_space<hbm>>
    tpu.wait_indirect_dma semaphore(%arg11 : memref<!tpu.dma_semaphore, #tpu.memory_space<semaphore_mem>>) src(%dma_wait3A_738 : memref<10000x64xf32, #tpu.memory_space<hbm>>) dst(%arg6 : memref<128x64xf32, #tpu.memory_space<vmem>>)
    %dma_start3A_739 = arith.constant 3584 : i32
    %dma_start3A_740 = arith.constant 0 : i32
    %dma_start3A_741 = tpu.memref_slice %arg4[%add3A, %dma_start3A_739, %dma_start3A_740] : memref<32x5000x64xf32, #tpu.memory_space<hbm>> -> memref<1x128x64xf32, #tpu.memory_space<hbm>>
    %dma_start3A_742 = tpu.memref_squeeze %dma_start3A_741 : memref<1x128x64xf32, #tpu.memory_space<hbm>> -> memref<128x64xf32, #tpu.memory_space<hbm>>
    %dma_start3A_743 = arith.constant 3584 : i32
    %dma_start3A_744 = arith.constant 0 : i32
    %dma_start3A_745 = tpu.memref_slice %arg4[%add3A, %dma_start3A_743, %dma_start3A_744] : memref<32x5000x64xf32, #tpu.memory_space<hbm>> -> memref<1x128x64xf32, #tpu.memory_space<hbm>>
    %dma_start3A_746 = tpu.memref_squeeze %dma_start3A_745 : memref<1x128x64xf32, #tpu.memory_space<hbm>> -> memref<128x64xf32, #tpu.memory_space<hbm>>
    tpu.enqueue_dma source(%arg6 : memref<128x64xf32, #tpu.memory_space<vmem>>) target(%dma_start3A_746 : memref<128x64xf32, #tpu.memory_space<hbm>>) target_semaphore(%arg15 : memref<!tpu.dma_semaphore, #tpu.memory_space<semaphore_mem>>)
    %dma_wait3A_747 = arith.constant 3456 : i32
    %dma_wait3A_748 = arith.constant 0 : i32
    %dma_wait3A_749 = tpu.memref_slice %arg4[%add3A, %dma_wait3A_747, %dma_wait3A_748] : memref<32x5000x64xf32, #tpu.memory_space<hbm>> -> memref<1x128x64xf32, #tpu.memory_space<hbm>>
    %dma_wait3A_750 = tpu.memref_squeeze %dma_wait3A_749 : memref<1x128x64xf32, #tpu.memory_space<hbm>> -> memref<128x64xf32, #tpu.memory_space<hbm>>
    %dma_wait3A_751 = arith.constant 3456 : i32
    %dma_wait3A_752 = arith.constant 0 : i32
    %dma_wait3A_753 = tpu.memref_slice %arg4[%add3A, %dma_wait3A_751, %dma_wait3A_752] : memref<32x5000x64xf32, #tpu.memory_space<hbm>> -> memref<1x128x64xf32, #tpu.memory_space<hbm>>
    %dma_wait3A_754 = tpu.memref_squeeze %dma_wait3A_753 : memref<1x128x64xf32, #tpu.memory_space<hbm>> -> memref<128x64xf32, #tpu.memory_space<hbm>>
    tpu.wait_dma2 semaphore(%arg18 : memref<!tpu.dma_semaphore, #tpu.memory_space<semaphore_mem>>) src(%arg9 : memref<128x64xf32, #tpu.memory_space<vmem>>) dst(%dma_wait3A_754 : memref<128x64xf32, #tpu.memory_space<hbm>>)
    %dma_start3A_755 = arith.constant 3968 : i32
    %dma_start3A_756 = tpu.memref_slice %arg5[%dma_start3A_755] : memref<5000xi32, #tpu.memory_space<vmem>> -> memref<128xi32, #tpu.memory_space<vmem>>
    %dma_start3A_757 = arith.constant 0 : i32
    %dma_start3A_758 = arith.constant 0 : i32
    %dma_start3A_759 = tpu.memref_slice %arg2[%dma_start3A_757, %dma_start3A_758] : memref<10000x64xf32, #tpu.memory_space<hbm>> -> memref<10000x64xf32, #tpu.memory_space<hbm>>
    tpu.enqueue_indirect_dma source(%dma_start3A_759 : memref<10000x64xf32, #tpu.memory_space<hbm>>) target(%arg9 : memref<128x64xf32, #tpu.memory_space<vmem>>) offsets(%dma_start3A_756 : memref<128xi32, #tpu.memory_space<vmem>>) semaphore(%arg14 : memref<!tpu.dma_semaphore, #tpu.memory_space<semaphore_mem>>)
    %dma_wait3A_760 = arith.constant 3712 : i32
    %dma_wait3A_761 = tpu.memref_slice %arg5[%dma_wait3A_760] : memref<5000xi32, #tpu.memory_space<vmem>> -> memref<128xi32, #tpu.memory_space<vmem>>
    %dma_wait3A_762 = arith.constant 0 : i32
    %dma_wait3A_763 = arith.constant 0 : i32
    %dma_wait3A_764 = tpu.memref_slice %arg2[%dma_wait3A_762, %dma_wait3A_763] : memref<10000x64xf32, #tpu.memory_space<hbm>> -> memref<10000x64xf32, #tpu.memory_space<hbm>>
    tpu.wait_indirect_dma semaphore(%arg12 : memref<!tpu.dma_semaphore, #tpu.memory_space<semaphore_mem>>) src(%dma_wait3A_764 : memref<10000x64xf32, #tpu.memory_space<hbm>>) dst(%arg7 : memref<128x64xf32, #tpu.memory_space<vmem>>)
    %dma_start3A_765 = arith.constant 3712 : i32
    %dma_start3A_766 = arith.constant 0 : i32
    %dma_start3A_767 = tpu.memref_slice %arg4[%add3A, %dma_start3A_765, %dma_start3A_766] : memref<32x5000x64xf32, #tpu.memory_space<hbm>> -> memref<1x128x64xf32, #tpu.memory_space<hbm>>
    %dma_start3A_768 = tpu.memref_squeeze %dma_start3A_767 : memref<1x128x64xf32, #tpu.memory_space<hbm>> -> memref<128x64xf32, #tpu.memory_space<hbm>>
    %dma_start3A_769 = arith.constant 3712 : i32
    %dma_start3A_770 = arith.constant 0 : i32
    %dma_start3A_771 = tpu.memref_slice %arg4[%add3A, %dma_start3A_769, %dma_start3A_770] : memref<32x5000x64xf32, #tpu.memory_space<hbm>> -> memref<1x128x64xf32, #tpu.memory_space<hbm>>
    %dma_start3A_772 = tpu.memref_squeeze %dma_start3A_771 : memref<1x128x64xf32, #tpu.memory_space<hbm>> -> memref<128x64xf32, #tpu.memory_space<hbm>>
    tpu.enqueue_dma source(%arg7 : memref<128x64xf32, #tpu.memory_space<vmem>>) target(%dma_start3A_772 : memref<128x64xf32, #tpu.memory_space<hbm>>) target_semaphore(%arg16 : memref<!tpu.dma_semaphore, #tpu.memory_space<semaphore_mem>>)
    %dma_wait3A_773 = arith.constant 3584 : i32
    %dma_wait3A_774 = arith.constant 0 : i32
    %dma_wait3A_775 = tpu.memref_slice %arg4[%add3A, %dma_wait3A_773, %dma_wait3A_774] : memref<32x5000x64xf32, #tpu.memory_space<hbm>> -> memref<1x128x64xf32, #tpu.memory_space<hbm>>
    %dma_wait3A_776 = tpu.memref_squeeze %dma_wait3A_775 : memref<1x128x64xf32, #tpu.memory_space<hbm>> -> memref<128x64xf32, #tpu.memory_space<hbm>>
    %dma_wait3A_777 = arith.constant 3584 : i32
    %dma_wait3A_778 = arith.constant 0 : i32
    %dma_wait3A_779 = tpu.memref_slice %arg4[%add3A, %dma_wait3A_777, %dma_wait3A_778] : memref<32x5000x64xf32, #tpu.memory_space<hbm>> -> memref<1x128x64xf32, #tpu.memory_space<hbm>>
    %dma_wait3A_780 = tpu.memref_squeeze %dma_wait3A_779 : memref<1x128x64xf32, #tpu.memory_space<hbm>> -> memref<128x64xf32, #tpu.memory_space<hbm>>
    tpu.wait_dma2 semaphore(%arg15 : memref<!tpu.dma_semaphore, #tpu.memory_space<semaphore_mem>>) src(%arg6 : memref<128x64xf32, #tpu.memory_space<vmem>>) dst(%dma_wait3A_780 : memref<128x64xf32, #tpu.memory_space<hbm>>)
    %dma_start3A_781 = arith.constant 4096 : i32
    %dma_start3A_782 = tpu.memref_slice %arg5[%dma_start3A_781] : memref<5000xi32, #tpu.memory_space<vmem>> -> memref<128xi32, #tpu.memory_space<vmem>>
    %dma_start3A_783 = arith.constant 0 : i32
    %dma_start3A_784 = arith.constant 0 : i32
    %dma_start3A_785 = tpu.memref_slice %arg2[%dma_start3A_783, %dma_start3A_784] : memref<10000x64xf32, #tpu.memory_space<hbm>> -> memref<10000x64xf32, #tpu.memory_space<hbm>>
    tpu.enqueue_indirect_dma source(%dma_start3A_785 : memref<10000x64xf32, #tpu.memory_space<hbm>>) target(%arg6 : memref<128x64xf32, #tpu.memory_space<vmem>>) offsets(%dma_start3A_782 : memref<128xi32, #tpu.memory_space<vmem>>) semaphore(%arg11 : memref<!tpu.dma_semaphore, #tpu.memory_space<semaphore_mem>>)
    %dma_wait3A_786 = arith.constant 3840 : i32
    %dma_wait3A_787 = tpu.memref_slice %arg5[%dma_wait3A_786] : memref<5000xi32, #tpu.memory_space<vmem>> -> memref<128xi32, #tpu.memory_space<vmem>>
    %dma_wait3A_788 = arith.constant 0 : i32
    %dma_wait3A_789 = arith.constant 0 : i32
    %dma_wait3A_790 = tpu.memref_slice %arg2[%dma_wait3A_788, %dma_wait3A_789] : memref<10000x64xf32, #tpu.memory_space<hbm>> -> memref<10000x64xf32, #tpu.memory_space<hbm>>
    tpu.wait_indirect_dma semaphore(%arg13 : memref<!tpu.dma_semaphore, #tpu.memory_space<semaphore_mem>>) src(%dma_wait3A_790 : memref<10000x64xf32, #tpu.memory_space<hbm>>) dst(%arg8 : memref<128x64xf32, #tpu.memory_space<vmem>>)
    %dma_start3A_791 = arith.constant 3840 : i32
    %dma_start3A_792 = arith.constant 0 : i32
    %dma_start3A_793 = tpu.memref_slice %arg4[%add3A, %dma_start3A_791, %dma_start3A_792] : memref<32x5000x64xf32, #tpu.memory_space<hbm>> -> memref<1x128x64xf32, #tpu.memory_space<hbm>>
    %dma_start3A_794 = tpu.memref_squeeze %dma_start3A_793 : memref<1x128x64xf32, #tpu.memory_space<hbm>> -> memref<128x64xf32, #tpu.memory_space<hbm>>
    %dma_start3A_795 = arith.constant 3840 : i32
    %dma_start3A_796 = arith.constant 0 : i32
    %dma_start3A_797 = tpu.memref_slice %arg4[%add3A, %dma_start3A_795, %dma_start3A_796] : memref<32x5000x64xf32, #tpu.memory_space<hbm>> -> memref<1x128x64xf32, #tpu.memory_space<hbm>>
    %dma_start3A_798 = tpu.memref_squeeze %dma_start3A_797 : memref<1x128x64xf32, #tpu.memory_space<hbm>> -> memref<128x64xf32, #tpu.memory_space<hbm>>
    tpu.enqueue_dma source(%arg8 : memref<128x64xf32, #tpu.memory_space<vmem>>) target(%dma_start3A_798 : memref<128x64xf32, #tpu.memory_space<hbm>>) target_semaphore(%arg17 : memref<!tpu.dma_semaphore, #tpu.memory_space<semaphore_mem>>)
    %dma_wait3A_799 = arith.constant 3712 : i32
    %dma_wait3A_800 = arith.constant 0 : i32
    %dma_wait3A_801 = tpu.memref_slice %arg4[%add3A, %dma_wait3A_799, %dma_wait3A_800] : memref<32x5000x64xf32, #tpu.memory_space<hbm>> -> memref<1x128x64xf32, #tpu.memory_space<hbm>>
    %dma_wait3A_802 = tpu.memref_squeeze %dma_wait3A_801 : memref<1x128x64xf32, #tpu.memory_space<hbm>> -> memref<128x64xf32, #tpu.memory_space<hbm>>
    %dma_wait3A_803 = arith.constant 3712 : i32
    %dma_wait3A_804 = arith.constant 0 : i32
    %dma_wait3A_805 = tpu.memref_slice %arg4[%add3A, %dma_wait3A_803, %dma_wait3A_804] : memref<32x5000x64xf32, #tpu.memory_space<hbm>> -> memref<1x128x64xf32, #tpu.memory_space<hbm>>
    %dma_wait3A_806 = tpu.memref_squeeze %dma_wait3A_805 : memref<1x128x64xf32, #tpu.memory_space<hbm>> -> memref<128x64xf32, #tpu.memory_space<hbm>>
    tpu.wait_dma2 semaphore(%arg16 : memref<!tpu.dma_semaphore, #tpu.memory_space<semaphore_mem>>) src(%arg7 : memref<128x64xf32, #tpu.memory_space<vmem>>) dst(%dma_wait3A_806 : memref<128x64xf32, #tpu.memory_space<hbm>>)
    %dma_start3A_807 = arith.constant 4224 : i32
    %dma_start3A_808 = tpu.memref_slice %arg5[%dma_start3A_807] : memref<5000xi32, #tpu.memory_space<vmem>> -> memref<128xi32, #tpu.memory_space<vmem>>
    %dma_start3A_809 = arith.constant 0 : i32
    %dma_start3A_810 = arith.constant 0 : i32
    %dma_start3A_811 = tpu.memref_slice %arg2[%dma_start3A_809, %dma_start3A_810] : memref<10000x64xf32, #tpu.memory_space<hbm>> -> memref<10000x64xf32, #tpu.memory_space<hbm>>
    tpu.enqueue_indirect_dma source(%dma_start3A_811 : memref<10000x64xf32, #tpu.memory_space<hbm>>) target(%arg7 : memref<128x64xf32, #tpu.memory_space<vmem>>) offsets(%dma_start3A_808 : memref<128xi32, #tpu.memory_space<vmem>>) semaphore(%arg12 : memref<!tpu.dma_semaphore, #tpu.memory_space<semaphore_mem>>)
    %dma_wait3A_812 = arith.constant 3968 : i32
    %dma_wait3A_813 = tpu.memref_slice %arg5[%dma_wait3A_812] : memref<5000xi32, #tpu.memory_space<vmem>> -> memref<128xi32, #tpu.memory_space<vmem>>
    %dma_wait3A_814 = arith.constant 0 : i32
    %dma_wait3A_815 = arith.constant 0 : i32
    %dma_wait3A_816 = tpu.memref_slice %arg2[%dma_wait3A_814, %dma_wait3A_815] : memref<10000x64xf32, #tpu.memory_space<hbm>> -> memref<10000x64xf32, #tpu.memory_space<hbm>>
    tpu.wait_indirect_dma semaphore(%arg14 : memref<!tpu.dma_semaphore, #tpu.memory_space<semaphore_mem>>) src(%dma_wait3A_816 : memref<10000x64xf32, #tpu.memory_space<hbm>>) dst(%arg9 : memref<128x64xf32, #tpu.memory_space<vmem>>)
    %dma_start3A_817 = arith.constant 3968 : i32
    %dma_start3A_818 = arith.constant 0 : i32
    %dma_start3A_819 = tpu.memref_slice %arg4[%add3A, %dma_start3A_817, %dma_start3A_818] : memref<32x5000x64xf32, #tpu.memory_space<hbm>> -> memref<1x128x64xf32, #tpu.memory_space<hbm>>
    %dma_start3A_820 = tpu.memref_squeeze %dma_start3A_819 : memref<1x128x64xf32, #tpu.memory_space<hbm>> -> memref<128x64xf32, #tpu.memory_space<hbm>>
    %dma_start3A_821 = arith.constant 3968 : i32
    %dma_start3A_822 = arith.constant 0 : i32
    %dma_start3A_823 = tpu.memref_slice %arg4[%add3A, %dma_start3A_821, %dma_start3A_822] : memref<32x5000x64xf32, #tpu.memory_space<hbm>> -> memref<1x128x64xf32, #tpu.memory_space<hbm>>
    %dma_start3A_824 = tpu.memref_squeeze %dma_start3A_823 : memref<1x128x64xf32, #tpu.memory_space<hbm>> -> memref<128x64xf32, #tpu.memory_space<hbm>>
    tpu.enqueue_dma source(%arg9 : memref<128x64xf32, #tpu.memory_space<vmem>>) target(%dma_start3A_824 : memref<128x64xf32, #tpu.memory_space<hbm>>) target_semaphore(%arg18 : memref<!tpu.dma_semaphore, #tpu.memory_space<semaphore_mem>>)
    %dma_wait3A_825 = arith.constant 3840 : i32
    %dma_wait3A_826 = arith.constant 0 : i32
    %dma_wait3A_827 = tpu.memref_slice %arg4[%add3A, %dma_wait3A_825, %dma_wait3A_826] : memref<32x5000x64xf32, #tpu.memory_space<hbm>> -> memref<1x128x64xf32, #tpu.memory_space<hbm>>
    %dma_wait3A_828 = tpu.memref_squeeze %dma_wait3A_827 : memref<1x128x64xf32, #tpu.memory_space<hbm>> -> memref<128x64xf32, #tpu.memory_space<hbm>>
    %dma_wait3A_829 = arith.constant 3840 : i32
    %dma_wait3A_830 = arith.constant 0 : i32
    %dma_wait3A_831 = tpu.memref_slice %arg4[%add3A, %dma_wait3A_829, %dma_wait3A_830] : memref<32x5000x64xf32, #tpu.memory_space<hbm>> -> memref<1x128x64xf32, #tpu.memory_space<hbm>>
    %dma_wait3A_832 = tpu.memref_squeeze %dma_wait3A_831 : memref<1x128x64xf32, #tpu.memory_space<hbm>> -> memref<128x64xf32, #tpu.memory_space<hbm>>
    tpu.wait_dma2 semaphore(%arg17 : memref<!tpu.dma_semaphore, #tpu.memory_space<semaphore_mem>>) src(%arg8 : memref<128x64xf32, #tpu.memory_space<vmem>>) dst(%dma_wait3A_832 : memref<128x64xf32, #tpu.memory_space<hbm>>)
    %dma_start3A_833 = arith.constant 4352 : i32
    %dma_start3A_834 = tpu.memref_slice %arg5[%dma_start3A_833] : memref<5000xi32, #tpu.memory_space<vmem>> -> memref<128xi32, #tpu.memory_space<vmem>>
    %dma_start3A_835 = arith.constant 0 : i32
    %dma_start3A_836 = arith.constant 0 : i32
    %dma_start3A_837 = tpu.memref_slice %arg2[%dma_start3A_835, %dma_start3A_836] : memref<10000x64xf32, #tpu.memory_space<hbm>> -> memref<10000x64xf32, #tpu.memory_space<hbm>>
    tpu.enqueue_indirect_dma source(%dma_start3A_837 : memref<10000x64xf32, #tpu.memory_space<hbm>>) target(%arg8 : memref<128x64xf32, #tpu.memory_space<vmem>>) offsets(%dma_start3A_834 : memref<128xi32, #tpu.memory_space<vmem>>) semaphore(%arg13 : memref<!tpu.dma_semaphore, #tpu.memory_space<semaphore_mem>>)
    %dma_wait3A_838 = arith.constant 4096 : i32
    %dma_wait3A_839 = tpu.memref_slice %arg5[%dma_wait3A_838] : memref<5000xi32, #tpu.memory_space<vmem>> -> memref<128xi32, #tpu.memory_space<vmem>>
    %dma_wait3A_840 = arith.constant 0 : i32
    %dma_wait3A_841 = arith.constant 0 : i32
    %dma_wait3A_842 = tpu.memref_slice %arg2[%dma_wait3A_840, %dma_wait3A_841] : memref<10000x64xf32, #tpu.memory_space<hbm>> -> memref<10000x64xf32, #tpu.memory_space<hbm>>
    tpu.wait_indirect_dma semaphore(%arg11 : memref<!tpu.dma_semaphore, #tpu.memory_space<semaphore_mem>>) src(%dma_wait3A_842 : memref<10000x64xf32, #tpu.memory_space<hbm>>) dst(%arg6 : memref<128x64xf32, #tpu.memory_space<vmem>>)
    %dma_start3A_843 = arith.constant 4096 : i32
    %dma_start3A_844 = arith.constant 0 : i32
    %dma_start3A_845 = tpu.memref_slice %arg4[%add3A, %dma_start3A_843, %dma_start3A_844] : memref<32x5000x64xf32, #tpu.memory_space<hbm>> -> memref<1x128x64xf32, #tpu.memory_space<hbm>>
    %dma_start3A_846 = tpu.memref_squeeze %dma_start3A_845 : memref<1x128x64xf32, #tpu.memory_space<hbm>> -> memref<128x64xf32, #tpu.memory_space<hbm>>
    %dma_start3A_847 = arith.constant 4096 : i32
    %dma_start3A_848 = arith.constant 0 : i32
    %dma_start3A_849 = tpu.memref_slice %arg4[%add3A, %dma_start3A_847, %dma_start3A_848] : memref<32x5000x64xf32, #tpu.memory_space<hbm>> -> memref<1x128x64xf32, #tpu.memory_space<hbm>>
    %dma_start3A_850 = tpu.memref_squeeze %dma_start3A_849 : memref<1x128x64xf32, #tpu.memory_space<hbm>> -> memref<128x64xf32, #tpu.memory_space<hbm>>
    tpu.enqueue_dma source(%arg6 : memref<128x64xf32, #tpu.memory_space<vmem>>) target(%dma_start3A_850 : memref<128x64xf32, #tpu.memory_space<hbm>>) target_semaphore(%arg15 : memref<!tpu.dma_semaphore, #tpu.memory_space<semaphore_mem>>)
    %dma_wait3A_851 = arith.constant 3968 : i32
    %dma_wait3A_852 = arith.constant 0 : i32
    %dma_wait3A_853 = tpu.memref_slice %arg4[%add3A, %dma_wait3A_851, %dma_wait3A_852] : memref<32x5000x64xf32, #tpu.memory_space<hbm>> -> memref<1x128x64xf32, #tpu.memory_space<hbm>>
    %dma_wait3A_854 = tpu.memref_squeeze %dma_wait3A_853 : memref<1x128x64xf32, #tpu.memory_space<hbm>> -> memref<128x64xf32, #tpu.memory_space<hbm>>
    %dma_wait3A_855 = arith.constant 3968 : i32
    %dma_wait3A_856 = arith.constant 0 : i32
    %dma_wait3A_857 = tpu.memref_slice %arg4[%add3A, %dma_wait3A_855, %dma_wait3A_856] : memref<32x5000x64xf32, #tpu.memory_space<hbm>> -> memref<1x128x64xf32, #tpu.memory_space<hbm>>
    %dma_wait3A_858 = tpu.memref_squeeze %dma_wait3A_857 : memref<1x128x64xf32, #tpu.memory_space<hbm>> -> memref<128x64xf32, #tpu.memory_space<hbm>>
    tpu.wait_dma2 semaphore(%arg18 : memref<!tpu.dma_semaphore, #tpu.memory_space<semaphore_mem>>) src(%arg9 : memref<128x64xf32, #tpu.memory_space<vmem>>) dst(%dma_wait3A_858 : memref<128x64xf32, #tpu.memory_space<hbm>>)
    %dma_start3A_859 = arith.constant 4480 : i32
    %dma_start3A_860 = tpu.memref_slice %arg5[%dma_start3A_859] : memref<5000xi32, #tpu.memory_space<vmem>> -> memref<128xi32, #tpu.memory_space<vmem>>
    %dma_start3A_861 = arith.constant 0 : i32
    %dma_start3A_862 = arith.constant 0 : i32
    %dma_start3A_863 = tpu.memref_slice %arg2[%dma_start3A_861, %dma_start3A_862] : memref<10000x64xf32, #tpu.memory_space<hbm>> -> memref<10000x64xf32, #tpu.memory_space<hbm>>
    tpu.enqueue_indirect_dma source(%dma_start3A_863 : memref<10000x64xf32, #tpu.memory_space<hbm>>) target(%arg9 : memref<128x64xf32, #tpu.memory_space<vmem>>) offsets(%dma_start3A_860 : memref<128xi32, #tpu.memory_space<vmem>>) semaphore(%arg14 : memref<!tpu.dma_semaphore, #tpu.memory_space<semaphore_mem>>)
    %dma_wait3A_864 = arith.constant 4224 : i32
    %dma_wait3A_865 = tpu.memref_slice %arg5[%dma_wait3A_864] : memref<5000xi32, #tpu.memory_space<vmem>> -> memref<128xi32, #tpu.memory_space<vmem>>
    %dma_wait3A_866 = arith.constant 0 : i32
    %dma_wait3A_867 = arith.constant 0 : i32
    %dma_wait3A_868 = tpu.memref_slice %arg2[%dma_wait3A_866, %dma_wait3A_867] : memref<10000x64xf32, #tpu.memory_space<hbm>> -> memref<10000x64xf32, #tpu.memory_space<hbm>>
    tpu.wait_indirect_dma semaphore(%arg12 : memref<!tpu.dma_semaphore, #tpu.memory_space<semaphore_mem>>) src(%dma_wait3A_868 : memref<10000x64xf32, #tpu.memory_space<hbm>>) dst(%arg7 : memref<128x64xf32, #tpu.memory_space<vmem>>)
    %dma_start3A_869 = arith.constant 4224 : i32
    %dma_start3A_870 = arith.constant 0 : i32
    %dma_start3A_871 = tpu.memref_slice %arg4[%add3A, %dma_start3A_869, %dma_start3A_870] : memref<32x5000x64xf32, #tpu.memory_space<hbm>> -> memref<1x128x64xf32, #tpu.memory_space<hbm>>
    %dma_start3A_872 = tpu.memref_squeeze %dma_start3A_871 : memref<1x128x64xf32, #tpu.memory_space<hbm>> -> memref<128x64xf32, #tpu.memory_space<hbm>>
    %dma_start3A_873 = arith.constant 4224 : i32
    %dma_start3A_874 = arith.constant 0 : i32
    %dma_start3A_875 = tpu.memref_slice %arg4[%add3A, %dma_start3A_873, %dma_start3A_874] : memref<32x5000x64xf32, #tpu.memory_space<hbm>> -> memref<1x128x64xf32, #tpu.memory_space<hbm>>
    %dma_start3A_876 = tpu.memref_squeeze %dma_start3A_875 : memref<1x128x64xf32, #tpu.memory_space<hbm>> -> memref<128x64xf32, #tpu.memory_space<hbm>>
    tpu.enqueue_dma source(%arg7 : memref<128x64xf32, #tpu.memory_space<vmem>>) target(%dma_start3A_876 : memref<128x64xf32, #tpu.memory_space<hbm>>) target_semaphore(%arg16 : memref<!tpu.dma_semaphore, #tpu.memory_space<semaphore_mem>>)
    %dma_wait3A_877 = arith.constant 4096 : i32
    %dma_wait3A_878 = arith.constant 0 : i32
    %dma_wait3A_879 = tpu.memref_slice %arg4[%add3A, %dma_wait3A_877, %dma_wait3A_878] : memref<32x5000x64xf32, #tpu.memory_space<hbm>> -> memref<1x128x64xf32, #tpu.memory_space<hbm>>
    %dma_wait3A_880 = tpu.memref_squeeze %dma_wait3A_879 : memref<1x128x64xf32, #tpu.memory_space<hbm>> -> memref<128x64xf32, #tpu.memory_space<hbm>>
    %dma_wait3A_881 = arith.constant 4096 : i32
    %dma_wait3A_882 = arith.constant 0 : i32
    %dma_wait3A_883 = tpu.memref_slice %arg4[%add3A, %dma_wait3A_881, %dma_wait3A_882] : memref<32x5000x64xf32, #tpu.memory_space<hbm>> -> memref<1x128x64xf32, #tpu.memory_space<hbm>>
    %dma_wait3A_884 = tpu.memref_squeeze %dma_wait3A_883 : memref<1x128x64xf32, #tpu.memory_space<hbm>> -> memref<128x64xf32, #tpu.memory_space<hbm>>
    tpu.wait_dma2 semaphore(%arg15 : memref<!tpu.dma_semaphore, #tpu.memory_space<semaphore_mem>>) src(%arg6 : memref<128x64xf32, #tpu.memory_space<vmem>>) dst(%dma_wait3A_884 : memref<128x64xf32, #tpu.memory_space<hbm>>)
    %dma_start3A_885 = arith.constant 4608 : i32
    %dma_start3A_886 = tpu.memref_slice %arg5[%dma_start3A_885] : memref<5000xi32, #tpu.memory_space<vmem>> -> memref<128xi32, #tpu.memory_space<vmem>>
    %dma_start3A_887 = arith.constant 0 : i32
    %dma_start3A_888 = arith.constant 0 : i32
    %dma_start3A_889 = tpu.memref_slice %arg2[%dma_start3A_887, %dma_start3A_888] : memref<10000x64xf32, #tpu.memory_space<hbm>> -> memref<10000x64xf32, #tpu.memory_space<hbm>>
    tpu.enqueue_indirect_dma source(%dma_start3A_889 : memref<10000x64xf32, #tpu.memory_space<hbm>>) target(%arg6 : memref<128x64xf32, #tpu.memory_space<vmem>>) offsets(%dma_start3A_886 : memref<128xi32, #tpu.memory_space<vmem>>) semaphore(%arg11 : memref<!tpu.dma_semaphore, #tpu.memory_space<semaphore_mem>>)
    %dma_wait3A_890 = arith.constant 4352 : i32
    %dma_wait3A_891 = tpu.memref_slice %arg5[%dma_wait3A_890] : memref<5000xi32, #tpu.memory_space<vmem>> -> memref<128xi32, #tpu.memory_space<vmem>>
    %dma_wait3A_892 = arith.constant 0 : i32
    %dma_wait3A_893 = arith.constant 0 : i32
    %dma_wait3A_894 = tpu.memref_slice %arg2[%dma_wait3A_892, %dma_wait3A_893] : memref<10000x64xf32, #tpu.memory_space<hbm>> -> memref<10000x64xf32, #tpu.memory_space<hbm>>
    tpu.wait_indirect_dma semaphore(%arg13 : memref<!tpu.dma_semaphore, #tpu.memory_space<semaphore_mem>>) src(%dma_wait3A_894 : memref<10000x64xf32, #tpu.memory_space<hbm>>) dst(%arg8 : memref<128x64xf32, #tpu.memory_space<vmem>>)
    %dma_start3A_895 = arith.constant 4352 : i32
    %dma_start3A_896 = arith.constant 0 : i32
    %dma_start3A_897 = tpu.memref_slice %arg4[%add3A, %dma_start3A_895, %dma_start3A_896] : memref<32x5000x64xf32, #tpu.memory_space<hbm>> -> memref<1x128x64xf32, #tpu.memory_space<hbm>>
    %dma_start3A_898 = tpu.memref_squeeze %dma_start3A_897 : memref<1x128x64xf32, #tpu.memory_space<hbm>> -> memref<128x64xf32, #tpu.memory_space<hbm>>
    %dma_start3A_899 = arith.constant 4352 : i32
    %dma_start3A_900 = arith.constant 0 : i32
    %dma_start3A_901 = tpu.memref_slice %arg4[%add3A, %dma_start3A_899, %dma_start3A_900] : memref<32x5000x64xf32, #tpu.memory_space<hbm>> -> memref<1x128x64xf32, #tpu.memory_space<hbm>>
    %dma_start3A_902 = tpu.memref_squeeze %dma_start3A_901 : memref<1x128x64xf32, #tpu.memory_space<hbm>> -> memref<128x64xf32, #tpu.memory_space<hbm>>
    tpu.enqueue_dma source(%arg8 : memref<128x64xf32, #tpu.memory_space<vmem>>) target(%dma_start3A_902 : memref<128x64xf32, #tpu.memory_space<hbm>>) target_semaphore(%arg17 : memref<!tpu.dma_semaphore, #tpu.memory_space<semaphore_mem>>)
    %dma_wait3A_903 = arith.constant 4224 : i32
    %dma_wait3A_904 = arith.constant 0 : i32
    %dma_wait3A_905 = tpu.memref_slice %arg4[%add3A, %dma_wait3A_903, %dma_wait3A_904] : memref<32x5000x64xf32, #tpu.memory_space<hbm>> -> memref<1x128x64xf32, #tpu.memory_space<hbm>>
    %dma_wait3A_906 = tpu.memref_squeeze %dma_wait3A_905 : memref<1x128x64xf32, #tpu.memory_space<hbm>> -> memref<128x64xf32, #tpu.memory_space<hbm>>
    %dma_wait3A_907 = arith.constant 4224 : i32
    %dma_wait3A_908 = arith.constant 0 : i32
    %dma_wait3A_909 = tpu.memref_slice %arg4[%add3A, %dma_wait3A_907, %dma_wait3A_908] : memref<32x5000x64xf32, #tpu.memory_space<hbm>> -> memref<1x128x64xf32, #tpu.memory_space<hbm>>
    %dma_wait3A_910 = tpu.memref_squeeze %dma_wait3A_909 : memref<1x128x64xf32, #tpu.memory_space<hbm>> -> memref<128x64xf32, #tpu.memory_space<hbm>>
    tpu.wait_dma2 semaphore(%arg16 : memref<!tpu.dma_semaphore, #tpu.memory_space<semaphore_mem>>) src(%arg7 : memref<128x64xf32, #tpu.memory_space<vmem>>) dst(%dma_wait3A_910 : memref<128x64xf32, #tpu.memory_space<hbm>>)
    %dma_start3A_911 = arith.constant 4736 : i32
    %dma_start3A_912 = tpu.memref_slice %arg5[%dma_start3A_911] : memref<5000xi32, #tpu.memory_space<vmem>> -> memref<128xi32, #tpu.memory_space<vmem>>
    %dma_start3A_913 = arith.constant 0 : i32
    %dma_start3A_914 = arith.constant 0 : i32
    %dma_start3A_915 = tpu.memref_slice %arg2[%dma_start3A_913, %dma_start3A_914] : memref<10000x64xf32, #tpu.memory_space<hbm>> -> memref<10000x64xf32, #tpu.memory_space<hbm>>
    tpu.enqueue_indirect_dma source(%dma_start3A_915 : memref<10000x64xf32, #tpu.memory_space<hbm>>) target(%arg7 : memref<128x64xf32, #tpu.memory_space<vmem>>) offsets(%dma_start3A_912 : memref<128xi32, #tpu.memory_space<vmem>>) semaphore(%arg12 : memref<!tpu.dma_semaphore, #tpu.memory_space<semaphore_mem>>)
    %dma_wait3A_916 = arith.constant 4480 : i32
    %dma_wait3A_917 = tpu.memref_slice %arg5[%dma_wait3A_916] : memref<5000xi32, #tpu.memory_space<vmem>> -> memref<128xi32, #tpu.memory_space<vmem>>
    %dma_wait3A_918 = arith.constant 0 : i32
    %dma_wait3A_919 = arith.constant 0 : i32
    %dma_wait3A_920 = tpu.memref_slice %arg2[%dma_wait3A_918, %dma_wait3A_919] : memref<10000x64xf32, #tpu.memory_space<hbm>> -> memref<10000x64xf32, #tpu.memory_space<hbm>>
    tpu.wait_indirect_dma semaphore(%arg14 : memref<!tpu.dma_semaphore, #tpu.memory_space<semaphore_mem>>) src(%dma_wait3A_920 : memref<10000x64xf32, #tpu.memory_space<hbm>>) dst(%arg9 : memref<128x64xf32, #tpu.memory_space<vmem>>)
    %dma_start3A_921 = arith.constant 4480 : i32
    %dma_start3A_922 = arith.constant 0 : i32
    %dma_start3A_923 = tpu.memref_slice %arg4[%add3A, %dma_start3A_921, %dma_start3A_922] : memref<32x5000x64xf32, #tpu.memory_space<hbm>> -> memref<1x128x64xf32, #tpu.memory_space<hbm>>
    %dma_start3A_924 = tpu.memref_squeeze %dma_start3A_923 : memref<1x128x64xf32, #tpu.memory_space<hbm>> -> memref<128x64xf32, #tpu.memory_space<hbm>>
    %dma_start3A_925 = arith.constant 4480 : i32
    %dma_start3A_926 = arith.constant 0 : i32
    %dma_start3A_927 = tpu.memref_slice %arg4[%add3A, %dma_start3A_925, %dma_start3A_926] : memref<32x5000x64xf32, #tpu.memory_space<hbm>> -> memref<1x128x64xf32, #tpu.memory_space<hbm>>
    %dma_start3A_928 = tpu.memref_squeeze %dma_start3A_927 : memref<1x128x64xf32, #tpu.memory_space<hbm>> -> memref<128x64xf32, #tpu.memory_space<hbm>>
    tpu.enqueue_dma source(%arg9 : memref<128x64xf32, #tpu.memory_space<vmem>>) target(%dma_start3A_928 : memref<128x64xf32, #tpu.memory_space<hbm>>) target_semaphore(%arg18 : memref<!tpu.dma_semaphore, #tpu.memory_space<semaphore_mem>>)
    %dma_wait3A_929 = arith.constant 4352 : i32
    %dma_wait3A_930 = arith.constant 0 : i32
    %dma_wait3A_931 = tpu.memref_slice %arg4[%add3A, %dma_wait3A_929, %dma_wait3A_930] : memref<32x5000x64xf32, #tpu.memory_space<hbm>> -> memref<1x128x64xf32, #tpu.memory_space<hbm>>
    %dma_wait3A_932 = tpu.memref_squeeze %dma_wait3A_931 : memref<1x128x64xf32, #tpu.memory_space<hbm>> -> memref<128x64xf32, #tpu.memory_space<hbm>>
    %dma_wait3A_933 = arith.constant 4352 : i32
    %dma_wait3A_934 = arith.constant 0 : i32
    %dma_wait3A_935 = tpu.memref_slice %arg4[%add3A, %dma_wait3A_933, %dma_wait3A_934] : memref<32x5000x64xf32, #tpu.memory_space<hbm>> -> memref<1x128x64xf32, #tpu.memory_space<hbm>>
    %dma_wait3A_936 = tpu.memref_squeeze %dma_wait3A_935 : memref<1x128x64xf32, #tpu.memory_space<hbm>> -> memref<128x64xf32, #tpu.memory_space<hbm>>
    tpu.wait_dma2 semaphore(%arg17 : memref<!tpu.dma_semaphore, #tpu.memory_space<semaphore_mem>>) src(%arg8 : memref<128x64xf32, #tpu.memory_space<vmem>>) dst(%dma_wait3A_936 : memref<128x64xf32, #tpu.memory_space<hbm>>)
    %dma_start3A_937 = arith.constant 4864 : i32
    %dma_start3A_938 = tpu.memref_slice %arg5[%dma_start3A_937] : memref<5000xi32, #tpu.memory_space<vmem>> -> memref<128xi32, #tpu.memory_space<vmem>>
    %dma_start3A_939 = arith.constant 0 : i32
    %dma_start3A_940 = arith.constant 0 : i32
    %dma_start3A_941 = tpu.memref_slice %arg2[%dma_start3A_939, %dma_start3A_940] : memref<10000x64xf32, #tpu.memory_space<hbm>> -> memref<10000x64xf32, #tpu.memory_space<hbm>>
    tpu.enqueue_indirect_dma source(%dma_start3A_941 : memref<10000x64xf32, #tpu.memory_space<hbm>>) target(%arg8 : memref<128x64xf32, #tpu.memory_space<vmem>>) offsets(%dma_start3A_938 : memref<128xi32, #tpu.memory_space<vmem>>) semaphore(%arg13 : memref<!tpu.dma_semaphore, #tpu.memory_space<semaphore_mem>>)
    %dma_wait3A_942 = arith.constant 4608 : i32
    %dma_wait3A_943 = tpu.memref_slice %arg5[%dma_wait3A_942] : memref<5000xi32, #tpu.memory_space<vmem>> -> memref<128xi32, #tpu.memory_space<vmem>>
    %dma_wait3A_944 = arith.constant 0 : i32
    %dma_wait3A_945 = arith.constant 0 : i32
    %dma_wait3A_946 = tpu.memref_slice %arg2[%dma_wait3A_944, %dma_wait3A_945] : memref<10000x64xf32, #tpu.memory_space<hbm>> -> memref<10000x64xf32, #tpu.memory_space<hbm>>
    tpu.wait_indirect_dma semaphore(%arg11 : memref<!tpu.dma_semaphore, #tpu.memory_space<semaphore_mem>>) src(%dma_wait3A_946 : memref<10000x64xf32, #tpu.memory_space<hbm>>) dst(%arg6 : memref<128x64xf32, #tpu.memory_space<vmem>>)
    %dma_start3A_947 = arith.constant 4608 : i32
    %dma_start3A_948 = arith.constant 0 : i32
    %dma_start3A_949 = tpu.memref_slice %arg4[%add3A, %dma_start3A_947, %dma_start3A_948] : memref<32x5000x64xf32, #tpu.memory_space<hbm>> -> memref<1x128x64xf32, #tpu.memory_space<hbm>>
    %dma_start3A_950 = tpu.memref_squeeze %dma_start3A_949 : memref<1x128x64xf32, #tpu.memory_space<hbm>> -> memref<128x64xf32, #tpu.memory_space<hbm>>
    %dma_start3A_951 = arith.constant 4608 : i32
    %dma_start3A_952 = arith.constant 0 : i32
    %dma_start3A_953 = tpu.memref_slice %arg4[%add3A, %dma_start3A_951, %dma_start3A_952] : memref<32x5000x64xf32, #tpu.memory_space<hbm>> -> memref<1x128x64xf32, #tpu.memory_space<hbm>>
    %dma_start3A_954 = tpu.memref_squeeze %dma_start3A_953 : memref<1x128x64xf32, #tpu.memory_space<hbm>> -> memref<128x64xf32, #tpu.memory_space<hbm>>
    tpu.enqueue_dma source(%arg6 : memref<128x64xf32, #tpu.memory_space<vmem>>) target(%dma_start3A_954 : memref<128x64xf32, #tpu.memory_space<hbm>>) target_semaphore(%arg15 : memref<!tpu.dma_semaphore, #tpu.memory_space<semaphore_mem>>)
    %dma_wait3A_955 = arith.constant 4736 : i32
    %dma_wait3A_956 = tpu.memref_slice %arg5[%dma_wait3A_955] : memref<5000xi32, #tpu.memory_space<vmem>> -> memref<128xi32, #tpu.memory_space<vmem>>
    %dma_wait3A_957 = arith.constant 0 : i32
    %dma_wait3A_958 = arith.constant 0 : i32
    %dma_wait3A_959 = tpu.memref_slice %arg2[%dma_wait3A_957, %dma_wait3A_958] : memref<10000x64xf32, #tpu.memory_space<hbm>> -> memref<10000x64xf32, #tpu.memory_space<hbm>>
    tpu.wait_indirect_dma semaphore(%arg12 : memref<!tpu.dma_semaphore, #tpu.memory_space<semaphore_mem>>) src(%dma_wait3A_959 : memref<10000x64xf32, #tpu.memory_space<hbm>>) dst(%arg7 : memref<128x64xf32, #tpu.memory_space<vmem>>)
    %dma_start3A_960 = arith.constant 4736 : i32
    %dma_start3A_961 = arith.constant 0 : i32
    %dma_start3A_962 = tpu.memref_slice %arg4[%add3A, %dma_start3A_960, %dma_start3A_961] : memref<32x5000x64xf32, #tpu.memory_space<hbm>> -> memref<1x128x64xf32, #tpu.memory_space<hbm>>
    %dma_start3A_963 = tpu.memref_squeeze %dma_start3A_962 : memref<1x128x64xf32, #tpu.memory_space<hbm>> -> memref<128x64xf32, #tpu.memory_space<hbm>>
    %dma_start3A_964 = arith.constant 4736 : i32
    %dma_start3A_965 = arith.constant 0 : i32
    %dma_start3A_966 = tpu.memref_slice %arg4[%add3A, %dma_start3A_964, %dma_start3A_965] : memref<32x5000x64xf32, #tpu.memory_space<hbm>> -> memref<1x128x64xf32, #tpu.memory_space<hbm>>
    %dma_start3A_967 = tpu.memref_squeeze %dma_start3A_966 : memref<1x128x64xf32, #tpu.memory_space<hbm>> -> memref<128x64xf32, #tpu.memory_space<hbm>>
    tpu.enqueue_dma source(%arg7 : memref<128x64xf32, #tpu.memory_space<vmem>>) target(%dma_start3A_967 : memref<128x64xf32, #tpu.memory_space<hbm>>) target_semaphore(%arg16 : memref<!tpu.dma_semaphore, #tpu.memory_space<semaphore_mem>>)
    %dma_wait3A_968 = arith.constant 4864 : i32
    %dma_wait3A_969 = tpu.memref_slice %arg5[%dma_wait3A_968] : memref<5000xi32, #tpu.memory_space<vmem>> -> memref<128xi32, #tpu.memory_space<vmem>>
    %dma_wait3A_970 = arith.constant 0 : i32
    %dma_wait3A_971 = arith.constant 0 : i32
    %dma_wait3A_972 = tpu.memref_slice %arg2[%dma_wait3A_970, %dma_wait3A_971] : memref<10000x64xf32, #tpu.memory_space<hbm>> -> memref<10000x64xf32, #tpu.memory_space<hbm>>
    tpu.wait_indirect_dma semaphore(%arg13 : memref<!tpu.dma_semaphore, #tpu.memory_space<semaphore_mem>>) src(%dma_wait3A_972 : memref<10000x64xf32, #tpu.memory_space<hbm>>) dst(%arg8 : memref<128x64xf32, #tpu.memory_space<vmem>>)
    %dma_start3A_973 = arith.constant 4864 : i32
    %dma_start3A_974 = arith.constant 0 : i32
    %dma_start3A_975 = tpu.memref_slice %arg4[%add3A, %dma_start3A_973, %dma_start3A_974] : memref<32x5000x64xf32, #tpu.memory_space<hbm>> -> memref<1x128x64xf32, #tpu.memory_space<hbm>>
    %dma_start3A_976 = tpu.memref_squeeze %dma_start3A_975 : memref<1x128x64xf32, #tpu.memory_space<hbm>> -> memref<128x64xf32, #tpu.memory_space<hbm>>
    %dma_start3A_977 = arith.constant 4864 : i32
    %dma_start3A_978 = arith.constant 0 : i32
    %dma_start3A_979 = tpu.memref_slice %arg4[%add3A, %dma_start3A_977, %dma_start3A_978] : memref<32x5000x64xf32, #tpu.memory_space<hbm>> -> memref<1x128x64xf32, #tpu.memory_space<hbm>>
    %dma_start3A_980 = tpu.memref_squeeze %dma_start3A_979 : memref<1x128x64xf32, #tpu.memory_space<hbm>> -> memref<128x64xf32, #tpu.memory_space<hbm>>
    tpu.enqueue_dma source(%arg8 : memref<128x64xf32, #tpu.memory_space<vmem>>) target(%dma_start3A_980 : memref<128x64xf32, #tpu.memory_space<hbm>>) target_semaphore(%arg17 : memref<!tpu.dma_semaphore, #tpu.memory_space<semaphore_mem>>)
    %dma_start3A_981 = arith.constant 4992 : i32
    %dma_start3A_982 = tpu.memref_slice %arg5[%dma_start3A_981] : memref<5000xi32, #tpu.memory_space<vmem>> -> memref<8xi32, #tpu.memory_space<vmem>>
    %dma_start3A_983 = arith.constant 0 : i32
    %dma_start3A_984 = arith.constant 0 : i32
    %dma_start3A_985 = tpu.memref_slice %arg2[%dma_start3A_983, %dma_start3A_984] : memref<10000x64xf32, #tpu.memory_space<hbm>> -> memref<10000x64xf32, #tpu.memory_space<hbm>>
    tpu.enqueue_indirect_dma source(%dma_start3A_985 : memref<10000x64xf32, #tpu.memory_space<hbm>>) target(%arg10 : memref<8x64xf32, #tpu.memory_space<vmem>>) offsets(%dma_start3A_982 : memref<8xi32, #tpu.memory_space<vmem>>) semaphore(%arg11 : memref<!tpu.dma_semaphore, #tpu.memory_space<semaphore_mem>>)
    %dma_wait3A_986 = arith.constant 4992 : i32
    %dma_wait3A_987 = tpu.memref_slice %arg5[%dma_wait3A_986] : memref<5000xi32, #tpu.memory_space<vmem>> -> memref<8xi32, #tpu.memory_space<vmem>>
    %dma_wait3A_988 = arith.constant 0 : i32
    %dma_wait3A_989 = arith.constant 0 : i32
    %dma_wait3A_990 = tpu.memref_slice %arg2[%dma_wait3A_988, %dma_wait3A_989] : memref<10000x64xf32, #tpu.memory_space<hbm>> -> memref<10000x64xf32, #tpu.memory_space<hbm>>
    tpu.wait_indirect_dma semaphore(%arg11 : memref<!tpu.dma_semaphore, #tpu.memory_space<semaphore_mem>>) src(%dma_wait3A_990 : memref<10000x64xf32, #tpu.memory_space<hbm>>) dst(%arg10 : memref<8x64xf32, #tpu.memory_space<vmem>>)
    "tpu.region"() ({
      %run_scoped3A = tpu.sem_alloc : memref<!tpu.dma_semaphore, #tpu.memory_space<semaphore_mem>>
      %dma_start3A_1023 = arith.constant 4992 : i32
      %dma_start3A_1024 = arith.constant 0 : i32
      %dma_start3A_1025 = tpu.memref_slice %arg4[%add3A, %dma_start3A_1023, %dma_start3A_1024] : memref<32x5000x64xf32, #tpu.memory_space<hbm>> -> memref<1x8x64xf32, #tpu.memory_space<hbm>>
      %dma_start3A_1026 = tpu.memref_squeeze %dma_start3A_1025 : memref<1x8x64xf32, #tpu.memory_space<hbm>> -> memref<8x64xf32, #tpu.memory_space<hbm>>
      %dma_start3A_1027 = arith.constant 4992 : i32
      %dma_start3A_1028 = arith.constant 0 : i32
      %dma_start3A_1029 = tpu.memref_slice %arg4[%add3A, %dma_start3A_1027, %dma_start3A_1028] : memref<32x5000x64xf32, #tpu.memory_space<hbm>> -> memref<1x8x64xf32, #tpu.memory_space<hbm>>
      %dma_start3A_1030 = tpu.memref_squeeze %dma_start3A_1029 : memref<1x8x64xf32, #tpu.memory_space<hbm>> -> memref<8x64xf32, #tpu.memory_space<hbm>>
      tpu.enqueue_dma source(%arg10 : memref<8x64xf32, #tpu.memory_space<vmem>>) target(%dma_start3A_1030 : memref<8x64xf32, #tpu.memory_space<hbm>>) target_semaphore(%run_scoped3A : memref<!tpu.dma_semaphore, #tpu.memory_space<semaphore_mem>>)
      %dma_wait3A_1031 = arith.constant 4992 : i32
      %dma_wait3A_1032 = arith.constant 0 : i32
      %dma_wait3A_1033 = tpu.memref_slice %arg4[%add3A, %dma_wait3A_1031, %dma_wait3A_1032] : memref<32x5000x64xf32, #tpu.memory_space<hbm>> -> memref<1x8x64xf32, #tpu.memory_space<hbm>>
      %dma_wait3A_1034 = tpu.memref_squeeze %dma_wait3A_1033 : memref<1x8x64xf32, #tpu.memory_space<hbm>> -> memref<8x64xf32, #tpu.memory_space<hbm>>
      %dma_wait3A_1035 = arith.constant 4992 : i32
      %dma_wait3A_1036 = arith.constant 0 : i32
      %dma_wait3A_1037 = tpu.memref_slice %arg4[%add3A, %dma_wait3A_1035, %dma_wait3A_1036] : memref<32x5000x64xf32, #tpu.memory_space<hbm>> -> memref<1x8x64xf32, #tpu.memory_space<hbm>>
      %dma_wait3A_1038 = tpu.memref_squeeze %dma_wait3A_1037 : memref<1x8x64xf32, #tpu.memory_space<hbm>> -> memref<8x64xf32, #tpu.memory_space<hbm>>
      tpu.wait_dma2 semaphore(%run_scoped3A : memref<!tpu.dma_semaphore, #tpu.memory_space<semaphore_mem>>) src(%arg10 : memref<8x64xf32, #tpu.memory_space<vmem>>) dst(%dma_wait3A_1038 : memref<8x64xf32, #tpu.memory_space<hbm>>)
      tpu.yield
    }) : () -> ()
    %dma_wait3A_991 = arith.constant 4480 : i32
    %dma_wait3A_992 = arith.constant 0 : i32
    %dma_wait3A_993 = tpu.memref_slice %arg4[%add3A, %dma_wait3A_991, %dma_wait3A_992] : memref<32x5000x64xf32, #tpu.memory_space<hbm>> -> memref<1x128x64xf32, #tpu.memory_space<hbm>>
    %dma_wait3A_994 = tpu.memref_squeeze %dma_wait3A_993 : memref<1x128x64xf32, #tpu.memory_space<hbm>> -> memref<128x64xf32, #tpu.memory_space<hbm>>
    %dma_wait3A_995 = arith.constant 4480 : i32
    %dma_wait3A_996 = arith.constant 0 : i32
    %dma_wait3A_997 = tpu.memref_slice %arg4[%add3A, %dma_wait3A_995, %dma_wait3A_996] : memref<32x5000x64xf32, #tpu.memory_space<hbm>> -> memref<1x128x64xf32, #tpu.memory_space<hbm>>
    %dma_wait3A_998 = tpu.memref_squeeze %dma_wait3A_997 : memref<1x128x64xf32, #tpu.memory_space<hbm>> -> memref<128x64xf32, #tpu.memory_space<hbm>>
    tpu.wait_dma2 semaphore(%arg18 : memref<!tpu.dma_semaphore, #tpu.memory_space<semaphore_mem>>) src(%arg9 : memref<128x64xf32, #tpu.memory_space<vmem>>) dst(%dma_wait3A_998 : memref<128x64xf32, #tpu.memory_space<hbm>>)
    %dma_wait3A_999 = arith.constant 4608 : i32
    %dma_wait3A_1000 = arith.constant 0 : i32
    %dma_wait3A_1001 = tpu.memref_slice %arg4[%add3A, %dma_wait3A_999, %dma_wait3A_1000] : memref<32x5000x64xf32, #tpu.memory_space<hbm>> -> memref<1x128x64xf32, #tpu.memory_space<hbm>>
    %dma_wait3A_1002 = tpu.memref_squeeze %dma_wait3A_1001 : memref<1x128x64xf32, #tpu.memory_space<hbm>> -> memref<128x64xf32, #tpu.memory_space<hbm>>
    %dma_wait3A_1003 = arith.constant 4608 : i32
    %dma_wait3A_1004 = arith.constant 0 : i32
    %dma_wait3A_1005 = tpu.memref_slice %arg4[%add3A, %dma_wait3A_1003, %dma_wait3A_1004] : memref<32x5000x64xf32, #tpu.memory_space<hbm>> -> memref<1x128x64xf32, #tpu.memory_space<hbm>>
    %dma_wait3A_1006 = tpu.memref_squeeze %dma_wait3A_1005 : memref<1x128x64xf32, #tpu.memory_space<hbm>> -> memref<128x64xf32, #tpu.memory_space<hbm>>
    tpu.wait_dma2 semaphore(%arg15 : memref<!tpu.dma_semaphore, #tpu.memory_space<semaphore_mem>>) src(%arg6 : memref<128x64xf32, #tpu.memory_space<vmem>>) dst(%dma_wait3A_1006 : memref<128x64xf32, #tpu.memory_space<hbm>>)
    %dma_wait3A_1007 = arith.constant 4736 : i32
    %dma_wait3A_1008 = arith.constant 0 : i32
    %dma_wait3A_1009 = tpu.memref_slice %arg4[%add3A, %dma_wait3A_1007, %dma_wait3A_1008] : memref<32x5000x64xf32, #tpu.memory_space<hbm>> -> memref<1x128x64xf32, #tpu.memory_space<hbm>>
    %dma_wait3A_1010 = tpu.memref_squeeze %dma_wait3A_1009 : memref<1x128x64xf32, #tpu.memory_space<hbm>> -> memref<128x64xf32, #tpu.memory_space<hbm>>
    %dma_wait3A_1011 = arith.constant 4736 : i32
    %dma_wait3A_1012 = arith.constant 0 : i32
    %dma_wait3A_1013 = tpu.memref_slice %arg4[%add3A, %dma_wait3A_1011, %dma_wait3A_1012] : memref<32x5000x64xf32, #tpu.memory_space<hbm>> -> memref<1x128x64xf32, #tpu.memory_space<hbm>>
    %dma_wait3A_1014 = tpu.memref_squeeze %dma_wait3A_1013 : memref<1x128x64xf32, #tpu.memory_space<hbm>> -> memref<128x64xf32, #tpu.memory_space<hbm>>
    tpu.wait_dma2 semaphore(%arg16 : memref<!tpu.dma_semaphore, #tpu.memory_space<semaphore_mem>>) src(%arg7 : memref<128x64xf32, #tpu.memory_space<vmem>>) dst(%dma_wait3A_1014 : memref<128x64xf32, #tpu.memory_space<hbm>>)
    %dma_wait3A_1015 = arith.constant 4864 : i32
    %dma_wait3A_1016 = arith.constant 0 : i32
    %dma_wait3A_1017 = tpu.memref_slice %arg4[%add3A, %dma_wait3A_1015, %dma_wait3A_1016] : memref<32x5000x64xf32, #tpu.memory_space<hbm>> -> memref<1x128x64xf32, #tpu.memory_space<hbm>>
    %dma_wait3A_1018 = tpu.memref_squeeze %dma_wait3A_1017 : memref<1x128x64xf32, #tpu.memory_space<hbm>> -> memref<128x64xf32, #tpu.memory_space<hbm>>
    %dma_wait3A_1019 = arith.constant 4864 : i32
    %dma_wait3A_1020 = arith.constant 0 : i32
    %dma_wait3A_1021 = tpu.memref_slice %arg4[%add3A, %dma_wait3A_1019, %dma_wait3A_1020] : memref<32x5000x64xf32, #tpu.memory_space<hbm>> -> memref<1x128x64xf32, #tpu.memory_space<hbm>>
    %dma_wait3A_1022 = tpu.memref_squeeze %dma_wait3A_1021 : memref<1x128x64xf32, #tpu.memory_space<hbm>> -> memref<128x64xf32, #tpu.memory_space<hbm>>
    tpu.wait_dma2 semaphore(%arg17 : memref<!tpu.dma_semaphore, #tpu.memory_space<semaphore_mem>>) src(%arg8 : memref<128x64xf32, #tpu.memory_space<vmem>>) dst(%dma_wait3A_1022 : memref<128x64xf32, #tpu.memory_space<hbm>>)
    return
  }
}

module attributes {stable_mosaic.version = 14 : i64} {
  func.func @_prep_body(%arg0: memref<4x10000xf32, #tpu.memory_space<vmem>>, %arg1: memref<64x10000xf32, #tpu.memory_space<vmem>>, %arg2: memref<1024x64xf32, #tpu.memory_space<vmem>>, %arg3: memref<64x1xf32, #tpu.memory_space<vmem>>, %arg4: memref<1024x1xf32, #tpu.memory_space<vmem>>, %arg5: memref<64x4xf32, #tpu.memory_space<vmem>>, %arg6: memref<1024x4xf32, #tpu.memory_space<vmem>>) attributes {dimension_semantics = [], scalar_prefetch = 0 : i64, scratch_operands = 0 : i64, tpu.core_type = #tpu.core_type<tc>} {
    %get3A = arith.constant 0 : index
    %get3A_0 = arith.constant 0 : index
    %get3A_1 = vector.load %arg0[%get3A, %get3A_0] : memref<4x10000xf32, #tpu.memory_space<vmem>>, vector<4x10000xf32>
    %transpose3A = tpu.transpose %get3A_1, [1, 0] : vector<4x10000xf32> -> vector<10000x4xf32>
    %get3A_2 = arith.constant 0 : index
    %get3A_3 = arith.constant 0 : index
    %get3A_4 = vector.load %arg1[%get3A_2, %get3A_3] : memref<64x10000xf32, #tpu.memory_space<vmem>>, vector<64x10000xf32>
    %dot_general3A = arith.constant dense<0.000000e+00> : vector<64x4xf32>
    %dot_general3A_5 = tpu.matmul %get3A_4, %transpose3A, %dot_general3A {dimension_numbers = #tpu.dot_dimension_numbers<[1], [0], [0], [1], [0, 0, 1, 1], [], []>, transpose_lhs_hint = false} : vector<64x10000xf32>, vector<10000x4xf32>, vector<64x4xf32> -> vector<64x4xf32>
    %get3A_6 = arith.constant 0 : index
    %get3A_7 = arith.constant 0 : index
    %get3A_8 = vector.load %arg3[%get3A_6, %get3A_7] : memref<64x1xf32, #tpu.memory_space<vmem>>, vector<64x1xf32>
    %add3A = vector.broadcast %get3A_8 : vector<64x1xf32> to vector<64x4xf32>
    %add3A_9 = arith.addf %dot_general3A_5, %add3A : vector<64x4xf32>
    %get3A_10 = arith.constant 0 : index
    %get3A_11 = arith.constant 0 : index
    %get3A_12 = vector.load %arg2[%get3A_10, %get3A_11] : memref<1024x64xf32, #tpu.memory_space<vmem>>, vector<1024x64xf32>
    %dot_general3A_13 = arith.constant dense<0.000000e+00> : vector<1024x4xf32>
    %dot_general3A_14 = tpu.matmul %get3A_12, %add3A_9, %dot_general3A_13 {dimension_numbers = #tpu.dot_dimension_numbers<[1], [0], [0], [1], [0, 0, 1, 1], [], []>, transpose_lhs_hint = false} : vector<1024x64xf32>, vector<64x4xf32>, vector<1024x4xf32> -> vector<1024x4xf32>
    %get3A_15 = arith.constant 0 : index
    %get3A_16 = arith.constant 0 : index
    %get3A_17 = vector.load %arg4[%get3A_15, %get3A_16] : memref<1024x1xf32, #tpu.memory_space<vmem>>, vector<1024x1xf32>
    %add3A_18 = vector.broadcast %get3A_17 : vector<1024x1xf32> to vector<1024x4xf32>
    %add3A_19 = arith.addf %dot_general3A_14, %add3A_18 : vector<1024x4xf32>
    %neg3A = arith.constant 0.000000e+00 : f32
    %neg3A_20 = vector.broadcast %neg3A : f32 to vector<1024x4xf32>
    %neg3A_21 = arith.subf %neg3A_20, %add3A_19 : vector<1024x4xf32>
    %exp3A = math.exp %neg3A_21 : vector<1024x4xf32>
    %add3A_22 = arith.constant 1.000000e+00 : f32
    %add3A_23 = vector.broadcast %add3A_22 : f32 to vector<1024x4xf32>
    %add3A_24 = arith.addf %add3A_23, %exp3A : vector<1024x4xf32>
    %mul3A = arith.constant 1.000000e-01 : f32
    %mul3A_25 = vector.broadcast %mul3A : f32 to vector<1024x4xf32>
    %mul3A_26 = arith.mulf %mul3A_25, %add3A_24 : vector<1024x4xf32>
    %swap3A = arith.constant 0 : index
    %swap3A_27 = arith.constant 0 : index
    %swap3A_28 = vector.load %arg5[%swap3A, %swap3A_27] : memref<64x4xf32, #tpu.memory_space<vmem>>, vector<64x4xf32>
    tpu.vector_store %arg5[%swap3A, %swap3A_27], %add3A_9 {strides = array<i32>} : memref<64x4xf32, #tpu.memory_space<vmem>>, vector<64x4xf32>,
    %mul3A_29 = arith.mulf %mul3A_26, %mul3A_26 : vector<1024x4xf32>
    %swap3A_30 = arith.constant 0 : index
    %swap3A_31 = arith.constant 0 : index
    %swap3A_32 = vector.load %arg6[%swap3A_30, %swap3A_31] : memref<1024x4xf32, #tpu.memory_space<vmem>>, vector<1024x4xf32>
    tpu.vector_store %arg6[%swap3A_30, %swap3A_31], %mul3A_29 {strides = array<i32>} : memref<1024x4xf32, #tpu.memory_space<vmem>>, vector<1024x4xf32>,
    return
  }
}

module attributes {stable_mosaic.version = 14 : i64} {
  func.func @_s_body(%arg0: i32, %arg1: memref<1x1x2000xi32, #tpu.memory_space<vmem>>, %arg2: memref<2000x16xf32, #tpu.memory_space<vmem>>, %arg3: memref<16x256xf32, #tpu.memory_space<vmem>>, %arg4: memref<1x256xf32, #tpu.memory_space<vmem>>, %arg5: memref<16x256xf32, #tpu.memory_space<vmem>>, %arg6: memref<16x256xf32, #tpu.memory_space<vmem>>) attributes {dimension_semantics = [#tpu.dimension_semantics<arbitrary>], iteration_bounds = array<i64: 5>, scalar_prefetch = 0 : i64, scratch_operands = 1 : i64, tpu.core_type = #tpu.core_type<tc>, window_params = [{transform_indices = @transform_0, window_bounds = array<i64: 1, 1, 2000>}, {transform_indices = @transform_1, window_bounds = array<i64: 2000, 16>}, {pipeline_mode = #tpu.pipeline_mode<synchronous>, transform_indices = @transform_2, window_bounds = array<i64: 16, 256>}, {pipeline_mode = #tpu.pipeline_mode<synchronous>, transform_indices = @transform_3, window_bounds = array<i64: 1, 256>}, {pipeline_mode = #tpu.pipeline_mode<synchronous>, transform_indices = @transform_4, window_bounds = array<i64: 16, 256>}]} {
    %get3A = arith.constant 0 : index
    %get3A_0 = arith.constant 0 : index
    %get3A_1 = arith.constant 0 : index
    %get3A_2 = vector.load %arg1[%get3A, %get3A_0, %get3A_1] : memref<1x1x2000xi32, #tpu.memory_space<vmem>>, vector<1x1x2000xi32>
    %get3A_3 = vector.shape_cast %get3A_2 : vector<1x1x2000xi32> to vector<1x2000xi32>
    %iota3A = tpu.iota {dimensions = array<i32: 0>} : vector<16x2000xi32>
    %eq3A = vector.broadcast %get3A_3 : vector<1x2000xi32> to vector<16x2000xi32>
    %eq3A_4 = arith.cmpi eq, %eq3A, %iota3A : vector<16x2000xi32>
    %jit3A = arith.constant 1.000000e+00 : f32
    %jit3A_5 = arith.constant 0.000000e+00 : f32
    %broadcast_in_dim3A = vector.broadcast %jit3A : f32 to vector<16x2000xf32>
    %broadcast_in_dim3A_6 = vector.broadcast %jit3A_5 : f32 to vector<16x2000xf32>
    %select_n3A = arith.select %eq3A_4, %broadcast_in_dim3A, %broadcast_in_dim3A_6 : vector<16x2000xi1>, vector<16x2000xf32>
    %get3A_7 = arith.constant 0 : index
    %get3A_8 = arith.constant 0 : index
    %get3A_9 = vector.load %arg3[%get3A_7, %get3A_8] : memref<16x256xf32, #tpu.memory_space<vmem>>, vector<16x256xf32>
    %dot_general3A = arith.constant dense<0.000000e+00> : vector<2000x256xf32>
    %dot_general3A_10 = tpu.matmul %select_n3A, %get3A_9, %dot_general3A {dimension_numbers = #tpu.dot_dimension_numbers<[0], [0], [1], [1], [0, 1, 1, 1], [], []>, transpose_lhs_hint = false} : vector<16x2000xf32>, vector<16x256xf32>, vector<2000x256xf32> -> vector<2000x256xf32>
    %get3A_11 = arith.constant 0 : index
    %get3A_12 = arith.constant 0 : index
    %get3A_13 = vector.load %arg2[%get3A_11, %get3A_12] : memref<2000x16xf32, #tpu.memory_space<vmem>>, vector<2000x16xf32>
    %mul3A = arith.mulf %get3A_13, %get3A_13 : vector<2000x16xf32>
    %broadcast_in_dim3A_14 = arith.constant 1.000000e+00 : f32
    %broadcast_in_dim3A_15 = vector.broadcast %broadcast_in_dim3A_14 : f32 to vector<1x2000xf32>
    %slice3A = vector.extract_strided_slice %mul3A {offsets = [0, 0], sizes = [2000, 1], strides = [1, 1]} : vector<2000x16xf32> to vector<2000x1xf32>
    %mul3A_16 = vector.broadcast %slice3A : vector<2000x1xf32> to vector<2000x256xf32>
    %mul3A_17 = arith.mulf %dot_general3A_10, %mul3A_16 : vector<2000x256xf32>
    %sub3A = arith.constant 1.000000e+00 : f32
    %sub3A_18 = vector.broadcast %sub3A : f32 to vector<2000x256xf32>
    %sub3A_19 = arith.subf %sub3A_18, %mul3A_17 : vector<2000x256xf32>
    %max3A = arith.constant 0.000000e+00 : f32
    %max3A_20 = vector.broadcast %max3A : f32 to vector<2000x256xf32>
    %max3A_21 = arith.maximumf %sub3A_19, %max3A_20 : vector<2000x256xf32>
    %dot_general3A_22 = arith.constant dense<0.000000e+00> : vector<1x256xf32>
    %dot_general3A_23 = tpu.matmul %broadcast_in_dim3A_15, %max3A_21, %dot_general3A_22 {dimension_numbers = #tpu.dot_dimension_numbers<[1], [0], [0], [1], [0, 0, 1, 1], [], []>, transpose_lhs_hint = false} : vector<1x2000xf32>, vector<2000x256xf32>, vector<1x256xf32> -> vector<1x256xf32>
    %slice3A_24 = vector.extract_strided_slice %mul3A {offsets = [0, 1], sizes = [2000, 1], strides = [1, 1]} : vector<2000x16xf32> to vector<2000x1xf32>
    %mul3A_25 = vector.broadcast %slice3A_24 : vector<2000x1xf32> to vector<2000x256xf32>
    %mul3A_26 = arith.mulf %dot_general3A_10, %mul3A_25 : vector<2000x256xf32>
    %sub3A_27 = arith.constant 1.000000e+00 : f32
    %sub3A_28 = vector.broadcast %sub3A_27 : f32 to vector<2000x256xf32>
    %sub3A_29 = arith.subf %sub3A_28, %mul3A_26 : vector<2000x256xf32>
    %max3A_30 = arith.constant 0.000000e+00 : f32
    %max3A_31 = vector.broadcast %max3A_30 : f32 to vector<2000x256xf32>
    %max3A_32 = arith.maximumf %sub3A_29, %max3A_31 : vector<2000x256xf32>
    %dot_general3A_33 = arith.constant dense<0.000000e+00> : vector<1x256xf32>
    %dot_general3A_34 = tpu.matmul %broadcast_in_dim3A_15, %max3A_32, %dot_general3A_33 {dimension_numbers = #tpu.dot_dimension_numbers<[1], [0], [0], [1], [0, 0, 1, 1], [], []>, transpose_lhs_hint = false} : vector<1x2000xf32>, vector<2000x256xf32>, vector<1x256xf32> -> vector<1x256xf32>
    %slice3A_35 = vector.extract_strided_slice %mul3A {offsets = [0, 2], sizes = [2000, 1], strides = [1, 1]} : vector<2000x16xf32> to vector<2000x1xf32>
    %mul3A_36 = vector.broadcast %slice3A_35 : vector<2000x1xf32> to vector<2000x256xf32>
    %mul3A_37 = arith.mulf %dot_general3A_10, %mul3A_36 : vector<2000x256xf32>
    %sub3A_38 = arith.constant 1.000000e+00 : f32
    %sub3A_39 = vector.broadcast %sub3A_38 : f32 to vector<2000x256xf32>
    %sub3A_40 = arith.subf %sub3A_39, %mul3A_37 : vector<2000x256xf32>
    %max3A_41 = arith.constant 0.000000e+00 : f32
    %max3A_42 = vector.broadcast %max3A_41 : f32 to vector<2000x256xf32>
    %max3A_43 = arith.maximumf %sub3A_40, %max3A_42 : vector<2000x256xf32>
    %dot_general3A_44 = arith.constant dense<0.000000e+00> : vector<1x256xf32>
    %dot_general3A_45 = tpu.matmul %broadcast_in_dim3A_15, %max3A_43, %dot_general3A_44 {dimension_numbers = #tpu.dot_dimension_numbers<[1], [0], [0], [1], [0, 0, 1, 1], [], []>, transpose_lhs_hint = false} : vector<1x2000xf32>, vector<2000x256xf32>, vector<1x256xf32> -> vector<1x256xf32>
    %slice3A_46 = vector.extract_strided_slice %mul3A {offsets = [0, 3], sizes = [2000, 1], strides = [1, 1]} : vector<2000x16xf32> to vector<2000x1xf32>
    %mul3A_47 = vector.broadcast %slice3A_46 : vector<2000x1xf32> to vector<2000x256xf32>
    %mul3A_48 = arith.mulf %dot_general3A_10, %mul3A_47 : vector<2000x256xf32>
    %sub3A_49 = arith.constant 1.000000e+00 : f32
    %sub3A_50 = vector.broadcast %sub3A_49 : f32 to vector<2000x256xf32>
    %sub3A_51 = arith.subf %sub3A_50, %mul3A_48 : vector<2000x256xf32>
    %max3A_52 = arith.constant 0.000000e+00 : f32
    %max3A_53 = vector.broadcast %max3A_52 : f32 to vector<2000x256xf32>
    %max3A_54 = arith.maximumf %sub3A_51, %max3A_53 : vector<2000x256xf32>
    %dot_general3A_55 = arith.constant dense<0.000000e+00> : vector<1x256xf32>
    %dot_general3A_56 = tpu.matmul %broadcast_in_dim3A_15, %max3A_54, %dot_general3A_55 {dimension_numbers = #tpu.dot_dimension_numbers<[1], [0], [0], [1], [0, 0, 1, 1], [], []>, transpose_lhs_hint = false} : vector<1x2000xf32>, vector<2000x256xf32>, vector<1x256xf32> -> vector<1x256xf32>
    %slice3A_57 = vector.extract_strided_slice %mul3A {offsets = [0, 4], sizes = [2000, 1], strides = [1, 1]} : vector<2000x16xf32> to vector<2000x1xf32>
    %mul3A_58 = vector.broadcast %slice3A_57 : vector<2000x1xf32> to vector<2000x256xf32>
    %mul3A_59 = arith.mulf %dot_general3A_10, %mul3A_58 : vector<2000x256xf32>
    %sub3A_60 = arith.constant 1.000000e+00 : f32
    %sub3A_61 = vector.broadcast %sub3A_60 : f32 to vector<2000x256xf32>
    %sub3A_62 = arith.subf %sub3A_61, %mul3A_59 : vector<2000x256xf32>
    %max3A_63 = arith.constant 0.000000e+00 : f32
    %max3A_64 = vector.broadcast %max3A_63 : f32 to vector<2000x256xf32>
    %max3A_65 = arith.maximumf %sub3A_62, %max3A_64 : vector<2000x256xf32>
    %dot_general3A_66 = arith.constant dense<0.000000e+00> : vector<1x256xf32>
    %dot_general3A_67 = tpu.matmul %broadcast_in_dim3A_15, %max3A_65, %dot_general3A_66 {dimension_numbers = #tpu.dot_dimension_numbers<[1], [0], [0], [1], [0, 0, 1, 1], [], []>, transpose_lhs_hint = false} : vector<1x2000xf32>, vector<2000x256xf32>, vector<1x256xf32> -> vector<1x256xf32>
    %slice3A_68 = vector.extract_strided_slice %mul3A {offsets = [0, 5], sizes = [2000, 1], strides = [1, 1]} : vector<2000x16xf32> to vector<2000x1xf32>
    %mul3A_69 = vector.broadcast %slice3A_68 : vector<2000x1xf32> to vector<2000x256xf32>
    %mul3A_70 = arith.mulf %dot_general3A_10, %mul3A_69 : vector<2000x256xf32>
    %sub3A_71 = arith.constant 1.000000e+00 : f32
    %sub3A_72 = vector.broadcast %sub3A_71 : f32 to vector<2000x256xf32>
    %sub3A_73 = arith.subf %sub3A_72, %mul3A_70 : vector<2000x256xf32>
    %max3A_74 = arith.constant 0.000000e+00 : f32
    %max3A_75 = vector.broadcast %max3A_74 : f32 to vector<2000x256xf32>
    %max3A_76 = arith.maximumf %sub3A_73, %max3A_75 : vector<2000x256xf32>
    %dot_general3A_77 = arith.constant dense<0.000000e+00> : vector<1x256xf32>
    %dot_general3A_78 = tpu.matmul %broadcast_in_dim3A_15, %max3A_76, %dot_general3A_77 {dimension_numbers = #tpu.dot_dimension_numbers<[1], [0], [0], [1], [0, 0, 1, 1], [], []>, transpose_lhs_hint = false} : vector<1x2000xf32>, vector<2000x256xf32>, vector<1x256xf32> -> vector<1x256xf32>
    %slice3A_79 = vector.extract_strided_slice %mul3A {offsets = [0, 6], sizes = [2000, 1], strides = [1, 1]} : vector<2000x16xf32> to vector<2000x1xf32>
    %mul3A_80 = vector.broadcast %slice3A_79 : vector<2000x1xf32> to vector<2000x256xf32>
    %mul3A_81 = arith.mulf %dot_general3A_10, %mul3A_80 : vector<2000x256xf32>
    %sub3A_82 = arith.constant 1.000000e+00 : f32
    %sub3A_83 = vector.broadcast %sub3A_82 : f32 to vector<2000x256xf32>
    %sub3A_84 = arith.subf %sub3A_83, %mul3A_81 : vector<2000x256xf32>
    %max3A_85 = arith.constant 0.000000e+00 : f32
    %max3A_86 = vector.broadcast %max3A_85 : f32 to vector<2000x256xf32>
    %max3A_87 = arith.maximumf %sub3A_84, %max3A_86 : vector<2000x256xf32>
    %dot_general3A_88 = arith.constant dense<0.000000e+00> : vector<1x256xf32>
    %dot_general3A_89 = tpu.matmul %broadcast_in_dim3A_15, %max3A_87, %dot_general3A_88 {dimension_numbers = #tpu.dot_dimension_numbers<[1], [0], [0], [1], [0, 0, 1, 1], [], []>, transpose_lhs_hint = false} : vector<1x2000xf32>, vector<2000x256xf32>, vector<1x256xf32> -> vector<1x256xf32>
    %slice3A_90 = vector.extract_strided_slice %mul3A {offsets = [0, 7], sizes = [2000, 1], strides = [1, 1]} : vector<2000x16xf32> to vector<2000x1xf32>
    %mul3A_91 = vector.broadcast %slice3A_90 : vector<2000x1xf32> to vector<2000x256xf32>
    %mul3A_92 = arith.mulf %dot_general3A_10, %mul3A_91 : vector<2000x256xf32>
    %sub3A_93 = arith.constant 1.000000e+00 : f32
    %sub3A_94 = vector.broadcast %sub3A_93 : f32 to vector<2000x256xf32>
    %sub3A_95 = arith.subf %sub3A_94, %mul3A_92 : vector<2000x256xf32>
    %max3A_96 = arith.constant 0.000000e+00 : f32
    %max3A_97 = vector.broadcast %max3A_96 : f32 to vector<2000x256xf32>
    %max3A_98 = arith.maximumf %sub3A_95, %max3A_97 : vector<2000x256xf32>
    %dot_general3A_99 = arith.constant dense<0.000000e+00> : vector<1x256xf32>
    %dot_general3A_100 = tpu.matmul %broadcast_in_dim3A_15, %max3A_98, %dot_general3A_99 {dimension_numbers = #tpu.dot_dimension_numbers<[1], [0], [0], [1], [0, 0, 1, 1], [], []>, transpose_lhs_hint = false} : vector<1x2000xf32>, vector<2000x256xf32>, vector<1x256xf32> -> vector<1x256xf32>
    %slice3A_101 = vector.extract_strided_slice %mul3A {offsets = [0, 8], sizes = [2000, 1], strides = [1, 1]} : vector<2000x16xf32> to vector<2000x1xf32>
    %mul3A_102 = vector.broadcast %slice3A_101 : vector<2000x1xf32> to vector<2000x256xf32>
    %mul3A_103 = arith.mulf %dot_general3A_10, %mul3A_102 : vector<2000x256xf32>
    %sub3A_104 = arith.constant 1.000000e+00 : f32
    %sub3A_105 = vector.broadcast %sub3A_104 : f32 to vector<2000x256xf32>
    %sub3A_106 = arith.subf %sub3A_105, %mul3A_103 : vector<2000x256xf32>
    %max3A_107 = arith.constant 0.000000e+00 : f32
    %max3A_108 = vector.broadcast %max3A_107 : f32 to vector<2000x256xf32>
    %max3A_109 = arith.maximumf %sub3A_106, %max3A_108 : vector<2000x256xf32>
    %dot_general3A_110 = arith.constant dense<0.000000e+00> : vector<1x256xf32>
    %dot_general3A_111 = tpu.matmul %broadcast_in_dim3A_15, %max3A_109, %dot_general3A_110 {dimension_numbers = #tpu.dot_dimension_numbers<[1], [0], [0], [1], [0, 0, 1, 1], [], []>, transpose_lhs_hint = false} : vector<1x2000xf32>, vector<2000x256xf32>, vector<1x256xf32> -> vector<1x256xf32>
    %slice3A_112 = vector.extract_strided_slice %mul3A {offsets = [0, 9], sizes = [2000, 1], strides = [1, 1]} : vector<2000x16xf32> to vector<2000x1xf32>
    %mul3A_113 = vector.broadcast %slice3A_112 : vector<2000x1xf32> to vector<2000x256xf32>
    %mul3A_114 = arith.mulf %dot_general3A_10, %mul3A_113 : vector<2000x256xf32>
    %sub3A_115 = arith.constant 1.000000e+00 : f32
    %sub3A_116 = vector.broadcast %sub3A_115 : f32 to vector<2000x256xf32>
    %sub3A_117 = arith.subf %sub3A_116, %mul3A_114 : vector<2000x256xf32>
    %max3A_118 = arith.constant 0.000000e+00 : f32
    %max3A_119 = vector.broadcast %max3A_118 : f32 to vector<2000x256xf32>
    %max3A_120 = arith.maximumf %sub3A_117, %max3A_119 : vector<2000x256xf32>
    %dot_general3A_121 = arith.constant dense<0.000000e+00> : vector<1x256xf32>
    %dot_general3A_122 = tpu.matmul %broadcast_in_dim3A_15, %max3A_120, %dot_general3A_121 {dimension_numbers = #tpu.dot_dimension_numbers<[1], [0], [0], [1], [0, 0, 1, 1], [], []>, transpose_lhs_hint = false} : vector<1x2000xf32>, vector<2000x256xf32>, vector<1x256xf32> -> vector<1x256xf32>
    %slice3A_123 = vector.extract_strided_slice %mul3A {offsets = [0, 10], sizes = [2000, 1], strides = [1, 1]} : vector<2000x16xf32> to vector<2000x1xf32>
    %mul3A_124 = vector.broadcast %slice3A_123 : vector<2000x1xf32> to vector<2000x256xf32>
    %mul3A_125 = arith.mulf %dot_general3A_10, %mul3A_124 : vector<2000x256xf32>
    %sub3A_126 = arith.constant 1.000000e+00 : f32
    %sub3A_127 = vector.broadcast %sub3A_126 : f32 to vector<2000x256xf32>
    %sub3A_128 = arith.subf %sub3A_127, %mul3A_125 : vector<2000x256xf32>
    %max3A_129 = arith.constant 0.000000e+00 : f32
    %max3A_130 = vector.broadcast %max3A_129 : f32 to vector<2000x256xf32>
    %max3A_131 = arith.maximumf %sub3A_128, %max3A_130 : vector<2000x256xf32>
    %dot_general3A_132 = arith.constant dense<0.000000e+00> : vector<1x256xf32>
    %dot_general3A_133 = tpu.matmul %broadcast_in_dim3A_15, %max3A_131, %dot_general3A_132 {dimension_numbers = #tpu.dot_dimension_numbers<[1], [0], [0], [1], [0, 0, 1, 1], [], []>, transpose_lhs_hint = false} : vector<1x2000xf32>, vector<2000x256xf32>, vector<1x256xf32> -> vector<1x256xf32>
    %slice3A_134 = vector.extract_strided_slice %mul3A {offsets = [0, 11], sizes = [2000, 1], strides = [1, 1]} : vector<2000x16xf32> to vector<2000x1xf32>
    %mul3A_135 = vector.broadcast %slice3A_134 : vector<2000x1xf32> to vector<2000x256xf32>
    %mul3A_136 = arith.mulf %dot_general3A_10, %mul3A_135 : vector<2000x256xf32>
    %sub3A_137 = arith.constant 1.000000e+00 : f32
    %sub3A_138 = vector.broadcast %sub3A_137 : f32 to vector<2000x256xf32>
    %sub3A_139 = arith.subf %sub3A_138, %mul3A_136 : vector<2000x256xf32>
    %max3A_140 = arith.constant 0.000000e+00 : f32
    %max3A_141 = vector.broadcast %max3A_140 : f32 to vector<2000x256xf32>
    %max3A_142 = arith.maximumf %sub3A_139, %max3A_141 : vector<2000x256xf32>
    %dot_general3A_143 = arith.constant dense<0.000000e+00> : vector<1x256xf32>
    %dot_general3A_144 = tpu.matmul %broadcast_in_dim3A_15, %max3A_142, %dot_general3A_143 {dimension_numbers = #tpu.dot_dimension_numbers<[1], [0], [0], [1], [0, 0, 1, 1], [], []>, transpose_lhs_hint = false} : vector<1x2000xf32>, vector<2000x256xf32>, vector<1x256xf32> -> vector<1x256xf32>
    %slice3A_145 = vector.extract_strided_slice %mul3A {offsets = [0, 12], sizes = [2000, 1], strides = [1, 1]} : vector<2000x16xf32> to vector<2000x1xf32>
    %mul3A_146 = vector.broadcast %slice3A_145 : vector<2000x1xf32> to vector<2000x256xf32>
    %mul3A_147 = arith.mulf %dot_general3A_10, %mul3A_146 : vector<2000x256xf32>
    %sub3A_148 = arith.constant 1.000000e+00 : f32
    %sub3A_149 = vector.broadcast %sub3A_148 : f32 to vector<2000x256xf32>
    %sub3A_150 = arith.subf %sub3A_149, %mul3A_147 : vector<2000x256xf32>
    %max3A_151 = arith.constant 0.000000e+00 : f32
    %max3A_152 = vector.broadcast %max3A_151 : f32 to vector<2000x256xf32>
    %max3A_153 = arith.maximumf %sub3A_150, %max3A_152 : vector<2000x256xf32>
    %dot_general3A_154 = arith.constant dense<0.000000e+00> : vector<1x256xf32>
    %dot_general3A_155 = tpu.matmul %broadcast_in_dim3A_15, %max3A_153, %dot_general3A_154 {dimension_numbers = #tpu.dot_dimension_numbers<[1], [0], [0], [1], [0, 0, 1, 1], [], []>, transpose_lhs_hint = false} : vector<1x2000xf32>, vector<2000x256xf32>, vector<1x256xf32> -> vector<1x256xf32>
    %slice3A_156 = vector.extract_strided_slice %mul3A {offsets = [0, 13], sizes = [2000, 1], strides = [1, 1]} : vector<2000x16xf32> to vector<2000x1xf32>
    %mul3A_157 = vector.broadcast %slice3A_156 : vector<2000x1xf32> to vector<2000x256xf32>
    %mul3A_158 = arith.mulf %dot_general3A_10, %mul3A_157 : vector<2000x256xf32>
    %sub3A_159 = arith.constant 1.000000e+00 : f32
    %sub3A_160 = vector.broadcast %sub3A_159 : f32 to vector<2000x256xf32>
    %sub3A_161 = arith.subf %sub3A_160, %mul3A_158 : vector<2000x256xf32>
    %max3A_162 = arith.constant 0.000000e+00 : f32
    %max3A_163 = vector.broadcast %max3A_162 : f32 to vector<2000x256xf32>
    %max3A_164 = arith.maximumf %sub3A_161, %max3A_163 : vector<2000x256xf32>
    %dot_general3A_165 = arith.constant dense<0.000000e+00> : vector<1x256xf32>
    %dot_general3A_166 = tpu.matmul %broadcast_in_dim3A_15, %max3A_164, %dot_general3A_165 {dimension_numbers = #tpu.dot_dimension_numbers<[1], [0], [0], [1], [0, 0, 1, 1], [], []>, transpose_lhs_hint = false} : vector<1x2000xf32>, vector<2000x256xf32>, vector<1x256xf32> -> vector<1x256xf32>
    %slice3A_167 = vector.extract_strided_slice %mul3A {offsets = [0, 14], sizes = [2000, 1], strides = [1, 1]} : vector<2000x16xf32> to vector<2000x1xf32>
    %mul3A_168 = vector.broadcast %slice3A_167 : vector<2000x1xf32> to vector<2000x256xf32>
    %mul3A_169 = arith.mulf %dot_general3A_10, %mul3A_168 : vector<2000x256xf32>
    %sub3A_170 = arith.constant 1.000000e+00 : f32
    %sub3A_171 = vector.broadcast %sub3A_170 : f32 to vector<2000x256xf32>
    %sub3A_172 = arith.subf %sub3A_171, %mul3A_169 : vector<2000x256xf32>
    %max3A_173 = arith.constant 0.000000e+00 : f32
    %max3A_174 = vector.broadcast %max3A_173 : f32 to vector<2000x256xf32>
    %max3A_175 = arith.maximumf %sub3A_172, %max3A_174 : vector<2000x256xf32>
    %dot_general3A_176 = arith.constant dense<0.000000e+00> : vector<1x256xf32>
    %dot_general3A_177 = tpu.matmul %broadcast_in_dim3A_15, %max3A_175, %dot_general3A_176 {dimension_numbers = #tpu.dot_dimension_numbers<[1], [0], [0], [1], [0, 0, 1, 1], [], []>, transpose_lhs_hint = false} : vector<1x2000xf32>, vector<2000x256xf32>, vector<1x256xf32> -> vector<1x256xf32>
    %slice3A_178 = vector.extract_strided_slice %mul3A {offsets = [0, 15], sizes = [2000, 1], strides = [1, 1]} : vector<2000x16xf32> to vector<2000x1xf32>
    %mul3A_179 = vector.broadcast %slice3A_178 : vector<2000x1xf32> to vector<2000x256xf32>
    %mul3A_180 = arith.mulf %dot_general3A_10, %mul3A_179 : vector<2000x256xf32>
    %sub3A_181 = arith.constant 1.000000e+00 : f32
    %sub3A_182 = vector.broadcast %sub3A_181 : f32 to vector<2000x256xf32>
    %sub3A_183 = arith.subf %sub3A_182, %mul3A_180 : vector<2000x256xf32>
    %max3A_184 = arith.constant 0.000000e+00 : f32
    %max3A_185 = vector.broadcast %max3A_184 : f32 to vector<2000x256xf32>
    %max3A_186 = arith.maximumf %sub3A_183, %max3A_185 : vector<2000x256xf32>
    %dot_general3A_187 = arith.constant dense<0.000000e+00> : vector<1x256xf32>
    %dot_general3A_188 = tpu.matmul %broadcast_in_dim3A_15, %max3A_186, %dot_general3A_187 {dimension_numbers = #tpu.dot_dimension_numbers<[1], [0], [0], [1], [0, 0, 1, 1], [], []>, transpose_lhs_hint = false} : vector<1x2000xf32>, vector<2000x256xf32>, vector<1x256xf32> -> vector<1x256xf32>
    %concatenate3A = tpu.concatenate %dot_general3A_23, %dot_general3A_34, %dot_general3A_45, %dot_general3A_56, %dot_general3A_67, %dot_general3A_78, %dot_general3A_89, %dot_general3A_100, %dot_general3A_111, %dot_general3A_122, %dot_general3A_133, %dot_general3A_144, %dot_general3A_155, %dot_general3A_166, %dot_general3A_177, %dot_general3A_188 in 0 : vector<1x256xf32>, vector<1x256xf32>, vector<1x256xf32>, vector<1x256xf32>, vector<1x256xf32>, vector<1x256xf32>, vector<1x256xf32>, vector<1x256xf32>, vector<1x256xf32>, vector<1x256xf32>, vector<1x256xf32>, vector<1x256xf32>, vector<1x256xf32>, vector<1x256xf32>, vector<1x256xf32>, vector<1x256xf32> -> vector<16x256xf32>
    %eq3A_189 = arith.constant 0 : i32
    %eq3A_190 = arith.cmpi eq, %arg0, %eq3A_189 : i32
    %convert_element_type3A = arith.extui %eq3A_190 : i1 to i32
    %cond3A = arith.constant 0 : i32
    %cond3A_191 = arith.cmpi ne, %convert_element_type3A, %cond3A : i32
    scf.if %cond3A_191 {
      %swap3A = arith.constant 0 : index
      %swap3A_201 = arith.constant 0 : index
      %swap3A_202 = vector.load %arg6[%swap3A, %swap3A_201] : memref<16x256xf32, #tpu.memory_space<vmem>>, vector<16x256xf32>
      tpu.vector_store %arg6[%swap3A, %swap3A_201], %concatenate3A {strides = array<i32>} : memref<16x256xf32, #tpu.memory_space<vmem>>, vector<16x256xf32>,
    } else {
    }
    %ne3A = arith.constant 0 : i32
    %ne3A_192 = arith.cmpi ne, %arg0, %ne3A : i32
    %convert_element_type3A_193 = arith.extui %ne3A_192 : i1 to i32
    %cond3A_194 = arith.constant 0 : i32
    %cond3A_195 = arith.cmpi ne, %convert_element_type3A_193, %cond3A_194 : i32
    scf.if %cond3A_195 {
      %get3A_201 = arith.constant 0 : index
      %get3A_202 = arith.constant 0 : index
      %get3A_203 = vector.load %arg6[%get3A_201, %get3A_202] : memref<16x256xf32, #tpu.memory_space<vmem>>, vector<16x256xf32>
      %add3A = arith.addf %get3A_203, %concatenate3A : vector<16x256xf32>
      %swap3A = arith.constant 0 : index
      %swap3A_204 = arith.constant 0 : index
      %swap3A_205 = vector.load %arg6[%swap3A, %swap3A_204] : memref<16x256xf32, #tpu.memory_space<vmem>>, vector<16x256xf32>
      tpu.vector_store %arg6[%swap3A, %swap3A_204], %add3A {strides = array<i32>} : memref<16x256xf32, #tpu.memory_space<vmem>>, vector<16x256xf32>,
    } else {
    }
    %eq3A_196 = arith.constant 4 : i32
    %eq3A_197 = arith.cmpi eq, %arg0, %eq3A_196 : i32
    %convert_element_type3A_198 = arith.extui %eq3A_197 : i1 to i32
    %cond3A_199 = arith.constant 0 : i32
    %cond3A_200 = arith.cmpi ne, %convert_element_type3A_198, %cond3A_199 : i32
    scf.if %cond3A_200 {
      %get3A_201 = arith.constant 0 : index
      %get3A_202 = arith.constant 0 : index
      %get3A_203 = vector.load %arg4[%get3A_201, %get3A_202] : memref<1x256xf32, #tpu.memory_space<vmem>>, vector<1x256xf32>
      %get3A_204 = arith.constant 0 : index
      %get3A_205 = arith.constant 0 : index
      %get3A_206 = vector.load %arg6[%get3A_204, %get3A_205] : memref<16x256xf32, #tpu.memory_space<vmem>>, vector<16x256xf32>
      %div3A = vector.broadcast %get3A_203 : vector<1x256xf32> to vector<16x256xf32>
      %div3A_207 = arith.divf %div3A, %get3A_206 : vector<16x256xf32>
      %swap3A = arith.constant 0 : index
      %swap3A_208 = arith.constant 0 : index
      %swap3A_209 = vector.load %arg5[%swap3A, %swap3A_208] : memref<16x256xf32, #tpu.memory_space<vmem>>, vector<16x256xf32>
      tpu.vector_store %arg5[%swap3A, %swap3A_208], %div3A_207 {strides = array<i32>} : memref<16x256xf32, #tpu.memory_space<vmem>>, vector<16x256xf32>,
    } else {
    }
    return
  }
  func.func @transform_0(%arg0: i32) -> (i32, i32, i32) {
    %c0_i32 = arith.constant 0 : i32
    %c0_i32_0 = arith.constant 0 : i32
    %c0_i32_1 = arith.constant 0 : i32
    return %arg0, %c0_i32, %c0_i32_0 : i32, i32, i32
  }
  func.func @transform_1(%arg0: i32) -> (i32, i32) {
    %c0_i32 = arith.constant 0 : i32
    %c0_i32_0 = arith.constant 0 : i32
    return %arg0, %c0_i32 : i32, i32
  }
  func.func @transform_2(%arg0: i32) -> (i32, i32) {
    %c0_i32 = arith.constant 0 : i32
    %c0_i32_0 = arith.constant 0 : i32
    %c0_i32_1 = arith.constant 0 : i32
    return %c0_i32, %c0_i32_0 : i32, i32
  }
  func.func @transform_3(%arg0: i32) -> (i32, i32) {
    %c0_i32 = arith.constant 0 : i32
    %c0_i32_0 = arith.constant 0 : i32
    %c0_i32_1 = arith.constant 0 : i32
    return %c0_i32, %c0_i32_0 : i32, i32
  }
  func.func @transform_4(%arg0: i32) -> (i32, i32) {
    %c0_i32 = arith.constant 0 : i32
    %c0_i32_0 = arith.constant 0 : i32
    %c0_i32_1 = arith.constant 0 : i32
    return %c0_i32, %c0_i32_0 : i32, i32
  }
}

module attributes {stable_mosaic.version = 14 : i64} {
  func.func @_main_body(%arg0: i32, %arg1: memref<10000x8x128xf32, #tpu.memory_space<any>>, %arg2: memref<1x1x2000xi32, #tpu.memory_space<vmem>>, %arg3: memref<2000x16xf32, #tpu.memory_space<vmem>>, %arg4: memref<16x256xf32, #tpu.memory_space<vmem>>, %arg5: memref<16x256xf32, #tpu.memory_space<vmem>>, %arg6: memref<1x4x2000xf32, #tpu.memory_space<vmem>>, %arg7: memref<2000x128xf32, #tpu.memory_space<vmem>>, %arg8: memref<2000x128xf32, #tpu.memory_space<vmem>>, %arg9: memref<2000x128xf32, #tpu.memory_space<vmem>>, %arg10: memref<2000x128xf32, #tpu.memory_space<vmem>>, %arg11: memref<!tpu.dma_semaphore, #tpu.memory_space<semaphore_mem>>, %arg12: memref<!tpu.dma_semaphore, #tpu.memory_space<semaphore_mem>>, %arg13: memref<!tpu.dma_semaphore, #tpu.memory_space<semaphore_mem>>, %arg14: memref<!tpu.dma_semaphore, #tpu.memory_space<semaphore_mem>>) attributes {dimension_semantics = [#tpu.dimension_semantics<arbitrary>], iteration_bounds = array<i64: 5>, scalar_prefetch = 0 : i64, scratch_operands = 8 : i64, tpu.core_type = #tpu.core_type<tc>, window_params = [{}, {transform_indices = @transform_1, window_bounds = array<i64: 1, 1, 2000>}, {transform_indices = @transform_2, window_bounds = array<i64: 2000, 16>}, {pipeline_mode = #tpu.pipeline_mode<synchronous>, transform_indices = @transform_3, window_bounds = array<i64: 16, 256>}, {pipeline_mode = #tpu.pipeline_mode<synchronous>, transform_indices = @transform_4, window_bounds = array<i64: 16, 256>}, {transform_indices = @transform_5, window_bounds = array<i64: 1, 4, 2000>}]} {
    %get3A = arith.constant 0 : index
    %get3A_0 = arith.constant 0 : index
    %get3A_1 = arith.constant 0 : index
    %get3A_2 = vector.load %arg2[%get3A, %get3A_0, %get3A_1] : memref<1x1x2000xi32, #tpu.memory_space<vmem>>, vector<1x1x2000xi32>
    %get3A_3 = vector.shape_cast %get3A_2 : vector<1x1x2000xi32> to vector<1x2000xi32>
    %iota3A = tpu.iota {dimensions = array<i32: 0>} : vector<16x2000xi32>
    %eq3A = vector.broadcast %get3A_3 : vector<1x2000xi32> to vector<16x2000xi32>
    %eq3A_4 = arith.cmpi eq, %eq3A, %iota3A : vector<16x2000xi32>
    %jit3A = arith.constant 1.000000e+00 : f32
    %jit3A_5 = arith.constant 0.000000e+00 : f32
    %broadcast_in_dim3A = vector.broadcast %jit3A : f32 to vector<16x2000xf32>
    %broadcast_in_dim3A_6 = vector.broadcast %jit3A_5 : f32 to vector<16x2000xf32>
    %select_n3A = arith.select %eq3A_4, %broadcast_in_dim3A, %broadcast_in_dim3A_6 : vector<16x2000xi1>, vector<16x2000xf32>
    %get3A_7 = arith.constant 0 : index
    %get3A_8 = arith.constant 0 : index
    %get3A_9 = vector.load %arg4[%get3A_7, %get3A_8] : memref<16x256xf32, #tpu.memory_space<vmem>>, vector<16x256xf32>
    %slice3A = vector.extract_strided_slice %get3A_9 {offsets = [0, 0], sizes = [16, 64], strides = [1, 1]} : vector<16x256xf32> to vector<16x64xf32>
    %concatenate3A = tpu.concatenate %slice3A, %slice3A in 1 : vector<16x64xf32>, vector<16x64xf32> -> vector<16x128xf32>
    %slice3A_10 = vector.extract_strided_slice %get3A_9 {offsets = [0, 64], sizes = [16, 64], strides = [1, 1]} : vector<16x256xf32> to vector<16x64xf32>
    %concatenate3A_11 = tpu.concatenate %slice3A_10, %slice3A_10 in 1 : vector<16x64xf32>, vector<16x64xf32> -> vector<16x128xf32>
    %slice3A_12 = vector.extract_strided_slice %get3A_9 {offsets = [0, 128], sizes = [16, 64], strides = [1, 1]} : vector<16x256xf32> to vector<16x64xf32>
    %concatenate3A_13 = tpu.concatenate %slice3A_12, %slice3A_12 in 1 : vector<16x64xf32>, vector<16x64xf32> -> vector<16x128xf32>
    %slice3A_14 = vector.extract_strided_slice %get3A_9 {offsets = [0, 192], sizes = [16, 64], strides = [1, 1]} : vector<16x256xf32> to vector<16x64xf32>
    %concatenate3A_15 = tpu.concatenate %slice3A_14, %slice3A_14 in 1 : vector<16x64xf32>, vector<16x64xf32> -> vector<16x128xf32>
    %concatenate3A_16 = tpu.concatenate %concatenate3A, %concatenate3A_11, %concatenate3A_13, %concatenate3A_15 in 1 : vector<16x128xf32>, vector<16x128xf32>, vector<16x128xf32>, vector<16x128xf32> -> vector<16x512xf32>
    %dot_general3A = arith.constant dense<0.000000e+00> : vector<2000x512xf32>
    %dot_general3A_17 = tpu.matmul %select_n3A, %concatenate3A_16, %dot_general3A {dimension_numbers = #tpu.dot_dimension_numbers<[0], [0], [1], [1], [0, 1, 1, 1], [], []>, transpose_lhs_hint = false} : vector<16x2000xf32>, vector<16x512xf32>, vector<2000x512xf32> -> vector<2000x512xf32>
    %slice3A_18 = vector.extract_strided_slice %dot_general3A_17 {offsets = [0, 0], sizes = [2000, 128], strides = [1, 1]} : vector<2000x512xf32> to vector<2000x128xf32>
    %slice3A_19 = vector.extract_strided_slice %dot_general3A_17 {offsets = [0, 128], sizes = [2000, 128], strides = [1, 1]} : vector<2000x512xf32> to vector<2000x128xf32>
    %slice3A_20 = vector.extract_strided_slice %dot_general3A_17 {offsets = [0, 256], sizes = [2000, 128], strides = [1, 1]} : vector<2000x512xf32> to vector<2000x128xf32>
    %slice3A_21 = vector.extract_strided_slice %dot_general3A_17 {offsets = [0, 384], sizes = [2000, 128], strides = [1, 1]} : vector<2000x512xf32> to vector<2000x128xf32>
    %get3A_22 = arith.constant 0 : index
    %get3A_23 = arith.constant 0 : index
    %get3A_24 = vector.load %arg3[%get3A_22, %get3A_23] : memref<2000x16xf32, #tpu.memory_space<vmem>>, vector<2000x16xf32>
    %mul3A = arith.mulf %get3A_24, %get3A_24 : vector<2000x16xf32>
    %get3A_25 = arith.constant 0 : index
    %get3A_26 = arith.constant 0 : index
    %get3A_27 = vector.load %arg5[%get3A_25, %get3A_26] : memref<16x256xf32, #tpu.memory_space<vmem>>, vector<16x256xf32>
    %iota3A_28 = tpu.iota {dimensions = array<i32: 0>} : vector<16x128xi32>
    %iota3A_29 = tpu.iota {dimensions = array<i32: 1>} : vector<16x128xi32>
    %jit3A_30 = arith.constant 64 : i32
    %div3A = vector.broadcast %jit3A_30 : i32 to vector<16x128xi32>
    %div3A_31 = arith.divsi %iota3A_29, %div3A : vector<16x128xi32>
    %sign3A = arith.constant 0 : i32
    %sign3A_32 = vector.broadcast %sign3A : i32 to vector<16x128xi32>
    %sign3A_33 = arith.cmpi sgt, %iota3A_29, %sign3A_32 : vector<16x128xi32>
    %sign3A_34 = arith.extui %sign3A_33 : vector<16x128xi1> to vector<16x128xi32>
    %sign3A_35 = arith.constant 0 : i32
    %sign3A_36 = vector.broadcast %sign3A_35 : i32 to vector<16x128xi32>
    %sign3A_37 = arith.cmpi slt, %iota3A_29, %sign3A_36 : vector<16x128xi32>
    %sign3A_38 = arith.extui %sign3A_37 : vector<16x128xi1> to vector<16x128xi32>
    %sign3A_39 = arith.subi %sign3A_34, %sign3A_38 : vector<16x128xi32>
    %sign3A_40 = arith.constant 0 : i32
    %sign3A_41 = arith.cmpi sgt, %jit3A_30, %sign3A_40 : i32
    %sign3A_42 = arith.extui %sign3A_41 : i1 to i32
    %sign3A_43 = arith.constant 0 : i32
    %sign3A_44 = arith.cmpi slt, %jit3A_30, %sign3A_43 : i32
    %sign3A_45 = arith.extui %sign3A_44 : i1 to i32
    %sign3A_46 = arith.subi %sign3A_42, %sign3A_45 : i32
    %ne3A = vector.broadcast %sign3A_46 : i32 to vector<16x128xi32>
    %ne3A_47 = arith.cmpi ne, %sign3A_39, %ne3A : vector<16x128xi32>
    %rem3A = vector.broadcast %jit3A_30 : i32 to vector<16x128xi32>
    %rem3A_48 = arith.remsi %iota3A_29, %rem3A : vector<16x128xi32>
    %ne3A_49 = arith.constant 0 : i32
    %ne3A_50 = vector.broadcast %ne3A_49 : i32 to vector<16x128xi32>
    %ne3A_51 = arith.cmpi ne, %rem3A_48, %ne3A_50 : vector<16x128xi32>
    %and3A = arith.andi %ne3A_47, %ne3A_51 : vector<16x128xi1>
    %sub3A = arith.constant 1 : i32
    %sub3A_52 = vector.broadcast %sub3A : i32 to vector<16x128xi32>
    %sub3A_53 = arith.subi %div3A_31, %sub3A_52 : vector<16x128xi32>
    %select_n3A_54 = arith.select %and3A, %sub3A_53, %div3A_31 : vector<16x128xi1>, vector<16x128xi32>
    %mul3A_55 = arith.constant 2000 : i32
    %mul3A_56 = arith.muli %arg0, %mul3A_55 : i32
    %dma_start3A = arith.constant 0 : i32
    %dma_start3A_57 = arith.constant 0 : i32
    %dma_start3A_58 = tpu.memref_slice %arg1[%mul3A_56, %dma_start3A, %dma_start3A_57] : memref<10000x8x128xf32, #tpu.memory_space<any>> -> memref<2000x1x128xf32, #tpu.memory_space<any>>
    %dma_start3A_59 = tpu.memref_squeeze %dma_start3A_58 : memref<2000x1x128xf32, #tpu.memory_space<any>> -> memref<2000x128xf32, #tpu.memory_space<any>>
    tpu.enqueue_dma source(%dma_start3A_59 : memref<2000x128xf32, #tpu.memory_space<any>>) target(%arg7 : memref<2000x128xf32, #tpu.memory_space<vmem>>) target_semaphore(%arg11 : memref<!tpu.dma_semaphore, #tpu.memory_space<semaphore_mem>>)
    %mul3A_60 = arith.constant 2000 : i32
    %mul3A_61 = arith.muli %arg0, %mul3A_60 : i32
    %dma_start3A_62 = arith.constant 1 : i32
    %dma_start3A_63 = arith.constant 0 : i32
    %dma_start3A_64 = tpu.memref_slice %arg1[%mul3A_61, %dma_start3A_62, %dma_start3A_63] : memref<10000x8x128xf32, #tpu.memory_space<any>> -> memref<2000x1x128xf32, #tpu.memory_space<any>>
    %dma_start3A_65 = tpu.memref_squeeze %dma_start3A_64 : memref<2000x1x128xf32, #tpu.memory_space<any>> -> memref<2000x128xf32, #tpu.memory_space<any>>
    tpu.enqueue_dma source(%dma_start3A_65 : memref<2000x128xf32, #tpu.memory_space<any>>) target(%arg8 : memref<2000x128xf32, #tpu.memory_space<vmem>>) target_semaphore(%arg12 : memref<!tpu.dma_semaphore, #tpu.memory_space<semaphore_mem>>)
    %mul3A_66 = arith.constant 2000 : i32
    %mul3A_67 = arith.muli %arg0, %mul3A_66 : i32
    %dma_start3A_68 = arith.constant 2 : i32
    %dma_start3A_69 = arith.constant 0 : i32
    %dma_start3A_70 = tpu.memref_slice %arg1[%mul3A_67, %dma_start3A_68, %dma_start3A_69] : memref<10000x8x128xf32, #tpu.memory_space<any>> -> memref<2000x1x128xf32, #tpu.memory_space<any>>
    %dma_start3A_71 = tpu.memref_squeeze %dma_start3A_70 : memref<2000x1x128xf32, #tpu.memory_space<any>> -> memref<2000x128xf32, #tpu.memory_space<any>>
    tpu.enqueue_dma source(%dma_start3A_71 : memref<2000x128xf32, #tpu.memory_space<any>>) target(%arg9 : memref<2000x128xf32, #tpu.memory_space<vmem>>) target_semaphore(%arg13 : memref<!tpu.dma_semaphore, #tpu.memory_space<semaphore_mem>>)
    %mul3A_72 = arith.constant 2000 : i32
    %mul3A_73 = arith.muli %arg0, %mul3A_72 : i32
    %dma_start3A_74 = arith.constant 3 : i32
    %dma_start3A_75 = arith.constant 0 : i32
    %dma_start3A_76 = tpu.memref_slice %arg1[%mul3A_73, %dma_start3A_74, %dma_start3A_75] : memref<10000x8x128xf32, #tpu.memory_space<any>> -> memref<2000x1x128xf32, #tpu.memory_space<any>>
    %dma_start3A_77 = tpu.memref_squeeze %dma_start3A_76 : memref<2000x1x128xf32, #tpu.memory_space<any>> -> memref<2000x128xf32, #tpu.memory_space<any>>
    tpu.enqueue_dma source(%dma_start3A_77 : memref<2000x128xf32, #tpu.memory_space<any>>) target(%arg10 : memref<2000x128xf32, #tpu.memory_space<vmem>>) target_semaphore(%arg14 : memref<!tpu.dma_semaphore, #tpu.memory_space<semaphore_mem>>)
    %dma_wait3A = arith.constant 0 : i32
    %dma_wait3A_78 = arith.constant 0 : i32
    %dma_wait3A_79 = tpu.memref_slice %arg1[%mul3A_56, %dma_wait3A, %dma_wait3A_78] : memref<10000x8x128xf32, #tpu.memory_space<any>> -> memref<2000x1x128xf32, #tpu.memory_space<any>>
    %dma_wait3A_80 = tpu.memref_squeeze %dma_wait3A_79 : memref<2000x1x128xf32, #tpu.memory_space<any>> -> memref<2000x128xf32, #tpu.memory_space<any>>
    tpu.wait_dma2 semaphore(%arg11 : memref<!tpu.dma_semaphore, #tpu.memory_space<semaphore_mem>>) src(%dma_wait3A_80 : memref<2000x128xf32, #tpu.memory_space<any>>) dst(%arg7 : memref<2000x128xf32, #tpu.memory_space<vmem>>)
    %get3A_81 = arith.constant 0 : index
    %get3A_82 = arith.constant 0 : index
    %get3A_83 = vector.load %arg7[%get3A_81, %get3A_82] : memref<2000x128xf32, #tpu.memory_space<vmem>>, vector<2000x128xf32>
    %add3A = arith.constant 0 : i32
    %add3A_84 = vector.broadcast %add3A : i32 to vector<16x128xi32>
    %add3A_85 = arith.addi %add3A_84, %select_n3A_54 : vector<16x128xi32>
    %eq3A_86 = arith.cmpi eq, %iota3A_28, %add3A_85 : vector<16x128xi32>
    %jit3A_87 = arith.constant 1.000000e+00 : f32
    %jit3A_88 = arith.constant 0.000000e+00 : f32
    %broadcast_in_dim3A_89 = vector.broadcast %jit3A_87 : f32 to vector<16x128xf32>
    %broadcast_in_dim3A_90 = vector.broadcast %jit3A_88 : f32 to vector<16x128xf32>
    %select_n3A_91 = arith.select %eq3A_86, %broadcast_in_dim3A_89, %broadcast_in_dim3A_90 : vector<16x128xi1>, vector<16x128xf32>
    %dot_general3A_92 = arith.constant dense<0.000000e+00> : vector<2000x128xf32>
    %dot_general3A_93 = tpu.matmul %mul3A, %select_n3A_91, %dot_general3A_92 {dimension_numbers = #tpu.dot_dimension_numbers<[1], [0], [0], [1], [0, 0, 1, 1], [], []>, transpose_lhs_hint = false} : vector<2000x16xf32>, vector<16x128xf32>, vector<2000x128xf32> -> vector<2000x128xf32>
    %slice3A_94 = vector.extract_strided_slice %get3A_27 {offsets = [0, 0], sizes = [1, 64], strides = [1, 1]} : vector<16x256xf32> to vector<1x64xf32>
    %slice3A_95 = vector.extract_strided_slice %get3A_27 {offsets = [1, 0], sizes = [1, 64], strides = [1, 1]} : vector<16x256xf32> to vector<1x64xf32>
    %concatenate3A_96 = tpu.concatenate %slice3A_94, %slice3A_95 in 1 : vector<1x64xf32>, vector<1x64xf32> -> vector<1x128xf32>
    %mul3A_97 = arith.mulf %slice3A_18, %dot_general3A_93 : vector<2000x128xf32>
    %sub3A_98 = arith.constant 1.000000e+00 : f32
    %sub3A_99 = vector.broadcast %sub3A_98 : f32 to vector<2000x128xf32>
    %sub3A_100 = arith.subf %sub3A_99, %mul3A_97 : vector<2000x128xf32>
    %max3A = arith.constant 0.000000e+00 : f32
    %max3A_101 = vector.broadcast %max3A : f32 to vector<2000x128xf32>
    %max3A_102 = arith.maximumf %sub3A_100, %max3A_101 : vector<2000x128xf32>
    %mul3A_103 = arith.mulf %max3A_102, %get3A_83 : vector<2000x128xf32>
    %mul3A_104 = vector.broadcast %concatenate3A_96 : vector<1x128xf32> to vector<2000x128xf32>
    %mul3A_105 = arith.mulf %mul3A_103, %mul3A_104 : vector<2000x128xf32>
    %slice3A_106 = vector.extract_strided_slice %get3A_27 {offsets = [0, 64], sizes = [1, 64], strides = [1, 1]} : vector<16x256xf32> to vector<1x64xf32>
    %slice3A_107 = vector.extract_strided_slice %get3A_27 {offsets = [1, 64], sizes = [1, 64], strides = [1, 1]} : vector<16x256xf32> to vector<1x64xf32>
    %concatenate3A_108 = tpu.concatenate %slice3A_106, %slice3A_107 in 1 : vector<1x64xf32>, vector<1x64xf32> -> vector<1x128xf32>
    %mul3A_109 = arith.mulf %slice3A_19, %dot_general3A_93 : vector<2000x128xf32>
    %sub3A_110 = arith.constant 1.000000e+00 : f32
    %sub3A_111 = vector.broadcast %sub3A_110 : f32 to vector<2000x128xf32>
    %sub3A_112 = arith.subf %sub3A_111, %mul3A_109 : vector<2000x128xf32>
    %max3A_113 = arith.constant 0.000000e+00 : f32
    %max3A_114 = vector.broadcast %max3A_113 : f32 to vector<2000x128xf32>
    %max3A_115 = arith.maximumf %sub3A_112, %max3A_114 : vector<2000x128xf32>
    %mul3A_116 = arith.mulf %max3A_115, %get3A_83 : vector<2000x128xf32>
    %mul3A_117 = vector.broadcast %concatenate3A_108 : vector<1x128xf32> to vector<2000x128xf32>
    %mul3A_118 = arith.mulf %mul3A_116, %mul3A_117 : vector<2000x128xf32>
    %slice3A_119 = vector.extract_strided_slice %get3A_27 {offsets = [0, 128], sizes = [1, 64], strides = [1, 1]} : vector<16x256xf32> to vector<1x64xf32>
    %slice3A_120 = vector.extract_strided_slice %get3A_27 {offsets = [1, 128], sizes = [1, 64], strides = [1, 1]} : vector<16x256xf32> to vector<1x64xf32>
    %concatenate3A_121 = tpu.concatenate %slice3A_119, %slice3A_120 in 1 : vector<1x64xf32>, vector<1x64xf32> -> vector<1x128xf32>
    %mul3A_122 = arith.mulf %slice3A_20, %dot_general3A_93 : vector<2000x128xf32>
    %sub3A_123 = arith.constant 1.000000e+00 : f32
    %sub3A_124 = vector.broadcast %sub3A_123 : f32 to vector<2000x128xf32>
    %sub3A_125 = arith.subf %sub3A_124, %mul3A_122 : vector<2000x128xf32>
    %max3A_126 = arith.constant 0.000000e+00 : f32
    %max3A_127 = vector.broadcast %max3A_126 : f32 to vector<2000x128xf32>
    %max3A_128 = arith.maximumf %sub3A_125, %max3A_127 : vector<2000x128xf32>
    %mul3A_129 = arith.mulf %max3A_128, %get3A_83 : vector<2000x128xf32>
    %mul3A_130 = vector.broadcast %concatenate3A_121 : vector<1x128xf32> to vector<2000x128xf32>
    %mul3A_131 = arith.mulf %mul3A_129, %mul3A_130 : vector<2000x128xf32>
    %slice3A_132 = vector.extract_strided_slice %get3A_27 {offsets = [0, 192], sizes = [1, 64], strides = [1, 1]} : vector<16x256xf32> to vector<1x64xf32>
    %slice3A_133 = vector.extract_strided_slice %get3A_27 {offsets = [1, 192], sizes = [1, 64], strides = [1, 1]} : vector<16x256xf32> to vector<1x64xf32>
    %concatenate3A_134 = tpu.concatenate %slice3A_132, %slice3A_133 in 1 : vector<1x64xf32>, vector<1x64xf32> -> vector<1x128xf32>
    %mul3A_135 = arith.mulf %slice3A_21, %dot_general3A_93 : vector<2000x128xf32>
    %sub3A_136 = arith.constant 1.000000e+00 : f32
    %sub3A_137 = vector.broadcast %sub3A_136 : f32 to vector<2000x128xf32>
    %sub3A_138 = arith.subf %sub3A_137, %mul3A_135 : vector<2000x128xf32>
    %max3A_139 = arith.constant 0.000000e+00 : f32
    %max3A_140 = vector.broadcast %max3A_139 : f32 to vector<2000x128xf32>
    %max3A_141 = arith.maximumf %sub3A_138, %max3A_140 : vector<2000x128xf32>
    %mul3A_142 = arith.mulf %max3A_141, %get3A_83 : vector<2000x128xf32>
    %mul3A_143 = vector.broadcast %concatenate3A_134 : vector<1x128xf32> to vector<2000x128xf32>
    %mul3A_144 = arith.mulf %mul3A_142, %mul3A_143 : vector<2000x128xf32>
    %mul3A_145 = arith.constant 2000 : i32
    %mul3A_146 = arith.muli %arg0, %mul3A_145 : i32
    %dma_start3A_147 = arith.constant 4 : i32
    %dma_start3A_148 = arith.constant 0 : i32
    %dma_start3A_149 = tpu.memref_slice %arg1[%mul3A_146, %dma_start3A_147, %dma_start3A_148] : memref<10000x8x128xf32, #tpu.memory_space<any>> -> memref<2000x1x128xf32, #tpu.memory_space<any>>
    %dma_start3A_150 = tpu.memref_squeeze %dma_start3A_149 : memref<2000x1x128xf32, #tpu.memory_space<any>> -> memref<2000x128xf32, #tpu.memory_space<any>>
    tpu.enqueue_dma source(%dma_start3A_150 : memref<2000x128xf32, #tpu.memory_space<any>>) target(%arg7 : memref<2000x128xf32, #tpu.memory_space<vmem>>) target_semaphore(%arg11 : memref<!tpu.dma_semaphore, #tpu.memory_space<semaphore_mem>>)
    %dma_wait3A_151 = arith.constant 1 : i32
    %dma_wait3A_152 = arith.constant 0 : i32
    %dma_wait3A_153 = tpu.memref_slice %arg1[%mul3A_61, %dma_wait3A_151, %dma_wait3A_152] : memref<10000x8x128xf32, #tpu.memory_space<any>> -> memref<2000x1x128xf32, #tpu.memory_space<any>>
    %dma_wait3A_154 = tpu.memref_squeeze %dma_wait3A_153 : memref<2000x1x128xf32, #tpu.memory_space<any>> -> memref<2000x128xf32, #tpu.memory_space<any>>
    tpu.wait_dma2 semaphore(%arg12 : memref<!tpu.dma_semaphore, #tpu.memory_space<semaphore_mem>>) src(%dma_wait3A_154 : memref<2000x128xf32, #tpu.memory_space<any>>) dst(%arg8 : memref<2000x128xf32, #tpu.memory_space<vmem>>)
    %get3A_155 = arith.constant 0 : index
    %get3A_156 = arith.constant 0 : index
    %get3A_157 = vector.load %arg8[%get3A_155, %get3A_156] : memref<2000x128xf32, #tpu.memory_space<vmem>>, vector<2000x128xf32>
    %add3A_158 = arith.constant 2 : i32
    %add3A_159 = vector.broadcast %add3A_158 : i32 to vector<16x128xi32>
    %add3A_160 = arith.addi %add3A_159, %select_n3A_54 : vector<16x128xi32>
    %eq3A_161 = arith.cmpi eq, %iota3A_28, %add3A_160 : vector<16x128xi32>
    %jit3A_162 = arith.constant 1.000000e+00 : f32
    %jit3A_163 = arith.constant 0.000000e+00 : f32
    %broadcast_in_dim3A_164 = vector.broadcast %jit3A_162 : f32 to vector<16x128xf32>
    %broadcast_in_dim3A_165 = vector.broadcast %jit3A_163 : f32 to vector<16x128xf32>
    %select_n3A_166 = arith.select %eq3A_161, %broadcast_in_dim3A_164, %broadcast_in_dim3A_165 : vector<16x128xi1>, vector<16x128xf32>
    %dot_general3A_167 = arith.constant dense<0.000000e+00> : vector<2000x128xf32>
    %dot_general3A_168 = tpu.matmul %mul3A, %select_n3A_166, %dot_general3A_167 {dimension_numbers = #tpu.dot_dimension_numbers<[1], [0], [0], [1], [0, 0, 1, 1], [], []>, transpose_lhs_hint = false} : vector<2000x16xf32>, vector<16x128xf32>, vector<2000x128xf32> -> vector<2000x128xf32>
    %slice3A_169 = vector.extract_strided_slice %get3A_27 {offsets = [2, 0], sizes = [1, 64], strides = [1, 1]} : vector<16x256xf32> to vector<1x64xf32>
    %slice3A_170 = vector.extract_strided_slice %get3A_27 {offsets = [3, 0], sizes = [1, 64], strides = [1, 1]} : vector<16x256xf32> to vector<1x64xf32>
    %concatenate3A_171 = tpu.concatenate %slice3A_169, %slice3A_170 in 1 : vector<1x64xf32>, vector<1x64xf32> -> vector<1x128xf32>
    %mul3A_172 = arith.mulf %slice3A_18, %dot_general3A_168 : vector<2000x128xf32>
    %sub3A_173 = arith.constant 1.000000e+00 : f32
    %sub3A_174 = vector.broadcast %sub3A_173 : f32 to vector<2000x128xf32>
    %sub3A_175 = arith.subf %sub3A_174, %mul3A_172 : vector<2000x128xf32>
    %max3A_176 = arith.constant 0.000000e+00 : f32
    %max3A_177 = vector.broadcast %max3A_176 : f32 to vector<2000x128xf32>
    %max3A_178 = arith.maximumf %sub3A_175, %max3A_177 : vector<2000x128xf32>
    %mul3A_179 = arith.mulf %max3A_178, %get3A_157 : vector<2000x128xf32>
    %mul3A_180 = vector.broadcast %concatenate3A_171 : vector<1x128xf32> to vector<2000x128xf32>
    %mul3A_181 = arith.mulf %mul3A_179, %mul3A_180 : vector<2000x128xf32>
    %add3A_182 = arith.addf %mul3A_105, %mul3A_181 : vector<2000x128xf32>
    %slice3A_183 = vector.extract_strided_slice %get3A_27 {offsets = [2, 64], sizes = [1, 64], strides = [1, 1]} : vector<16x256xf32> to vector<1x64xf32>
    %slice3A_184 = vector.extract_strided_slice %get3A_27 {offsets = [3, 64], sizes = [1, 64], strides = [1, 1]} : vector<16x256xf32> to vector<1x64xf32>
    %concatenate3A_185 = tpu.concatenate %slice3A_183, %slice3A_184 in 1 : vector<1x64xf32>, vector<1x64xf32> -> vector<1x128xf32>
    %mul3A_186 = arith.mulf %slice3A_19, %dot_general3A_168 : vector<2000x128xf32>
    %sub3A_187 = arith.constant 1.000000e+00 : f32
    %sub3A_188 = vector.broadcast %sub3A_187 : f32 to vector<2000x128xf32>
    %sub3A_189 = arith.subf %sub3A_188, %mul3A_186 : vector<2000x128xf32>
    %max3A_190 = arith.constant 0.000000e+00 : f32
    %max3A_191 = vector.broadcast %max3A_190 : f32 to vector<2000x128xf32>
    %max3A_192 = arith.maximumf %sub3A_189, %max3A_191 : vector<2000x128xf32>
    %mul3A_193 = arith.mulf %max3A_192, %get3A_157 : vector<2000x128xf32>
    %mul3A_194 = vector.broadcast %concatenate3A_185 : vector<1x128xf32> to vector<2000x128xf32>
    %mul3A_195 = arith.mulf %mul3A_193, %mul3A_194 : vector<2000x128xf32>
    %add3A_196 = arith.addf %mul3A_118, %mul3A_195 : vector<2000x128xf32>
    %slice3A_197 = vector.extract_strided_slice %get3A_27 {offsets = [2, 128], sizes = [1, 64], strides = [1, 1]} : vector<16x256xf32> to vector<1x64xf32>
    %slice3A_198 = vector.extract_strided_slice %get3A_27 {offsets = [3, 128], sizes = [1, 64], strides = [1, 1]} : vector<16x256xf32> to vector<1x64xf32>
    %concatenate3A_199 = tpu.concatenate %slice3A_197, %slice3A_198 in 1 : vector<1x64xf32>, vector<1x64xf32> -> vector<1x128xf32>
    %mul3A_200 = arith.mulf %slice3A_20, %dot_general3A_168 : vector<2000x128xf32>
    %sub3A_201 = arith.constant 1.000000e+00 : f32
    %sub3A_202 = vector.broadcast %sub3A_201 : f32 to vector<2000x128xf32>
    %sub3A_203 = arith.subf %sub3A_202, %mul3A_200 : vector<2000x128xf32>
    %max3A_204 = arith.constant 0.000000e+00 : f32
    %max3A_205 = vector.broadcast %max3A_204 : f32 to vector<2000x128xf32>
    %max3A_206 = arith.maximumf %sub3A_203, %max3A_205 : vector<2000x128xf32>
    %mul3A_207 = arith.mulf %max3A_206, %get3A_157 : vector<2000x128xf32>
    %mul3A_208 = vector.broadcast %concatenate3A_199 : vector<1x128xf32> to vector<2000x128xf32>
    %mul3A_209 = arith.mulf %mul3A_207, %mul3A_208 : vector<2000x128xf32>
    %add3A_210 = arith.addf %mul3A_131, %mul3A_209 : vector<2000x128xf32>
    %slice3A_211 = vector.extract_strided_slice %get3A_27 {offsets = [2, 192], sizes = [1, 64], strides = [1, 1]} : vector<16x256xf32> to vector<1x64xf32>
    %slice3A_212 = vector.extract_strided_slice %get3A_27 {offsets = [3, 192], sizes = [1, 64], strides = [1, 1]} : vector<16x256xf32> to vector<1x64xf32>
    %concatenate3A_213 = tpu.concatenate %slice3A_211, %slice3A_212 in 1 : vector<1x64xf32>, vector<1x64xf32> -> vector<1x128xf32>
    %mul3A_214 = arith.mulf %slice3A_21, %dot_general3A_168 : vector<2000x128xf32>
    %sub3A_215 = arith.constant 1.000000e+00 : f32
    %sub3A_216 = vector.broadcast %sub3A_215 : f32 to vector<2000x128xf32>
    %sub3A_217 = arith.subf %sub3A_216, %mul3A_214 : vector<2000x128xf32>
    %max3A_218 = arith.constant 0.000000e+00 : f32
    %max3A_219 = vector.broadcast %max3A_218 : f32 to vector<2000x128xf32>
    %max3A_220 = arith.maximumf %sub3A_217, %max3A_219 : vector<2000x128xf32>
    %mul3A_221 = arith.mulf %max3A_220, %get3A_157 : vector<2000x128xf32>
    %mul3A_222 = vector.broadcast %concatenate3A_213 : vector<1x128xf32> to vector<2000x128xf32>
    %mul3A_223 = arith.mulf %mul3A_221, %mul3A_222 : vector<2000x128xf32>
    %add3A_224 = arith.addf %mul3A_144, %mul3A_223 : vector<2000x128xf32>
    %mul3A_225 = arith.constant 2000 : i32
    %mul3A_226 = arith.muli %arg0, %mul3A_225 : i32
    %dma_start3A_227 = arith.constant 5 : i32
    %dma_start3A_228 = arith.constant 0 : i32
    %dma_start3A_229 = tpu.memref_slice %arg1[%mul3A_226, %dma_start3A_227, %dma_start3A_228] : memref<10000x8x128xf32, #tpu.memory_space<any>> -> memref<2000x1x128xf32, #tpu.memory_space<any>>
    %dma_start3A_230 = tpu.memref_squeeze %dma_start3A_229 : memref<2000x1x128xf32, #tpu.memory_space<any>> -> memref<2000x128xf32, #tpu.memory_space<any>>
    tpu.enqueue_dma source(%dma_start3A_230 : memref<2000x128xf32, #tpu.memory_space<any>>) target(%arg8 : memref<2000x128xf32, #tpu.memory_space<vmem>>) target_semaphore(%arg12 : memref<!tpu.dma_semaphore, #tpu.memory_space<semaphore_mem>>)
    %dma_wait3A_231 = arith.constant 2 : i32
    %dma_wait3A_232 = arith.constant 0 : i32
    %dma_wait3A_233 = tpu.memref_slice %arg1[%mul3A_67, %dma_wait3A_231, %dma_wait3A_232] : memref<10000x8x128xf32, #tpu.memory_space<any>> -> memref<2000x1x128xf32, #tpu.memory_space<any>>
    %dma_wait3A_234 = tpu.memref_squeeze %dma_wait3A_233 : memref<2000x1x128xf32, #tpu.memory_space<any>> -> memref<2000x128xf32, #tpu.memory_space<any>>
    tpu.wait_dma2 semaphore(%arg13 : memref<!tpu.dma_semaphore, #tpu.memory_space<semaphore_mem>>) src(%dma_wait3A_234 : memref<2000x128xf32, #tpu.memory_space<any>>) dst(%arg9 : memref<2000x128xf32, #tpu.memory_space<vmem>>)
    %get3A_235 = arith.constant 0 : index
    %get3A_236 = arith.constant 0 : index
    %get3A_237 = vector.load %arg9[%get3A_235, %get3A_236] : memref<2000x128xf32, #tpu.memory_space<vmem>>, vector<2000x128xf32>
    %add3A_238 = arith.constant 4 : i32
    %add3A_239 = vector.broadcast %add3A_238 : i32 to vector<16x128xi32>
    %add3A_240 = arith.addi %add3A_239, %select_n3A_54 : vector<16x128xi32>
    %eq3A_241 = arith.cmpi eq, %iota3A_28, %add3A_240 : vector<16x128xi32>
    %jit3A_242 = arith.constant 1.000000e+00 : f32
    %jit3A_243 = arith.constant 0.000000e+00 : f32
    %broadcast_in_dim3A_244 = vector.broadcast %jit3A_242 : f32 to vector<16x128xf32>
    %broadcast_in_dim3A_245 = vector.broadcast %jit3A_243 : f32 to vector<16x128xf32>
    %select_n3A_246 = arith.select %eq3A_241, %broadcast_in_dim3A_244, %broadcast_in_dim3A_245 : vector<16x128xi1>, vector<16x128xf32>
    %dot_general3A_247 = arith.constant dense<0.000000e+00> : vector<2000x128xf32>
    %dot_general3A_248 = tpu.matmul %mul3A, %select_n3A_246, %dot_general3A_247 {dimension_numbers = #tpu.dot_dimension_numbers<[1], [0], [0], [1], [0, 0, 1, 1], [], []>, transpose_lhs_hint = false} : vector<2000x16xf32>, vector<16x128xf32>, vector<2000x128xf32> -> vector<2000x128xf32>
    %slice3A_249 = vector.extract_strided_slice %get3A_27 {offsets = [4, 0], sizes = [1, 64], strides = [1, 1]} : vector<16x256xf32> to vector<1x64xf32>
    %slice3A_250 = vector.extract_strided_slice %get3A_27 {offsets = [5, 0], sizes = [1, 64], strides = [1, 1]} : vector<16x256xf32> to vector<1x64xf32>
    %concatenate3A_251 = tpu.concatenate %slice3A_249, %slice3A_250 in 1 : vector<1x64xf32>, vector<1x64xf32> -> vector<1x128xf32>
    %mul3A_252 = arith.mulf %slice3A_18, %dot_general3A_248 : vector<2000x128xf32>
    %sub3A_253 = arith.constant 1.000000e+00 : f32
    %sub3A_254 = vector.broadcast %sub3A_253 : f32 to vector<2000x128xf32>
    %sub3A_255 = arith.subf %sub3A_254, %mul3A_252 : vector<2000x128xf32>
    %max3A_256 = arith.constant 0.000000e+00 : f32
    %max3A_257 = vector.broadcast %max3A_256 : f32 to vector<2000x128xf32>
    %max3A_258 = arith.maximumf %sub3A_255, %max3A_257 : vector<2000x128xf32>
    %mul3A_259 = arith.mulf %max3A_258, %get3A_237 : vector<2000x128xf32>
    %mul3A_260 = vector.broadcast %concatenate3A_251 : vector<1x128xf32> to vector<2000x128xf32>
    %mul3A_261 = arith.mulf %mul3A_259, %mul3A_260 : vector<2000x128xf32>
    %add3A_262 = arith.addf %add3A_182, %mul3A_261 : vector<2000x128xf32>
    %slice3A_263 = vector.extract_strided_slice %get3A_27 {offsets = [4, 64], sizes = [1, 64], strides = [1, 1]} : vector<16x256xf32> to vector<1x64xf32>
    %slice3A_264 = vector.extract_strided_slice %get3A_27 {offsets = [5, 64], sizes = [1, 64], strides = [1, 1]} : vector<16x256xf32> to vector<1x64xf32>
    %concatenate3A_265 = tpu.concatenate %slice3A_263, %slice3A_264 in 1 : vector<1x64xf32>, vector<1x64xf32> -> vector<1x128xf32>
    %mul3A_266 = arith.mulf %slice3A_19, %dot_general3A_248 : vector<2000x128xf32>
    %sub3A_267 = arith.constant 1.000000e+00 : f32
    %sub3A_268 = vector.broadcast %sub3A_267 : f32 to vector<2000x128xf32>
    %sub3A_269 = arith.subf %sub3A_268, %mul3A_266 : vector<2000x128xf32>
    %max3A_270 = arith.constant 0.000000e+00 : f32
    %max3A_271 = vector.broadcast %max3A_270 : f32 to vector<2000x128xf32>
    %max3A_272 = arith.maximumf %sub3A_269, %max3A_271 : vector<2000x128xf32>
    %mul3A_273 = arith.mulf %max3A_272, %get3A_237 : vector<2000x128xf32>
    %mul3A_274 = vector.broadcast %concatenate3A_265 : vector<1x128xf32> to vector<2000x128xf32>
    %mul3A_275 = arith.mulf %mul3A_273, %mul3A_274 : vector<2000x128xf32>
    %add3A_276 = arith.addf %add3A_196, %mul3A_275 : vector<2000x128xf32>
    %slice3A_277 = vector.extract_strided_slice %get3A_27 {offsets = [4, 128], sizes = [1, 64], strides = [1, 1]} : vector<16x256xf32> to vector<1x64xf32>
    %slice3A_278 = vector.extract_strided_slice %get3A_27 {offsets = [5, 128], sizes = [1, 64], strides = [1, 1]} : vector<16x256xf32> to vector<1x64xf32>
    %concatenate3A_279 = tpu.concatenate %slice3A_277, %slice3A_278 in 1 : vector<1x64xf32>, vector<1x64xf32> -> vector<1x128xf32>
    %mul3A_280 = arith.mulf %slice3A_20, %dot_general3A_248 : vector<2000x128xf32>
    %sub3A_281 = arith.constant 1.000000e+00 : f32
    %sub3A_282 = vector.broadcast %sub3A_281 : f32 to vector<2000x128xf32>
    %sub3A_283 = arith.subf %sub3A_282, %mul3A_280 : vector<2000x128xf32>
    %max3A_284 = arith.constant 0.000000e+00 : f32
    %max3A_285 = vector.broadcast %max3A_284 : f32 to vector<2000x128xf32>
    %max3A_286 = arith.maximumf %sub3A_283, %max3A_285 : vector<2000x128xf32>
    %mul3A_287 = arith.mulf %max3A_286, %get3A_237 : vector<2000x128xf32>
    %mul3A_288 = vector.broadcast %concatenate3A_279 : vector<1x128xf32> to vector<2000x128xf32>
    %mul3A_289 = arith.mulf %mul3A_287, %mul3A_288 : vector<2000x128xf32>
    %add3A_290 = arith.addf %add3A_210, %mul3A_289 : vector<2000x128xf32>
    %slice3A_291 = vector.extract_strided_slice %get3A_27 {offsets = [4, 192], sizes = [1, 64], strides = [1, 1]} : vector<16x256xf32> to vector<1x64xf32>
    %slice3A_292 = vector.extract_strided_slice %get3A_27 {offsets = [5, 192], sizes = [1, 64], strides = [1, 1]} : vector<16x256xf32> to vector<1x64xf32>
    %concatenate3A_293 = tpu.concatenate %slice3A_291, %slice3A_292 in 1 : vector<1x64xf32>, vector<1x64xf32> -> vector<1x128xf32>
    %mul3A_294 = arith.mulf %slice3A_21, %dot_general3A_248 : vector<2000x128xf32>
    %sub3A_295 = arith.constant 1.000000e+00 : f32
    %sub3A_296 = vector.broadcast %sub3A_295 : f32 to vector<2000x128xf32>
    %sub3A_297 = arith.subf %sub3A_296, %mul3A_294 : vector<2000x128xf32>
    %max3A_298 = arith.constant 0.000000e+00 : f32
    %max3A_299 = vector.broadcast %max3A_298 : f32 to vector<2000x128xf32>
    %max3A_300 = arith.maximumf %sub3A_297, %max3A_299 : vector<2000x128xf32>
    %mul3A_301 = arith.mulf %max3A_300, %get3A_237 : vector<2000x128xf32>
    %mul3A_302 = vector.broadcast %concatenate3A_293 : vector<1x128xf32> to vector<2000x128xf32>
    %mul3A_303 = arith.mulf %mul3A_301, %mul3A_302 : vector<2000x128xf32>
    %add3A_304 = arith.addf %add3A_224, %mul3A_303 : vector<2000x128xf32>
    %mul3A_305 = arith.constant 2000 : i32
    %mul3A_306 = arith.muli %arg0, %mul3A_305 : i32
    %dma_start3A_307 = arith.constant 6 : i32
    %dma_start3A_308 = arith.constant 0 : i32
    %dma_start3A_309 = tpu.memref_slice %arg1[%mul3A_306, %dma_start3A_307, %dma_start3A_308] : memref<10000x8x128xf32, #tpu.memory_space<any>> -> memref<2000x1x128xf32, #tpu.memory_space<any>>
    %dma_start3A_310 = tpu.memref_squeeze %dma_start3A_309 : memref<2000x1x128xf32, #tpu.memory_space<any>> -> memref<2000x128xf32, #tpu.memory_space<any>>
    tpu.enqueue_dma source(%dma_start3A_310 : memref<2000x128xf32, #tpu.memory_space<any>>) target(%arg9 : memref<2000x128xf32, #tpu.memory_space<vmem>>) target_semaphore(%arg13 : memref<!tpu.dma_semaphore, #tpu.memory_space<semaphore_mem>>)
    %dma_wait3A_311 = arith.constant 3 : i32
    %dma_wait3A_312 = arith.constant 0 : i32
    %dma_wait3A_313 = tpu.memref_slice %arg1[%mul3A_73, %dma_wait3A_311, %dma_wait3A_312] : memref<10000x8x128xf32, #tpu.memory_space<any>> -> memref<2000x1x128xf32, #tpu.memory_space<any>>
    %dma_wait3A_314 = tpu.memref_squeeze %dma_wait3A_313 : memref<2000x1x128xf32, #tpu.memory_space<any>> -> memref<2000x128xf32, #tpu.memory_space<any>>
    tpu.wait_dma2 semaphore(%arg14 : memref<!tpu.dma_semaphore, #tpu.memory_space<semaphore_mem>>) src(%dma_wait3A_314 : memref<2000x128xf32, #tpu.memory_space<any>>) dst(%arg10 : memref<2000x128xf32, #tpu.memory_space<vmem>>)
    %get3A_315 = arith.constant 0 : index
    %get3A_316 = arith.constant 0 : index
    %get3A_317 = vector.load %arg10[%get3A_315, %get3A_316] : memref<2000x128xf32, #tpu.memory_space<vmem>>, vector<2000x128xf32>
    %add3A_318 = arith.constant 6 : i32
    %add3A_319 = vector.broadcast %add3A_318 : i32 to vector<16x128xi32>
    %add3A_320 = arith.addi %add3A_319, %select_n3A_54 : vector<16x128xi32>
    %eq3A_321 = arith.cmpi eq, %iota3A_28, %add3A_320 : vector<16x128xi32>
    %jit3A_322 = arith.constant 1.000000e+00 : f32
    %jit3A_323 = arith.constant 0.000000e+00 : f32
    %broadcast_in_dim3A_324 = vector.broadcast %jit3A_322 : f32 to vector<16x128xf32>
    %broadcast_in_dim3A_325 = vector.broadcast %jit3A_323 : f32 to vector<16x128xf32>
    %select_n3A_326 = arith.select %eq3A_321, %broadcast_in_dim3A_324, %broadcast_in_dim3A_325 : vector<16x128xi1>, vector<16x128xf32>
    %dot_general3A_327 = arith.constant dense<0.000000e+00> : vector<2000x128xf32>
    %dot_general3A_328 = tpu.matmul %mul3A, %select_n3A_326, %dot_general3A_327 {dimension_numbers = #tpu.dot_dimension_numbers<[1], [0], [0], [1], [0, 0, 1, 1], [], []>, transpose_lhs_hint = false} : vector<2000x16xf32>, vector<16x128xf32>, vector<2000x128xf32> -> vector<2000x128xf32>
    %slice3A_329 = vector.extract_strided_slice %get3A_27 {offsets = [6, 0], sizes = [1, 64], strides = [1, 1]} : vector<16x256xf32> to vector<1x64xf32>
    %slice3A_330 = vector.extract_strided_slice %get3A_27 {offsets = [7, 0], sizes = [1, 64], strides = [1, 1]} : vector<16x256xf32> to vector<1x64xf32>
    %concatenate3A_331 = tpu.concatenate %slice3A_329, %slice3A_330 in 1 : vector<1x64xf32>, vector<1x64xf32> -> vector<1x128xf32>
    %mul3A_332 = arith.mulf %slice3A_18, %dot_general3A_328 : vector<2000x128xf32>
    %sub3A_333 = arith.constant 1.000000e+00 : f32
    %sub3A_334 = vector.broadcast %sub3A_333 : f32 to vector<2000x128xf32>
    %sub3A_335 = arith.subf %sub3A_334, %mul3A_332 : vector<2000x128xf32>
    %max3A_336 = arith.constant 0.000000e+00 : f32
    %max3A_337 = vector.broadcast %max3A_336 : f32 to vector<2000x128xf32>
    %max3A_338 = arith.maximumf %sub3A_335, %max3A_337 : vector<2000x128xf32>
    %mul3A_339 = arith.mulf %max3A_338, %get3A_317 : vector<2000x128xf32>
    %mul3A_340 = vector.broadcast %concatenate3A_331 : vector<1x128xf32> to vector<2000x128xf32>
    %mul3A_341 = arith.mulf %mul3A_339, %mul3A_340 : vector<2000x128xf32>
    %add3A_342 = arith.addf %add3A_262, %mul3A_341 : vector<2000x128xf32>
    %slice3A_343 = vector.extract_strided_slice %get3A_27 {offsets = [6, 64], sizes = [1, 64], strides = [1, 1]} : vector<16x256xf32> to vector<1x64xf32>
    %slice3A_344 = vector.extract_strided_slice %get3A_27 {offsets = [7, 64], sizes = [1, 64], strides = [1, 1]} : vector<16x256xf32> to vector<1x64xf32>
    %concatenate3A_345 = tpu.concatenate %slice3A_343, %slice3A_344 in 1 : vector<1x64xf32>, vector<1x64xf32> -> vector<1x128xf32>
    %mul3A_346 = arith.mulf %slice3A_19, %dot_general3A_328 : vector<2000x128xf32>
    %sub3A_347 = arith.constant 1.000000e+00 : f32
    %sub3A_348 = vector.broadcast %sub3A_347 : f32 to vector<2000x128xf32>
    %sub3A_349 = arith.subf %sub3A_348, %mul3A_346 : vector<2000x128xf32>
    %max3A_350 = arith.constant 0.000000e+00 : f32
    %max3A_351 = vector.broadcast %max3A_350 : f32 to vector<2000x128xf32>
    %max3A_352 = arith.maximumf %sub3A_349, %max3A_351 : vector<2000x128xf32>
    %mul3A_353 = arith.mulf %max3A_352, %get3A_317 : vector<2000x128xf32>
    %mul3A_354 = vector.broadcast %concatenate3A_345 : vector<1x128xf32> to vector<2000x128xf32>
    %mul3A_355 = arith.mulf %mul3A_353, %mul3A_354 : vector<2000x128xf32>
    %add3A_356 = arith.addf %add3A_276, %mul3A_355 : vector<2000x128xf32>
    %slice3A_357 = vector.extract_strided_slice %get3A_27 {offsets = [6, 128], sizes = [1, 64], strides = [1, 1]} : vector<16x256xf32> to vector<1x64xf32>
    %slice3A_358 = vector.extract_strided_slice %get3A_27 {offsets = [7, 128], sizes = [1, 64], strides = [1, 1]} : vector<16x256xf32> to vector<1x64xf32>
    %concatenate3A_359 = tpu.concatenate %slice3A_357, %slice3A_358 in 1 : vector<1x64xf32>, vector<1x64xf32> -> vector<1x128xf32>
    %mul3A_360 = arith.mulf %slice3A_20, %dot_general3A_328 : vector<2000x128xf32>
    %sub3A_361 = arith.constant 1.000000e+00 : f32
    %sub3A_362 = vector.broadcast %sub3A_361 : f32 to vector<2000x128xf32>
    %sub3A_363 = arith.subf %sub3A_362, %mul3A_360 : vector<2000x128xf32>
    %max3A_364 = arith.constant 0.000000e+00 : f32
    %max3A_365 = vector.broadcast %max3A_364 : f32 to vector<2000x128xf32>
    %max3A_366 = arith.maximumf %sub3A_363, %max3A_365 : vector<2000x128xf32>
    %mul3A_367 = arith.mulf %max3A_366, %get3A_317 : vector<2000x128xf32>
    %mul3A_368 = vector.broadcast %concatenate3A_359 : vector<1x128xf32> to vector<2000x128xf32>
    %mul3A_369 = arith.mulf %mul3A_367, %mul3A_368 : vector<2000x128xf32>
    %add3A_370 = arith.addf %add3A_290, %mul3A_369 : vector<2000x128xf32>
    %slice3A_371 = vector.extract_strided_slice %get3A_27 {offsets = [6, 192], sizes = [1, 64], strides = [1, 1]} : vector<16x256xf32> to vector<1x64xf32>
    %slice3A_372 = vector.extract_strided_slice %get3A_27 {offsets = [7, 192], sizes = [1, 64], strides = [1, 1]} : vector<16x256xf32> to vector<1x64xf32>
    %concatenate3A_373 = tpu.concatenate %slice3A_371, %slice3A_372 in 1 : vector<1x64xf32>, vector<1x64xf32> -> vector<1x128xf32>
    %mul3A_374 = arith.mulf %slice3A_21, %dot_general3A_328 : vector<2000x128xf32>
    %sub3A_375 = arith.constant 1.000000e+00 : f32
    %sub3A_376 = vector.broadcast %sub3A_375 : f32 to vector<2000x128xf32>
    %sub3A_377 = arith.subf %sub3A_376, %mul3A_374 : vector<2000x128xf32>
    %max3A_378 = arith.constant 0.000000e+00 : f32
    %max3A_379 = vector.broadcast %max3A_378 : f32 to vector<2000x128xf32>
    %max3A_380 = arith.maximumf %sub3A_377, %max3A_379 : vector<2000x128xf32>
    %mul3A_381 = arith.mulf %max3A_380, %get3A_317 : vector<2000x128xf32>
    %mul3A_382 = vector.broadcast %concatenate3A_373 : vector<1x128xf32> to vector<2000x128xf32>
    %mul3A_383 = arith.mulf %mul3A_381, %mul3A_382 : vector<2000x128xf32>
    %add3A_384 = arith.addf %add3A_304, %mul3A_383 : vector<2000x128xf32>
    %mul3A_385 = arith.constant 2000 : i32
    %mul3A_386 = arith.muli %arg0, %mul3A_385 : i32
    %dma_start3A_387 = arith.constant 7 : i32
    %dma_start3A_388 = arith.constant 0 : i32
    %dma_start3A_389 = tpu.memref_slice %arg1[%mul3A_386, %dma_start3A_387, %dma_start3A_388] : memref<10000x8x128xf32, #tpu.memory_space<any>> -> memref<2000x1x128xf32, #tpu.memory_space<any>>
    %dma_start3A_390 = tpu.memref_squeeze %dma_start3A_389 : memref<2000x1x128xf32, #tpu.memory_space<any>> -> memref<2000x128xf32, #tpu.memory_space<any>>
    tpu.enqueue_dma source(%dma_start3A_390 : memref<2000x128xf32, #tpu.memory_space<any>>) target(%arg10 : memref<2000x128xf32, #tpu.memory_space<vmem>>) target_semaphore(%arg14 : memref<!tpu.dma_semaphore, #tpu.memory_space<semaphore_mem>>)
    %dma_wait3A_391 = arith.constant 4 : i32
    %dma_wait3A_392 = arith.constant 0 : i32
    %dma_wait3A_393 = tpu.memref_slice %arg1[%mul3A_146, %dma_wait3A_391, %dma_wait3A_392] : memref<10000x8x128xf32, #tpu.memory_space<any>> -> memref<2000x1x128xf32, #tpu.memory_space<any>>
    %dma_wait3A_394 = tpu.memref_squeeze %dma_wait3A_393 : memref<2000x1x128xf32, #tpu.memory_space<any>> -> memref<2000x128xf32, #tpu.memory_space<any>>
    tpu.wait_dma2 semaphore(%arg11 : memref<!tpu.dma_semaphore, #tpu.memory_space<semaphore_mem>>) src(%dma_wait3A_394 : memref<2000x128xf32, #tpu.memory_space<any>>) dst(%arg7 : memref<2000x128xf32, #tpu.memory_space<vmem>>)
    %get3A_395 = arith.constant 0 : index
    %get3A_396 = arith.constant 0 : index
    %get3A_397 = vector.load %arg7[%get3A_395, %get3A_396] : memref<2000x128xf32, #tpu.memory_space<vmem>>, vector<2000x128xf32>
    %add3A_398 = arith.constant 8 : i32
    %add3A_399 = vector.broadcast %add3A_398 : i32 to vector<16x128xi32>
    %add3A_400 = arith.addi %add3A_399, %select_n3A_54 : vector<16x128xi32>
    %eq3A_401 = arith.cmpi eq, %iota3A_28, %add3A_400 : vector<16x128xi32>
    %jit3A_402 = arith.constant 1.000000e+00 : f32
    %jit3A_403 = arith.constant 0.000000e+00 : f32
    %broadcast_in_dim3A_404 = vector.broadcast %jit3A_402 : f32 to vector<16x128xf32>
    %broadcast_in_dim3A_405 = vector.broadcast %jit3A_403 : f32 to vector<16x128xf32>
    %select_n3A_406 = arith.select %eq3A_401, %broadcast_in_dim3A_404, %broadcast_in_dim3A_405 : vector<16x128xi1>, vector<16x128xf32>
    %dot_general3A_407 = arith.constant dense<0.000000e+00> : vector<2000x128xf32>
    %dot_general3A_408 = tpu.matmul %mul3A, %select_n3A_406, %dot_general3A_407 {dimension_numbers = #tpu.dot_dimension_numbers<[1], [0], [0], [1], [0, 0, 1, 1], [], []>, transpose_lhs_hint = false} : vector<2000x16xf32>, vector<16x128xf32>, vector<2000x128xf32> -> vector<2000x128xf32>
    %slice3A_409 = vector.extract_strided_slice %get3A_27 {offsets = [8, 0], sizes = [1, 64], strides = [1, 1]} : vector<16x256xf32> to vector<1x64xf32>
    %slice3A_410 = vector.extract_strided_slice %get3A_27 {offsets = [9, 0], sizes = [1, 64], strides = [1, 1]} : vector<16x256xf32> to vector<1x64xf32>
    %concatenate3A_411 = tpu.concatenate %slice3A_409, %slice3A_410 in 1 : vector<1x64xf32>, vector<1x64xf32> -> vector<1x128xf32>
    %mul3A_412 = arith.mulf %slice3A_18, %dot_general3A_408 : vector<2000x128xf32>
    %sub3A_413 = arith.constant 1.000000e+00 : f32
    %sub3A_414 = vector.broadcast %sub3A_413 : f32 to vector<2000x128xf32>
    %sub3A_415 = arith.subf %sub3A_414, %mul3A_412 : vector<2000x128xf32>
    %max3A_416 = arith.constant 0.000000e+00 : f32
    %max3A_417 = vector.broadcast %max3A_416 : f32 to vector<2000x128xf32>
    %max3A_418 = arith.maximumf %sub3A_415, %max3A_417 : vector<2000x128xf32>
    %mul3A_419 = arith.mulf %max3A_418, %get3A_397 : vector<2000x128xf32>
    %mul3A_420 = vector.broadcast %concatenate3A_411 : vector<1x128xf32> to vector<2000x128xf32>
    %mul3A_421 = arith.mulf %mul3A_419, %mul3A_420 : vector<2000x128xf32>
    %add3A_422 = arith.addf %add3A_342, %mul3A_421 : vector<2000x128xf32>
    %slice3A_423 = vector.extract_strided_slice %get3A_27 {offsets = [8, 64], sizes = [1, 64], strides = [1, 1]} : vector<16x256xf32> to vector<1x64xf32>
    %slice3A_424 = vector.extract_strided_slice %get3A_27 {offsets = [9, 64], sizes = [1, 64], strides = [1, 1]} : vector<16x256xf32> to vector<1x64xf32>
    %concatenate3A_425 = tpu.concatenate %slice3A_423, %slice3A_424 in 1 : vector<1x64xf32>, vector<1x64xf32> -> vector<1x128xf32>
    %mul3A_426 = arith.mulf %slice3A_19, %dot_general3A_408 : vector<2000x128xf32>
    %sub3A_427 = arith.constant 1.000000e+00 : f32
    %sub3A_428 = vector.broadcast %sub3A_427 : f32 to vector<2000x128xf32>
    %sub3A_429 = arith.subf %sub3A_428, %mul3A_426 : vector<2000x128xf32>
    %max3A_430 = arith.constant 0.000000e+00 : f32
    %max3A_431 = vector.broadcast %max3A_430 : f32 to vector<2000x128xf32>
    %max3A_432 = arith.maximumf %sub3A_429, %max3A_431 : vector<2000x128xf32>
    %mul3A_433 = arith.mulf %max3A_432, %get3A_397 : vector<2000x128xf32>
    %mul3A_434 = vector.broadcast %concatenate3A_425 : vector<1x128xf32> to vector<2000x128xf32>
    %mul3A_435 = arith.mulf %mul3A_433, %mul3A_434 : vector<2000x128xf32>
    %add3A_436 = arith.addf %add3A_356, %mul3A_435 : vector<2000x128xf32>
    %slice3A_437 = vector.extract_strided_slice %get3A_27 {offsets = [8, 128], sizes = [1, 64], strides = [1, 1]} : vector<16x256xf32> to vector<1x64xf32>
    %slice3A_438 = vector.extract_strided_slice %get3A_27 {offsets = [9, 128], sizes = [1, 64], strides = [1, 1]} : vector<16x256xf32> to vector<1x64xf32>
    %concatenate3A_439 = tpu.concatenate %slice3A_437, %slice3A_438 in 1 : vector<1x64xf32>, vector<1x64xf32> -> vector<1x128xf32>
    %mul3A_440 = arith.mulf %slice3A_20, %dot_general3A_408 : vector<2000x128xf32>
    %sub3A_441 = arith.constant 1.000000e+00 : f32
    %sub3A_442 = vector.broadcast %sub3A_441 : f32 to vector<2000x128xf32>
    %sub3A_443 = arith.subf %sub3A_442, %mul3A_440 : vector<2000x128xf32>
    %max3A_444 = arith.constant 0.000000e+00 : f32
    %max3A_445 = vector.broadcast %max3A_444 : f32 to vector<2000x128xf32>
    %max3A_446 = arith.maximumf %sub3A_443, %max3A_445 : vector<2000x128xf32>
    %mul3A_447 = arith.mulf %max3A_446, %get3A_397 : vector<2000x128xf32>
    %mul3A_448 = vector.broadcast %concatenate3A_439 : vector<1x128xf32> to vector<2000x128xf32>
    %mul3A_449 = arith.mulf %mul3A_447, %mul3A_448 : vector<2000x128xf32>
    %add3A_450 = arith.addf %add3A_370, %mul3A_449 : vector<2000x128xf32>
    %slice3A_451 = vector.extract_strided_slice %get3A_27 {offsets = [8, 192], sizes = [1, 64], strides = [1, 1]} : vector<16x256xf32> to vector<1x64xf32>
    %slice3A_452 = vector.extract_strided_slice %get3A_27 {offsets = [9, 192], sizes = [1, 64], strides = [1, 1]} : vector<16x256xf32> to vector<1x64xf32>
    %concatenate3A_453 = tpu.concatenate %slice3A_451, %slice3A_452 in 1 : vector<1x64xf32>, vector<1x64xf32> -> vector<1x128xf32>
    %mul3A_454 = arith.mulf %slice3A_21, %dot_general3A_408 : vector<2000x128xf32>
    %sub3A_455 = arith.constant 1.000000e+00 : f32
    %sub3A_456 = vector.broadcast %sub3A_455 : f32 to vector<2000x128xf32>
    %sub3A_457 = arith.subf %sub3A_456, %mul3A_454 : vector<2000x128xf32>
    %max3A_458 = arith.constant 0.000000e+00 : f32
    %max3A_459 = vector.broadcast %max3A_458 : f32 to vector<2000x128xf32>
    %max3A_460 = arith.maximumf %sub3A_457, %max3A_459 : vector<2000x128xf32>
    %mul3A_461 = arith.mulf %max3A_460, %get3A_397 : vector<2000x128xf32>
    %mul3A_462 = vector.broadcast %concatenate3A_453 : vector<1x128xf32> to vector<2000x128xf32>
    %mul3A_463 = arith.mulf %mul3A_461, %mul3A_462 : vector<2000x128xf32>
    %add3A_464 = arith.addf %add3A_384, %mul3A_463 : vector<2000x128xf32>
    %dma_wait3A_465 = arith.constant 5 : i32
    %dma_wait3A_466 = arith.constant 0 : i32
    %dma_wait3A_467 = tpu.memref_slice %arg1[%mul3A_226, %dma_wait3A_465, %dma_wait3A_466] : memref<10000x8x128xf32, #tpu.memory_space<any>> -> memref<2000x1x128xf32, #tpu.memory_space<any>>
    %dma_wait3A_468 = tpu.memref_squeeze %dma_wait3A_467 : memref<2000x1x128xf32, #tpu.memory_space<any>> -> memref<2000x128xf32, #tpu.memory_space<any>>
    tpu.wait_dma2 semaphore(%arg12 : memref<!tpu.dma_semaphore, #tpu.memory_space<semaphore_mem>>) src(%dma_wait3A_468 : memref<2000x128xf32, #tpu.memory_space<any>>) dst(%arg8 : memref<2000x128xf32, #tpu.memory_space<vmem>>)
    %get3A_469 = arith.constant 0 : index
    %get3A_470 = arith.constant 0 : index
    %get3A_471 = vector.load %arg8[%get3A_469, %get3A_470] : memref<2000x128xf32, #tpu.memory_space<vmem>>, vector<2000x128xf32>
    %add3A_472 = arith.constant 10 : i32
    %add3A_473 = vector.broadcast %add3A_472 : i32 to vector<16x128xi32>
    %add3A_474 = arith.addi %add3A_473, %select_n3A_54 : vector<16x128xi32>
    %eq3A_475 = arith.cmpi eq, %iota3A_28, %add3A_474 : vector<16x128xi32>
    %jit3A_476 = arith.constant 1.000000e+00 : f32
    %jit3A_477 = arith.constant 0.000000e+00 : f32
    %broadcast_in_dim3A_478 = vector.broadcast %jit3A_476 : f32 to vector<16x128xf32>
    %broadcast_in_dim3A_479 = vector.broadcast %jit3A_477 : f32 to vector<16x128xf32>
    %select_n3A_480 = arith.select %eq3A_475, %broadcast_in_dim3A_478, %broadcast_in_dim3A_479 : vector<16x128xi1>, vector<16x128xf32>
    %dot_general3A_481 = arith.constant dense<0.000000e+00> : vector<2000x128xf32>
    %dot_general3A_482 = tpu.matmul %mul3A, %select_n3A_480, %dot_general3A_481 {dimension_numbers = #tpu.dot_dimension_numbers<[1], [0], [0], [1], [0, 0, 1, 1], [], []>, transpose_lhs_hint = false} : vector<2000x16xf32>, vector<16x128xf32>, vector<2000x128xf32> -> vector<2000x128xf32>
    %slice3A_483 = vector.extract_strided_slice %get3A_27 {offsets = [10, 0], sizes = [1, 64], strides = [1, 1]} : vector<16x256xf32> to vector<1x64xf32>
    %slice3A_484 = vector.extract_strided_slice %get3A_27 {offsets = [11, 0], sizes = [1, 64], strides = [1, 1]} : vector<16x256xf32> to vector<1x64xf32>
    %concatenate3A_485 = tpu.concatenate %slice3A_483, %slice3A_484 in 1 : vector<1x64xf32>, vector<1x64xf32> -> vector<1x128xf32>
    %mul3A_486 = arith.mulf %slice3A_18, %dot_general3A_482 : vector<2000x128xf32>
    %sub3A_487 = arith.constant 1.000000e+00 : f32
    %sub3A_488 = vector.broadcast %sub3A_487 : f32 to vector<2000x128xf32>
    %sub3A_489 = arith.subf %sub3A_488, %mul3A_486 : vector<2000x128xf32>
    %max3A_490 = arith.constant 0.000000e+00 : f32
    %max3A_491 = vector.broadcast %max3A_490 : f32 to vector<2000x128xf32>
    %max3A_492 = arith.maximumf %sub3A_489, %max3A_491 : vector<2000x128xf32>
    %mul3A_493 = arith.mulf %max3A_492, %get3A_471 : vector<2000x128xf32>
    %mul3A_494 = vector.broadcast %concatenate3A_485 : vector<1x128xf32> to vector<2000x128xf32>
    %mul3A_495 = arith.mulf %mul3A_493, %mul3A_494 : vector<2000x128xf32>
    %add3A_496 = arith.addf %add3A_422, %mul3A_495 : vector<2000x128xf32>
    %slice3A_497 = vector.extract_strided_slice %get3A_27 {offsets = [10, 64], sizes = [1, 64], strides = [1, 1]} : vector<16x256xf32> to vector<1x64xf32>
    %slice3A_498 = vector.extract_strided_slice %get3A_27 {offsets = [11, 64], sizes = [1, 64], strides = [1, 1]} : vector<16x256xf32> to vector<1x64xf32>
    %concatenate3A_499 = tpu.concatenate %slice3A_497, %slice3A_498 in 1 : vector<1x64xf32>, vector<1x64xf32> -> vector<1x128xf32>
    %mul3A_500 = arith.mulf %slice3A_19, %dot_general3A_482 : vector<2000x128xf32>
    %sub3A_501 = arith.constant 1.000000e+00 : f32
    %sub3A_502 = vector.broadcast %sub3A_501 : f32 to vector<2000x128xf32>
    %sub3A_503 = arith.subf %sub3A_502, %mul3A_500 : vector<2000x128xf32>
    %max3A_504 = arith.constant 0.000000e+00 : f32
    %max3A_505 = vector.broadcast %max3A_504 : f32 to vector<2000x128xf32>
    %max3A_506 = arith.maximumf %sub3A_503, %max3A_505 : vector<2000x128xf32>
    %mul3A_507 = arith.mulf %max3A_506, %get3A_471 : vector<2000x128xf32>
    %mul3A_508 = vector.broadcast %concatenate3A_499 : vector<1x128xf32> to vector<2000x128xf32>
    %mul3A_509 = arith.mulf %mul3A_507, %mul3A_508 : vector<2000x128xf32>
    %add3A_510 = arith.addf %add3A_436, %mul3A_509 : vector<2000x128xf32>
    %slice3A_511 = vector.extract_strided_slice %get3A_27 {offsets = [10, 128], sizes = [1, 64], strides = [1, 1]} : vector<16x256xf32> to vector<1x64xf32>
    %slice3A_512 = vector.extract_strided_slice %get3A_27 {offsets = [11, 128], sizes = [1, 64], strides = [1, 1]} : vector<16x256xf32> to vector<1x64xf32>
    %concatenate3A_513 = tpu.concatenate %slice3A_511, %slice3A_512 in 1 : vector<1x64xf32>, vector<1x64xf32> -> vector<1x128xf32>
    %mul3A_514 = arith.mulf %slice3A_20, %dot_general3A_482 : vector<2000x128xf32>
    %sub3A_515 = arith.constant 1.000000e+00 : f32
    %sub3A_516 = vector.broadcast %sub3A_515 : f32 to vector<2000x128xf32>
    %sub3A_517 = arith.subf %sub3A_516, %mul3A_514 : vector<2000x128xf32>
    %max3A_518 = arith.constant 0.000000e+00 : f32
    %max3A_519 = vector.broadcast %max3A_518 : f32 to vector<2000x128xf32>
    %max3A_520 = arith.maximumf %sub3A_517, %max3A_519 : vector<2000x128xf32>
    %mul3A_521 = arith.mulf %max3A_520, %get3A_471 : vector<2000x128xf32>
    %mul3A_522 = vector.broadcast %concatenate3A_513 : vector<1x128xf32> to vector<2000x128xf32>
    %mul3A_523 = arith.mulf %mul3A_521, %mul3A_522 : vector<2000x128xf32>
    %add3A_524 = arith.addf %add3A_450, %mul3A_523 : vector<2000x128xf32>
    %slice3A_525 = vector.extract_strided_slice %get3A_27 {offsets = [10, 192], sizes = [1, 64], strides = [1, 1]} : vector<16x256xf32> to vector<1x64xf32>
    %slice3A_526 = vector.extract_strided_slice %get3A_27 {offsets = [11, 192], sizes = [1, 64], strides = [1, 1]} : vector<16x256xf32> to vector<1x64xf32>
    %concatenate3A_527 = tpu.concatenate %slice3A_525, %slice3A_526 in 1 : vector<1x64xf32>, vector<1x64xf32> -> vector<1x128xf32>
    %mul3A_528 = arith.mulf %slice3A_21, %dot_general3A_482 : vector<2000x128xf32>
    %sub3A_529 = arith.constant 1.000000e+00 : f32
    %sub3A_530 = vector.broadcast %sub3A_529 : f32 to vector<2000x128xf32>
    %sub3A_531 = arith.subf %sub3A_530, %mul3A_528 : vector<2000x128xf32>
    %max3A_532 = arith.constant 0.000000e+00 : f32
    %max3A_533 = vector.broadcast %max3A_532 : f32 to vector<2000x128xf32>
    %max3A_534 = arith.maximumf %sub3A_531, %max3A_533 : vector<2000x128xf32>
    %mul3A_535 = arith.mulf %max3A_534, %get3A_471 : vector<2000x128xf32>
    %mul3A_536 = vector.broadcast %concatenate3A_527 : vector<1x128xf32> to vector<2000x128xf32>
    %mul3A_537 = arith.mulf %mul3A_535, %mul3A_536 : vector<2000x128xf32>
    %add3A_538 = arith.addf %add3A_464, %mul3A_537 : vector<2000x128xf32>
    %dma_wait3A_539 = arith.constant 6 : i32
    %dma_wait3A_540 = arith.constant 0 : i32
    %dma_wait3A_541 = tpu.memref_slice %arg1[%mul3A_306, %dma_wait3A_539, %dma_wait3A_540] : memref<10000x8x128xf32, #tpu.memory_space<any>> -> memref<2000x1x128xf32, #tpu.memory_space<any>>
    %dma_wait3A_542 = tpu.memref_squeeze %dma_wait3A_541 : memref<2000x1x128xf32, #tpu.memory_space<any>> -> memref<2000x128xf32, #tpu.memory_space<any>>
    tpu.wait_dma2 semaphore(%arg13 : memref<!tpu.dma_semaphore, #tpu.memory_space<semaphore_mem>>) src(%dma_wait3A_542 : memref<2000x128xf32, #tpu.memory_space<any>>) dst(%arg9 : memref<2000x128xf32, #tpu.memory_space<vmem>>)
    %get3A_543 = arith.constant 0 : index
    %get3A_544 = arith.constant 0 : index
    %get3A_545 = vector.load %arg9[%get3A_543, %get3A_544] : memref<2000x128xf32, #tpu.memory_space<vmem>>, vector<2000x128xf32>
    %add3A_546 = arith.constant 12 : i32
    %add3A_547 = vector.broadcast %add3A_546 : i32 to vector<16x128xi32>
    %add3A_548 = arith.addi %add3A_547, %select_n3A_54 : vector<16x128xi32>
    %eq3A_549 = arith.cmpi eq, %iota3A_28, %add3A_548 : vector<16x128xi32>
    %jit3A_550 = arith.constant 1.000000e+00 : f32
    %jit3A_551 = arith.constant 0.000000e+00 : f32
    %broadcast_in_dim3A_552 = vector.broadcast %jit3A_550 : f32 to vector<16x128xf32>
    %broadcast_in_dim3A_553 = vector.broadcast %jit3A_551 : f32 to vector<16x128xf32>
    %select_n3A_554 = arith.select %eq3A_549, %broadcast_in_dim3A_552, %broadcast_in_dim3A_553 : vector<16x128xi1>, vector<16x128xf32>
    %dot_general3A_555 = arith.constant dense<0.000000e+00> : vector<2000x128xf32>
    %dot_general3A_556 = tpu.matmul %mul3A, %select_n3A_554, %dot_general3A_555 {dimension_numbers = #tpu.dot_dimension_numbers<[1], [0], [0], [1], [0, 0, 1, 1], [], []>, transpose_lhs_hint = false} : vector<2000x16xf32>, vector<16x128xf32>, vector<2000x128xf32> -> vector<2000x128xf32>
    %slice3A_557 = vector.extract_strided_slice %get3A_27 {offsets = [12, 0], sizes = [1, 64], strides = [1, 1]} : vector<16x256xf32> to vector<1x64xf32>
    %slice3A_558 = vector.extract_strided_slice %get3A_27 {offsets = [13, 0], sizes = [1, 64], strides = [1, 1]} : vector<16x256xf32> to vector<1x64xf32>
    %concatenate3A_559 = tpu.concatenate %slice3A_557, %slice3A_558 in 1 : vector<1x64xf32>, vector<1x64xf32> -> vector<1x128xf32>
    %mul3A_560 = arith.mulf %slice3A_18, %dot_general3A_556 : vector<2000x128xf32>
    %sub3A_561 = arith.constant 1.000000e+00 : f32
    %sub3A_562 = vector.broadcast %sub3A_561 : f32 to vector<2000x128xf32>
    %sub3A_563 = arith.subf %sub3A_562, %mul3A_560 : vector<2000x128xf32>
    %max3A_564 = arith.constant 0.000000e+00 : f32
    %max3A_565 = vector.broadcast %max3A_564 : f32 to vector<2000x128xf32>
    %max3A_566 = arith.maximumf %sub3A_563, %max3A_565 : vector<2000x128xf32>
    %mul3A_567 = arith.mulf %max3A_566, %get3A_545 : vector<2000x128xf32>
    %mul3A_568 = vector.broadcast %concatenate3A_559 : vector<1x128xf32> to vector<2000x128xf32>
    %mul3A_569 = arith.mulf %mul3A_567, %mul3A_568 : vector<2000x128xf32>
    %add3A_570 = arith.addf %add3A_496, %mul3A_569 : vector<2000x128xf32>
    %slice3A_571 = vector.extract_strided_slice %get3A_27 {offsets = [12, 64], sizes = [1, 64], strides = [1, 1]} : vector<16x256xf32> to vector<1x64xf32>
    %slice3A_572 = vector.extract_strided_slice %get3A_27 {offsets = [13, 64], sizes = [1, 64], strides = [1, 1]} : vector<16x256xf32> to vector<1x64xf32>
    %concatenate3A_573 = tpu.concatenate %slice3A_571, %slice3A_572 in 1 : vector<1x64xf32>, vector<1x64xf32> -> vector<1x128xf32>
    %mul3A_574 = arith.mulf %slice3A_19, %dot_general3A_556 : vector<2000x128xf32>
    %sub3A_575 = arith.constant 1.000000e+00 : f32
    %sub3A_576 = vector.broadcast %sub3A_575 : f32 to vector<2000x128xf32>
    %sub3A_577 = arith.subf %sub3A_576, %mul3A_574 : vector<2000x128xf32>
    %max3A_578 = arith.constant 0.000000e+00 : f32
    %max3A_579 = vector.broadcast %max3A_578 : f32 to vector<2000x128xf32>
    %max3A_580 = arith.maximumf %sub3A_577, %max3A_579 : vector<2000x128xf32>
    %mul3A_581 = arith.mulf %max3A_580, %get3A_545 : vector<2000x128xf32>
    %mul3A_582 = vector.broadcast %concatenate3A_573 : vector<1x128xf32> to vector<2000x128xf32>
    %mul3A_583 = arith.mulf %mul3A_581, %mul3A_582 : vector<2000x128xf32>
    %add3A_584 = arith.addf %add3A_510, %mul3A_583 : vector<2000x128xf32>
    %slice3A_585 = vector.extract_strided_slice %get3A_27 {offsets = [12, 128], sizes = [1, 64], strides = [1, 1]} : vector<16x256xf32> to vector<1x64xf32>
    %slice3A_586 = vector.extract_strided_slice %get3A_27 {offsets = [13, 128], sizes = [1, 64], strides = [1, 1]} : vector<16x256xf32> to vector<1x64xf32>
    %concatenate3A_587 = tpu.concatenate %slice3A_585, %slice3A_586 in 1 : vector<1x64xf32>, vector<1x64xf32> -> vector<1x128xf32>
    %mul3A_588 = arith.mulf %slice3A_20, %dot_general3A_556 : vector<2000x128xf32>
    %sub3A_589 = arith.constant 1.000000e+00 : f32
    %sub3A_590 = vector.broadcast %sub3A_589 : f32 to vector<2000x128xf32>
    %sub3A_591 = arith.subf %sub3A_590, %mul3A_588 : vector<2000x128xf32>
    %max3A_592 = arith.constant 0.000000e+00 : f32
    %max3A_593 = vector.broadcast %max3A_592 : f32 to vector<2000x128xf32>
    %max3A_594 = arith.maximumf %sub3A_591, %max3A_593 : vector<2000x128xf32>
    %mul3A_595 = arith.mulf %max3A_594, %get3A_545 : vector<2000x128xf32>
    %mul3A_596 = vector.broadcast %concatenate3A_587 : vector<1x128xf32> to vector<2000x128xf32>
    %mul3A_597 = arith.mulf %mul3A_595, %mul3A_596 : vector<2000x128xf32>
    %add3A_598 = arith.addf %add3A_524, %mul3A_597 : vector<2000x128xf32>
    %slice3A_599 = vector.extract_strided_slice %get3A_27 {offsets = [12, 192], sizes = [1, 64], strides = [1, 1]} : vector<16x256xf32> to vector<1x64xf32>
    %slice3A_600 = vector.extract_strided_slice %get3A_27 {offsets = [13, 192], sizes = [1, 64], strides = [1, 1]} : vector<16x256xf32> to vector<1x64xf32>
    %concatenate3A_601 = tpu.concatenate %slice3A_599, %slice3A_600 in 1 : vector<1x64xf32>, vector<1x64xf32> -> vector<1x128xf32>
    %mul3A_602 = arith.mulf %slice3A_21, %dot_general3A_556 : vector<2000x128xf32>
    %sub3A_603 = arith.constant 1.000000e+00 : f32
    %sub3A_604 = vector.broadcast %sub3A_603 : f32 to vector<2000x128xf32>
    %sub3A_605 = arith.subf %sub3A_604, %mul3A_602 : vector<2000x128xf32>
    %max3A_606 = arith.constant 0.000000e+00 : f32
    %max3A_607 = vector.broadcast %max3A_606 : f32 to vector<2000x128xf32>
    %max3A_608 = arith.maximumf %sub3A_605, %max3A_607 : vector<2000x128xf32>
    %mul3A_609 = arith.mulf %max3A_608, %get3A_545 : vector<2000x128xf32>
    %mul3A_610 = vector.broadcast %concatenate3A_601 : vector<1x128xf32> to vector<2000x128xf32>
    %mul3A_611 = arith.mulf %mul3A_609, %mul3A_610 : vector<2000x128xf32>
    %add3A_612 = arith.addf %add3A_538, %mul3A_611 : vector<2000x128xf32>
    %dma_wait3A_613 = arith.constant 7 : i32
    %dma_wait3A_614 = arith.constant 0 : i32
    %dma_wait3A_615 = tpu.memref_slice %arg1[%mul3A_386, %dma_wait3A_613, %dma_wait3A_614] : memref<10000x8x128xf32, #tpu.memory_space<any>> -> memref<2000x1x128xf32, #tpu.memory_space<any>>
    %dma_wait3A_616 = tpu.memref_squeeze %dma_wait3A_615 : memref<2000x1x128xf32, #tpu.memory_space<any>> -> memref<2000x128xf32, #tpu.memory_space<any>>
    tpu.wait_dma2 semaphore(%arg14 : memref<!tpu.dma_semaphore, #tpu.memory_space<semaphore_mem>>) src(%dma_wait3A_616 : memref<2000x128xf32, #tpu.memory_space<any>>) dst(%arg10 : memref<2000x128xf32, #tpu.memory_space<vmem>>)
    %get3A_617 = arith.constant 0 : index
    %get3A_618 = arith.constant 0 : index
    %get3A_619 = vector.load %arg10[%get3A_617, %get3A_618] : memref<2000x128xf32, #tpu.memory_space<vmem>>, vector<2000x128xf32>
    %add3A_620 = arith.constant 14 : i32
    %add3A_621 = vector.broadcast %add3A_620 : i32 to vector<16x128xi32>
    %add3A_622 = arith.addi %add3A_621, %select_n3A_54 : vector<16x128xi32>
    %eq3A_623 = arith.cmpi eq, %iota3A_28, %add3A_622 : vector<16x128xi32>
    %jit3A_624 = arith.constant 1.000000e+00 : f32
    %jit3A_625 = arith.constant 0.000000e+00 : f32
    %broadcast_in_dim3A_626 = vector.broadcast %jit3A_624 : f32 to vector<16x128xf32>
    %broadcast_in_dim3A_627 = vector.broadcast %jit3A_625 : f32 to vector<16x128xf32>
    %select_n3A_628 = arith.select %eq3A_623, %broadcast_in_dim3A_626, %broadcast_in_dim3A_627 : vector<16x128xi1>, vector<16x128xf32>
    %dot_general3A_629 = arith.constant dense<0.000000e+00> : vector<2000x128xf32>
    %dot_general3A_630 = tpu.matmul %mul3A, %select_n3A_628, %dot_general3A_629 {dimension_numbers = #tpu.dot_dimension_numbers<[1], [0], [0], [1], [0, 0, 1, 1], [], []>, transpose_lhs_hint = false} : vector<2000x16xf32>, vector<16x128xf32>, vector<2000x128xf32> -> vector<2000x128xf32>
    %slice3A_631 = vector.extract_strided_slice %get3A_27 {offsets = [14, 0], sizes = [1, 64], strides = [1, 1]} : vector<16x256xf32> to vector<1x64xf32>
    %slice3A_632 = vector.extract_strided_slice %get3A_27 {offsets = [15, 0], sizes = [1, 64], strides = [1, 1]} : vector<16x256xf32> to vector<1x64xf32>
    %concatenate3A_633 = tpu.concatenate %slice3A_631, %slice3A_632 in 1 : vector<1x64xf32>, vector<1x64xf32> -> vector<1x128xf32>
    %mul3A_634 = arith.mulf %slice3A_18, %dot_general3A_630 : vector<2000x128xf32>
    %sub3A_635 = arith.constant 1.000000e+00 : f32
    %sub3A_636 = vector.broadcast %sub3A_635 : f32 to vector<2000x128xf32>
    %sub3A_637 = arith.subf %sub3A_636, %mul3A_634 : vector<2000x128xf32>
    %max3A_638 = arith.constant 0.000000e+00 : f32
    %max3A_639 = vector.broadcast %max3A_638 : f32 to vector<2000x128xf32>
    %max3A_640 = arith.maximumf %sub3A_637, %max3A_639 : vector<2000x128xf32>
    %mul3A_641 = arith.mulf %max3A_640, %get3A_619 : vector<2000x128xf32>
    %mul3A_642 = vector.broadcast %concatenate3A_633 : vector<1x128xf32> to vector<2000x128xf32>
    %mul3A_643 = arith.mulf %mul3A_641, %mul3A_642 : vector<2000x128xf32>
    %add3A_644 = arith.addf %add3A_570, %mul3A_643 : vector<2000x128xf32>
    %slice3A_645 = vector.extract_strided_slice %get3A_27 {offsets = [14, 64], sizes = [1, 64], strides = [1, 1]} : vector<16x256xf32> to vector<1x64xf32>
    %slice3A_646 = vector.extract_strided_slice %get3A_27 {offsets = [15, 64], sizes = [1, 64], strides = [1, 1]} : vector<16x256xf32> to vector<1x64xf32>
    %concatenate3A_647 = tpu.concatenate %slice3A_645, %slice3A_646 in 1 : vector<1x64xf32>, vector<1x64xf32> -> vector<1x128xf32>
    %mul3A_648 = arith.mulf %slice3A_19, %dot_general3A_630 : vector<2000x128xf32>
    %sub3A_649 = arith.constant 1.000000e+00 : f32
    %sub3A_650 = vector.broadcast %sub3A_649 : f32 to vector<2000x128xf32>
    %sub3A_651 = arith.subf %sub3A_650, %mul3A_648 : vector<2000x128xf32>
    %max3A_652 = arith.constant 0.000000e+00 : f32
    %max3A_653 = vector.broadcast %max3A_652 : f32 to vector<2000x128xf32>
    %max3A_654 = arith.maximumf %sub3A_651, %max3A_653 : vector<2000x128xf32>
    %mul3A_655 = arith.mulf %max3A_654, %get3A_619 : vector<2000x128xf32>
    %mul3A_656 = vector.broadcast %concatenate3A_647 : vector<1x128xf32> to vector<2000x128xf32>
    %mul3A_657 = arith.mulf %mul3A_655, %mul3A_656 : vector<2000x128xf32>
    %add3A_658 = arith.addf %add3A_584, %mul3A_657 : vector<2000x128xf32>
    %slice3A_659 = vector.extract_strided_slice %get3A_27 {offsets = [14, 128], sizes = [1, 64], strides = [1, 1]} : vector<16x256xf32> to vector<1x64xf32>
    %slice3A_660 = vector.extract_strided_slice %get3A_27 {offsets = [15, 128], sizes = [1, 64], strides = [1, 1]} : vector<16x256xf32> to vector<1x64xf32>
    %concatenate3A_661 = tpu.concatenate %slice3A_659, %slice3A_660 in 1 : vector<1x64xf32>, vector<1x64xf32> -> vector<1x128xf32>
    %mul3A_662 = arith.mulf %slice3A_20, %dot_general3A_630 : vector<2000x128xf32>
    %sub3A_663 = arith.constant 1.000000e+00 : f32
    %sub3A_664 = vector.broadcast %sub3A_663 : f32 to vector<2000x128xf32>
    %sub3A_665 = arith.subf %sub3A_664, %mul3A_662 : vector<2000x128xf32>
    %max3A_666 = arith.constant 0.000000e+00 : f32
    %max3A_667 = vector.broadcast %max3A_666 : f32 to vector<2000x128xf32>
    %max3A_668 = arith.maximumf %sub3A_665, %max3A_667 : vector<2000x128xf32>
    %mul3A_669 = arith.mulf %max3A_668, %get3A_619 : vector<2000x128xf32>
    %mul3A_670 = vector.broadcast %concatenate3A_661 : vector<1x128xf32> to vector<2000x128xf32>
    %mul3A_671 = arith.mulf %mul3A_669, %mul3A_670 : vector<2000x128xf32>
    %add3A_672 = arith.addf %add3A_598, %mul3A_671 : vector<2000x128xf32>
    %slice3A_673 = vector.extract_strided_slice %get3A_27 {offsets = [14, 192], sizes = [1, 64], strides = [1, 1]} : vector<16x256xf32> to vector<1x64xf32>
    %slice3A_674 = vector.extract_strided_slice %get3A_27 {offsets = [15, 192], sizes = [1, 64], strides = [1, 1]} : vector<16x256xf32> to vector<1x64xf32>
    %concatenate3A_675 = tpu.concatenate %slice3A_673, %slice3A_674 in 1 : vector<1x64xf32>, vector<1x64xf32> -> vector<1x128xf32>
    %mul3A_676 = arith.mulf %slice3A_21, %dot_general3A_630 : vector<2000x128xf32>
    %sub3A_677 = arith.constant 1.000000e+00 : f32
    %sub3A_678 = vector.broadcast %sub3A_677 : f32 to vector<2000x128xf32>
    %sub3A_679 = arith.subf %sub3A_678, %mul3A_676 : vector<2000x128xf32>
    %max3A_680 = arith.constant 0.000000e+00 : f32
    %max3A_681 = vector.broadcast %max3A_680 : f32 to vector<2000x128xf32>
    %max3A_682 = arith.maximumf %sub3A_679, %max3A_681 : vector<2000x128xf32>
    %mul3A_683 = arith.mulf %max3A_682, %get3A_619 : vector<2000x128xf32>
    %mul3A_684 = vector.broadcast %concatenate3A_675 : vector<1x128xf32> to vector<2000x128xf32>
    %mul3A_685 = arith.mulf %mul3A_683, %mul3A_684 : vector<2000x128xf32>
    %add3A_686 = arith.addf %add3A_612, %mul3A_685 : vector<2000x128xf32>
    %concatenate3A_687 = tpu.concatenate %add3A_644, %add3A_658, %add3A_672, %add3A_686 in 1 : vector<2000x128xf32>, vector<2000x128xf32>, vector<2000x128xf32>, vector<2000x128xf32> -> vector<2000x512xf32>
    %iota3A_688 = tpu.iota {dimensions = array<i32: 0>} : vector<512x4xi32>
    %jit3A_689 = arith.constant 128 : i32
    %div3A_690 = vector.broadcast %jit3A_689 : i32 to vector<512x4xi32>
    %div3A_691 = arith.divsi %iota3A_688, %div3A_690 : vector<512x4xi32>
    %sign3A_692 = arith.constant 0 : i32
    %sign3A_693 = vector.broadcast %sign3A_692 : i32 to vector<512x4xi32>
    %sign3A_694 = arith.cmpi sgt, %iota3A_688, %sign3A_693 : vector<512x4xi32>
    %sign3A_695 = arith.extui %sign3A_694 : vector<512x4xi1> to vector<512x4xi32>
    %sign3A_696 = arith.constant 0 : i32
    %sign3A_697 = vector.broadcast %sign3A_696 : i32 to vector<512x4xi32>
    %sign3A_698 = arith.cmpi slt, %iota3A_688, %sign3A_697 : vector<512x4xi32>
    %sign3A_699 = arith.extui %sign3A_698 : vector<512x4xi1> to vector<512x4xi32>
    %sign3A_700 = arith.subi %sign3A_695, %sign3A_699 : vector<512x4xi32>
    %sign3A_701 = arith.constant 0 : i32
    %sign3A_702 = arith.cmpi sgt, %jit3A_689, %sign3A_701 : i32
    %sign3A_703 = arith.extui %sign3A_702 : i1 to i32
    %sign3A_704 = arith.constant 0 : i32
    %sign3A_705 = arith.cmpi slt, %jit3A_689, %sign3A_704 : i32
    %sign3A_706 = arith.extui %sign3A_705 : i1 to i32
    %sign3A_707 = arith.subi %sign3A_703, %sign3A_706 : i32
    %ne3A_708 = vector.broadcast %sign3A_707 : i32 to vector<512x4xi32>
    %ne3A_709 = arith.cmpi ne, %sign3A_700, %ne3A_708 : vector<512x4xi32>
    %rem3A_710 = vector.broadcast %jit3A_689 : i32 to vector<512x4xi32>
    %rem3A_711 = arith.remsi %iota3A_688, %rem3A_710 : vector<512x4xi32>
    %ne3A_712 = arith.constant 0 : i32
    %ne3A_713 = vector.broadcast %ne3A_712 : i32 to vector<512x4xi32>
    %ne3A_714 = arith.cmpi ne, %rem3A_711, %ne3A_713 : vector<512x4xi32>
    %and3A_715 = arith.andi %ne3A_709, %ne3A_714 : vector<512x4xi1>
    %sub3A_716 = arith.constant 1 : i32
    %sub3A_717 = vector.broadcast %sub3A_716 : i32 to vector<512x4xi32>
    %sub3A_718 = arith.subi %div3A_691, %sub3A_717 : vector<512x4xi32>
    %select_n3A_719 = arith.select %and3A_715, %sub3A_718, %div3A_691 : vector<512x4xi1>, vector<512x4xi32>
    %iota3A_720 = tpu.iota {dimensions = array<i32: 1>} : vector<512x4xi32>
    %eq3A_721 = arith.cmpi eq, %select_n3A_719, %iota3A_720 : vector<512x4xi32>
    %jit3A_722 = arith.constant 1.000000e+00 : f32
    %jit3A_723 = arith.constant 0.000000e+00 : f32
    %broadcast_in_dim3A_724 = vector.broadcast %jit3A_722 : f32 to vector<512x4xf32>
    %broadcast_in_dim3A_725 = vector.broadcast %jit3A_723 : f32 to vector<512x4xf32>
    %select_n3A_726 = arith.select %eq3A_721, %broadcast_in_dim3A_724, %broadcast_in_dim3A_725 : vector<512x4xi1>, vector<512x4xf32>
    %dot_general3A_727 = arith.constant dense<0.000000e+00> : vector<2000x4xf32>
    %dot_general3A_728 = tpu.matmul %concatenate3A_687, %select_n3A_726, %dot_general3A_727 {dimension_numbers = #tpu.dot_dimension_numbers<[1], [0], [0], [1], [0, 0, 1, 1], [], []>, transpose_lhs_hint = false} : vector<2000x512xf32>, vector<512x4xf32>, vector<2000x4xf32> -> vector<2000x4xf32>
    %transpose3A = tpu.transpose %dot_general3A_728, [1, 0] : vector<2000x4xf32> -> vector<4x2000xf32>
    %swap3A = arith.constant 0 : index
    %swap3A_729 = arith.constant 0 : index
    %swap3A_730 = arith.constant 0 : index
    %swap3A_731 = vector.load %arg6[%swap3A, %swap3A_729, %swap3A_730] : memref<1x4x2000xf32, #tpu.memory_space<vmem>>, vector<1x4x2000xf32>
    %swap3A_732 = vector.shape_cast %swap3A_731 : vector<1x4x2000xf32> to vector<4x2000xf32>
    %swap3A_733 = vector.shape_cast %transpose3A : vector<4x2000xf32> to vector<1x4x2000xf32>
    tpu.vector_store %arg6[%swap3A, %swap3A_729, %swap3A_730], %swap3A_733 {strides = array<i32>} : memref<1x4x2000xf32, #tpu.memory_space<vmem>>, vector<1x4x2000xf32>,
    return
  }
  func.func @transform_1(%arg0: i32) -> (i32, i32, i32) {
    %c0_i32 = arith.constant 0 : i32
    %c0_i32_0 = arith.constant 0 : i32
    %c0_i32_1 = arith.constant 0 : i32
    return %arg0, %c0_i32, %c0_i32_0 : i32, i32, i32
  }
  func.func @transform_2(%arg0: i32) -> (i32, i32) {
    %c0_i32 = arith.constant 0 : i32
    %c0_i32_0 = arith.constant 0 : i32
    return %arg0, %c0_i32 : i32, i32
  }
  func.func @transform_3(%arg0: i32) -> (i32, i32) {
    %c0_i32 = arith.constant 0 : i32
    %c0_i32_0 = arith.constant 0 : i32
    %c0_i32_1 = arith.constant 0 : i32
    return %c0_i32, %c0_i32_0 : i32, i32
  }
  func.func @transform_4(%arg0: i32) -> (i32, i32) {
    %c0_i32 = arith.constant 0 : i32
    %c0_i32_0 = arith.constant 0 : i32
    %c0_i32_1 = arith.constant 0 : i32
    return %c0_i32, %c0_i32_0 : i32, i32
  }
  func.func @transform_5(%arg0: i32) -> (i32, i32, i32) {
    %c0_i32 = arith.constant 0 : i32
    %c0_i32_0 = arith.constant 0 : i32
    %c0_i32_1 = arith.constant 0 : i32
    return %arg0, %c0_i32, %c0_i32_0 : i32, i32, i32
  }
}

</mosaic_0001>

<sc_bundles>
// kernel: kernel.6.cloned.1.call-start
scs
__scs_entry_jumppad:
0x0: {  	(pc) =	sbr.rel $0x88, $3  }
0x1: {  	(tag) =	ssettag $0x0;
	lr =	simm.s32 $0x1  }
0x2: {  	[smem:$0x3F98] =	sst lr;
	_ =	strace $0xD0000000  }
0x3: {  	_ = 	snop  }
0x4: {  	_ = 	snop  }
0x5: {  	_ = 	snop  }
0x6: {  	_ = 	snop  }
0x7: {  	_ = 	snop  }
__scs_overlays_trampoline_lowered:
0x8: {  	[smem:$0x3FA7] =	sst s0  }
0x9: {  	[smem:$0x3FA8] =	sst s1  }
0xa: {  	[smem:$0x3FA9] =	sst s2  }
0xb: {  	[smem:$0x3FAA] =	sst s3  }
0xc: {  	[smem:$0x3FAB] =	sst s4  }
0xd: {  	[smem:$0x3FAC] =	sst s5  }
0xe: {  	[smem:$0x3FAD] =	sst s6  }
0xf: {  	[smem:$0x3FAE] =	sst s7  }
0x10: {  	[smem:$0x3FAF] =	sst s8  }
0x11: {  	[smem:$0x3FB0] =	sst s9;
	s0 =	simm.s32 @!p0 $0x0  }
0x12: {  	s1 =	sld [smem:$0x3F96];
	s0 =	simm.s32 @p0 $0x1  }
0x13: {  	[smem:$0x3FB1] =	sst s0;
	s0 =	simm.s32 @!p1 $0x0  }
0x14: {  	s2 =	sld [smem:$0x3F95];
	s0 =	simm.s32 @p1 $0x1  }
0x15: {  	[smem:$0x3FB2] =	sst s0;
	s0 =	simm.s32 @!p2 $0x0  }
0x16: {  	s3 =	sld [smem:$0x3FDB];
	s0 =	simm.s32 @p2 $0x1  }
0x17: {  	s4 =	simm.s32 $0x1BF5;
	[smem:$0x3FB4] =	sst s0  }
0x18: {  	s0 =	sld [smem:$0x3F97];
	_ =	swait.ge [sflag:s4], $0x0  }
0x19: {  	s7 =	sld [smem:$0x3F98]  }
0x1a: {  	s8 =	sadd.s32 $0xFFFFE003, lr  }
0x1b: {  	s9 =	sadd.s32 $0xFFFFFEF7, lr;
	s5 =	simm.s32 $0xFFFFFFFF;
	p2 =	slt.u32 s8, $0xFFFFF086  }
0x1c: {  	p1 =	slt.u32 s9, $0xF7A;
	s5 =	simm.s32 @!p2 $0x0  }
0x1d: {  	s5 =	simm.s32 @p1 $0x1;
	p0 =	seq.s32 s7, s2  }
0x1e: {  	s7 =	smul.u32 @!p0 $0xF7A, s2;
	p2 =	seq.s32 @!p0 s5, $0x0  }
0x1f: {  	s9 =	smul.u32 $0xF7A, s1;
	s8 =	simm.s32 @!p0 $0x1BF5;
	p2 =	por !p2, p0  }
0x20: {  	[sflag:s8] =	ssyncset.s32 @!p0 $0xFFFFF086;
	s6 =	sadd.s32 @!p0 s3, s7;
	s7 =	simm.s32 @!p0 $0x108  }
0x21: {  	s3 =	sadd.s32 s3, s9;
	s6 =	sadd.s32 @!p0 $0x88, s6;
	s7 =	simm.s32 @p2 $0x1082  }
0x22: {  	[simem:s7], [sflag:s8] =	dma.local @!p0 [hbm:s6], $0xF7A  }
0x23: {  	s9 =	sor.u32 $0xD0000000, s2;
	s6 =	simm.s32 $0x108;
	_ =	swait.ge @!p0 [sflag:s8], $0x0  }
0x24: {  	s3 =	sadd.s32 $0x88, s3;
	s6 =	simm.s32 @!p1 $0x1082;
	[sflag:s4] =	ssyncset.s32 $0xFFFFF086  }
0x25: {  	[simem:s6], [sflag:s4] =	dma.local [hbm:s3], $0xF7A  }
0x26: {  	[smem:$0x3F98] =	sst s1;
	(tag) =	ssettag s2;
	_ =	strace s9  }
0x27: {  	s1 =	sld [smem:$0x3FA8]  }
0x28: {  	s2 =	sld [smem:$0x3FA9]  }
0x29: {  	s4 =	sld [smem:$0x3FAB]  }
0x2a: {  	p0 =	seq.s32 s5, $0x0;
	s5 =	sld [smem:$0x3FAC]  }
0x2b: {  	s6 =	sld [smem:$0x3FAD]  }
0x2c: {  	s7 =	sld [smem:$0x3FAE]  }
0x2d: {  	s3 =	simm.s32 $0x108;
	s8 =	sld [smem:$0x3FAF]  }
0x2e: {  	s3 =	simm.s32 @!p0 $0x1082;
	s9 =	sld [smem:$0x3FB0]  }
0x2f: {  	lr =	sadd.s32 s0, s3;
	s0 =	sld [smem:$0x3FA7]  }
0x30: {  	s3 =	sld [smem:$0x3FAA]  }
0x31: {  	[smem:$0x3FB3] =	sst s10  }
0x32: {  	s10 =	sld [smem:$0x3FB1];
	_ =	sdelay $0x3  }
0x33: {  	p0 =	seq.s32 s10, $0x1;
	s10 =	sld [smem:$0x3FB3];
	_ =	sdelay $0x3  }
0x34: {  	[smem:$0x3FB3] =	sst s10  }
0x35: {  	s10 =	sld [smem:$0x3FB2];
	_ =	sdelay $0x3  }
0x36: {  	p1 =	seq.s32 s10, $0x1;
	s10 =	sld [smem:$0x3FB3];
	_ =	sdelay $0x3  }
0x37: {  	[smem:$0x3FB3] =	sst s10  }
0x38: {  	s10 =	sld [smem:$0x3FB4]  }
0x39: {  	_ = 	snop;
	(pc) =	sbr.ind lr, $3  }
0x3a: {  	_ = 	snop  }
0x3b: {  	_ = 	snop  }
0x3c: {  	p2 =	seq.s32 s10, $0x1;
	s10 =	sld [smem:$0x3FB3]  }
0x3d: {  	_ =	shalt  }
0x3e: {  	_ =	shalt  }
0x3f: {  	_ =	shalt  }
0x40: {  	_ =	shalt  }
0x41: {  	_ =	shalt  }
0x42: {  	_ =	shalt  }
0x43: {  	_ =	shalt  }
0x44: {  	_ =	shalt  }
0x45: {  	_ =	shalt  }
0x46: {  	_ =	shalt  }
0x47: {  	_ =	shalt  }
0x48: {  	_ =	shalt  }
0x49: {  	_ =	shalt  }
0x4a: {  	_ =	shalt  }
0x4b: {  	_ =	shalt  }
0x4c: {  	_ =	shalt  }
0x4d: {  	_ =	shalt  }
0x4e: {  	_ =	shalt  }
0x4f: {  	_ =	shalt  }
0x50: {  	_ =	shalt  }
0x51: {  	_ =	shalt  }
0x52: {  	_ =	shalt  }
0x53: {  	_ =	shalt  }
0x54: {  	_ =	shalt  }
0x55: {  	_ =	shalt  }
0x56: {  	_ =	shalt  }
0x57: {  	_ =	shalt  }
0x58: {  	_ =	shalt  }
0x59: {  	_ =	shalt  }
0x5a: {  	_ =	shalt  }
0x5b: {  	_ =	shalt  }
0x5c: {  	_ =	shalt  }
0x5d: {  	_ =	shalt  }
0x5e: {  	_ =	shalt  }
0x5f: {  	_ =	shalt  }
0x60: {  	_ =	shalt  }
0x61: {  	_ =	shalt  }
0x62: {  	_ =	shalt  }
0x63: {  	_ =	shalt  }
0x64: {  	_ =	shalt  }
0x65: {  	_ =	shalt  }
0x66: {  	_ =	shalt  }
0x67: {  	_ =	shalt  }
0x68: {  	_ =	shalt  }
0x69: {  	_ =	shalt  }
0x6a: {  	_ =	shalt  }
0x6b: {  	_ =	shalt  }
0x6c: {  	_ =	shalt  }
0x6d: {  	_ =	shalt  }
0x6e: {  	_ =	shalt  }
0x6f: {  	_ =	shalt  }
0x70: {  	_ =	shalt  }
0x71: {  	_ =	shalt  }
0x72: {  	_ =	shalt  }
0x73: {  	_ =	shalt  }
0x74: {  	_ =	shalt  }
0x75: {  	_ =	shalt  }
0x76: {  	_ =	shalt  }
0x77: {  	_ =	shalt  }
0x78: {  	_ =	shalt  }
0x79: {  	_ =	shalt  }
0x7a: {  	_ =	shalt  }
0x7b: {  	_ =	shalt  }
0x7c: {  	_ =	shalt  }
0x7d: {  	_ =	shalt  }
0x7e: {  	_ =	shalt  }
0x7f: {  	_ =	shalt  }
0x80: {  	_ =	shalt  }
0x81: {  	_ =	shalt  }
0x82: {  	_ =	shalt  }
0x83: {  	_ =	shalt  }
0x84: {  	_ =	shalt  }
0x85: {  	_ =	shalt  }
0x86: {  	_ =	shalt  }
0x87: {  	_ =	shalt  }
.Lfunc_end0:
.L_simem_size_0:
called_computation_lowered:
.L_overlay_start_0:
0x88: {  	s2 =	sld [smem:$0x3FD9]  }
0x89: {  	s3 =	sld [smem:$0x3FFE];
	_ =	sdelay $0x1  }
0x8a: {  	s1 =	srdreg.scid  }
0x8b: {  	s0 =	sand.u32 $0x1, s1  }
0x8c: {  	s16 =	sshll.u32 s0, $0xA;
	s2 =	sadd.s32 s3, s2  }
0x8d: {  	s2 =	sadd.s32 s2, s16  }
0x8e: {  	[smem:$0x3FBF] =	sst s2  }
0x8f: {  	_ = 	snop  }
0x90: {  	(tm) =	ssettm $0x1  }
0x91: {  	s17 =	sld [smem:$0x3FFB];
	_ =	sdelay $0x3  }
0x92: {  	_ =	strace s17  }
0x93: {  	s2 =	sld [smem:$0x3FFC];
	_ =	sdelay $0x3  }
0x94: {  	_ =	strace s2  }
0x95: {  	s2 =	sld [smem:$0x3FFD];
	_ =	sdelay $0x3  }
0x96: {  	_ =	strace s2  }
0x97: {  	_ =	strace $0x8FFFFFFF  }
0x98: {  	s18 =	sld [smem:$0x3FDB];
	_ =	sdelay $0x1  }
0x99: {  	s19 =	simm.s32 $_scs_section_size  }
0x9a: {  	s4 =	simm.s32 $_size__tile_overlayer_lowered;
	s5 =	simm.s32 $_tile_overlayer_lowered  }
0x9b: {  	s22 =	simm.s32 $0x1BFF;
	s21 =	sshll.u32 s5, $0x1;
	s2 =	sadd.s32 s19, s18  }
0x9c: {  	s6 =	simm.s32 $0x0;
	s20 =	sshll.u32 s4, $0x1;
	s4 =	sadd.s32 s21, s2  }
0x9d: {  	[timem:s6], [sflag:s22] =	dma.local [hbm:s4], s20  }
0x9e: {  	_ =	swait.ge [sflag:s22], s20  }
0x9f: {  	s3 =	ssub.s32 $0x0, s20;
	[sflag:s22] =	ssyncset.done $0x0  }
0xa0: {  	[sflag:s22] =	ssyncadd.s32 s3;
	_ =	sdelay $0x1  }
0xa1: {  	s23 =	simm.s32 $0x1B8B  }
0xa2: {  	_ =	swait.ge [sflag:s23], $0x1  }
0xa3: {  	[sflag:s23] =	ssyncset.done $0x0  }
0xa4: {  	s25 =	simm.s32 $0x1B8E;
	s24 =	sld [smem:$0x3FFE];
	[sflag:s23] =	ssyncadd.s32 $0xFFFFFFFF  }
0xa5: {  	s26 =	simm.s32 $execute0_lowered;
	[smem:$0x3FD2] =	sst s25  }
0xa6: {  	s4 =	sshll.u32 s26, $0x1;
	_ =	strace $0x80000046;
	[dreg:$0x1] =	wrdreg $0xFFFFFFFF  }
0xa7: {  	s28 =	simm.s32 $_size_execute0_lowered;
	s2 =	sadd.s32 s2, s4;
	[dreg:$0x0] =	wrdreg $0x0  }
0xa8: {  	s4 =	sshll.u32 s28, $0x1;
	[dreg:$0x2] =	wrdreg s2  }
0xa9: {  	[dreg:$0x3] =	wrdreg s4  }
0xaa: {  	[dreg:$0x4] =	wrdreg $0xC0  }
0xab: {  	_ =	task [dreg:s6], $0x5FFFF  }
0xac: {  	[dreg:$0x1] =	wrdreg $0xFFFFFFFF  }
0xad: {  	[dreg:$0x0] =	wrdreg $0x60  }
0xae: {  	[dreg:$0x2] =	wrdreg s24  }
0xaf: {  	[dreg:$0x3] =	wrdreg $0x9  }
0xb0: {  	_ =	task.clear_ibuf [dreg:s6], $0x4FFFF;
	_ =	strace $0x90000046  }
0xb1: {  	s29 =	simm.s32 $0x9;
	_ =	strace $0x80000048  }
0xb2: {  	_ =	swait.ge [sflag:s29], $0x1  }
0xb3: {  	[sflag:s29] =	ssyncadd.s32 $0xFFFFFFFF  }
0xb4: {  	_ =	strace $0x90000048  }
0xb5: {  	_ =	sfence  }
0xb6: {  	s30 =	sld [smem:$0x0];
	_ =	sdelay $0x2  }
0xb7: {  	s31 =	sshll.u32 s1, $0xD;
	s1 =	sshrl.u32 s1, $0x2  }
0xb8: {  	s3 =	sand.u32 $0x4000, s31;
	s1 =	sadd.s32 s1, s30  }
0xb9: {  	s0 =	sor.u32 s3, s0;
	s1 =	sshll.u32 s1, $0x11  }
0xba: {  	s0 =	sor.u32 s1, s0  }
0xbb: {  	s0 =	sadd.s32 $0x8F2B, s0  }
0xbc: {  	[sflag:s0] =	ssyncadd.remote.s32 $0x1  }
0xbd: {  	_ =	sfence.sel $0xFFFF  }
0xbe: {  	[dreg:$0x0] =	wrdreg $0xFFFFFFFF;
	(pc) =	sbr.abs _section_cstart, $3  }
0xbf: {  	[dreg:$0x1] =	wrdreg $0xFFFFFFFF  }
0xc0: {  	_ =	task.clear_ibuf [dreg:s6], $0x2FFFF;
	_ =	strace $0x9FFFFFFF  }
0xc1: {  	(tm) =	ssettm $0x7FFFFFFF  }
tec
execute0_lowered:
.L_overlay_start_1:
0x0: {  	(tag) =	ssettag $0x1  }
0x1: {  	s0 =	srdreg.scid;
	s19 =	stileid.u32  }
0x2: {  	s1 =	sand.u32 $0x1, s0;
	s21 =	sshll.u32 s19, $0x1  }
0x3: {  	s0 =	sor.u32 s1, s21  }
0x4: {  	s4 =	smul.u32 $0x271, s0  }
0x5: {  	s0 =	smul.u32 $0x4E200, s0  }
0x6: {  	s3 =	rddreg [dreg:$0x0]  }
0x7: {  	s2 =	simm.s32 $0x0;
	s5 =	sadd.s32 s4, s3;
	s0 =	sshrl.u32 s0, $0x3  }
0x8: {  	[smem:$0x7FF] =	sst s2;
	s4 =	sadd.s32 s0, s3;
	s22 =	sadd.s32 $0x15000, s5  }
0x9: {  	_ =	strace $0x80000047;
	[dreg:$0x2] =	wrdreg s22;
	s23 =	sadd.s32 $0x1A000, s4  }
0xa: {  	s24 =	sadd.s32 $0x1A400, s4;
	[dreg:$0x3] =	wrdreg s23  }
0xb: {  	s25 =	sadd.s32 $0x1A800, s4;
	[dreg:$0x4] =	wrdreg s24  }
0xc: {  	s26 =	sadd.s32 $0x1AC00, s4;
	[dreg:$0x5] =	wrdreg s25  }
0xd: {  	s5 =	sadd.s32 $0x1B000, s4;
	[dreg:$0x6] =	wrdreg s26  }
0xe: {  	s6 =	sadd.s32 $0x1B400, s4;
	[dreg:$0x7] =	wrdreg s5  }
0xf: {  	s7 =	sadd.s32 $0x1B800, s4;
	[dreg:$0x8] =	wrdreg s6  }
0x10: {  	s8 =	sadd.s32 $0x1BC00, s4;
	[dreg:$0x9] =	wrdreg s7  }
0x11: {  	s9 =	sadd.s32 $0x1C000, s4;
	[dreg:$0xa] =	wrdreg s8  }
0x12: {  	s10 =	sadd.s32 $0x1C400, s4;
	[dreg:$0xb] =	wrdreg s9  }
0x13: {  	s11 =	sadd.s32 $0x1C800, s4;
	[dreg:$0xc] =	wrdreg s10  }
0x14: {  	s12 =	sadd.s32 $0x1CC00, s4;
	[dreg:$0xd] =	wrdreg s11  }
0x15: {  	s13 =	sadd.s32 $0x1D000, s4;
	[dreg:$0xe] =	wrdreg s12  }
0x16: {  	s14 =	sadd.s32 $0x1D400, s4;
	[dreg:$0xf] =	wrdreg s13  }
0x17: {  	s15 =	sadd.s32 $0x1D800, s4;
	[dreg:$0x10] =	wrdreg s14  }
0x18: {  	s16 =	sadd.s32 $0x1DC00, s4;
	[dreg:$0x11] =	wrdreg s15  }
0x19: {  	s17 =	sadd.s32 $0x1E000, s4;
	[dreg:$0x12] =	wrdreg s16  }
0x1a: {  	s18 =	sadd.s32 $0x1E400, s4;
	[dreg:$0x13] =	wrdreg s17  }
0x1b: {  	s20 =	sadd.s32 $0x1E800, s4;
	[dreg:$0x14] =	wrdreg s18  }
0x1c: {  	s21 =	sadd.s32 $0x1EC00, s4;
	[dreg:$0x15] =	wrdreg s20  }
0x1d: {  	s22 =	sadd.s32 $0x1F000, s4;
	[dreg:$0x16] =	wrdreg s21  }
0x1e: {  	[dreg:$0x17] =	wrdreg s22  }
0x1f: {  	s23 =	sadd.s32 $0x1F400, s4;
	s0 =	rddreg [dreg:$0x2]  }
0x20: {  	s24 =	sadd.s32 $0x1F800, s4;
	[dreg:$0x18] =	wrdreg s23  }
0x21: {  	s25 =	sadd.s32 $0x1FC00, s4;
	[dreg:$0x19] =	wrdreg s24  }
0x22: {  	s26 =	sadd.s32 $0x20000, s4;
	[dreg:$0x1a] =	wrdreg s25  }
0x23: {  	s5 =	sadd.s32 $0x20400, s4;
	[dreg:$0x1b] =	wrdreg s26  }
0x24: {  	s6 =	sadd.s32 $0x20800, s4;
	[dreg:$0x1c] =	wrdreg s5  }
0x25: {  	s7 =	sadd.s32 $0x20C00, s4;
	[dreg:$0x1d] =	wrdreg s6  }
0x26: {  	s8 =	sadd.s32 $0x21000, s4;
	[dreg:$0x1e] =	wrdreg s7  }
0x27: {  	s9 =	sadd.s32 $0x21400, s4;
	[dreg:$0x1f] =	wrdreg s8  }
0x28: {  	s10 =	sadd.s32 $0x21800, s4;
	[smem:$0x7D9] =	sst s9  }
0x29: {  	s11 =	sadd.s32 $0x21C00, s4;
	[smem:$0x7DA] =	sst s10  }
0x2a: {  	s12 =	sadd.s32 $0x22000, s4;
	[smem:$0x7DB] =	sst s11  }
0x2b: {  	s13 =	sadd.s32 $0x22400, s4;
	[smem:$0x7DC] =	sst s12  }
0x2c: {  	s14 =	sadd.s32 $0x22800, s4;
	[smem:$0x7DD] =	sst s13  }
0x2d: {  	s15 =	sadd.s32 $0x22C00, s4;
	[smem:$0x7DE] =	sst s14  }
0x2e: {  	s16 =	sadd.s32 $0x23000, s4;
	[smem:$0x7DF] =	sst s15  }
0x2f: {  	s17 =	sadd.s32 $0x23400, s4;
	[smem:$0x7E0] =	sst s16  }
0x30: {  	s18 =	sadd.s32 $0x23800, s4;
	[smem:$0x7E1] =	sst s17  }
0x31: {  	s20 =	sadd.s32 $0x23C00, s4;
	[smem:$0x7E2] =	sst s18  }
0x32: {  	s21 =	simm.s32 $0x100;
	[smem:$0x7E3] =	sst s20  }
0x33: {  	s22 =	simm.s32 $0x180;
	[smem:$0x7E4] =	sst s21  }
0x34: {  	s31 =	simm.s32 $0xE80;
	s4 =	simm.s32 $0x400;
	[smem:$0x7E5] =	sst s22  }
0x35: {  	s30 =	simm.s32 $0xF00;
	s23 =	simm.s32 $0x200;
	[smem:$0x7EA] =	sst s4  }
0x36: {  	s29 =	simm.s32 $0xF80;
	s24 =	simm.s32 $0x280;
	[smem:$0x7E6] =	sst s23  }
0x37: {  	s28 =	simm.s32 $0x1000;
	s25 =	simm.s32 $0x300;
	[smem:$0x7E7] =	sst s24  }
0x38: {  	p0 =	por $0x0, $0x0;
	s26 =	simm.s32 $0x380;
	[smem:$0x7E8] =	sst s25  }
0x39: {  	s1 =	ssub.s32 $0x2, s1;
	s5 =	simm.s32 $0x480;
	[smem:$0x7E9] =	sst s26  }
0x3a: {  	s3 =	sadd.s32 $0x1600, s3;
	s6 =	simm.s32 $0x500;
	[smem:$0x7EB] =	sst s5  }
0x3b: {  	s7 =	sshrl.u32 s1, $0x1;
	s8 =	simm.s32 $0x580;
	[smem:$0x7EC] =	sst s6  }
0x3c: {  	s9 =	simm.s32 $0x600;
	s10 =	simm.s32 $0x680;
	[smem:$0x7ED] =	sst s8  }
0x3d: {  	s4 =	simm.s32 $0x9;
	s11 =	simm.s32 $0x700;
	[smem:$0x7EE] =	sst s9  }
0x3e: {  	s12 =	simm.s32 $0x80;
	s13 =	simm.s32 $0x780;
	[smem:$0x7EF] =	sst s10  }
0x3f: {  	s14 =	simm.s32 $0x800;
	s15 =	simm.s32 $0x880;
	[smem:$0x7F0] =	sst s11  }
0x40: {  	s16 =	simm.s32 $0x900;
	s17 =	simm.s32 $0x980;
	[smem:$0x7F1] =	sst s13  }
0x41: {  	s18 =	simm.s32 $0xA00;
	s20 =	simm.s32 $0xA80;
	[smem:$0x7F2] =	sst s14  }
0x42: {  	s21 =	simm.s32 $0xB00;
	s22 =	simm.s32 $0xB80;
	[smem:$0x7F3] =	sst s15  }
0x43: {  	s1 =	ssub.s32 s1, s7;
	s11 =	simm.s32 $0x1388;
	[smem:$0x7F4] =	sst s16  }
0x44: {  	s9 =	simm.s32 $0x3388;
	s7 =	simm.s32 $0x5388;
	[smem:$0x7F5] =	sst s17  }
0x45: {  	s6 =	simm.s32 $0x1;
	s16 =	simm.s32 $0x7388;
	[smem:$0x7F6] =	sst s18  }
0x46: {  	s13 =	simm.s32 $0x2;
	s5 =	simm.s32 $0x5;
	[smem:$0x7F7] =	sst s20  }
0x47: {  	s15 =	simm.s32 $0x3;
	[smem:$0x7F8] =	sst s21;
	s8 =	simm.s32 $0x6  }
0x48: {  	[smem:$0x7F9] =	sst s22;
	s23 =	simm.s32 $0xC00;
	s18 =	simm.s32 $0x4  }
0x49: {  	s24 =	simm.s32 $0xC80;
	s10 =	simm.s32 $0x7;
	s1 =	smax.u32 s1, $0x1  }
0x4a: {  	s25 =	simm.s32 $0xD00;
	s14 =	simm.s32 $0x8;
	p1 =	sne.s32 s1, $0x1  }
.Ltmp0:
0x4b: {  	s26 =	simm.s32 $0xD80;
	[smem:$0x7FA] =	sst s23;
	(pc) =	sbr.rel @!p1 .LBB2_1-.Ltmp0, $4  }
0x4c: {  	s22 =	simm.s32 $0x1280;
	s21 =	simm.s32 $0x1300;
	[smem:$0x7FB] =	sst s24  }
0x4d: {  	s20 =	simm.s32 $0x1380;
	s17 =	simm.s32 $0x9388;
	[smem:$0x7FC] =	sst s25  }
0x4e: {  	[smem:$0x7FD] =	sst s26;
	s26 =	simm.s32 $0x1080;
	s25 =	simm.s32 $0x1100  }
0x4f: {  	s24 =	simm.s32 $0x1180;
	s23 =	simm.s32 $0x1200;
	s1 =	sadd.s32 $0xFFFFFFFF, s1  }
0x50: {  	[tilespmem:s2], [sflag:$0x9] =	stream.linear.gather [hbm4b:s0+s2], $0x1388, $0x38;
	[tilespmem:$0x9588] =	vst v63  }
0x51: {  	_ =	swait.ge [sflag:s4], $0x1388  }
0x52: {  	[sflag:s4] =	ssyncset.done $0x0  }
0x53: {  	[sflag:s4] =	ssyncadd.s32 $0xFFFFEC78  }
0x54: {  	[tilespmem:s11], [sflag:$0x1] =	stream.indirect.gather [hbm4b:s3+s12], $0x40, s2, s12, $0xb8;
	[tilespmem:$0x9588] =	vst v63  }
0x55: {  	s19 =	sld [smem:$0x7E4]  }
0x56: {  	[tilespmem:s9], [sflag:$0x2] =	stream.indirect.gather [hbm4b:s3+s12], $0x40, s12, s12, $0xb8;
	[tilespmem:$0x9588] =	vst v63  }
0x57: {  	_ = 	snop  }
0x58: {  	[tilespmem:s7], [sflag:$0x3] =	stream.indirect.gather [hbm4b:s3+s12], $0x40, s19, s12, $0xb8;
	[tilespmem:$0x9588] =	vst v63  }
0x59: {  	_ =	swait.ge [sflag:s6], $0x2000  }
0x5a: {  	s0 =	rddreg [dreg:$0x3];
	[sflag:s6] =	ssyncset.done $0x0  }
0x5b: {  	s19 =	smov.u32 s1;
	s1 =	sld [smem:$0x7E5];
	[sflag:s6] =	ssyncadd.s32 $0xFFFFE000  }
0x5c: {  	[hbm4b:s0+s2] =	stream.linear.scatter [tilespmem:s11], [sflag:$0x5], $0x2000, $0x38;
	[tilespmem:$0x9588] =	vst v63  }
0x5d: {  	_ = 	snop  }
0x5e: {  	[tilespmem:s16], [sflag:$0x4] =	stream.indirect.gather [hbm4b:s3+s12], $0x40, s1, s12, $0xb8;
	[tilespmem:$0x9588] =	vst v63  }
0x5f: {  	_ =	swait.ge [sflag:s13], $0x2000  }
0x60: {  	[sflag:s13] =	ssyncset.done $0x0  }
0x61: {  	s1 =	rddreg [dreg:$0x4];
	[sflag:s13] =	ssyncadd.s32 $0xFFFFE000  }
0x62: {  	[hbm4b:s1+s2] =	stream.linear.scatter [tilespmem:s9], [sflag:$0x6], $0x2000, $0x38;
	[tilespmem:$0x9588] =	vst v63  }
0x63: {  	_ =	swait.ge [sflag:s5], $0x2000  }
0x64: {  	s1 =	sld [smem:$0x7E6]  }
0x65: {  	[sflag:s5] =	ssyncset.done $0x0  }
0x66: {  	[sflag:s5] =	ssyncadd.s32 $0xFFFFE000  }
0x67: {  	[tilespmem:s11], [sflag:$0x1] =	stream.indirect.gather [hbm4b:s3+s12], $0x40, s1, s12, $0xb8;
	[tilespmem:$0x9588] =	vst v63  }
0x68: {  	_ =	swait.ge [sflag:s15], $0x2000  }
0x69: {  	[sflag:s15] =	ssyncset.done $0x0  }
0x6a: {  	s1 =	rddreg [dreg:$0x5];
	[sflag:s15] =	ssyncadd.s32 $0xFFFFE000  }
0x6b: {  	[hbm4b:s1+s2] =	stream.linear.scatter [tilespmem:s7], [sflag:$0x7], $0x2000, $0x38;
	[tilespmem:$0x9588] =	vst v63  }
0x6c: {  	_ =	swait.ge [sflag:s8], $0x2000  }
0x6d: {  	s1 =	sld [smem:$0x7E7]  }
0x6e: {  	[sflag:s8] =	ssyncset.done $0x0  }
0x6f: {  	[sflag:s8] =	ssyncadd.s32 $0xFFFFE000  }
0x70: {  	[tilespmem:s9], [sflag:$0x2] =	stream.indirect.gather [hbm4b:s3+s12], $0x40, s1, s12, $0xb8;
	[tilespmem:$0x9588] =	vst v63  }
0x71: {  	_ =	swait.ge [sflag:s18], $0x2000  }
0x72: {  	[sflag:s18] =	ssyncset.done $0x0  }
0x73: {  	s1 =	rddreg [dreg:$0x6];
	[sflag:s18] =	ssyncadd.s32 $0xFFFFE000  }
0x74: {  	[hbm4b:s1+s2] =	stream.linear.scatter [tilespmem:s16], [sflag:$0x8], $0x2000, $0x38;
	[tilespmem:$0x9588] =	vst v63  }
0x75: {  	_ =	swait.ge [sflag:s10], $0x2000  }
0x76: {  	s1 =	sld [smem:$0x7E8]  }
0x77: {  	[sflag:s10] =	ssyncset.done $0x0  }
0x78: {  	[sflag:s10] =	ssyncadd.s32 $0xFFFFE000  }
0x79: {  	[tilespmem:s7], [sflag:$0x3] =	stream.indirect.gather [hbm4b:s3+s12], $0x40, s1, s12, $0xb8;
	[tilespmem:$0x9588] =	vst v63  }
0x7a: {  	_ =	swait.ge [sflag:s6], $0x2000  }
0x7b: {  	[sflag:s6] =	ssyncset.done $0x0  }
0x7c: {  	s1 =	rddreg [dreg:$0x7];
	[sflag:s6] =	ssyncadd.s32 $0xFFFFE000  }
0x7d: {  	[hbm4b:s1+s2] =	stream.linear.scatter [tilespmem:s11], [sflag:$0x5], $0x2000, $0x38;
	[tilespmem:$0x9588] =	vst v63  }
0x7e: {  	_ =	swait.ge [sflag:s14], $0x2000  }
0x7f: {  	s1 =	sld [smem:$0x7E9]  }
0x80: {  	[sflag:s14] =	ssyncset.done $0x0  }
0x81: {  	[sflag:s14] =	ssyncadd.s32 $0xFFFFE000  }
0x82: {  	[tilespmem:s16], [sflag:$0x4] =	stream.indirect.gather [hbm4b:s3+s12], $0x40, s1, s12, $0xb8;
	[tilespmem:$0x9588] =	vst v63  }
0x83: {  	_ =	swait.ge [sflag:s13], $0x2000  }
0x84: {  	[sflag:s13] =	ssyncset.done $0x0  }
0x85: {  	s1 =	rddreg [dreg:$0x8];
	[sflag:s13] =	ssyncadd.s32 $0xFFFFE000  }
0x86: {  	[hbm4b:s1+s2] =	stream.linear.scatter [tilespmem:s9], [sflag:$0x6], $0x2000, $0x38;
	[tilespmem:$0x9588] =	vst v63  }
0x87: {  	_ =	swait.ge [sflag:s5], $0x2000  }
0x88: {  	s1 =	sld [smem:$0x7EA]  }
0x89: {  	[sflag:s5] =	ssyncset.done $0x0  }
0x8a: {  	[sflag:s5] =	ssyncadd.s32 $0xFFFFE000  }
0x8b: {  	[tilespmem:s11], [sflag:$0x1] =	stream.indirect.gather [hbm4b:s3+s12], $0x40, s1, s12, $0xb8;
	[tilespmem:$0x9588] =	vst v63  }
0x8c: {  	_ =	swait.ge [sflag:s15], $0x2000  }
0x8d: {  	[sflag:s15] =	ssyncset.done $0x0  }
0x8e: {  	s1 =	rddreg [dreg:$0x9];
	[sflag:s15] =	ssyncadd.s32 $0xFFFFE000  }
0x8f: {  	[hbm4b:s1+s2] =	stream.linear.scatter [tilespmem:s7], [sflag:$0x7], $0x2000, $0x38;
	[tilespmem:$0x9588] =	vst v63  }
0x90: {  	_ =	swait.ge [sflag:s8], $0x2000  }
0x91: {  	s1 =	sld [smem:$0x7EB]  }
0x92: {  	[sflag:s8] =	ssyncset.done $0x0  }
0x93: {  	[sflag:s8] =	ssyncadd.s32 $0xFFFFE000  }
0x94: {  	[tilespmem:s9], [sflag:$0x2] =	stream.indirect.gather [hbm4b:s3+s12], $0x40, s1, s12, $0xb8;
	[tilespmem:$0x9588] =	vst v63  }
0x95: {  	_ =	swait.ge [sflag:s18], $0x2000  }
0x96: {  	[sflag:s18] =	ssyncset.done $0x0  }
0x97: {  	s1 =	rddreg [dreg:$0xa];
	[sflag:s18] =	ssyncadd.s32 $0xFFFFE000  }
0x98: {  	[hbm4b:s1+s2] =	stream.linear.scatter [tilespmem:s16], [sflag:$0x8], $0x2000, $0x38;
	[tilespmem:$0x9588] =	vst v63  }
0x99: {  	_ =	swait.ge [sflag:s10], $0x2000  }
0x9a: {  	s1 =	sld [smem:$0x7EC]  }
0x9b: {  	[sflag:s10] =	ssyncset.done $0x0  }
0x9c: {  	[sflag:s10] =	ssyncadd.s32 $0xFFFFE000  }
0x9d: {  	[tilespmem:s7], [sflag:$0x3] =	stream.indirect.gather [hbm4b:s3+s12], $0x40, s1, s12, $0xb8;
	[tilespmem:$0x9588] =	vst v63  }
0x9e: {  	_ =	swait.ge [sflag:s6], $0x2000  }
0x9f: {  	[sflag:s6] =	ssyncset.done $0x0  }
0xa0: {  	s1 =	rddreg [dreg:$0xb];
	[sflag:s6] =	ssyncadd.s32 $0xFFFFE000  }
0xa1: {  	[hbm4b:s1+s2] =	stream.linear.scatter [tilespmem:s11], [sflag:$0x5], $0x2000, $0x38;
	[tilespmem:$0x9588] =	vst v63  }
0xa2: {  	_ =	swait.ge [sflag:s14], $0x2000  }
0xa3: {  	s1 =	sld [smem:$0x7ED]  }
0xa4: {  	[sflag:s14] =	ssyncset.done $0x0  }
0xa5: {  	[sflag:s14] =	ssyncadd.s32 $0xFFFFE000  }
0xa6: {  	[tilespmem:s16], [sflag:$0x4] =	stream.indirect.gather [hbm4b:s3+s12], $0x40, s1, s12, $0xb8;
	[tilespmem:$0x9588] =	vst v63  }
0xa7: {  	_ =	swait.ge [sflag:s13], $0x2000  }
0xa8: {  	[sflag:s13] =	ssyncset.done $0x0  }
0xa9: {  	s1 =	rddreg [dreg:$0xc];
	[sflag:s13] =	ssyncadd.s32 $0xFFFFE000  }
0xaa: {  	[hbm4b:s1+s2] =	stream.linear.scatter [tilespmem:s9], [sflag:$0x6], $0x2000, $0x38;
	[tilespmem:$0x9588] =	vst v63  }
0xab: {  	_ =	swait.ge [sflag:s5], $0x2000  }
0xac: {  	s1 =	sld [smem:$0x7EE]  }
0xad: {  	[sflag:s5] =	ssyncset.done $0x0  }
0xae: {  	[sflag:s5] =	ssyncadd.s32 $0xFFFFE000  }
0xaf: {  	[tilespmem:s11], [sflag:$0x1] =	stream.indirect.gather [hbm4b:s3+s12], $0x40, s1, s12, $0xb8;
	[tilespmem:$0x9588] =	vst v63  }
0xb0: {  	_ =	swait.ge [sflag:s15], $0x2000  }
0xb1: {  	[sflag:s15] =	ssyncset.done $0x0  }
0xb2: {  	s1 =	rddreg [dreg:$0xd];
	[sflag:s15] =	ssyncadd.s32 $0xFFFFE000  }
0xb3: {  	[hbm4b:s1+s2] =	stream.linear.scatter [tilespmem:s7], [sflag:$0x7], $0x2000, $0x38;
	[tilespmem:$0x9588] =	vst v63  }
0xb4: {  	_ =	swait.ge [sflag:s8], $0x2000  }
0xb5: {  	s1 =	sld [smem:$0x7EF]  }
0xb6: {  	[sflag:s8] =	ssyncset.done $0x0  }
0xb7: {  	[sflag:s8] =	ssyncadd.s32 $0xFFFFE000  }
0xb8: {  	[tilespmem:s9], [sflag:$0x2] =	stream.indirect.gather [hbm4b:s3+s12], $0x40, s1, s12, $0xb8;
	[tilespmem:$0x9588] =	vst v63  }
0xb9: {  	_ =	swait.ge [sflag:s18], $0x2000  }
0xba: {  	[sflag:s18] =	ssyncset.done $0x0  }
0xbb: {  	s1 =	rddreg [dreg:$0xe];
	[sflag:s18] =	ssyncadd.s32 $0xFFFFE000  }
0xbc: {  	[hbm4b:s1+s2] =	stream.linear.scatter [tilespmem:s16], [sflag:$0x8], $0x2000, $0x38;
	[tilespmem:$0x9588] =	vst v63  }
0xbd: {  	_ =	swait.ge [sflag:s10], $0x2000  }
0xbe: {  	s1 =	sld [smem:$0x7F0]  }
0xbf: {  	[sflag:s10] =	ssyncset.done $0x0  }
0xc0: {  	[sflag:s10] =	ssyncadd.s32 $0xFFFFE000  }
0xc1: {  	[tilespmem:s7], [sflag:$0x3] =	stream.indirect.gather [hbm4b:s3+s12], $0x40, s1, s12, $0xb8;
	[tilespmem:$0x9588] =	vst v63  }
0xc2: {  	_ =	swait.ge [sflag:s6], $0x2000  }
0xc3: {  	[sflag:s6] =	ssyncset.done $0x0  }
0xc4: {  	s1 =	rddreg [dreg:$0xf];
	[sflag:s6] =	ssyncadd.s32 $0xFFFFE000  }
0xc5: {  	[hbm4b:s1+s2] =	stream.linear.scatter [tilespmem:s11], [sflag:$0x5], $0x2000, $0x38;
	[tilespmem:$0x9588] =	vst v63  }
0xc6: {  	_ =	swait.ge [sflag:s14], $0x2000  }
0xc7: {  	s1 =	sld [smem:$0x7F1]  }
0xc8: {  	[sflag:s14] =	ssyncset.done $0x0  }
0xc9: {  	[sflag:s14] =	ssyncadd.s32 $0xFFFFE000  }
0xca: {  	[tilespmem:s16], [sflag:$0x4] =	stream.indirect.gather [hbm4b:s3+s12], $0x40, s1, s12, $0xb8;
	[tilespmem:$0x9588] =	vst v63  }
0xcb: {  	_ =	swait.ge [sflag:s13], $0x2000  }
0xcc: {  	[sflag:s13] =	ssyncset.done $0x0  }
0xcd: {  	s1 =	rddreg [dreg:$0x10];
	[sflag:s13] =	ssyncadd.s32 $0xFFFFE000  }
0xce: {  	[hbm4b:s1+s2] =	stream.linear.scatter [tilespmem:s9], [sflag:$0x6], $0x2000, $0x38;
	[tilespmem:$0x9588] =	vst v63  }
0xcf: {  	_ =	swait.ge [sflag:s5], $0x2000  }
0xd0: {  	s1 =	sld [smem:$0x7F2]  }
0xd1: {  	[sflag:s5] =	ssyncset.done $0x0  }
0xd2: {  	[sflag:s5] =	ssyncadd.s32 $0xFFFFE000  }
0xd3: {  	[tilespmem:s11], [sflag:$0x1] =	stream.indirect.gather [hbm4b:s3+s12], $0x40, s1, s12, $0xb8;
	[tilespmem:$0x9588] =	vst v63  }
0xd4: {  	_ =	swait.ge [sflag:s15], $0x2000  }
0xd5: {  	[sflag:s15] =	ssyncset.done $0x0  }
0xd6: {  	s1 =	rddreg [dreg:$0x11];
	[sflag:s15] =	ssyncadd.s32 $0xFFFFE000  }
0xd7: {  	[hbm4b:s1+s2] =	stream.linear.scatter [tilespmem:s7], [sflag:$0x7], $0x2000, $0x38;
	[tilespmem:$0x9588] =	vst v63  }
0xd8: {  	_ =	swait.ge [sflag:s8], $0x2000  }
0xd9: {  	s1 =	sld [smem:$0x7F3]  }
0xda: {  	[sflag:s8] =	ssyncset.done $0x0  }
0xdb: {  	[sflag:s8] =	ssyncadd.s32 $0xFFFFE000  }
0xdc: {  	[tilespmem:s9], [sflag:$0x2] =	stream.indirect.gather [hbm4b:s3+s12], $0x40, s1, s12, $0xb8;
	[tilespmem:$0x9588] =	vst v63  }
0xdd: {  	_ =	swait.ge [sflag:s18], $0x2000  }
0xde: {  	[sflag:s18] =	ssyncset.done $0x0  }
0xdf: {  	s1 =	rddreg [dreg:$0x12];
	[sflag:s18] =	ssyncadd.s32 $0xFFFFE000  }
0xe0: {  	[hbm4b:s1+s2] =	stream.linear.scatter [tilespmem:s16], [sflag:$0x8], $0x2000, $0x38;
	[tilespmem:$0x9588] =	vst v63  }
0xe1: {  	_ =	swait.ge [sflag:s10], $0x2000  }
0xe2: {  	s1 =	sld [smem:$0x7F4]  }
0xe3: {  	[sflag:s10] =	ssyncset.done $0x0  }
0xe4: {  	[sflag:s10] =	ssyncadd.s32 $0xFFFFE000  }
0xe5: {  	[tilespmem:s7], [sflag:$0x3] =	stream.indirect.gather [hbm4b:s3+s12], $0x40, s1, s12, $0xb8;
	[tilespmem:$0x9588] =	vst v63  }
0xe6: {  	_ =	swait.ge [sflag:s6], $0x2000  }
0xe7: {  	[sflag:s6] =	ssyncset.done $0x0  }
0xe8: {  	s1 =	rddreg [dreg:$0x13];
	[sflag:s6] =	ssyncadd.s32 $0xFFFFE000  }
0xe9: {  	[hbm4b:s1+s2] =	stream.linear.scatter [tilespmem:s11], [sflag:$0x5], $0x2000, $0x38;
	[tilespmem:$0x9588] =	vst v63  }
0xea: {  	_ =	swait.ge [sflag:s14], $0x2000  }
0xeb: {  	s1 =	sld [smem:$0x7F5]  }
0xec: {  	[sflag:s14] =	ssyncset.done $0x0  }
0xed: {  	[sflag:s14] =	ssyncadd.s32 $0xFFFFE000  }
0xee: {  	[tilespmem:s16], [sflag:$0x4] =	stream.indirect.gather [hbm4b:s3+s12], $0x40, s1, s12, $0xb8;
	[tilespmem:$0x9588] =	vst v63  }
0xef: {  	_ =	swait.ge [sflag:s13], $0x2000  }
0xf0: {  	[sflag:s13] =	ssyncset.done $0x0  }
0xf1: {  	s1 =	rddreg [dreg:$0x14];
	[sflag:s13] =	ssyncadd.s32 $0xFFFFE000  }
0xf2: {  	[hbm4b:s1+s2] =	stream.linear.scatter [tilespmem:s9], [sflag:$0x6], $0x2000, $0x38;
	[tilespmem:$0x9588] =	vst v63  }
0xf3: {  	_ =	swait.ge [sflag:s5], $0x2000  }
0xf4: {  	s1 =	sld [smem:$0x7F6]  }
0xf5: {  	[sflag:s5] =	ssyncset.done $0x0  }
0xf6: {  	[sflag:s5] =	ssyncadd.s32 $0xFFFFE000  }
0xf7: {  	[tilespmem:s11], [sflag:$0x1] =	stream.indirect.gather [hbm4b:s3+s12], $0x40, s1, s12, $0xb8;
	[tilespmem:$0x9588] =	vst v63  }
0xf8: {  	_ =	swait.ge [sflag:s15], $0x2000  }
0xf9: {  	[sflag:s15] =	ssyncset.done $0x0  }
0xfa: {  	s1 =	rddreg [dreg:$0x15];
	[sflag:s15] =	ssyncadd.s32 $0xFFFFE000  }
0xfb: {  	[hbm4b:s1+s2] =	stream.linear.scatter [tilespmem:s7], [sflag:$0x7], $0x2000, $0x38;
	[tilespmem:$0x9588] =	vst v63  }
0xfc: {  	_ =	swait.ge [sflag:s8], $0x2000  }
0xfd: {  	s1 =	sld [smem:$0x7F7]  }
0xfe: {  	[sflag:s8] =	ssyncset.done $0x0  }
0xff: {  	[sflag:s8] =	ssyncadd.s32 $0xFFFFE000  }
0x100: {  	[tilespmem:s9], [sflag:$0x2] =	stream.indirect.gather [hbm4b:s3+s12], $0x40, s1, s12, $0xb8;
	[tilespmem:$0x9588] =	vst v63  }
0x101: {  	_ =	swait.ge [sflag:s18], $0x2000  }
0x102: {  	[sflag:s18] =	ssyncset.done $0x0  }
0x103: {  	s1 =	rddreg [dreg:$0x16];
	[sflag:s18] =	ssyncadd.s32 $0xFFFFE000  }
0x104: {  	[hbm4b:s1+s2] =	stream.linear.scatter [tilespmem:s16], [sflag:$0x8], $0x2000, $0x38;
	[tilespmem:$0x9588] =	vst v63  }
0x105: {  	_ =	swait.ge [sflag:s10], $0x2000  }
0x106: {  	s1 =	sld [smem:$0x7F8]  }
0x107: {  	[sflag:s10] =	ssyncset.done $0x0  }
0x108: {  	[sflag:s10] =	ssyncadd.s32 $0xFFFFE000  }
0x109: {  	[tilespmem:s7], [sflag:$0x3] =	stream.indirect.gather [hbm4b:s3+s12], $0x40, s1, s12, $0xb8;
	[tilespmem:$0x9588] =	vst v63  }
0x10a: {  	_ =	swait.ge [sflag:s6], $0x2000  }
0x10b: {  	[sflag:s6] =	ssyncset.done $0x0  }
0x10c: {  	s1 =	rddreg [dreg:$0x17];
	[sflag:s6] =	ssyncadd.s32 $0xFFFFE000  }
0x10d: {  	[hbm4b:s1+s2] =	stream.linear.scatter [tilespmem:s11], [sflag:$0x5], $0x2000, $0x38;
	[tilespmem:$0x9588] =	vst v63  }
0x10e: {  	_ =	swait.ge [sflag:s14], $0x2000  }
0x10f: {  	s1 =	sld [smem:$0x7F9]  }
0x110: {  	[sflag:s14] =	ssyncset.done $0x0  }
0x111: {  	[sflag:s14] =	ssyncadd.s32 $0xFFFFE000  }
0x112: {  	[tilespmem:s16], [sflag:$0x4] =	stream.indirect.gather [hbm4b:s3+s12], $0x40, s1, s12, $0xb8;
	[tilespmem:$0x9588] =	vst v63  }
0x113: {  	_ =	swait.ge [sflag:s13], $0x2000  }
0x114: {  	[sflag:s13] =	ssyncset.done $0x0  }
0x115: {  	s1 =	rddreg [dreg:$0x18];
	[sflag:s13] =	ssyncadd.s32 $0xFFFFE000  }
0x116: {  	[hbm4b:s1+s2] =	stream.linear.scatter [tilespmem:s9], [sflag:$0x6], $0x2000, $0x38;
	[tilespmem:$0x9588] =	vst v63  }
0x117: {  	_ =	swait.ge [sflag:s5], $0x2000  }
0x118: {  	s1 =	sld [smem:$0x7FA]  }
0x119: {  	[sflag:s5] =	ssyncset.done $0x0  }
0x11a: {  	[sflag:s5] =	ssyncadd.s32 $0xFFFFE000  }
0x11b: {  	[tilespmem:s11], [sflag:$0x1] =	stream.indirect.gather [hbm4b:s3+s12], $0x40, s1, s12, $0xb8;
	[tilespmem:$0x9588] =	vst v63  }
0x11c: {  	_ =	swait.ge [sflag:s15], $0x2000  }
0x11d: {  	[sflag:s15] =	ssyncset.done $0x0  }
0x11e: {  	s1 =	rddreg [dreg:$0x19];
	[sflag:s15] =	ssyncadd.s32 $0xFFFFE000  }
0x11f: {  	[hbm4b:s1+s2] =	stream.linear.scatter [tilespmem:s7], [sflag:$0x7], $0x2000, $0x38;
	[tilespmem:$0x9588] =	vst v63  }
0x120: {  	_ =	swait.ge [sflag:s8], $0x2000  }
0x121: {  	s1 =	sld [smem:$0x7FB]  }
0x122: {  	[sflag:s8] =	ssyncset.done $0x0  }
0x123: {  	[sflag:s8] =	ssyncadd.s32 $0xFFFFE000  }
0x124: {  	[tilespmem:s9], [sflag:$0x2] =	stream.indirect.gather [hbm4b:s3+s12], $0x40, s1, s12, $0xb8;
	[tilespmem:$0x9588] =	vst v63  }
0x125: {  	_ =	swait.ge [sflag:s18], $0x2000  }
0x126: {  	[sflag:s18] =	ssyncset.done $0x0  }
0x127: {  	s1 =	rddreg [dreg:$0x1a];
	[sflag:s18] =	ssyncadd.s32 $0xFFFFE000  }
0x128: {  	[hbm4b:s1+s2] =	stream.linear.scatter [tilespmem:s16], [sflag:$0x8], $0x2000, $0x38;
	[tilespmem:$0x9588] =	vst v63  }
0x129: {  	_ =	swait.ge [sflag:s10], $0x2000  }
0x12a: {  	s1 =	sld [smem:$0x7FC]  }
0x12b: {  	[sflag:s10] =	ssyncset.done $0x0  }
0x12c: {  	[sflag:s10] =	ssyncadd.s32 $0xFFFFE000  }
0x12d: {  	[tilespmem:s7], [sflag:$0x3] =	stream.indirect.gather [hbm4b:s3+s12], $0x40, s1, s12, $0xb8;
	[tilespmem:$0x9588] =	vst v63  }
0x12e: {  	_ =	swait.ge [sflag:s6], $0x2000  }
0x12f: {  	[sflag:s6] =	ssyncset.done $0x0  }
0x130: {  	s1 =	rddreg [dreg:$0x1b];
	[sflag:s6] =	ssyncadd.s32 $0xFFFFE000  }
0x131: {  	[hbm4b:s1+s2] =	stream.linear.scatter [tilespmem:s11], [sflag:$0x5], $0x2000, $0x38;
	[tilespmem:$0x9588] =	vst v63  }
0x132: {  	_ =	swait.ge [sflag:s14], $0x2000  }
0x133: {  	s1 =	sld [smem:$0x7FD]  }
0x134: {  	[sflag:s14] =	ssyncset.done $0x0  }
0x135: {  	[sflag:s14] =	ssyncadd.s32 $0xFFFFE000  }
0x136: {  	[tilespmem:s16], [sflag:$0x4] =	stream.indirect.gather [hbm4b:s3+s12], $0x40, s1, s12, $0xb8;
	[tilespmem:$0x9588] =	vst v63  }
0x137: {  	_ =	swait.ge [sflag:s13], $0x2000  }
0x138: {  	[sflag:s13] =	ssyncset.done $0x0  }
0x139: {  	s1 =	rddreg [dreg:$0x1c];
	[sflag:s13] =	ssyncadd.s32 $0xFFFFE000  }
0x13a: {  	[hbm4b:s1+s2] =	stream.linear.scatter [tilespmem:s9], [sflag:$0x6], $0x2000, $0x38;
	[tilespmem:$0x9588] =	vst v63  }
0x13b: {  	_ =	swait.ge [sflag:s5], $0x2000  }
0x13c: {  	[sflag:s5] =	ssyncset.done $0x0  }
0x13d: {  	s1 =	simm.s32 $0xE00;
	[sflag:s5] =	ssyncadd.s32 $0xFFFFE000  }
0x13e: {  	[tilespmem:s11], [sflag:$0x1] =	stream.indirect.gather [hbm4b:s3+s12], $0x40, s1, s12, $0xb8;
	[tilespmem:$0x9588] =	vst v63  }
0x13f: {  	_ =	swait.ge [sflag:s15], $0x2000  }
0x140: {  	[sflag:s15] =	ssyncset.done $0x0  }
0x141: {  	s1 =	rddreg [dreg:$0x1d];
	[sflag:s15] =	ssyncadd.s32 $0xFFFFE000  }
0x142: {  	[hbm4b:s1+s2] =	stream.linear.scatter [tilespmem:s7], [sflag:$0x7], $0x2000, $0x38;
	[tilespmem:$0x9588] =	vst v63  }
0x143: {  	_ =	swait.ge [sflag:s8], $0x2000  }
0x144: {  	[sflag:s8] =	ssyncset.done $0x0  }
0x145: {  	[sflag:s8] =	ssyncadd.s32 $0xFFFFE000  }
0x146: {  	[tilespmem:s9], [sflag:$0x2] =	stream.indirect.gather [hbm4b:s3+s12], $0x40, s31, s12, $0xb8;
	[tilespmem:$0x9588] =	vst v63  }
0x147: {  	_ =	swait.ge [sflag:s18], $0x2000  }
0x148: {  	[sflag:s18] =	ssyncset.done $0x0  }
0x149: {  	s1 =	rddreg [dreg:$0x1e];
	[sflag:s18] =	ssyncadd.s32 $0xFFFFE000  }
0x14a: {  	[hbm4b:s1+s2] =	stream.linear.scatter [tilespmem:s16], [sflag:$0x8], $0x2000, $0x38;
	[tilespmem:$0x9588] =	vst v63  }
0x14b: {  	_ =	swait.ge [sflag:s10], $0x2000  }
0x14c: {  	[sflag:s10] =	ssyncset.done $0x0  }
0x14d: {  	[sflag:s10] =	ssyncadd.s32 $0xFFFFE000  }
0x14e: {  	[tilespmem:s7], [sflag:$0x3] =	stream.indirect.gather [hbm4b:s3+s12], $0x40, s30, s12, $0xb8;
	[tilespmem:$0x9588] =	vst v63  }
0x14f: {  	_ =	swait.ge [sflag:s6], $0x2000  }
0x150: {  	[sflag:s6] =	ssyncset.done $0x0  }
0x151: {  	s1 =	rddreg [dreg:$0x1f];
	[sflag:s6] =	ssyncadd.s32 $0xFFFFE000  }
0x152: {  	[hbm4b:s1+s2] =	stream.linear.scatter [tilespmem:s11], [sflag:$0x5], $0x2000, $0x38;
	[tilespmem:$0x9588] =	vst v63  }
0x153: {  	_ =	swait.ge [sflag:s14], $0x2000  }
0x154: {  	[sflag:s14] =	ssyncset.done $0x0  }
0x155: {  	[sflag:s14] =	ssyncadd.s32 $0xFFFFE000  }
0x156: {  	[tilespmem:s16], [sflag:$0x4] =	stream.indirect.gather [hbm4b:s3+s12], $0x40, s29, s12, $0xb8;
	[tilespmem:$0x9588] =	vst v63  }
0x157: {  	_ =	swait.ge [sflag:s13], $0x2000  }
0x158: {  	s1 =	sld [smem:$0x7D9]  }
0x159: {  	[sflag:s13] =	ssyncset.done $0x0  }
0x15a: {  	[sflag:s13] =	ssyncadd.s32 $0xFFFFE000  }
0x15b: {  	[hbm4b:s1+s2] =	stream.linear.scatter [tilespmem:s9], [sflag:$0x6], $0x2000, $0x38;
	[tilespmem:$0x9588] =	vst v63  }
0x15c: {  	_ =	swait.ge [sflag:s5], $0x2000  }
0x15d: {  	[sflag:s5] =	ssyncset.done $0x0  }
0x15e: {  	[sflag:s5] =	ssyncadd.s32 $0xFFFFE000  }
0x15f: {  	[tilespmem:s11], [sflag:$0x1] =	stream.indirect.gather [hbm4b:s3+s12], $0x40, s28, s12, $0xb8;
	[tilespmem:$0x9588] =	vst v63  }
0x160: {  	_ =	swait.ge [sflag:s15], $0x2000  }
0x161: {  	s1 =	sld [smem:$0x7DA]  }
0x162: {  	[sflag:s15] =	ssyncset.done $0x0  }
0x163: {  	[sflag:s15] =	ssyncadd.s32 $0xFFFFE000  }
0x164: {  	[hbm4b:s1+s2] =	stream.linear.scatter [tilespmem:s7], [sflag:$0x7], $0x2000, $0x38;
	[tilespmem:$0x9588] =	vst v63  }
0x165: {  	_ =	swait.ge [sflag:s8], $0x2000  }
0x166: {  	[sflag:s8] =	ssyncset.done $0x0  }
0x167: {  	[sflag:s8] =	ssyncadd.s32 $0xFFFFE000  }
0x168: {  	[tilespmem:s9], [sflag:$0x2] =	stream.indirect.gather [hbm4b:s3+s12], $0x40, s26, s12, $0xb8;
	[tilespmem:$0x9588] =	vst v63  }
0x169: {  	_ =	swait.ge [sflag:s18], $0x2000  }
0x16a: {  	s1 =	sld [smem:$0x7DB]  }
0x16b: {  	[sflag:s18] =	ssyncset.done $0x0  }
0x16c: {  	[sflag:s18] =	ssyncadd.s32 $0xFFFFE000  }
0x16d: {  	[hbm4b:s1+s2] =	stream.linear.scatter [tilespmem:s16], [sflag:$0x8], $0x2000, $0x38;
	[tilespmem:$0x9588] =	vst v63  }
0x16e: {  	_ =	swait.ge [sflag:s10], $0x2000  }
0x16f: {  	[sflag:s10] =	ssyncset.done $0x0  }
0x170: {  	[sflag:s10] =	ssyncadd.s32 $0xFFFFE000  }
0x171: {  	[tilespmem:s7], [sflag:$0x3] =	stream.indirect.gather [hbm4b:s3+s12], $0x40, s25, s12, $0xb8;
	[tilespmem:$0x9588] =	vst v63  }
0x172: {  	_ =	swait.ge [sflag:s6], $0x2000  }
0x173: {  	s1 =	sld [smem:$0x7DC]  }
0x174: {  	[sflag:s6] =	ssyncset.done $0x0  }
0x175: {  	[sflag:s6] =	ssyncadd.s32 $0xFFFFE000  }
0x176: {  	[hbm4b:s1+s2] =	stream.linear.scatter [tilespmem:s11], [sflag:$0x5], $0x2000, $0x38;
	[tilespmem:$0x9588] =	vst v63  }
0x177: {  	_ =	swait.ge [sflag:s14], $0x2000  }
0x178: {  	[sflag:s14] =	ssyncset.done $0x0  }
0x179: {  	[sflag:s14] =	ssyncadd.s32 $0xFFFFE000  }
0x17a: {  	[tilespmem:s16], [sflag:$0x4] =	stream.indirect.gather [hbm4b:s3+s12], $0x40, s24, s12, $0xb8;
	[tilespmem:$0x9588] =	vst v63  }
0x17b: {  	_ =	swait.ge [sflag:s13], $0x2000  }
0x17c: {  	s1 =	sld [smem:$0x7DD]  }
0x17d: {  	[sflag:s13] =	ssyncset.done $0x0  }
0x17e: {  	[sflag:s13] =	ssyncadd.s32 $0xFFFFE000  }
0x17f: {  	[hbm4b:s1+s2] =	stream.linear.scatter [tilespmem:s9], [sflag:$0x6], $0x2000, $0x38;
	[tilespmem:$0x9588] =	vst v63  }
0x180: {  	_ =	swait.ge [sflag:s5], $0x2000  }
0x181: {  	[sflag:s5] =	ssyncset.done $0x0  }
0x182: {  	[sflag:s5] =	ssyncadd.s32 $0xFFFFE000  }
0x183: {  	[tilespmem:s11], [sflag:$0x1] =	stream.indirect.gather [hbm4b:s3+s12], $0x40, s23, s12, $0xb8;
	[tilespmem:$0x9588] =	vst v63  }
0x184: {  	_ =	swait.ge [sflag:s15], $0x2000  }
0x185: {  	s1 =	sld [smem:$0x7DE]  }
0x186: {  	[sflag:s15] =	ssyncset.done $0x0  }
0x187: {  	[sflag:s15] =	ssyncadd.s32 $0xFFFFE000  }
0x188: {  	[hbm4b:s1+s2] =	stream.linear.scatter [tilespmem:s7], [sflag:$0x7], $0x2000, $0x38;
	[tilespmem:$0x9588] =	vst v63  }
0x189: {  	_ =	swait.ge [sflag:s8], $0x2000  }
0x18a: {  	[sflag:s8] =	ssyncset.done $0x0  }
0x18b: {  	[sflag:s8] =	ssyncadd.s32 $0xFFFFE000  }
0x18c: {  	[tilespmem:s9], [sflag:$0x2] =	stream.indirect.gather [hbm4b:s3+s12], $0x40, s22, s12, $0xb8;
	[tilespmem:$0x9588] =	vst v63  }
0x18d: {  	_ =	swait.ge [sflag:s18], $0x2000  }
0x18e: {  	s1 =	sld [smem:$0x7DF]  }
0x18f: {  	[sflag:s18] =	ssyncset.done $0x0  }
0x190: {  	[sflag:s18] =	ssyncadd.s32 $0xFFFFE000  }
0x191: {  	[hbm4b:s1+s2] =	stream.linear.scatter [tilespmem:s16], [sflag:$0x8], $0x2000, $0x38;
	[tilespmem:$0x9588] =	vst v63  }
0x192: {  	_ =	swait.ge [sflag:s10], $0x2000  }
0x193: {  	[sflag:s10] =	ssyncset.done $0x0  }
0x194: {  	[sflag:s10] =	ssyncadd.s32 $0xFFFFE000  }
0x195: {  	[tilespmem:s7], [sflag:$0x3] =	stream.indirect.gather [hbm4b:s3+s12], $0x40, s21, s12, $0xb8;
	[tilespmem:$0x9588] =	vst v63  }
0x196: {  	_ =	swait.ge [sflag:s6], $0x2000  }
0x197: {  	s1 =	sld [smem:$0x7E0]  }
0x198: {  	[sflag:s6] =	ssyncset.done $0x0  }
0x199: {  	[sflag:s6] =	ssyncadd.s32 $0xFFFFE000  }
0x19a: {  	[hbm4b:s1+s2] =	stream.linear.scatter [tilespmem:s11], [sflag:$0x5], $0x2000, $0x38;
	[tilespmem:$0x9588] =	vst v63  }
0x19b: {  	_ =	swait.ge [sflag:s13], $0x2000  }
0x19c: {  	s1 =	sld [smem:$0x7E1]  }
0x19d: {  	[sflag:s13] =	ssyncset.done $0x0  }
0x19e: {  	[sflag:s13] =	ssyncadd.s32 $0xFFFFE000  }
0x19f: {  	[hbm4b:s1+s2] =	stream.linear.scatter [tilespmem:s9], [sflag:$0x6], $0x2000, $0x38;
	[tilespmem:$0x9588] =	vst v63  }
0x1a0: {  	_ =	swait.ge [sflag:s15], $0x2000  }
0x1a1: {  	s1 =	sld [smem:$0x7E2]  }
0x1a2: {  	[sflag:s15] =	ssyncset.done $0x0  }
0x1a3: {  	[sflag:s15] =	ssyncadd.s32 $0xFFFFE000  }
0x1a4: {  	[hbm4b:s1+s2] =	stream.linear.scatter [tilespmem:s7], [sflag:$0x7], $0x2000, $0x38;
	[tilespmem:$0x9588] =	vst v63  }
0x1a5: {  	_ = 	snop  }
0x1a6: {  	[tilespmem:s17], [sflag:$0x1] =	stream.indirect.gather [hbm4b:s3+s14], $0x40, s20, s14, $0xb8;
	[tilespmem:$0x9588] =	vst v63  }
0x1a7: {  	_ =	swait.ge [sflag:s6], $0x200  }
0x1a8: {  	s1 =	sld [smem:$0x7E3]  }
0x1a9: {  	[sflag:s6] =	ssyncset.done $0x0  }
0x1aa: {  	[sflag:s6] =	ssyncadd.s32 $0xFFFFFE00  }
0x1ab: {  	[hbm4b:s1+s2] =	stream.linear.scatter [tilespmem:s17], [sflag:$0x9], $0x200, $0x38;
	[tilespmem:$0x9588] =	vst v63  }
0x1ac: {  	_ =	swait.ge [sflag:s4], $0x200  }
0x1ad: {  	[sflag:s4] =	ssyncset.done $0x0  }
0x1ae: {  	[sflag:s4] =	ssyncadd.s32 $0xFFFFFE00  }
0x1af: {  	_ =	swait.ge [sflag:s14], $0x2000  }
0x1b0: {  	[sflag:s14] =	ssyncset.done $0x0  }
0x1b1: {  	[sflag:s14] =	ssyncadd.s32 $0xFFFFE000  }
0x1b2: {  	_ =	swait.ge [sflag:s5], $0x2000  }
0x1b3: {  	[sflag:s5] =	ssyncset.done $0x0  }
0x1b4: {  	p1 =	sne.s32 s19, $0x1;
	[sflag:s5] =	ssyncadd.s32 $0xFFFFE000  }
.Ltmp1:
0x1b5: {  	_ =	swait.ge [sflag:s8], $0x2000;
	(pc) =	sbr.rel @!p1 .LBB2_3-.Ltmp1, $4  }
0x1b6: {  	[sflag:s8] =	ssyncset.done $0x0  }
0x1b7: {  	[sflag:s8] =	ssyncadd.s32 $0xFFFFE000  }
0x1b8: {  	p0 =	por $0x1, $0x1;
	_ =	swait.ge [sflag:s10], $0x2000  }
0x1b9: {  	s1 =	sadd.s32 $0xFFFFFFFF, s19;
	s0 =	rddreg [dreg:$0x2];
	[sflag:s10] =	ssyncset.done $0x0  }
.LBB2_4:
0x1ba: {  	[sflag:s10] =	ssyncadd.s32 $0xFFFFE000  }
0x1bb: {  	[tilespmem:s2], [sflag:$0x9] =	stream.linear.gather [hbm4b:s0+s2], $0x1388, $0x38;
	[tilespmem:$0x9588] =	vst v63  }
0x1bc: {  	_ =	swait.ge [sflag:s4], $0x1388  }
0x1bd: {  	[sflag:s4] =	ssyncset.done $0x0  }
0x1be: {  	[sflag:s4] =	ssyncadd.s32 $0xFFFFEC78  }
0x1bf: {  	[tilespmem:s11], [sflag:$0x1] =	stream.indirect.gather [hbm4b:s3+s12], $0x40, s2, s12, $0xb8;
	[tilespmem:$0x9588] =	vst v63  }
0x1c0: {  	s19 =	sld [smem:$0x7E4]  }
0x1c1: {  	[tilespmem:s9], [sflag:$0x2] =	stream.indirect.gather [hbm4b:s3+s12], $0x40, s12, s12, $0xb8;
	[tilespmem:$0x9588] =	vst v63  }
0x1c2: {  	_ = 	snop  }
0x1c3: {  	[tilespmem:s7], [sflag:$0x3] =	stream.indirect.gather [hbm4b:s3+s12], $0x40, s19, s12, $0xb8;
	[tilespmem:$0x9588] =	vst v63  }
0x1c4: {  	_ =	swait.ge [sflag:s6], $0x2000  }
0x1c5: {  	s0 =	rddreg [dreg:$0x3];
	[sflag:s6] =	ssyncset.done $0x0  }
0x1c6: {  	s19 =	sld [smem:$0x7E5];
	[sflag:s6] =	ssyncadd.s32 $0xFFFFE000  }
0x1c7: {  	[hbm4b:s0+s2] =	stream.linear.scatter [tilespmem:s11], [sflag:$0x5], $0x2000, $0x38;
	[tilespmem:$0x9588] =	vst v63  }
0x1c8: {  	_ = 	snop  }
0x1c9: {  	[tilespmem:s16], [sflag:$0x4] =	stream.indirect.gather [hbm4b:s3+s12], $0x40, s19, s12, $0xb8;
	[tilespmem:$0x9588] =	vst v63  }
0x1ca: {  	_ =	swait.ge [sflag:s13], $0x2000  }
0x1cb: {  	[sflag:s13] =	ssyncset.done $0x0  }
0x1cc: {  	s19 =	rddreg [dreg:$0x4];
	[sflag:s13] =	ssyncadd.s32 $0xFFFFE000  }
0x1cd: {  	[hbm4b:s19+s2] =	stream.linear.scatter [tilespmem:s9], [sflag:$0x6], $0x2000, $0x38;
	[tilespmem:$0x9588] =	vst v63  }
0x1ce: {  	_ =	swait.ge [sflag:s5], $0x2000  }
0x1cf: {  	s19 =	sld [smem:$0x7E6]  }
0x1d0: {  	[sflag:s5] =	ssyncset.done $0x0  }
0x1d1: {  	[sflag:s5] =	ssyncadd.s32 $0xFFFFE000  }
0x1d2: {  	[tilespmem:s11], [sflag:$0x1] =	stream.indirect.gather [hbm4b:s3+s12], $0x40, s19, s12, $0xb8;
	[tilespmem:$0x9588] =	vst v63  }
0x1d3: {  	_ =	swait.ge [sflag:s15], $0x2000  }
0x1d4: {  	[sflag:s15] =	ssyncset.done $0x0  }
0x1d5: {  	s19 =	rddreg [dreg:$0x5];
	[sflag:s15] =	ssyncadd.s32 $0xFFFFE000  }
0x1d6: {  	[hbm4b:s19+s2] =	stream.linear.scatter [tilespmem:s7], [sflag:$0x7], $0x2000, $0x38;
	[tilespmem:$0x9588] =	vst v63  }
0x1d7: {  	_ =	swait.ge [sflag:s8], $0x2000  }
0x1d8: {  	s19 =	sld [smem:$0x7E7]  }
0x1d9: {  	[sflag:s8] =	ssyncset.done $0x0  }
0x1da: {  	[sflag:s8] =	ssyncadd.s32 $0xFFFFE000  }
0x1db: {  	[tilespmem:s9], [sflag:$0x2] =	stream.indirect.gather [hbm4b:s3+s12], $0x40, s19, s12, $0xb8;
	[tilespmem:$0x9588] =	vst v63  }
0x1dc: {  	_ =	swait.ge [sflag:s18], $0x2000  }
0x1dd: {  	[sflag:s18] =	ssyncset.done $0x0  }
0x1de: {  	s19 =	rddreg [dreg:$0x6];
	[sflag:s18] =	ssyncadd.s32 $0xFFFFE000  }
0x1df: {  	[hbm4b:s19+s2] =	stream.linear.scatter [tilespmem:s16], [sflag:$0x8], $0x2000, $0x38;
	[tilespmem:$0x9588] =	vst v63  }
0x1e0: {  	_ =	swait.ge [sflag:s10], $0x2000  }
0x1e1: {  	s19 =	sld [smem:$0x7E8]  }
0x1e2: {  	[sflag:s10] =	ssyncset.done $0x0  }
0x1e3: {  	[sflag:s10] =	ssyncadd.s32 $0xFFFFE000  }
0x1e4: {  	[tilespmem:s7], [sflag:$0x3] =	stream.indirect.gather [hbm4b:s3+s12], $0x40, s19, s12, $0xb8;
	[tilespmem:$0x9588] =	vst v63  }
0x1e5: {  	_ =	swait.ge [sflag:s6], $0x2000  }
0x1e6: {  	[sflag:s6] =	ssyncset.done $0x0  }
0x1e7: {  	s19 =	rddreg [dreg:$0x7];
	[sflag:s6] =	ssyncadd.s32 $0xFFFFE000  }
0x1e8: {  	[hbm4b:s19+s2] =	stream.linear.scatter [tilespmem:s11], [sflag:$0x5], $0x2000, $0x38;
	[tilespmem:$0x9588] =	vst v63  }
0x1e9: {  	_ =	swait.ge [sflag:s14], $0x2000  }
0x1ea: {  	s19 =	sld [smem:$0x7E9]  }
0x1eb: {  	[sflag:s14] =	ssyncset.done $0x0  }
0x1ec: {  	[sflag:s14] =	ssyncadd.s32 $0xFFFFE000  }
0x1ed: {  	[tilespmem:s16], [sflag:$0x4] =	stream.indirect.gather [hbm4b:s3+s12], $0x40, s19, s12, $0xb8;
	[tilespmem:$0x9588] =	vst v63  }
0x1ee: {  	_ =	swait.ge [sflag:s13], $0x2000  }
0x1ef: {  	[sflag:s13] =	ssyncset.done $0x0  }
0x1f0: {  	s19 =	rddreg [dreg:$0x8];
	[sflag:s13] =	ssyncadd.s32 $0xFFFFE000  }
0x1f1: {  	[hbm4b:s19+s2] =	stream.linear.scatter [tilespmem:s9], [sflag:$0x6], $0x2000, $0x38;
	[tilespmem:$0x9588] =	vst v63  }
0x1f2: {  	_ =	swait.ge [sflag:s5], $0x2000  }
0x1f3: {  	s19 =	sld [smem:$0x7EA]  }
0x1f4: {  	[sflag:s5] =	ssyncset.done $0x0  }
0x1f5: {  	[sflag:s5] =	ssyncadd.s32 $0xFFFFE000  }
0x1f6: {  	[tilespmem:s11], [sflag:$0x1] =	stream.indirect.gather [hbm4b:s3+s12], $0x40, s19, s12, $0xb8;
	[tilespmem:$0x9588] =	vst v63  }
0x1f7: {  	_ =	swait.ge [sflag:s15], $0x2000  }
0x1f8: {  	[sflag:s15] =	ssyncset.done $0x0  }
0x1f9: {  	s19 =	rddreg [dreg:$0x9];
	[sflag:s15] =	ssyncadd.s32 $0xFFFFE000  }
0x1fa: {  	[hbm4b:s19+s2] =	stream.linear.scatter [tilespmem:s7], [sflag:$0x7], $0x2000, $0x38;
	[tilespmem:$0x9588] =	vst v63  }
0x1fb: {  	_ =	swait.ge [sflag:s8], $0x2000  }
0x1fc: {  	s19 =	sld [smem:$0x7EB]  }
0x1fd: {  	[sflag:s8] =	ssyncset.done $0x0  }
0x1fe: {  	[sflag:s8] =	ssyncadd.s32 $0xFFFFE000  }
0x1ff: {  	[tilespmem:s9], [sflag:$0x2] =	stream.indirect.gather [hbm4b:s3+s12], $0x40, s19, s12, $0xb8;
	[tilespmem:$0x9588] =	vst v63  }
0x200: {  	_ =	swait.ge [sflag:s18], $0x2000  }
0x201: {  	[sflag:s18] =	ssyncset.done $0x0  }
0x202: {  	s19 =	rddreg [dreg:$0xa];
	[sflag:s18] =	ssyncadd.s32 $0xFFFFE000  }
0x203: {  	[hbm4b:s19+s2] =	stream.linear.scatter [tilespmem:s16], [sflag:$0x8], $0x2000, $0x38;
	[tilespmem:$0x9588] =	vst v63  }
0x204: {  	_ =	swait.ge [sflag:s10], $0x2000  }
0x205: {  	s19 =	sld [smem:$0x7EC]  }
0x206: {  	[sflag:s10] =	ssyncset.done $0x0  }
0x207: {  	[sflag:s10] =	ssyncadd.s32 $0xFFFFE000  }
0x208: {  	[tilespmem:s7], [sflag:$0x3] =	stream.indirect.gather [hbm4b:s3+s12], $0x40, s19, s12, $0xb8;
	[tilespmem:$0x9588] =	vst v63  }
0x209: {  	_ =	swait.ge [sflag:s6], $0x2000  }
0x20a: {  	[sflag:s6] =	ssyncset.done $0x0  }
0x20b: {  	s19 =	rddreg [dreg:$0xb];
	[sflag:s6] =	ssyncadd.s32 $0xFFFFE000  }
0x20c: {  	[hbm4b:s19+s2] =	stream.linear.scatter [tilespmem:s11], [sflag:$0x5], $0x2000, $0x38;
	[tilespmem:$0x9588] =	vst v63  }
0x20d: {  	_ =	swait.ge [sflag:s14], $0x2000  }
0x20e: {  	s19 =	sld [smem:$0x7ED]  }
0x20f: {  	[sflag:s14] =	ssyncset.done $0x0  }
0x210: {  	[sflag:s14] =	ssyncadd.s32 $0xFFFFE000  }
0x211: {  	[tilespmem:s16], [sflag:$0x4] =	stream.indirect.gather [hbm4b:s3+s12], $0x40, s19, s12, $0xb8;
	[tilespmem:$0x9588] =	vst v63  }
0x212: {  	_ =	swait.ge [sflag:s13], $0x2000  }
0x213: {  	[sflag:s13] =	ssyncset.done $0x0  }
0x214: {  	s19 =	rddreg [dreg:$0xc];
	[sflag:s13] =	ssyncadd.s32 $0xFFFFE000  }
0x215: {  	[hbm4b:s19+s2] =	stream.linear.scatter [tilespmem:s9], [sflag:$0x6], $0x2000, $0x38;
	[tilespmem:$0x9588] =	vst v63  }
0x216: {  	_ =	swait.ge [sflag:s5], $0x2000  }
0x217: {  	s19 =	sld [smem:$0x7EE]  }
0x218: {  	[sflag:s5] =	ssyncset.done $0x0  }
0x219: {  	[sflag:s5] =	ssyncadd.s32 $0xFFFFE000  }
0x21a: {  	[tilespmem:s11], [sflag:$0x1] =	stream.indirect.gather [hbm4b:s3+s12], $0x40, s19, s12, $0xb8;
	[tilespmem:$0x9588] =	vst v63  }
0x21b: {  	_ =	swait.ge [sflag:s15], $0x2000  }
0x21c: {  	[sflag:s15] =	ssyncset.done $0x0  }
0x21d: {  	s19 =	rddreg [dreg:$0xd];
	[sflag:s15] =	ssyncadd.s32 $0xFFFFE000  }
0x21e: {  	[hbm4b:s19+s2] =	stream.linear.scatter [tilespmem:s7], [sflag:$0x7], $0x2000, $0x38;
	[tilespmem:$0x9588] =	vst v63  }
0x21f: {  	_ =	swait.ge [sflag:s8], $0x2000  }
0x220: {  	s19 =	sld [smem:$0x7EF]  }
0x221: {  	[sflag:s8] =	ssyncset.done $0x0  }
0x222: {  	[sflag:s8] =	ssyncadd.s32 $0xFFFFE000  }
0x223: {  	[tilespmem:s9], [sflag:$0x2] =	stream.indirect.gather [hbm4b:s3+s12], $0x40, s19, s12, $0xb8;
	[tilespmem:$0x9588] =	vst v63  }
0x224: {  	_ =	swait.ge [sflag:s18], $0x2000  }
0x225: {  	[sflag:s18] =	ssyncset.done $0x0  }
0x226: {  	s19 =	rddreg [dreg:$0xe];
	[sflag:s18] =	ssyncadd.s32 $0xFFFFE000  }
0x227: {  	[hbm4b:s19+s2] =	stream.linear.scatter [tilespmem:s16], [sflag:$0x8], $0x2000, $0x38;
	[tilespmem:$0x9588] =	vst v63  }
0x228: {  	_ =	swait.ge [sflag:s10], $0x2000  }
0x229: {  	s19 =	sld [smem:$0x7F0]  }
0x22a: {  	[sflag:s10] =	ssyncset.done $0x0  }
0x22b: {  	[sflag:s10] =	ssyncadd.s32 $0xFFFFE000  }
0x22c: {  	[tilespmem:s7], [sflag:$0x3] =	stream.indirect.gather [hbm4b:s3+s12], $0x40, s19, s12, $0xb8;
	[tilespmem:$0x9588] =	vst v63  }
0x22d: {  	_ =	swait.ge [sflag:s6], $0x2000  }
0x22e: {  	[sflag:s6] =	ssyncset.done $0x0  }
0x22f: {  	s19 =	rddreg [dreg:$0xf];
	[sflag:s6] =	ssyncadd.s32 $0xFFFFE000  }
0x230: {  	[hbm4b:s19+s2] =	stream.linear.scatter [tilespmem:s11], [sflag:$0x5], $0x2000, $0x38;
	[tilespmem:$0x9588] =	vst v63  }
0x231: {  	_ =	swait.ge [sflag:s14], $0x2000  }
0x232: {  	s19 =	sld [smem:$0x7F1]  }
0x233: {  	[sflag:s14] =	ssyncset.done $0x0  }
0x234: {  	[sflag:s14] =	ssyncadd.s32 $0xFFFFE000  }
0x235: {  	[tilespmem:s16], [sflag:$0x4] =	stream.indirect.gather [hbm4b:s3+s12], $0x40, s19, s12, $0xb8;
	[tilespmem:$0x9588] =	vst v63  }
0x236: {  	_ =	swait.ge [sflag:s13], $0x2000  }
0x237: {  	[sflag:s13] =	ssyncset.done $0x0  }
0x238: {  	s19 =	rddreg [dreg:$0x10];
	[sflag:s13] =	ssyncadd.s32 $0xFFFFE000  }
0x239: {  	[hbm4b:s19+s2] =	stream.linear.scatter [tilespmem:s9], [sflag:$0x6], $0x2000, $0x38;
	[tilespmem:$0x9588] =	vst v63  }
0x23a: {  	_ =	swait.ge [sflag:s5], $0x2000  }
0x23b: {  	s19 =	sld [smem:$0x7F2]  }
0x23c: {  	[sflag:s5] =	ssyncset.done $0x0  }
0x23d: {  	[sflag:s5] =	ssyncadd.s32 $0xFFFFE000  }
0x23e: {  	[tilespmem:s11], [sflag:$0x1] =	stream.indirect.gather [hbm4b:s3+s12], $0x40, s19, s12, $0xb8;
	[tilespmem:$0x9588] =	vst v63  }
0x23f: {  	_ =	swait.ge [sflag:s15], $0x2000  }
0x240: {  	[sflag:s15] =	ssyncset.done $0x0  }
0x241: {  	s19 =	rddreg [dreg:$0x11];
	[sflag:s15] =	ssyncadd.s32 $0xFFFFE000  }
0x242: {  	[hbm4b:s19+s2] =	stream.linear.scatter [tilespmem:s7], [sflag:$0x7], $0x2000, $0x38;
	[tilespmem:$0x9588] =	vst v63  }
0x243: {  	_ =	swait.ge [sflag:s8], $0x2000  }
0x244: {  	s19 =	sld [smem:$0x7F3]  }
0x245: {  	[sflag:s8] =	ssyncset.done $0x0  }
0x246: {  	[sflag:s8] =	ssyncadd.s32 $0xFFFFE000  }
0x247: {  	[tilespmem:s9], [sflag:$0x2] =	stream.indirect.gather [hbm4b:s3+s12], $0x40, s19, s12, $0xb8;
	[tilespmem:$0x9588] =	vst v63  }
0x248: {  	_ =	swait.ge [sflag:s18], $0x2000  }
0x249: {  	[sflag:s18] =	ssyncset.done $0x0  }
0x24a: {  	s19 =	rddreg [dreg:$0x12];
	[sflag:s18] =	ssyncadd.s32 $0xFFFFE000  }
0x24b: {  	[hbm4b:s19+s2] =	stream.linear.scatter [tilespmem:s16], [sflag:$0x8], $0x2000, $0x38;
	[tilespmem:$0x9588] =	vst v63  }
0x24c: {  	_ =	swait.ge [sflag:s10], $0x2000  }
0x24d: {  	s19 =	sld [smem:$0x7F4]  }
0x24e: {  	[sflag:s10] =	ssyncset.done $0x0  }
0x24f: {  	[sflag:s10] =	ssyncadd.s32 $0xFFFFE000  }
0x250: {  	[tilespmem:s7], [sflag:$0x3] =	stream.indirect.gather [hbm4b:s3+s12], $0x40, s19, s12, $0xb8;
	[tilespmem:$0x9588] =	vst v63  }
0x251: {  	_ =	swait.ge [sflag:s6], $0x2000  }
0x252: {  	[sflag:s6] =	ssyncset.done $0x0  }
0x253: {  	s19 =	rddreg [dreg:$0x13];
	[sflag:s6] =	ssyncadd.s32 $0xFFFFE000  }
0x254: {  	[hbm4b:s19+s2] =	stream.linear.scatter [tilespmem:s11], [sflag:$0x5], $0x2000, $0x38;
	[tilespmem:$0x9588] =	vst v63  }
0x255: {  	_ =	swait.ge [sflag:s14], $0x2000  }
0x256: {  	s19 =	sld [smem:$0x7F5]  }
0x257: {  	[sflag:s14] =	ssyncset.done $0x0  }
0x258: {  	[sflag:s14] =	ssyncadd.s32 $0xFFFFE000  }
0x259: {  	[tilespmem:s16], [sflag:$0x4] =	stream.indirect.gather [hbm4b:s3+s12], $0x40, s19, s12, $0xb8;
	[tilespmem:$0x9588] =	vst v63  }
0x25a: {  	_ =	swait.ge [sflag:s13], $0x2000  }
0x25b: {  	[sflag:s13] =	ssyncset.done $0x0  }
0x25c: {  	s19 =	rddreg [dreg:$0x14];
	[sflag:s13] =	ssyncadd.s32 $0xFFFFE000  }
0x25d: {  	[hbm4b:s19+s2] =	stream.linear.scatter [tilespmem:s9], [sflag:$0x6], $0x2000, $0x38;
	[tilespmem:$0x9588] =	vst v63  }
0x25e: {  	_ =	swait.ge [sflag:s5], $0x2000  }
0x25f: {  	s19 =	sld [smem:$0x7F6]  }
0x260: {  	[sflag:s5] =	ssyncset.done $0x0  }
0x261: {  	[sflag:s5] =	ssyncadd.s32 $0xFFFFE000  }
0x262: {  	[tilespmem:s11], [sflag:$0x1] =	stream.indirect.gather [hbm4b:s3+s12], $0x40, s19, s12, $0xb8;
	[tilespmem:$0x9588] =	vst v63  }
0x263: {  	_ =	swait.ge [sflag:s15], $0x2000  }
0x264: {  	[sflag:s15] =	ssyncset.done $0x0  }
0x265: {  	s19 =	rddreg [dreg:$0x15];
	[sflag:s15] =	ssyncadd.s32 $0xFFFFE000  }
0x266: {  	[hbm4b:s19+s2] =	stream.linear.scatter [tilespmem:s7], [sflag:$0x7], $0x2000, $0x38;
	[tilespmem:$0x9588] =	vst v63  }
0x267: {  	_ =	swait.ge [sflag:s8], $0x2000  }
0x268: {  	s19 =	sld [smem:$0x7F7]  }
0x269: {  	[sflag:s8] =	ssyncset.done $0x0  }
0x26a: {  	[sflag:s8] =	ssyncadd.s32 $0xFFFFE000  }
0x26b: {  	[tilespmem:s9], [sflag:$0x2] =	stream.indirect.gather [hbm4b:s3+s12], $0x40, s19, s12, $0xb8;
	[tilespmem:$0x9588] =	vst v63  }
0x26c: {  	_ =	swait.ge [sflag:s18], $0x2000  }
0x26d: {  	[sflag:s18] =	ssyncset.done $0x0  }
0x26e: {  	s19 =	rddreg [dreg:$0x16];
	[sflag:s18] =	ssyncadd.s32 $0xFFFFE000  }
0x26f: {  	[hbm4b:s19+s2] =	stream.linear.scatter [tilespmem:s16], [sflag:$0x8], $0x2000, $0x38;
	[tilespmem:$0x9588] =	vst v63  }
0x270: {  	_ =	swait.ge [sflag:s10], $0x2000  }
0x271: {  	s19 =	sld [smem:$0x7F8]  }
0x272: {  	[sflag:s10] =	ssyncset.done $0x0  }
0x273: {  	[sflag:s10] =	ssyncadd.s32 $0xFFFFE000  }
0x274: {  	[tilespmem:s7], [sflag:$0x3] =	stream.indirect.gather [hbm4b:s3+s12], $0x40, s19, s12, $0xb8;
	[tilespmem:$0x9588] =	vst v63  }
0x275: {  	_ =	swait.ge [sflag:s6], $0x2000  }
0x276: {  	[sflag:s6] =	ssyncset.done $0x0  }
0x277: {  	s19 =	rddreg [dreg:$0x17];
	[sflag:s6] =	ssyncadd.s32 $0xFFFFE000  }
0x278: {  	[hbm4b:s19+s2] =	stream.linear.scatter [tilespmem:s11], [sflag:$0x5], $0x2000, $0x38;
	[tilespmem:$0x9588] =	vst v63  }
0x279: {  	_ =	swait.ge [sflag:s14], $0x2000  }
0x27a: {  	s19 =	sld [smem:$0x7F9]  }
0x27b: {  	[sflag:s14] =	ssyncset.done $0x0  }
0x27c: {  	[sflag:s14] =	ssyncadd.s32 $0xFFFFE000  }
0x27d: {  	[tilespmem:s16], [sflag:$0x4] =	stream.indirect.gather [hbm4b:s3+s12], $0x40, s19, s12, $0xb8;
	[tilespmem:$0x9588] =	vst v63  }
0x27e: {  	_ =	swait.ge [sflag:s13], $0x2000  }
0x27f: {  	[sflag:s13] =	ssyncset.done $0x0  }
0x280: {  	s19 =	rddreg [dreg:$0x18];
	[sflag:s13] =	ssyncadd.s32 $0xFFFFE000  }
0x281: {  	[hbm4b:s19+s2] =	stream.linear.scatter [tilespmem:s9], [sflag:$0x6], $0x2000, $0x38;
	[tilespmem:$0x9588] =	vst v63  }
0x282: {  	_ =	swait.ge [sflag:s5], $0x2000  }
0x283: {  	s19 =	sld [smem:$0x7FA]  }
0x284: {  	[sflag:s5] =	ssyncset.done $0x0  }
0x285: {  	[sflag:s5] =	ssyncadd.s32 $0xFFFFE000  }
0x286: {  	[tilespmem:s11], [sflag:$0x1] =	stream.indirect.gather [hbm4b:s3+s12], $0x40, s19, s12, $0xb8;
	[tilespmem:$0x9588] =	vst v63  }
0x287: {  	_ =	swait.ge [sflag:s15], $0x2000  }
0x288: {  	[sflag:s15] =	ssyncset.done $0x0  }
0x289: {  	s19 =	rddreg [dreg:$0x19];
	[sflag:s15] =	ssyncadd.s32 $0xFFFFE000  }
0x28a: {  	[hbm4b:s19+s2] =	stream.linear.scatter [tilespmem:s7], [sflag:$0x7], $0x2000, $0x38;
	[tilespmem:$0x9588] =	vst v63  }
0x28b: {  	_ =	swait.ge [sflag:s8], $0x2000  }
0x28c: {  	s19 =	sld [smem:$0x7FB]  }
0x28d: {  	[sflag:s8] =	ssyncset.done $0x0  }
0x28e: {  	[sflag:s8] =	ssyncadd.s32 $0xFFFFE000  }
0x28f: {  	[tilespmem:s9], [sflag:$0x2] =	stream.indirect.gather [hbm4b:s3+s12], $0x40, s19, s12, $0xb8;
	[tilespmem:$0x9588] =	vst v63  }
0x290: {  	_ =	swait.ge [sflag:s18], $0x2000  }
0x291: {  	[sflag:s18] =	ssyncset.done $0x0  }
0x292: {  	s19 =	rddreg [dreg:$0x1a];
	[sflag:s18] =	ssyncadd.s32 $0xFFFFE000  }
0x293: {  	[hbm4b:s19+s2] =	stream.linear.scatter [tilespmem:s16], [sflag:$0x8], $0x2000, $0x38;
	[tilespmem:$0x9588] =	vst v63  }
0x294: {  	_ =	swait.ge [sflag:s10], $0x2000  }
0x295: {  	s19 =	sld [smem:$0x7FC]  }
0x296: {  	[sflag:s10] =	ssyncset.done $0x0  }
0x297: {  	[sflag:s10] =	ssyncadd.s32 $0xFFFFE000  }
0x298: {  	[tilespmem:s7], [sflag:$0x3] =	stream.indirect.gather [hbm4b:s3+s12], $0x40, s19, s12, $0xb8;
	[tilespmem:$0x9588] =	vst v63  }
0x299: {  	_ =	swait.ge [sflag:s6], $0x2000  }
0x29a: {  	[sflag:s6] =	ssyncset.done $0x0  }
0x29b: {  	s19 =	rddreg [dreg:$0x1b];
	[sflag:s6] =	ssyncadd.s32 $0xFFFFE000  }
0x29c: {  	[hbm4b:s19+s2] =	stream.linear.scatter [tilespmem:s11], [sflag:$0x5], $0x2000, $0x38;
	[tilespmem:$0x9588] =	vst v63  }
0x29d: {  	_ =	swait.ge [sflag:s14], $0x2000  }
0x29e: {  	s19 =	sld [smem:$0x7FD]  }
0x29f: {  	[sflag:s14] =	ssyncset.done $0x0  }
0x2a0: {  	[sflag:s14] =	ssyncadd.s32 $0xFFFFE000  }
0x2a1: {  	[tilespmem:s16], [sflag:$0x4] =	stream.indirect.gather [hbm4b:s3+s12], $0x40, s19, s12, $0xb8;
	[tilespmem:$0x9588] =	vst v63  }
0x2a2: {  	_ =	swait.ge [sflag:s13], $0x2000  }
0x2a3: {  	[sflag:s13] =	ssyncset.done $0x0  }
0x2a4: {  	s19 =	rddreg [dreg:$0x1c];
	[sflag:s13] =	ssyncadd.s32 $0xFFFFE000  }
0x2a5: {  	[hbm4b:s19+s2] =	stream.linear.scatter [tilespmem:s9], [sflag:$0x6], $0x2000, $0x38;
	[tilespmem:$0x9588] =	vst v63  }
0x2a6: {  	_ =	swait.ge [sflag:s5], $0x2000  }
0x2a7: {  	[sflag:s5] =	ssyncset.done $0x0  }
0x2a8: {  	s19 =	simm.s32 $0xE00;
	[sflag:s5] =	ssyncadd.s32 $0xFFFFE000  }
0x2a9: {  	[tilespmem:s11], [sflag:$0x1] =	stream.indirect.gather [hbm4b:s3+s12], $0x40, s19, s12, $0xb8;
	[tilespmem:$0x9588] =	vst v63  }
0x2aa: {  	_ =	swait.ge [sflag:s15], $0x2000  }
0x2ab: {  	[sflag:s15] =	ssyncset.done $0x0  }
0x2ac: {  	s19 =	rddreg [dreg:$0x1d];
	[sflag:s15] =	ssyncadd.s32 $0xFFFFE000  }
0x2ad: {  	[hbm4b:s19+s2] =	stream.linear.scatter [tilespmem:s7], [sflag:$0x7], $0x2000, $0x38;
	[tilespmem:$0x9588] =	vst v63  }
0x2ae: {  	_ =	swait.ge [sflag:s8], $0x2000  }
0x2af: {  	[sflag:s8] =	ssyncset.done $0x0  }
0x2b0: {  	[sflag:s8] =	ssyncadd.s32 $0xFFFFE000  }
0x2b1: {  	[tilespmem:s9], [sflag:$0x2] =	stream.indirect.gather [hbm4b:s3+s12], $0x40, s31, s12, $0xb8;
	[tilespmem:$0x9588] =	vst v63  }
0x2b2: {  	_ =	swait.ge [sflag:s18], $0x2000  }
0x2b3: {  	[sflag:s18] =	ssyncset.done $0x0  }
0x2b4: {  	s19 =	rddreg [dreg:$0x1e];
	[sflag:s18] =	ssyncadd.s32 $0xFFFFE000  }
0x2b5: {  	[hbm4b:s19+s2] =	stream.linear.scatter [tilespmem:s16], [sflag:$0x8], $0x2000, $0x38;
	[tilespmem:$0x9588] =	vst v63  }
0x2b6: {  	_ =	swait.ge [sflag:s10], $0x2000  }
0x2b7: {  	[sflag:s10] =	ssyncset.done $0x0  }
0x2b8: {  	[sflag:s10] =	ssyncadd.s32 $0xFFFFE000  }
0x2b9: {  	[tilespmem:s7], [sflag:$0x3] =	stream.indirect.gather [hbm4b:s3+s12], $0x40, s30, s12, $0xb8;
	[tilespmem:$0x9588] =	vst v63  }
0x2ba: {  	_ =	swait.ge [sflag:s6], $0x2000  }
0x2bb: {  	[sflag:s6] =	ssyncset.done $0x0  }
0x2bc: {  	s19 =	rddreg [dreg:$0x1f];
	[sflag:s6] =	ssyncadd.s32 $0xFFFFE000  }
0x2bd: {  	[hbm4b:s19+s2] =	stream.linear.scatter [tilespmem:s11], [sflag:$0x5], $0x2000, $0x38;
	[tilespmem:$0x9588] =	vst v63  }
0x2be: {  	_ =	swait.ge [sflag:s14], $0x2000  }
0x2bf: {  	[sflag:s14] =	ssyncset.done $0x0  }
0x2c0: {  	[sflag:s14] =	ssyncadd.s32 $0xFFFFE000  }
0x2c1: {  	[tilespmem:s16], [sflag:$0x4] =	stream.indirect.gather [hbm4b:s3+s12], $0x40, s29, s12, $0xb8;
	[tilespmem:$0x9588] =	vst v63  }
0x2c2: {  	_ =	swait.ge [sflag:s13], $0x2000  }
0x2c3: {  	s19 =	sld [smem:$0x7D9]  }
0x2c4: {  	[sflag:s13] =	ssyncset.done $0x0  }
0x2c5: {  	[sflag:s13] =	ssyncadd.s32 $0xFFFFE000  }
0x2c6: {  	[hbm4b:s19+s2] =	stream.linear.scatter [tilespmem:s9], [sflag:$0x6], $0x2000, $0x38;
	[tilespmem:$0x9588] =	vst v63  }
0x2c7: {  	_ =	swait.ge [sflag:s5], $0x2000  }
0x2c8: {  	[sflag:s5] =	ssyncset.done $0x0  }
0x2c9: {  	[sflag:s5] =	ssyncadd.s32 $0xFFFFE000  }
0x2ca: {  	[tilespmem:s11], [sflag:$0x1] =	stream.indirect.gather [hbm4b:s3+s12], $0x40, s28, s12, $0xb8;
	[tilespmem:$0x9588] =	vst v63  }
0x2cb: {  	_ =	swait.ge [sflag:s15], $0x2000  }
0x2cc: {  	s19 =	sld [smem:$0x7DA]  }
0x2cd: {  	[sflag:s15] =	ssyncset.done $0x0  }
0x2ce: {  	[sflag:s15] =	ssyncadd.s32 $0xFFFFE000  }
0x2cf: {  	[hbm4b:s19+s2] =	stream.linear.scatter [tilespmem:s7], [sflag:$0x7], $0x2000, $0x38;
	[tilespmem:$0x9588] =	vst v63  }
0x2d0: {  	_ =	swait.ge [sflag:s8], $0x2000  }
0x2d1: {  	[sflag:s8] =	ssyncset.done $0x0  }
0x2d2: {  	[sflag:s8] =	ssyncadd.s32 $0xFFFFE000  }
0x2d3: {  	[tilespmem:s9], [sflag:$0x2] =	stream.indirect.gather [hbm4b:s3+s12], $0x40, s26, s12, $0xb8;
	[tilespmem:$0x9588] =	vst v63  }
0x2d4: {  	_ =	swait.ge [sflag:s18], $0x2000  }
0x2d5: {  	s19 =	sld [smem:$0x7DB]  }
0x2d6: {  	[sflag:s18] =	ssyncset.done $0x0  }
0x2d7: {  	[sflag:s18] =	ssyncadd.s32 $0xFFFFE000  }
0x2d8: {  	[hbm4b:s19+s2] =	stream.linear.scatter [tilespmem:s16], [sflag:$0x8], $0x2000, $0x38;
	[tilespmem:$0x9588] =	vst v63  }
0x2d9: {  	_ =	swait.ge [sflag:s10], $0x2000  }
0x2da: {  	[sflag:s10] =	ssyncset.done $0x0  }
0x2db: {  	[sflag:s10] =	ssyncadd.s32 $0xFFFFE000  }
0x2dc: {  	[tilespmem:s7], [sflag:$0x3] =	stream.indirect.gather [hbm4b:s3+s12], $0x40, s25, s12, $0xb8;
	[tilespmem:$0x9588] =	vst v63  }
0x2dd: {  	_ =	swait.ge [sflag:s6], $0x2000  }
0x2de: {  	s19 =	sld [smem:$0x7DC]  }
0x2df: {  	[sflag:s6] =	ssyncset.done $0x0  }
0x2e0: {  	[sflag:s6] =	ssyncadd.s32 $0xFFFFE000  }
0x2e1: {  	[hbm4b:s19+s2] =	stream.linear.scatter [tilespmem:s11], [sflag:$0x5], $0x2000, $0x38;
	[tilespmem:$0x9588] =	vst v63  }
0x2e2: {  	_ =	swait.ge [sflag:s14], $0x2000  }
0x2e3: {  	[sflag:s14] =	ssyncset.done $0x0  }
0x2e4: {  	[sflag:s14] =	ssyncadd.s32 $0xFFFFE000  }
0x2e5: {  	[tilespmem:s16], [sflag:$0x4] =	stream.indirect.gather [hbm4b:s3+s12], $0x40, s24, s12, $0xb8;
	[tilespmem:$0x9588] =	vst v63  }
0x2e6: {  	_ =	swait.ge [sflag:s13], $0x2000  }
0x2e7: {  	s19 =	sld [smem:$0x7DD]  }
0x2e8: {  	[sflag:s13] =	ssyncset.done $0x0  }
0x2e9: {  	[sflag:s13] =	ssyncadd.s32 $0xFFFFE000  }
0x2ea: {  	[hbm4b:s19+s2] =	stream.linear.scatter [tilespmem:s9], [sflag:$0x6], $0x2000, $0x38;
	[tilespmem:$0x9588] =	vst v63  }
0x2eb: {  	_ =	swait.ge [sflag:s5], $0x2000  }
0x2ec: {  	[sflag:s5] =	ssyncset.done $0x0  }
0x2ed: {  	[sflag:s5] =	ssyncadd.s32 $0xFFFFE000  }
0x2ee: {  	[tilespmem:s11], [sflag:$0x1] =	stream.indirect.gather [hbm4b:s3+s12], $0x40, s23, s12, $0xb8;
	[tilespmem:$0x9588] =	vst v63  }
0x2ef: {  	_ =	swait.ge [sflag:s15], $0x2000  }
0x2f0: {  	s19 =	sld [smem:$0x7DE]  }
0x2f1: {  	[sflag:s15] =	ssyncset.done $0x0  }
0x2f2: {  	[sflag:s15] =	ssyncadd.s32 $0xFFFFE000  }
0x2f3: {  	[hbm4b:s19+s2] =	stream.linear.scatter [tilespmem:s7], [sflag:$0x7], $0x2000, $0x38;
	[tilespmem:$0x9588] =	vst v63  }
0x2f4: {  	_ =	swait.ge [sflag:s8], $0x2000  }
0x2f5: {  	[sflag:s8] =	ssyncset.done $0x0  }
0x2f6: {  	[sflag:s8] =	ssyncadd.s32 $0xFFFFE000  }
0x2f7: {  	[tilespmem:s9], [sflag:$0x2] =	stream.indirect.gather [hbm4b:s3+s12], $0x40, s22, s12, $0xb8;
	[tilespmem:$0x9588] =	vst v63  }
0x2f8: {  	_ =	swait.ge [sflag:s18], $0x2000  }
0x2f9: {  	s19 =	sld [smem:$0x7DF]  }
0x2fa: {  	[sflag:s18] =	ssyncset.done $0x0  }
0x2fb: {  	[sflag:s18] =	ssyncadd.s32 $0xFFFFE000  }
0x2fc: {  	[hbm4b:s19+s2] =	stream.linear.scatter [tilespmem:s16], [sflag:$0x8], $0x2000, $0x38;
	[tilespmem:$0x9588] =	vst v63  }
0x2fd: {  	_ =	swait.ge [sflag:s10], $0x2000  }
0x2fe: {  	[sflag:s10] =	ssyncset.done $0x0  }
0x2ff: {  	[sflag:s10] =	ssyncadd.s32 $0xFFFFE000  }
0x300: {  	[tilespmem:s7], [sflag:$0x3] =	stream.indirect.gather [hbm4b:s3+s12], $0x40, s21, s12, $0xb8;
	[tilespmem:$0x9588] =	vst v63  }
0x301: {  	_ =	swait.ge [sflag:s6], $0x2000  }
0x302: {  	s19 =	sld [smem:$0x7E0]  }
0x303: {  	[sflag:s6] =	ssyncset.done $0x0  }
0x304: {  	[sflag:s6] =	ssyncadd.s32 $0xFFFFE000  }
0x305: {  	[hbm4b:s19+s2] =	stream.linear.scatter [tilespmem:s11], [sflag:$0x5], $0x2000, $0x38;
	[tilespmem:$0x9588] =	vst v63  }
0x306: {  	_ =	swait.ge [sflag:s13], $0x2000  }
0x307: {  	s19 =	sld [smem:$0x7E1]  }
0x308: {  	[sflag:s13] =	ssyncset.done $0x0  }
0x309: {  	[sflag:s13] =	ssyncadd.s32 $0xFFFFE000  }
0x30a: {  	[hbm4b:s19+s2] =	stream.linear.scatter [tilespmem:s9], [sflag:$0x6], $0x2000, $0x38;
	[tilespmem:$0x9588] =	vst v63  }
0x30b: {  	_ =	swait.ge [sflag:s15], $0x2000  }
0x30c: {  	s19 =	sld [smem:$0x7E2]  }
0x30d: {  	[sflag:s15] =	ssyncset.done $0x0  }
0x30e: {  	[sflag:s15] =	ssyncadd.s32 $0xFFFFE000  }
0x30f: {  	[hbm4b:s19+s2] =	stream.linear.scatter [tilespmem:s7], [sflag:$0x7], $0x2000, $0x38;
	[tilespmem:$0x9588] =	vst v63  }
0x310: {  	_ = 	snop  }
0x311: {  	[tilespmem:s17], [sflag:$0x1] =	stream.indirect.gather [hbm4b:s3+s14], $0x40, s20, s14, $0xb8;
	[tilespmem:$0x9588] =	vst v63  }
0x312: {  	_ =	swait.ge [sflag:s6], $0x200  }
0x313: {  	s19 =	sld [smem:$0x7E3]  }
0x314: {  	[sflag:s6] =	ssyncset.done $0x0  }
0x315: {  	[sflag:s6] =	ssyncadd.s32 $0xFFFFFE00  }
0x316: {  	[hbm4b:s19+s2] =	stream.linear.scatter [tilespmem:s17], [sflag:$0x9], $0x200, $0x38;
	[tilespmem:$0x9588] =	vst v63  }
0x317: {  	_ =	swait.ge [sflag:s4], $0x200  }
0x318: {  	[sflag:s4] =	ssyncset.done $0x0  }
0x319: {  	[sflag:s4] =	ssyncadd.s32 $0xFFFFFE00  }
0x31a: {  	_ =	swait.ge [sflag:s14], $0x2000  }
0x31b: {  	[sflag:s14] =	ssyncset.done $0x0  }
0x31c: {  	[sflag:s14] =	ssyncadd.s32 $0xFFFFE000  }
0x31d: {  	_ =	swait.ge [sflag:s5], $0x2000  }
0x31e: {  	[sflag:s5] =	ssyncset.done $0x0  }
0x31f: {  	p1 =	sne.s32 s1, $0x1;
	[sflag:s5] =	ssyncadd.s32 $0xFFFFE000  }
.Ltmp2:
0x320: {  	_ =	swait.ge [sflag:s8], $0x2000;
	(pc) =	sbr.rel @p1 .LBB2_4-.Ltmp2, $4  }
0x321: {  	[sflag:s8] =	ssyncset.done $0x0  }
0x322: {  	[sflag:s8] =	ssyncadd.s32 $0xFFFFE000  }
0x323: {  	_ =	swait.ge [sflag:s10], $0x2000  }
0x324: {  	s1 =	sadd.s32 $0xFFFFFFFF, s1;
	s0 =	rddreg [dreg:$0x2];
	[sflag:s10] =	ssyncset.done $0x0  }
0x325: {  	s20 =	simm.s32 $0xE00;
	s31 =	simm.s32 $0xE80;
	s30 =	simm.s32 $0xF00  }
0x326: {  	s29 =	simm.s32 $0xF80;
	s28 =	simm.s32 $0x1000;
	s26 =	simm.s32 $0x1080  }
0x327: {  	s25 =	simm.s32 $0x1100;
	s24 =	simm.s32 $0x1180;
	s23 =	simm.s32 $0x1200  }
0x328: {  	s22 =	simm.s32 $0x1280;
	s21 =	simm.s32 $0x1300;
	s19 =	stileid.u32  }
.LBB2_6:
0x329: {  	[sflag:s10] =	ssyncadd.s32 @p0 $0xFFFFE000  }
0x32a: {  	[tilespmem:s2], [sflag:$0x9] =	stream.linear.gather [hbm4b:s0+s2], $0x1388, $0x38;
	[tilespmem:$0x9588] =	vst v63  }
0x32b: {  	_ =	swait.ge [sflag:s4], $0x1388  }
0x32c: {  	[sflag:s4] =	ssyncset.done $0x0  }
0x32d: {  	[sflag:s4] =	ssyncadd.s32 $0xFFFFEC78  }
0x32e: {  	[tilespmem:s11], [sflag:$0x1] =	stream.indirect.gather [hbm4b:s3+s12], $0x40, s2, s12, $0xb8;
	[tilespmem:$0x9588] =	vst v63  }
0x32f: {  	s1 =	sld [smem:$0x7E4]  }
0x330: {  	[tilespmem:s9], [sflag:$0x2] =	stream.indirect.gather [hbm4b:s3+s12], $0x40, s12, s12, $0xb8;
	[tilespmem:$0x9588] =	vst v63  }
0x331: {  	_ = 	snop  }
0x332: {  	[tilespmem:s7], [sflag:$0x3] =	stream.indirect.gather [hbm4b:s3+s12], $0x40, s1, s12, $0xb8;
	[tilespmem:$0x9588] =	vst v63  }
0x333: {  	_ =	swait.ge [sflag:s6], $0x2000  }
0x334: {  	s0 =	rddreg [dreg:$0x3];
	[sflag:s6] =	ssyncset.done $0x0  }
0x335: {  	s1 =	sld [smem:$0x7E5];
	[sflag:s6] =	ssyncadd.s32 $0xFFFFE000  }
0x336: {  	[hbm4b:s0+s2] =	stream.linear.scatter [tilespmem:s11], [sflag:$0x5], $0x2000, $0x38;
	[tilespmem:$0x9588] =	vst v63  }
0x337: {  	_ = 	snop  }
0x338: {  	[tilespmem:s16], [sflag:$0x4] =	stream.indirect.gather [hbm4b:s3+s12], $0x40, s1, s12, $0xb8;
	[tilespmem:$0x9588] =	vst v63  }
0x339: {  	_ =	swait.ge [sflag:s13], $0x2000  }
0x33a: {  	[sflag:s13] =	ssyncset.done $0x0  }
0x33b: {  	s1 =	rddreg [dreg:$0x4];
	[sflag:s13] =	ssyncadd.s32 $0xFFFFE000  }
0x33c: {  	[hbm4b:s1+s2] =	stream.linear.scatter [tilespmem:s9], [sflag:$0x6], $0x2000, $0x38;
	[tilespmem:$0x9588] =	vst v63  }
0x33d: {  	_ =	swait.ge [sflag:s5], $0x2000  }
0x33e: {  	s1 =	sld [smem:$0x7E6]  }
0x33f: {  	[sflag:s5] =	ssyncset.done $0x0  }
0x340: {  	[sflag:s5] =	ssyncadd.s32 $0xFFFFE000  }
0x341: {  	[tilespmem:s11], [sflag:$0x1] =	stream.indirect.gather [hbm4b:s3+s12], $0x40, s1, s12, $0xb8;
	[tilespmem:$0x9588] =	vst v63  }
0x342: {  	_ =	swait.ge [sflag:s15], $0x2000  }
0x343: {  	[sflag:s15] =	ssyncset.done $0x0  }
0x344: {  	s1 =	rddreg [dreg:$0x5];
	[sflag:s15] =	ssyncadd.s32 $0xFFFFE000  }
0x345: {  	[hbm4b:s1+s2] =	stream.linear.scatter [tilespmem:s7], [sflag:$0x7], $0x2000, $0x38;
	[tilespmem:$0x9588] =	vst v63  }
0x346: {  	_ =	swait.ge [sflag:s8], $0x2000  }
0x347: {  	s1 =	sld [smem:$0x7E7]  }
0x348: {  	[sflag:s8] =	ssyncset.done $0x0  }
0x349: {  	[sflag:s8] =	ssyncadd.s32 $0xFFFFE000  }
0x34a: {  	[tilespmem:s9], [sflag:$0x2] =	stream.indirect.gather [hbm4b:s3+s12], $0x40, s1, s12, $0xb8;
	[tilespmem:$0x9588] =	vst v63  }
0x34b: {  	_ =	swait.ge [sflag:s18], $0x2000  }
0x34c: {  	[sflag:s18] =	ssyncset.done $0x0  }
0x34d: {  	s1 =	rddreg [dreg:$0x6];
	[sflag:s18] =	ssyncadd.s32 $0xFFFFE000  }
0x34e: {  	[hbm4b:s1+s2] =	stream.linear.scatter [tilespmem:s16], [sflag:$0x8], $0x2000, $0x38;
	[tilespmem:$0x9588] =	vst v63  }
0x34f: {  	_ =	swait.ge [sflag:s10], $0x2000  }
0x350: {  	s1 =	sld [smem:$0x7E8]  }
0x351: {  	[sflag:s10] =	ssyncset.done $0x0  }
0x352: {  	[sflag:s10] =	ssyncadd.s32 $0xFFFFE000  }
0x353: {  	[tilespmem:s7], [sflag:$0x3] =	stream.indirect.gather [hbm4b:s3+s12], $0x40, s1, s12, $0xb8;
	[tilespmem:$0x9588] =	vst v63  }
0x354: {  	_ =	swait.ge [sflag:s6], $0x2000  }
0x355: {  	[sflag:s6] =	ssyncset.done $0x0  }
0x356: {  	s1 =	rddreg [dreg:$0x7];
	[sflag:s6] =	ssyncadd.s32 $0xFFFFE000  }
0x357: {  	[hbm4b:s1+s2] =	stream.linear.scatter [tilespmem:s11], [sflag:$0x5], $0x2000, $0x38;
	[tilespmem:$0x9588] =	vst v63  }
0x358: {  	_ =	swait.ge [sflag:s14], $0x2000  }
0x359: {  	s1 =	sld [smem:$0x7E9]  }
0x35a: {  	[sflag:s14] =	ssyncset.done $0x0  }
0x35b: {  	[sflag:s14] =	ssyncadd.s32 $0xFFFFE000  }
0x35c: {  	[tilespmem:s16], [sflag:$0x4] =	stream.indirect.gather [hbm4b:s3+s12], $0x40, s1, s12, $0xb8;
	[tilespmem:$0x9588] =	vst v63  }
0x35d: {  	_ =	swait.ge [sflag:s13], $0x2000  }
0x35e: {  	[sflag:s13] =	ssyncset.done $0x0  }
0x35f: {  	s1 =	rddreg [dreg:$0x8];
	[sflag:s13] =	ssyncadd.s32 $0xFFFFE000  }
0x360: {  	[hbm4b:s1+s2] =	stream.linear.scatter [tilespmem:s9], [sflag:$0x6], $0x2000, $0x38;
	[tilespmem:$0x9588] =	vst v63  }
0x361: {  	_ =	swait.ge [sflag:s5], $0x2000  }
0x362: {  	s1 =	sld [smem:$0x7EA]  }
0x363: {  	[sflag:s5] =	ssyncset.done $0x0  }
0x364: {  	[sflag:s5] =	ssyncadd.s32 $0xFFFFE000  }
0x365: {  	[tilespmem:s11], [sflag:$0x1] =	stream.indirect.gather [hbm4b:s3+s12], $0x40, s1, s12, $0xb8;
	[tilespmem:$0x9588] =	vst v63  }
0x366: {  	_ =	swait.ge [sflag:s15], $0x2000  }
0x367: {  	[sflag:s15] =	ssyncset.done $0x0  }
0x368: {  	s1 =	rddreg [dreg:$0x9];
	[sflag:s15] =	ssyncadd.s32 $0xFFFFE000  }
0x369: {  	[hbm4b:s1+s2] =	stream.linear.scatter [tilespmem:s7], [sflag:$0x7], $0x2000, $0x38;
	[tilespmem:$0x9588] =	vst v63  }
0x36a: {  	_ =	swait.ge [sflag:s8], $0x2000  }
0x36b: {  	s1 =	sld [smem:$0x7EB]  }
0x36c: {  	[sflag:s8] =	ssyncset.done $0x0  }
0x36d: {  	[sflag:s8] =	ssyncadd.s32 $0xFFFFE000  }
0x36e: {  	[tilespmem:s9], [sflag:$0x2] =	stream.indirect.gather [hbm4b:s3+s12], $0x40, s1, s12, $0xb8;
	[tilespmem:$0x9588] =	vst v63  }
0x36f: {  	_ =	swait.ge [sflag:s18], $0x2000  }
0x370: {  	[sflag:s18] =	ssyncset.done $0x0  }
0x371: {  	s1 =	rddreg [dreg:$0xa];
	[sflag:s18] =	ssyncadd.s32 $0xFFFFE000  }
0x372: {  	[hbm4b:s1+s2] =	stream.linear.scatter [tilespmem:s16], [sflag:$0x8], $0x2000, $0x38;
	[tilespmem:$0x9588] =	vst v63  }
0x373: {  	_ =	swait.ge [sflag:s10], $0x2000  }
0x374: {  	s1 =	sld [smem:$0x7EC]  }
0x375: {  	[sflag:s10] =	ssyncset.done $0x0  }
0x376: {  	[sflag:s10] =	ssyncadd.s32 $0xFFFFE000  }
0x377: {  	[tilespmem:s7], [sflag:$0x3] =	stream.indirect.gather [hbm4b:s3+s12], $0x40, s1, s12, $0xb8;
	[tilespmem:$0x9588] =	vst v63  }
0x378: {  	_ =	swait.ge [sflag:s6], $0x2000  }
0x379: {  	[sflag:s6] =	ssyncset.done $0x0  }
0x37a: {  	s1 =	rddreg [dreg:$0xb];
	[sflag:s6] =	ssyncadd.s32 $0xFFFFE000  }
0x37b: {  	[hbm4b:s1+s2] =	stream.linear.scatter [tilespmem:s11], [sflag:$0x5], $0x2000, $0x38;
	[tilespmem:$0x9588] =	vst v63  }
0x37c: {  	_ =	swait.ge [sflag:s14], $0x2000  }
0x37d: {  	s1 =	sld [smem:$0x7ED]  }
0x37e: {  	[sflag:s14] =	ssyncset.done $0x0  }
0x37f: {  	[sflag:s14] =	ssyncadd.s32 $0xFFFFE000  }
0x380: {  	[tilespmem:s16], [sflag:$0x4] =	stream.indirect.gather [hbm4b:s3+s12], $0x40, s1, s12, $0xb8;
	[tilespmem:$0x9588] =	vst v63  }
0x381: {  	_ =	swait.ge [sflag:s13], $0x2000  }
0x382: {  	[sflag:s13] =	ssyncset.done $0x0  }
0x383: {  	s1 =	rddreg [dreg:$0xc];
	[sflag:s13] =	ssyncadd.s32 $0xFFFFE000  }
0x384: {  	[hbm4b:s1+s2] =	stream.linear.scatter [tilespmem:s9], [sflag:$0x6], $0x2000, $0x38;
	[tilespmem:$0x9588] =	vst v63  }
0x385: {  	_ =	swait.ge [sflag:s5], $0x2000  }
0x386: {  	s1 =	sld [smem:$0x7EE]  }
0x387: {  	[sflag:s5] =	ssyncset.done $0x0  }
0x388: {  	[sflag:s5] =	ssyncadd.s32 $0xFFFFE000  }
0x389: {  	[tilespmem:s11], [sflag:$0x1] =	stream.indirect.gather [hbm4b:s3+s12], $0x40, s1, s12, $0xb8;
	[tilespmem:$0x9588] =	vst v63  }
0x38a: {  	_ =	swait.ge [sflag:s15], $0x2000  }
0x38b: {  	[sflag:s15] =	ssyncset.done $0x0  }
0x38c: {  	s1 =	rddreg [dreg:$0xd];
	[sflag:s15] =	ssyncadd.s32 $0xFFFFE000  }
0x38d: {  	[hbm4b:s1+s2] =	stream.linear.scatter [tilespmem:s7], [sflag:$0x7], $0x2000, $0x38;
	[tilespmem:$0x9588] =	vst v63  }
0x38e: {  	_ =	swait.ge [sflag:s8], $0x2000  }
0x38f: {  	s1 =	sld [smem:$0x7EF]  }
0x390: {  	[sflag:s8] =	ssyncset.done $0x0  }
0x391: {  	[sflag:s8] =	ssyncadd.s32 $0xFFFFE000  }
0x392: {  	[tilespmem:s9], [sflag:$0x2] =	stream.indirect.gather [hbm4b:s3+s12], $0x40, s1, s12, $0xb8;
	[tilespmem:$0x9588] =	vst v63  }
0x393: {  	_ =	swait.ge [sflag:s18], $0x2000  }
0x394: {  	[sflag:s18] =	ssyncset.done $0x0  }
0x395: {  	s1 =	rddreg [dreg:$0xe];
	[sflag:s18] =	ssyncadd.s32 $0xFFFFE000  }
0x396: {  	[hbm4b:s1+s2] =	stream.linear.scatter [tilespmem:s16], [sflag:$0x8], $0x2000, $0x38;
	[tilespmem:$0x9588] =	vst v63  }
0x397: {  	_ =	swait.ge [sflag:s10], $0x2000  }
0x398: {  	s1 =	sld [smem:$0x7F0]  }
0x399: {  	[sflag:s10] =	ssyncset.done $0x0  }
0x39a: {  	[sflag:s10] =	ssyncadd.s32 $0xFFFFE000  }
0x39b: {  	[tilespmem:s7], [sflag:$0x3] =	stream.indirect.gather [hbm4b:s3+s12], $0x40, s1, s12, $0xb8;
	[tilespmem:$0x9588] =	vst v63  }
0x39c: {  	_ =	swait.ge [sflag:s6], $0x2000  }
0x39d: {  	[sflag:s6] =	ssyncset.done $0x0  }
0x39e: {  	s1 =	rddreg [dreg:$0xf];
	[sflag:s6] =	ssyncadd.s32 $0xFFFFE000  }
0x39f: {  	[hbm4b:s1+s2] =	stream.linear.scatter [tilespmem:s11], [sflag:$0x5], $0x2000, $0x38;
	[tilespmem:$0x9588] =	vst v63  }
0x3a0: {  	_ =	swait.ge [sflag:s14], $0x2000  }
0x3a1: {  	s1 =	sld [smem:$0x7F1]  }
0x3a2: {  	[sflag:s14] =	ssyncset.done $0x0  }
0x3a3: {  	[sflag:s14] =	ssyncadd.s32 $0xFFFFE000  }
0x3a4: {  	[tilespmem:s16], [sflag:$0x4] =	stream.indirect.gather [hbm4b:s3+s12], $0x40, s1, s12, $0xb8;
	[tilespmem:$0x9588] =	vst v63  }
0x3a5: {  	_ =	swait.ge [sflag:s13], $0x2000  }
0x3a6: {  	[sflag:s13] =	ssyncset.done $0x0  }
0x3a7: {  	s1 =	rddreg [dreg:$0x10];
	[sflag:s13] =	ssyncadd.s32 $0xFFFFE000  }
0x3a8: {  	[hbm4b:s1+s2] =	stream.linear.scatter [tilespmem:s9], [sflag:$0x6], $0x2000, $0x38;
	[tilespmem:$0x9588] =	vst v63  }
0x3a9: {  	_ =	swait.ge [sflag:s5], $0x2000  }
0x3aa: {  	s1 =	sld [smem:$0x7F2]  }
0x3ab: {  	[sflag:s5] =	ssyncset.done $0x0  }
0x3ac: {  	[sflag:s5] =	ssyncadd.s32 $0xFFFFE000  }
0x3ad: {  	[tilespmem:s11], [sflag:$0x1] =	stream.indirect.gather [hbm4b:s3+s12], $0x40, s1, s12, $0xb8;
	[tilespmem:$0x9588] =	vst v63  }
0x3ae: {  	_ =	swait.ge [sflag:s15], $0x2000  }
0x3af: {  	[sflag:s15] =	ssyncset.done $0x0  }
0x3b0: {  	s1 =	rddreg [dreg:$0x11];
	[sflag:s15] =	ssyncadd.s32 $0xFFFFE000  }
0x3b1: {  	[hbm4b:s1+s2] =	stream.linear.scatter [tilespmem:s7], [sflag:$0x7], $0x2000, $0x38;
	[tilespmem:$0x9588] =	vst v63  }
0x3b2: {  	_ =	swait.ge [sflag:s8], $0x2000  }
0x3b3: {  	s1 =	sld [smem:$0x7F3]  }
0x3b4: {  	[sflag:s8] =	ssyncset.done $0x0  }
0x3b5: {  	[sflag:s8] =	ssyncadd.s32 $0xFFFFE000  }
0x3b6: {  	[tilespmem:s9], [sflag:$0x2] =	stream.indirect.gather [hbm4b:s3+s12], $0x40, s1, s12, $0xb8;
	[tilespmem:$0x9588] =	vst v63  }
0x3b7: {  	_ =	swait.ge [sflag:s18], $0x2000  }
0x3b8: {  	[sflag:s18] =	ssyncset.done $0x0  }
0x3b9: {  	s1 =	rddreg [dreg:$0x12];
	[sflag:s18] =	ssyncadd.s32 $0xFFFFE000  }
0x3ba: {  	[hbm4b:s1+s2] =	stream.linear.scatter [tilespmem:s16], [sflag:$0x8], $0x2000, $0x38;
	[tilespmem:$0x9588] =	vst v63  }
0x3bb: {  	_ =	swait.ge [sflag:s10], $0x2000  }
0x3bc: {  	s1 =	sld [smem:$0x7F4]  }
0x3bd: {  	[sflag:s10] =	ssyncset.done $0x0  }
0x3be: {  	[sflag:s10] =	ssyncadd.s32 $0xFFFFE000  }
0x3bf: {  	[tilespmem:s7], [sflag:$0x3] =	stream.indirect.gather [hbm4b:s3+s12], $0x40, s1, s12, $0xb8;
	[tilespmem:$0x9588] =	vst v63  }
0x3c0: {  	_ =	swait.ge [sflag:s6], $0x2000  }
0x3c1: {  	[sflag:s6] =	ssyncset.done $0x0  }
0x3c2: {  	s1 =	rddreg [dreg:$0x13];
	[sflag:s6] =	ssyncadd.s32 $0xFFFFE000  }
0x3c3: {  	[hbm4b:s1+s2] =	stream.linear.scatter [tilespmem:s11], [sflag:$0x5], $0x2000, $0x38;
	[tilespmem:$0x9588] =	vst v63  }
0x3c4: {  	_ =	swait.ge [sflag:s14], $0x2000  }
0x3c5: {  	s1 =	sld [smem:$0x7F5]  }
0x3c6: {  	[sflag:s14] =	ssyncset.done $0x0  }
0x3c7: {  	[sflag:s14] =	ssyncadd.s32 $0xFFFFE000  }
0x3c8: {  	[tilespmem:s16], [sflag:$0x4] =	stream.indirect.gather [hbm4b:s3+s12], $0x40, s1, s12, $0xb8;
	[tilespmem:$0x9588] =	vst v63  }
0x3c9: {  	_ =	swait.ge [sflag:s13], $0x2000  }
0x3ca: {  	[sflag:s13] =	ssyncset.done $0x0  }
0x3cb: {  	s1 =	rddreg [dreg:$0x14];
	[sflag:s13] =	ssyncadd.s32 $0xFFFFE000  }
0x3cc: {  	[hbm4b:s1+s2] =	stream.linear.scatter [tilespmem:s9], [sflag:$0x6], $0x2000, $0x38;
	[tilespmem:$0x9588] =	vst v63  }
0x3cd: {  	_ =	swait.ge [sflag:s5], $0x2000  }
0x3ce: {  	s1 =	sld [smem:$0x7F6]  }
0x3cf: {  	[sflag:s5] =	ssyncset.done $0x0  }
0x3d0: {  	[sflag:s5] =	ssyncadd.s32 $0xFFFFE000  }
0x3d1: {  	[tilespmem:s11], [sflag:$0x1] =	stream.indirect.gather [hbm4b:s3+s12], $0x40, s1, s12, $0xb8;
	[tilespmem:$0x9588] =	vst v63  }
0x3d2: {  	_ =	swait.ge [sflag:s15], $0x2000  }
0x3d3: {  	[sflag:s15] =	ssyncset.done $0x0  }
0x3d4: {  	s1 =	rddreg [dreg:$0x15];
	[sflag:s15] =	ssyncadd.s32 $0xFFFFE000  }
0x3d5: {  	[hbm4b:s1+s2] =	stream.linear.scatter [tilespmem:s7], [sflag:$0x7], $0x2000, $0x38;
	[tilespmem:$0x9588] =	vst v63  }
0x3d6: {  	_ =	swait.ge [sflag:s8], $0x2000  }
0x3d7: {  	s1 =	sld [smem:$0x7F7]  }
0x3d8: {  	[sflag:s8] =	ssyncset.done $0x0  }
0x3d9: {  	[sflag:s8] =	ssyncadd.s32 $0xFFFFE000  }
0x3da: {  	[tilespmem:s9], [sflag:$0x2] =	stream.indirect.gather [hbm4b:s3+s12], $0x40, s1, s12, $0xb8;
	[tilespmem:$0x9588] =	vst v63  }
0x3db: {  	_ =	swait.ge [sflag:s18], $0x2000  }
0x3dc: {  	[sflag:s18] =	ssyncset.done $0x0  }
0x3dd: {  	s1 =	rddreg [dreg:$0x16];
	[sflag:s18] =	ssyncadd.s32 $0xFFFFE000  }
0x3de: {  	[hbm4b:s1+s2] =	stream.linear.scatter [tilespmem:s16], [sflag:$0x8], $0x2000, $0x38;
	[tilespmem:$0x9588] =	vst v63  }
0x3df: {  	_ =	swait.ge [sflag:s10], $0x2000  }
0x3e0: {  	s1 =	sld [smem:$0x7F8]  }
0x3e1: {  	[sflag:s10] =	ssyncset.done $0x0  }
0x3e2: {  	[sflag:s10] =	ssyncadd.s32 $0xFFFFE000  }
0x3e3: {  	[tilespmem:s7], [sflag:$0x3] =	stream.indirect.gather [hbm4b:s3+s12], $0x40, s1, s12, $0xb8;
	[tilespmem:$0x9588] =	vst v63  }
0x3e4: {  	_ =	swait.ge [sflag:s6], $0x2000  }
0x3e5: {  	[sflag:s6] =	ssyncset.done $0x0  }
0x3e6: {  	s1 =	rddreg [dreg:$0x17];
	[sflag:s6] =	ssyncadd.s32 $0xFFFFE000  }
0x3e7: {  	[hbm4b:s1+s2] =	stream.linear.scatter [tilespmem:s11], [sflag:$0x5], $0x2000, $0x38;
	[tilespmem:$0x9588] =	vst v63  }
0x3e8: {  	_ =	swait.ge [sflag:s14], $0x2000  }
0x3e9: {  	s1 =	sld [smem:$0x7F9]  }
0x3ea: {  	[sflag:s14] =	ssyncset.done $0x0  }
0x3eb: {  	[sflag:s14] =	ssyncadd.s32 $0xFFFFE000  }
0x3ec: {  	[tilespmem:s16], [sflag:$0x4] =	stream.indirect.gather [hbm4b:s3+s12], $0x40, s1, s12, $0xb8;
	[tilespmem:$0x9588] =	vst v63  }
0x3ed: {  	_ =	swait.ge [sflag:s13], $0x2000  }
0x3ee: {  	[sflag:s13] =	ssyncset.done $0x0  }
0x3ef: {  	s1 =	rddreg [dreg:$0x18];
	[sflag:s13] =	ssyncadd.s32 $0xFFFFE000  }
0x3f0: {  	[hbm4b:s1+s2] =	stream.linear.scatter [tilespmem:s9], [sflag:$0x6], $0x2000, $0x38;
	[tilespmem:$0x9588] =	vst v63  }
0x3f1: {  	_ =	swait.ge [sflag:s5], $0x2000  }
0x3f2: {  	s1 =	sld [smem:$0x7FA]  }
0x3f3: {  	[sflag:s5] =	ssyncset.done $0x0  }
0x3f4: {  	[sflag:s5] =	ssyncadd.s32 $0xFFFFE000  }
0x3f5: {  	[tilespmem:s11], [sflag:$0x1] =	stream.indirect.gather [hbm4b:s3+s12], $0x40, s1, s12, $0xb8;
	[tilespmem:$0x9588] =	vst v63  }
0x3f6: {  	_ =	swait.ge [sflag:s15], $0x2000  }
0x3f7: {  	[sflag:s15] =	ssyncset.done $0x0  }
0x3f8: {  	s1 =	rddreg [dreg:$0x19];
	[sflag:s15] =	ssyncadd.s32 $0xFFFFE000  }
0x3f9: {  	[hbm4b:s1+s2] =	stream.linear.scatter [tilespmem:s7], [sflag:$0x7], $0x2000, $0x38;
	[tilespmem:$0x9588] =	vst v63  }
0x3fa: {  	_ =	swait.ge [sflag:s8], $0x2000  }
0x3fb: {  	s1 =	sld [smem:$0x7FB]  }
0x3fc: {  	[sflag:s8] =	ssyncset.done $0x0  }
0x3fd: {  	[sflag:s8] =	ssyncadd.s32 $0xFFFFE000  }
0x3fe: {  	[tilespmem:s9], [sflag:$0x2] =	stream.indirect.gather [hbm4b:s3+s12], $0x40, s1, s12, $0xb8;
	[tilespmem:$0x9588] =	vst v63  }
0x3ff: {  	_ =	swait.ge [sflag:s18], $0x2000  }
0x400: {  	[sflag:s18] =	ssyncset.done $0x0  }
0x401: {  	s1 =	rddreg [dreg:$0x1a];
	[sflag:s18] =	ssyncadd.s32 $0xFFFFE000  }
0x402: {  	[hbm4b:s1+s2] =	stream.linear.scatter [tilespmem:s16], [sflag:$0x8], $0x2000, $0x38;
	[tilespmem:$0x9588] =	vst v63  }
0x403: {  	_ =	swait.ge [sflag:s10], $0x2000  }
0x404: {  	s1 =	sld [smem:$0x7FC]  }
0x405: {  	[sflag:s10] =	ssyncset.done $0x0  }
0x406: {  	[sflag:s10] =	ssyncadd.s32 $0xFFFFE000  }
0x407: {  	[tilespmem:s7], [sflag:$0x3] =	stream.indirect.gather [hbm4b:s3+s12], $0x40, s1, s12, $0xb8;
	[tilespmem:$0x9588] =	vst v63  }
0x408: {  	_ =	swait.ge [sflag:s6], $0x2000  }
0x409: {  	[sflag:s6] =	ssyncset.done $0x0  }
0x40a: {  	s1 =	rddreg [dreg:$0x1b];
	[sflag:s6] =	ssyncadd.s32 $0xFFFFE000  }
0x40b: {  	[hbm4b:s1+s2] =	stream.linear.scatter [tilespmem:s11], [sflag:$0x5], $0x2000, $0x38;
	[tilespmem:$0x9588] =	vst v63  }
0x40c: {  	_ =	swait.ge [sflag:s14], $0x2000  }
0x40d: {  	s1 =	sld [smem:$0x7FD]  }
0x40e: {  	[sflag:s14] =	ssyncset.done $0x0  }
0x40f: {  	[sflag:s14] =	ssyncadd.s32 $0xFFFFE000  }
0x410: {  	[tilespmem:s16], [sflag:$0x4] =	stream.indirect.gather [hbm4b:s3+s12], $0x40, s1, s12, $0xb8;
	[tilespmem:$0x9588] =	vst v63  }
0x411: {  	_ =	swait.ge [sflag:s13], $0x2000  }
0x412: {  	[sflag:s13] =	ssyncset.done $0x0  }
0x413: {  	s1 =	rddreg [dreg:$0x1c];
	[sflag:s13] =	ssyncadd.s32 $0xFFFFE000  }
0x414: {  	[hbm4b:s1+s2] =	stream.linear.scatter [tilespmem:s9], [sflag:$0x6], $0x2000, $0x38;
	[tilespmem:$0x9588] =	vst v63  }
0x415: {  	_ =	swait.ge [sflag:s5], $0x2000  }
0x416: {  	[sflag:s5] =	ssyncset.done $0x0  }
0x417: {  	[sflag:s5] =	ssyncadd.s32 $0xFFFFE000  }
0x418: {  	[tilespmem:s11], [sflag:$0x1] =	stream.indirect.gather [hbm4b:s3+s12], $0x40, s20, s12, $0xb8;
	[tilespmem:$0x9588] =	vst v63  }
0x419: {  	_ =	swait.ge [sflag:s15], $0x2000  }
0x41a: {  	[sflag:s15] =	ssyncset.done $0x0  }
0x41b: {  	s20 =	rddreg [dreg:$0x1d];
	[sflag:s15] =	ssyncadd.s32 $0xFFFFE000  }
0x41c: {  	[hbm4b:s20+s2] =	stream.linear.scatter [tilespmem:s7], [sflag:$0x7], $0x2000, $0x38;
	[tilespmem:$0x9588] =	vst v63  }
0x41d: {  	_ =	swait.ge [sflag:s8], $0x2000  }
0x41e: {  	[sflag:s8] =	ssyncset.done $0x0  }
0x41f: {  	[sflag:s8] =	ssyncadd.s32 $0xFFFFE000  }
0x420: {  	[tilespmem:s9], [sflag:$0x2] =	stream.indirect.gather [hbm4b:s3+s12], $0x40, s31, s12, $0xb8;
	[tilespmem:$0x9588] =	vst v63  }
0x421: {  	_ =	swait.ge [sflag:s18], $0x2000  }
0x422: {  	[sflag:s18] =	ssyncset.done $0x0  }
0x423: {  	s1 =	rddreg [dreg:$0x1e];
	[sflag:s18] =	ssyncadd.s32 $0xFFFFE000  }
0x424: {  	[hbm4b:s1+s2] =	stream.linear.scatter [tilespmem:s16], [sflag:$0x8], $0x2000, $0x38;
	[tilespmem:$0x9588] =	vst v63  }
0x425: {  	_ =	swait.ge [sflag:s10], $0x2000  }
0x426: {  	[sflag:s10] =	ssyncset.done $0x0  }
0x427: {  	[sflag:s10] =	ssyncadd.s32 $0xFFFFE000  }
0x428: {  	[tilespmem:s7], [sflag:$0x3] =	stream.indirect.gather [hbm4b:s3+s12], $0x40, s30, s12, $0xb8;
	[tilespmem:$0x9588] =	vst v63  }
0x429: {  	_ =	swait.ge [sflag:s6], $0x2000  }
0x42a: {  	[sflag:s6] =	ssyncset.done $0x0  }
0x42b: {  	s20 =	rddreg [dreg:$0x1f];
	[sflag:s6] =	ssyncadd.s32 $0xFFFFE000  }
0x42c: {  	[hbm4b:s20+s2] =	stream.linear.scatter [tilespmem:s11], [sflag:$0x5], $0x2000, $0x38;
	[tilespmem:$0x9588] =	vst v63  }
0x42d: {  	_ =	swait.ge [sflag:s14], $0x2000  }
0x42e: {  	[sflag:s14] =	ssyncset.done $0x0  }
0x42f: {  	[sflag:s14] =	ssyncadd.s32 $0xFFFFE000  }
0x430: {  	[tilespmem:s16], [sflag:$0x4] =	stream.indirect.gather [hbm4b:s3+s12], $0x40, s29, s12, $0xb8;
	[tilespmem:$0x9588] =	vst v63  }
0x431: {  	_ =	swait.ge [sflag:s13], $0x2000  }
0x432: {  	s29 =	sld [smem:$0x7D9]  }
0x433: {  	[sflag:s13] =	ssyncset.done $0x0  }
0x434: {  	[sflag:s13] =	ssyncadd.s32 $0xFFFFE000  }
0x435: {  	[hbm4b:s29+s2] =	stream.linear.scatter [tilespmem:s9], [sflag:$0x6], $0x2000, $0x38;
	[tilespmem:$0x9588] =	vst v63  }
0x436: {  	_ =	swait.ge [sflag:s5], $0x2000  }
0x437: {  	[sflag:s5] =	ssyncset.done $0x0  }
0x438: {  	[sflag:s5] =	ssyncadd.s32 $0xFFFFE000  }
0x439: {  	[tilespmem:s11], [sflag:$0x1] =	stream.indirect.gather [hbm4b:s3+s12], $0x40, s28, s12, $0xb8;
	[tilespmem:$0x9588] =	vst v63  }
0x43a: {  	_ =	swait.ge [sflag:s15], $0x2000  }
0x43b: {  	s30 =	sld [smem:$0x7DA]  }
0x43c: {  	[sflag:s15] =	ssyncset.done $0x0  }
0x43d: {  	[sflag:s15] =	ssyncadd.s32 $0xFFFFE000  }
0x43e: {  	[hbm4b:s30+s2] =	stream.linear.scatter [tilespmem:s7], [sflag:$0x7], $0x2000, $0x38;
	[tilespmem:$0x9588] =	vst v63  }
0x43f: {  	_ =	swait.ge [sflag:s8], $0x2000  }
0x440: {  	[sflag:s8] =	ssyncset.done $0x0  }
0x441: {  	[sflag:s8] =	ssyncadd.s32 $0xFFFFE000  }
0x442: {  	[tilespmem:s9], [sflag:$0x2] =	stream.indirect.gather [hbm4b:s3+s12], $0x40, s26, s12, $0xb8;
	[tilespmem:$0x9588] =	vst v63  }
0x443: {  	_ =	swait.ge [sflag:s18], $0x2000  }
0x444: {  	s31 =	sld [smem:$0x7DB]  }
0x445: {  	[sflag:s18] =	ssyncset.done $0x0  }
0x446: {  	[sflag:s18] =	ssyncadd.s32 $0xFFFFE000  }
0x447: {  	[hbm4b:s31+s2] =	stream.linear.scatter [tilespmem:s16], [sflag:$0x8], $0x2000, $0x38;
	[tilespmem:$0x9588] =	vst v63  }
0x448: {  	_ =	swait.ge [sflag:s10], $0x2000  }
0x449: {  	[sflag:s10] =	ssyncset.done $0x0  }
0x44a: {  	[sflag:s10] =	ssyncadd.s32 $0xFFFFE000  }
0x44b: {  	[tilespmem:s7], [sflag:$0x3] =	stream.indirect.gather [hbm4b:s3+s12], $0x40, s25, s12, $0xb8;
	[tilespmem:$0x9588] =	vst v63  }
0x44c: {  	_ =	swait.ge [sflag:s6], $0x2000  }
0x44d: {  	s1 =	sld [smem:$0x7DC]  }
0x44e: {  	[sflag:s6] =	ssyncset.done $0x0  }
0x44f: {  	[sflag:s6] =	ssyncadd.s32 $0xFFFFE000  }
0x450: {  	[hbm4b:s1+s2] =	stream.linear.scatter [tilespmem:s11], [sflag:$0x5], $0x2000, $0x38;
	[tilespmem:$0x9588] =	vst v63  }
0x451: {  	_ =	swait.ge [sflag:s14], $0x2000  }
0x452: {  	[sflag:s14] =	ssyncset.done $0x0  }
0x453: {  	[sflag:s14] =	ssyncadd.s32 $0xFFFFE000  }
0x454: {  	[tilespmem:s16], [sflag:$0x4] =	stream.indirect.gather [hbm4b:s3+s12], $0x40, s24, s12, $0xb8;
	[tilespmem:$0x9588] =	vst v63  }
0x455: {  	_ =	swait.ge [sflag:s13], $0x2000  }
0x456: {  	s20 =	sld [smem:$0x7DD]  }
0x457: {  	[sflag:s13] =	ssyncset.done $0x0  }
0x458: {  	[sflag:s13] =	ssyncadd.s32 $0xFFFFE000  }
0x459: {  	[hbm4b:s20+s2] =	stream.linear.scatter [tilespmem:s9], [sflag:$0x6], $0x2000, $0x38;
	[tilespmem:$0x9588] =	vst v63  }
0x45a: {  	_ =	swait.ge [sflag:s5], $0x2000  }
0x45b: {  	[sflag:s5] =	ssyncset.done $0x0  }
0x45c: {  	[sflag:s5] =	ssyncadd.s32 $0xFFFFE000  }
0x45d: {  	[tilespmem:s11], [sflag:$0x1] =	stream.indirect.gather [hbm4b:s3+s12], $0x40, s23, s12, $0xb8;
	[tilespmem:$0x9588] =	vst v63  }
0x45e: {  	_ =	swait.ge [sflag:s15], $0x2000  }
0x45f: {  	s24 =	sld [smem:$0x7DE]  }
0x460: {  	[sflag:s15] =	ssyncset.done $0x0  }
0x461: {  	[sflag:s15] =	ssyncadd.s32 $0xFFFFE000  }
0x462: {  	[hbm4b:s24+s2] =	stream.linear.scatter [tilespmem:s7], [sflag:$0x7], $0x2000, $0x38;
	[tilespmem:$0x9588] =	vst v63  }
0x463: {  	_ =	swait.ge [sflag:s8], $0x2000  }
0x464: {  	[sflag:s8] =	ssyncset.done $0x0  }
0x465: {  	[sflag:s8] =	ssyncadd.s32 $0xFFFFE000  }
0x466: {  	[tilespmem:s9], [sflag:$0x2] =	stream.indirect.gather [hbm4b:s3+s12], $0x40, s22, s12, $0xb8;
	[tilespmem:$0x9588] =	vst v63  }
0x467: {  	_ =	swait.ge [sflag:s18], $0x2000  }
0x468: {  	s25 =	sld [smem:$0x7DF]  }
0x469: {  	[sflag:s18] =	ssyncset.done $0x0  }
0x46a: {  	[sflag:s18] =	ssyncadd.s32 $0xFFFFE000  }
0x46b: {  	[hbm4b:s25+s2] =	stream.linear.scatter [tilespmem:s16], [sflag:$0x8], $0x2000, $0x38;
	[tilespmem:$0x9588] =	vst v63  }
0x46c: {  	_ =	swait.ge [sflag:s10], $0x2000  }
0x46d: {  	[sflag:s10] =	ssyncset.done $0x0  }
0x46e: {  	[sflag:s10] =	ssyncadd.s32 $0xFFFFE000  }
0x46f: {  	[tilespmem:s7], [sflag:$0x3] =	stream.indirect.gather [hbm4b:s3+s12], $0x40, s21, s12, $0xb8;
	[tilespmem:$0x9588] =	vst v63  }
0x470: {  	_ =	swait.ge [sflag:s6], $0x2000  }
0x471: {  	s26 =	sld [smem:$0x7E0]  }
0x472: {  	[sflag:s6] =	ssyncset.done $0x0  }
0x473: {  	[sflag:s6] =	ssyncadd.s32 $0xFFFFE000  }
0x474: {  	[hbm4b:s26+s2] =	stream.linear.scatter [tilespmem:s11], [sflag:$0x5], $0x2000, $0x38;
	[tilespmem:$0x9588] =	vst v63  }
0x475: {  	_ =	swait.ge [sflag:s13], $0x2000  }
0x476: {  	s28 =	sld [smem:$0x7E1]  }
0x477: {  	[sflag:s13] =	ssyncset.done $0x0  }
0x478: {  	[sflag:s13] =	ssyncadd.s32 $0xFFFFE000  }
0x479: {  	[hbm4b:s28+s2] =	stream.linear.scatter [tilespmem:s9], [sflag:$0x6], $0x2000, $0x38;
	[tilespmem:$0x9588] =	vst v63  }
0x47a: {  	_ =	swait.ge [sflag:s15], $0x2000  }
0x47b: {  	s29 =	sld [smem:$0x7E2]  }
0x47c: {  	[sflag:s15] =	ssyncset.done $0x0  }
0x47d: {  	[sflag:s15] =	ssyncadd.s32 $0xFFFFE000  }
0x47e: {  	[hbm4b:s29+s2] =	stream.linear.scatter [tilespmem:s7], [sflag:$0x7], $0x2000, $0x38;
	[tilespmem:$0x9588] =	vst v63  }
0x47f: {  	s30 =	simm.s32 $0x1380  }
0x480: {  	[tilespmem:s17], [sflag:$0x1] =	stream.indirect.gather [hbm4b:s3+s14], $0x40, s30, s14, $0xb8;
	[tilespmem:$0x9588] =	vst v63  }
0x481: {  	_ =	swait.ge [sflag:s6], $0x200  }
0x482: {  	s31 =	sld [smem:$0x7E3]  }
0x483: {  	[sflag:s6] =	ssyncset.done $0x0  }
0x484: {  	[sflag:s6] =	ssyncadd.s32 $0xFFFFFE00  }
0x485: {  	[hbm4b:s31+s2] =	stream.linear.scatter [tilespmem:s17], [sflag:$0x9], $0x200, $0x38;
	[tilespmem:$0x9588] =	vst v63  }
0x486: {  	_ =	swait.ge [sflag:s4], $0x200  }
0x487: {  	[sflag:s4] =	ssyncset.done $0x0  }
0x488: {  	[sflag:s4] =	ssyncadd.s32 $0xFFFFFE00  }
0x489: {  	_ =	swait.ge [sflag:s14], $0x2000  }
0x48a: {  	[sflag:s14] =	ssyncset.done $0x0  }
0x48b: {  	[sflag:s14] =	ssyncadd.s32 $0xFFFFE000  }
0x48c: {  	_ =	swait.ge [sflag:s5], $0x2000  }
0x48d: {  	[sflag:s5] =	ssyncset.done $0x0  }
0x48e: {  	[sflag:s5] =	ssyncadd.s32 $0xFFFFE000  }
0x48f: {  	_ =	swait.ge [sflag:s8], $0x2000  }
0x490: {  	[sflag:s8] =	ssyncset.done $0x0  }
0x491: {  	[sflag:s8] =	ssyncadd.s32 $0xFFFFE000  }
0x492: {  	_ =	swait.ge [sflag:s10], $0x2000  }
0x493: {  	[sflag:s10] =	ssyncset.done $0x0  }
0x494: {  	[sflag:s10] =	ssyncadd.s32 $0xFFFFE000  }
0x495: {  	_ =	sfence.sel $0x180000  }
0x496: {  	[bflag:$0x0] =	sbarrier.arrive $0xFFFF  }
0x497: {  	_ =	strace $0x90000047  }
0x498: {  	[bflag:$0x2] =	sbarrier.arrive $0xFFFF  }
0x499: {  	p0 =	sne.s32 s19, $0x0;
	s0 =	rddreg [dreg:$0x1]  }
0x49a: {  	s0 =	sadd.s32 @!p0 $0x100000, s0  }
0x49b: {  	[sflag:s0] =	ssyncadd.tile.s32 @!p0 $0x1;
	_ =	shalt  }
.LBB2_1:
.Ltmp3:
0x49c: {  	(pc) =	sbr.rel .LBB2_6-.Ltmp3, $4  }
0x49d: {  	s20 =	simm.s32 $0xE00;
	s31 =	simm.s32 $0xE80  }
0x49e: {  	s30 =	simm.s32 $0xF00;
	s29 =	simm.s32 $0xF80;
	s28 =	simm.s32 $0x1000  }
0x49f: {  	s26 =	simm.s32 $0x1080;
	s25 =	simm.s32 $0x1100;
	s24 =	simm.s32 $0x1180  }
0x4a0: {  	s23 =	simm.s32 $0x1200;
	s22 =	simm.s32 $0x1280;
	s21 =	simm.s32 $0x1300  }
.LBB2_3:
.Ltmp4:
0x4a1: {  	(pc) =	sbr.rel .LBB2_6-.Ltmp4, $4  }
0x4a2: {  	s20 =	simm.s32 $0xE00;
	s31 =	simm.s32 $0xE80;
	s30 =	simm.s32 $0xF00  }
0x4a3: {  	s29 =	simm.s32 $0xF80;
	s28 =	simm.s32 $0x1000;
	s26 =	simm.s32 $0x1080  }
0x4a4: {  	s25 =	simm.s32 $0x1100;
	s24 =	simm.s32 $0x1180;
	s23 =	simm.s32 $0x1200  }
0x4a5: {  	s22 =	simm.s32 $0x1280;
	s21 =	simm.s32 $0x1300;
	s19 =	stileid.u32  }
.Lfunc_end2:
_tile_overlayer_lowered:
.L_overlay_start_2:
0x4a6: {  	(tag) =	ssettag $0x2  }
0x4a7: {  	s0 =	rddreg [dreg:$0x0];
	s2 =	stileid.u32  }
0x4a8: {  	s1 =	rddreg [dreg:$0x1];
	p0 =	sne.s32 s2, $0x0  }
0x4a9: {  	s3 =	rddreg [dreg:$0x2];
	[bflag:$0x3] =	sbarrier.arrive $0xFFFF;
	s2 =	simm.s32 @!p0 $0x1C09  }
0x4aa: {  	[timem:s3], [sflag:s2] =	dma.local @!p0 [hbm:s0], s1  }
0x4ab: {  	s0 =	simm.s32 @!p0 $0x9  }
0x4ac: {  	_ =	swait.ge @!p0 [sflag:s0], s1  }
0x4ad: {  	s1 =	ssub.s32 @!p0 $0x0, s1;
	[sflag:s0] =	ssyncset.done @!p0 $0x0  }
0x4ae: {  	[sflag:s0] =	ssyncadd.s32 @!p0 s1  }
0x4af: {  	[bflag:$0x3] =	sbarrier.arrive $0xFFFF  }
0x4b0: {  	_ =	shalt  }

</sc_bundles>
